<compile_context>
chip_gen: v7x
topology: tpu7x:2x2x1
jax: 0.10.2.dev20260603
libtpu: 0.0.44.dev20260713+nightly
codegen_flags: <defaults>
</compile_context>

<pallas_src>
import functools

import jax
import jax.numpy as jnp
from jax import lax
from jax.experimental import pallas as pl
from jax.experimental.pallas import tpu as pltpu
from jax.experimental.pallas import tpu_sc as plsc

NC, NS = 2, 16
NW = NC * NS
B = 4096
H = 50
D = 64
BW = B // NW
L = 16
ND = D // L

_mesh = plsc.VectorSubcoreMesh(
    core_axis_name="c", subcore_axis_name="s", num_cores=NC, num_subcores=NS
)


@functools.partial(
    pl.kernel,
    out_type=[
        jax.ShapeDtypeStruct((B,), jnp.float32),
        jax.ShapeDtypeStruct((B,), jnp.float32),
    ],
    mesh=_mesh,
    compiler_params=pltpu.CompilerParams(use_tc_tiling_on_sc=False),
    scratch_types=[
        pltpu.VMEM((BW, H), jnp.int32),
        pltpu.VMEM((BW, H), jnp.float32),
        pltpu.VMEM((BW,), jnp.int32),
        pltpu.VMEM((BW,), jnp.int32),
        pltpu.VMEM((BW,), jnp.int32),
        pltpu.VMEM((BW, D), jnp.float32),
        pltpu.VMEM((BW, D), jnp.float32),
        pltpu.VMEM((BW, D), jnp.float32),
        pltpu.VMEM((H, D), jnp.float32),
        pltpu.VMEM((H, D), jnp.float32),
        pltpu.VMEM((BW,), jnp.float32),
        pltpu.VMEM((BW,), jnp.float32),
        pltpu.SemaphoreType.DMA,
        pltpu.SemaphoreType.DMA,
        pltpu.SemaphoreType.DMA,
    ],
)
def _two_tower(uid_hbm, hid_hbm, mask_hbm, pid_hbm, nid_hbm, utab, itab,
               pos_out, neg_out,
               hid_v, mask_v, uid_v, pid_v, nid_v, urows, prows, nrows,
               hbuf0, hbuf1, pout_v, nout_v, sem_aux, sem_h0, sem_h1):
    wid = lax.axis_index("s") * NC + lax.axis_index("c")
    base = wid * BW

    pltpu.sync_copy(hid_hbm.at[pl.ds(base, BW)], hid_v)
    pltpu.sync_copy(mask_hbm.at[pl.ds(base, BW)], mask_v)
    pltpu.sync_copy(uid_hbm.at[pl.ds(base, BW)], uid_v)
    pltpu.sync_copy(pid_hbm.at[pl.ds(base, BW)], pid_v)
    pltpu.sync_copy(nid_hbm.at[pl.ds(base, BW)], nid_v)

    cu = pltpu.make_async_copy(utab.at[uid_v], urows, sem_aux)
    cp = pltpu.make_async_copy(itab.at[pid_v], prows, sem_aux)
    cn = pltpu.make_async_copy(itab.at[nid_v], nrows, sem_aux)
    cu.start()
    cp.start()
    cn.start()

    pltpu.make_async_copy(itab.at[hid_v.at[0]], hbuf0, sem_h0).start()

    cu.wait()
    cp.wait()
    cn.wait()

    hbufs = (hbuf0, hbuf1)
    sems = (sem_h0, sem_h1)

    lane_iota = lax.iota(jnp.int32, L)

    def lane_sum(v):
        for k in (8, 4, 2, 1):
            v = v + v.at[lane_iota ^ k].get(mode="promise_in_bounds")
        return v

    def compute_row(b, hbuf):
        zero = jnp.zeros((L,), jnp.float32)
        mvecs = [mask_v[b, pl.ds(k * L, L)] for k in range(H // L)]
        mtail = mask_v[b, pl.ds(H - L, L)]
        accs = [zero] * ND
        hlv = zero
        for j in range(H):
            if j < (H // L) * L:
                src, lane = mvecs[j // L], j % L
            else:
                src, lane = mtail, j - (H - L)
            mv = src.at[jnp.full((L,), lane, jnp.int32)].get(
                mode="promise_in_bounds"
            )
            for d in range(ND):
                accs[d] = accs[d] + hbuf[j, pl.ds(d * L, L)] * mv
            hlv = hlv + mv
        inv = 1.0 / jnp.maximum(hlv, 1.0)
        ps = zero
        ns = zero
        for d in range(ND):
            uv = urows[b, pl.ds(d * L, L)] + accs[d] * inv
            ps = ps + uv * prows[b, pl.ds(d * L, L)]
            ns = ns + uv * nrows[b, pl.ds(d * L, L)]
        return lane_sum(ps), lane_sum(ns)

    def body(i, carry):
        psv, nsv = carry
        for t in range(2):
            b = 2 * i + t
            nxt = b + 1

            @pl.when(nxt < BW)
            def _start():
                pltpu.make_async_copy(
                    itab.at[hid_v.at[nxt]], hbufs[1 - t], sems[1 - t]
                ).start()

            pltpu.make_async_copy(
                itab.at[hid_v.at[b]], hbufs[t], sems[t]
            ).wait()
            sp, sn = compute_row(b, hbufs[t])
            sel = lane_iota == lax.rem(b, L)
            psv = jnp.where(sel, sp, psv)
            nsv = jnp.where(sel, sn, nsv)

        @pl.when(lax.rem(i, L // 2) == (L // 2 - 1))
        def _store():
            s = 2 * i + 1 - (L - 1)
            pout_v[pl.ds(s, L)] = psv
            nout_v[pl.ds(s, L)] = nsv

        return (psv, nsv)

    zero = jnp.zeros((L,), jnp.float32)
    lax.fori_loop(0, BW // 2, body, (zero, zero))

    pltpu.sync_copy(pout_v, pos_out.at[pl.ds(base, BW)])
    pltpu.sync_copy(nout_v, neg_out.at[pl.ds(base, BW)])


def kernel(user_ids, history_item_ids, history_mask, pos_item_ids,
           neg_item_ids, user_emb_table, item_emb_table):
    pos, neg = _two_tower(
        user_ids.astype(jnp.int32),
        history_item_ids.astype(jnp.int32),
        history_mask,
        pos_item_ids.astype(jnp.int32),
        neg_item_ids.astype(jnp.int32),
        user_emb_table,
        item_emb_table,
    )
    return pos, neg

# --- scband reference (transcript-rebuilt; emitter-appended) ---
"""Pipeline reference for scband-two-tower-history-retrieval-model-56710748176671 (READ-ONLY COPY).

The authoritative reference and input builder live on the scoring server;
editing this copy changes nothing except your own understanding.
"""

import jax, jax.numpy as jnp
import numpy as np

NUM_USERS = 1000000
NUM_ITEMS = 1000000
EMBED_DIM = 64
BATCH = 4096
HIST_LEN = 50


def _xavier(key, shape):
    fan_in, fan_out = shape[1], shape[0]
    limit = jnp.sqrt(6.0 / (fan_in + fan_out))
    return jax.random.uniform(key, shape, dtype=jnp.float32, minval=-limit, maxval=limit)


def setup_inputs(seed: int = 0) -> dict:
    key = jax.random.key(seed)
    k1, k2, k3, k4, k5, k6 = jax.random.split(key, 6)
    user_ids = jax.random.randint(k1, (BATCH,), 0, NUM_USERS, dtype=jnp.int64 if jax.config.read('jax_enable_x64') else jnp.int32)
    history_item_ids = jax.random.randint(k2, (BATCH, HIST_LEN), 0, NUM_ITEMS)
    history_mask = jnp.ones((BATCH, HIST_LEN), dtype=jnp.float32)
    pos_item_ids = jax.random.randint(k3, (BATCH,), 0, NUM_ITEMS)
    neg_item_ids = jax.random.randint(k4, (BATCH,), 0, NUM_ITEMS)
    user_emb_table = _xavier(k5, (NUM_USERS, EMBED_DIM))
    item_emb_table = _xavier(k6, (NUM_ITEMS, EMBED_DIM))
    return {
        'user_ids': user_ids,
        'history_item_ids': history_item_ids,
        'history_mask': history_mask,
        'pos_item_ids': pos_item_ids,
        'neg_item_ids': neg_item_ids,
        'user_emb_table': user_emb_table,
        'item_emb_table': item_emb_table,
    }


def _encode_user(user_ids, history_item_ids, history_mask, user_emb_table, item_emb_table):
    user_id_emb = jnp.take(user_emb_table, user_ids, axis=0)
    history_emb = jnp.take(item_emb_table, history_item_ids, axis=0)
    mask = history_mask[..., None]
    masked_history_emb = history_emb * mask
    history_len = jnp.clip(jnp.sum(mask, axis=1), 1.0, None)
    history_mean_emb = jnp.sum(masked_history_emb, axis=1) / history_len
    return user_id_emb + history_mean_emb


def reference(user_ids, history_item_ids, history_mask, pos_item_ids, neg_item_ids, user_emb_table, item_emb_table):
    user_vec = _encode_user(user_ids, history_item_ids, history_mask, user_emb_table, item_emb_table)
    pos_item_vec = jnp.take(item_emb_table, pos_item_ids, axis=0)
    neg_item_vec = jnp.take(item_emb_table, neg_item_ids, axis=0)
    pos_scores = jnp.sum(user_vec * pos_item_vec, axis=1)
    neg_scores = jnp.sum(user_vec * neg_item_vec, axis=1)
    return (pos_scores, neg_scores)

if __name__ == "__main__":
    import jax
    _d = setup_inputs()
    print(jax.jit(kernel)(*tuple(_d.values())))

</pallas_src>

<mosaic_0001>
#map = affine_map<(d0, d1) -> (0)>
#map1 = affine_map<(d0, d1) -> (0, 0)>
module attributes {stable_mosaic.version = 14 : i64} {
  func.func @_two_tower(%arg0: i32, %arg1: i32, %arg2: memref<4096xi32, #tpu.memory_space<hbm>>, %arg3: memref<4096x50xi32, #tpu.memory_space<hbm>>, %arg4: memref<4096x50xf32, #tpu.memory_space<hbm>>, %arg5: memref<4096xi32, #tpu.memory_space<hbm>>, %arg6: memref<4096xi32, #tpu.memory_space<hbm>>, %arg7: memref<1000000x64xf32, #tpu.memory_space<hbm>>, %arg8: memref<1000000x64xf32, #tpu.memory_space<hbm>>, %arg9: memref<4096xf32, #tpu.memory_space<hbm>>, %arg10: memref<4096xf32, #tpu.memory_space<hbm>>, %arg11: memref<128x50xi32, #tpu.memory_space<vmem>>, %arg12: memref<128x50xf32, #tpu.memory_space<vmem>>, %arg13: memref<128xi32, #tpu.memory_space<vmem>>, %arg14: memref<128xi32, #tpu.memory_space<vmem>>, %arg15: memref<128xi32, #tpu.memory_space<vmem>>, %arg16: memref<128x64xf32, #tpu.memory_space<vmem>>, %arg17: memref<128x64xf32, #tpu.memory_space<vmem>>, %arg18: memref<128x64xf32, #tpu.memory_space<vmem>>, %arg19: memref<50x64xf32, #tpu.memory_space<vmem>>, %arg20: memref<50x64xf32, #tpu.memory_space<vmem>>, %arg21: memref<128xf32, #tpu.memory_space<vmem>>, %arg22: memref<128xf32, #tpu.memory_space<vmem>>, %arg23: memref<!tpu.dma_semaphore, #tpu.memory_space<semaphore_mem>>, %arg24: memref<!tpu.dma_semaphore, #tpu.memory_space<semaphore_mem>>, %arg25: memref<!tpu.dma_semaphore, #tpu.memory_space<semaphore_mem>>) attributes {dimension_semantics = [#tpu.dimension_semantics<core_parallel>, #tpu.dimension_semantics<subcore_parallel>], iteration_bounds = array<i64: 2, 16>, scalar_prefetch = 0 : i64, scratch_operands = 15 : i64, tpu.core_type = #tpu.core_type<sc_vector_subcore>, window_params = [{transform_indices = #map}, {transform_indices = #map1}, {transform_indices = #map1}, {transform_indices = #map}, {transform_indices = #map}, {transform_indices = #map1}, {transform_indices = #map1}, {transform_indices = #map}, {transform_indices = #map}]} {
    %mul3A = arith.constant 2 : i32
    %mul3A_0 = arith.muli %arg1, %mul3A : i32
    %add3A = arith.addi %mul3A_0, %arg0 : i32
    %mul3A_1 = arith.constant 128 : i32
    %mul3A_2 = arith.muli %add3A, %mul3A_1 : i32
    "tpu.region"() ({
      %run_scoped3A = tpu.sem_alloc : memref<!tpu.dma_semaphore, #tpu.memory_space<semaphore_mem>>
      %dma_start3A_32 = arith.constant 0 : i32
      %dma_start3A_33 = tpu.memref_slice %arg3[%mul3A_2, %dma_start3A_32] : memref<4096x50xi32, #tpu.memory_space<hbm>> -> memref<128x50xi32, #tpu.memory_space<hbm>>
      %dma_start3A_34 = arith.constant 0 : i32
      %dma_start3A_35 = tpu.memref_slice %arg3[%mul3A_2, %dma_start3A_34] : memref<4096x50xi32, #tpu.memory_space<hbm>> -> memref<128x50xi32, #tpu.memory_space<hbm>>
      tpu.enqueue_dma source(%dma_start3A_35 : memref<128x50xi32, #tpu.memory_space<hbm>>) target(%arg11 : memref<128x50xi32, #tpu.memory_space<vmem>>) target_semaphore(%run_scoped3A : memref<!tpu.dma_semaphore, #tpu.memory_space<semaphore_mem>>)
      %dma_wait3A_36 = arith.constant 0 : i32
      %dma_wait3A_37 = tpu.memref_slice %arg3[%mul3A_2, %dma_wait3A_36] : memref<4096x50xi32, #tpu.memory_space<hbm>> -> memref<128x50xi32, #tpu.memory_space<hbm>>
      %dma_wait3A_38 = arith.constant 0 : i32
      %dma_wait3A_39 = tpu.memref_slice %arg3[%mul3A_2, %dma_wait3A_38] : memref<4096x50xi32, #tpu.memory_space<hbm>> -> memref<128x50xi32, #tpu.memory_space<hbm>>
      tpu.wait_dma2 semaphore(%run_scoped3A : memref<!tpu.dma_semaphore, #tpu.memory_space<semaphore_mem>>) src(%dma_wait3A_39 : memref<128x50xi32, #tpu.memory_space<hbm>>) dst(%arg11 : memref<128x50xi32, #tpu.memory_space<vmem>>)
      tpu.yield
    }) : () -> ()
    "tpu.region"() ({
      %run_scoped3A = tpu.sem_alloc : memref<!tpu.dma_semaphore, #tpu.memory_space<semaphore_mem>>
      %dma_start3A_32 = arith.constant 0 : i32
      %dma_start3A_33 = tpu.memref_slice %arg4[%mul3A_2, %dma_start3A_32] : memref<4096x50xf32, #tpu.memory_space<hbm>> -> memref<128x50xf32, #tpu.memory_space<hbm>>
      %dma_start3A_34 = arith.constant 0 : i32
      %dma_start3A_35 = tpu.memref_slice %arg4[%mul3A_2, %dma_start3A_34] : memref<4096x50xf32, #tpu.memory_space<hbm>> -> memref<128x50xf32, #tpu.memory_space<hbm>>
      tpu.enqueue_dma source(%dma_start3A_35 : memref<128x50xf32, #tpu.memory_space<hbm>>) target(%arg12 : memref<128x50xf32, #tpu.memory_space<vmem>>) target_semaphore(%run_scoped3A : memref<!tpu.dma_semaphore, #tpu.memory_space<semaphore_mem>>)
      %dma_wait3A_36 = arith.constant 0 : i32
      %dma_wait3A_37 = tpu.memref_slice %arg4[%mul3A_2, %dma_wait3A_36] : memref<4096x50xf32, #tpu.memory_space<hbm>> -> memref<128x50xf32, #tpu.memory_space<hbm>>
      %dma_wait3A_38 = arith.constant 0 : i32
      %dma_wait3A_39 = tpu.memref_slice %arg4[%mul3A_2, %dma_wait3A_38] : memref<4096x50xf32, #tpu.memory_space<hbm>> -> memref<128x50xf32, #tpu.memory_space<hbm>>
      tpu.wait_dma2 semaphore(%run_scoped3A : memref<!tpu.dma_semaphore, #tpu.memory_space<semaphore_mem>>) src(%dma_wait3A_39 : memref<128x50xf32, #tpu.memory_space<hbm>>) dst(%arg12 : memref<128x50xf32, #tpu.memory_space<vmem>>)
      tpu.yield
    }) : () -> ()
    "tpu.region"() ({
      %run_scoped3A = tpu.sem_alloc : memref<!tpu.dma_semaphore, #tpu.memory_space<semaphore_mem>>
      %dma_start3A_32 = tpu.memref_slice %arg2[%mul3A_2] : memref<4096xi32, #tpu.memory_space<hbm>> -> memref<128xi32, #tpu.memory_space<hbm>>
      %dma_start3A_33 = tpu.memref_slice %arg2[%mul3A_2] : memref<4096xi32, #tpu.memory_space<hbm>> -> memref<128xi32, #tpu.memory_space<hbm>>
      tpu.enqueue_dma source(%dma_start3A_33 : memref<128xi32, #tpu.memory_space<hbm>>) target(%arg13 : memref<128xi32, #tpu.memory_space<vmem>>) target_semaphore(%run_scoped3A : memref<!tpu.dma_semaphore, #tpu.memory_space<semaphore_mem>>)
      %dma_wait3A_34 = tpu.memref_slice %arg2[%mul3A_2] : memref<4096xi32, #tpu.memory_space<hbm>> -> memref<128xi32, #tpu.memory_space<hbm>>
      %dma_wait3A_35 = tpu.memref_slice %arg2[%mul3A_2] : memref<4096xi32, #tpu.memory_space<hbm>> -> memref<128xi32, #tpu.memory_space<hbm>>
      tpu.wait_dma2 semaphore(%run_scoped3A : memref<!tpu.dma_semaphore, #tpu.memory_space<semaphore_mem>>) src(%dma_wait3A_35 : memref<128xi32, #tpu.memory_space<hbm>>) dst(%arg13 : memref<128xi32, #tpu.memory_space<vmem>>)
      tpu.yield
    }) : () -> ()
    "tpu.region"() ({
      %run_scoped3A = tpu.sem_alloc : memref<!tpu.dma_semaphore, #tpu.memory_space<semaphore_mem>>
      %dma_start3A_32 = tpu.memref_slice %arg5[%mul3A_2] : memref<4096xi32, #tpu.memory_space<hbm>> -> memref<128xi32, #tpu.memory_space<hbm>>
      %dma_start3A_33 = tpu.memref_slice %arg5[%mul3A_2] : memref<4096xi32, #tpu.memory_space<hbm>> -> memref<128xi32, #tpu.memory_space<hbm>>
      tpu.enqueue_dma source(%dma_start3A_33 : memref<128xi32, #tpu.memory_space<hbm>>) target(%arg14 : memref<128xi32, #tpu.memory_space<vmem>>) target_semaphore(%run_scoped3A : memref<!tpu.dma_semaphore, #tpu.memory_space<semaphore_mem>>)
      %dma_wait3A_34 = tpu.memref_slice %arg5[%mul3A_2] : memref<4096xi32, #tpu.memory_space<hbm>> -> memref<128xi32, #tpu.memory_space<hbm>>
      %dma_wait3A_35 = tpu.memref_slice %arg5[%mul3A_2] : memref<4096xi32, #tpu.memory_space<hbm>> -> memref<128xi32, #tpu.memory_space<hbm>>
      tpu.wait_dma2 semaphore(%run_scoped3A : memref<!tpu.dma_semaphore, #tpu.memory_space<semaphore_mem>>) src(%dma_wait3A_35 : memref<128xi32, #tpu.memory_space<hbm>>) dst(%arg14 : memref<128xi32, #tpu.memory_space<vmem>>)
      tpu.yield
    }) : () -> ()
    "tpu.region"() ({
      %run_scoped3A = tpu.sem_alloc : memref<!tpu.dma_semaphore, #tpu.memory_space<semaphore_mem>>
      %dma_start3A_32 = tpu.memref_slice %arg6[%mul3A_2] : memref<4096xi32, #tpu.memory_space<hbm>> -> memref<128xi32, #tpu.memory_space<hbm>>
      %dma_start3A_33 = tpu.memref_slice %arg6[%mul3A_2] : memref<4096xi32, #tpu.memory_space<hbm>> -> memref<128xi32, #tpu.memory_space<hbm>>
      tpu.enqueue_dma source(%dma_start3A_33 : memref<128xi32, #tpu.memory_space<hbm>>) target(%arg15 : memref<128xi32, #tpu.memory_space<vmem>>) target_semaphore(%run_scoped3A : memref<!tpu.dma_semaphore, #tpu.memory_space<semaphore_mem>>)
      %dma_wait3A_34 = tpu.memref_slice %arg6[%mul3A_2] : memref<4096xi32, #tpu.memory_space<hbm>> -> memref<128xi32, #tpu.memory_space<hbm>>
      %dma_wait3A_35 = tpu.memref_slice %arg6[%mul3A_2] : memref<4096xi32, #tpu.memory_space<hbm>> -> memref<128xi32, #tpu.memory_space<hbm>>
      tpu.wait_dma2 semaphore(%run_scoped3A : memref<!tpu.dma_semaphore, #tpu.memory_space<semaphore_mem>>) src(%dma_wait3A_35 : memref<128xi32, #tpu.memory_space<hbm>>) dst(%arg15 : memref<128xi32, #tpu.memory_space<vmem>>)
      tpu.yield
    }) : () -> ()
    %dma_start3A = arith.constant 0 : i32
    %dma_start3A_3 = arith.constant 0 : i32
    %dma_start3A_4 = tpu.memref_slice %arg7[%dma_start3A, %dma_start3A_3] : memref<1000000x64xf32, #tpu.memory_space<hbm>> -> memref<1000000x64xf32, #tpu.memory_space<hbm>>
    tpu.enqueue_indirect_dma source(%dma_start3A_4 : memref<1000000x64xf32, #tpu.memory_space<hbm>>) target(%arg16 : memref<128x64xf32, #tpu.memory_space<vmem>>) offsets(%arg13 : memref<128xi32, #tpu.memory_space<vmem>>) semaphore(%arg23 : memref<!tpu.dma_semaphore, #tpu.memory_space<semaphore_mem>>)
    %dma_start3A_5 = arith.constant 0 : i32
    %dma_start3A_6 = arith.constant 0 : i32
    %dma_start3A_7 = tpu.memref_slice %arg8[%dma_start3A_5, %dma_start3A_6] : memref<1000000x64xf32, #tpu.memory_space<hbm>> -> memref<1000000x64xf32, #tpu.memory_space<hbm>>
    tpu.enqueue_indirect_dma source(%dma_start3A_7 : memref<1000000x64xf32, #tpu.memory_space<hbm>>) target(%arg17 : memref<128x64xf32, #tpu.memory_space<vmem>>) offsets(%arg14 : memref<128xi32, #tpu.memory_space<vmem>>) semaphore(%arg23 : memref<!tpu.dma_semaphore, #tpu.memory_space<semaphore_mem>>)
    %dma_start3A_8 = arith.constant 0 : i32
    %dma_start3A_9 = arith.constant 0 : i32
    %dma_start3A_10 = tpu.memref_slice %arg8[%dma_start3A_8, %dma_start3A_9] : memref<1000000x64xf32, #tpu.memory_space<hbm>> -> memref<1000000x64xf32, #tpu.memory_space<hbm>>
    tpu.enqueue_indirect_dma source(%dma_start3A_10 : memref<1000000x64xf32, #tpu.memory_space<hbm>>) target(%arg18 : memref<128x64xf32, #tpu.memory_space<vmem>>) offsets(%arg15 : memref<128xi32, #tpu.memory_space<vmem>>) semaphore(%arg23 : memref<!tpu.dma_semaphore, #tpu.memory_space<semaphore_mem>>)
    %dma_start3A_11 = arith.constant 0 : i32
    %dma_start3A_12 = arith.constant 0 : i32
    %dma_start3A_13 = tpu.memref_slice %arg11[%dma_start3A_11, %dma_start3A_12] : memref<128x50xi32, #tpu.memory_space<vmem>> -> memref<1x50xi32, #tpu.memory_space<vmem>>
    %dma_start3A_14 = tpu.memref_squeeze %dma_start3A_13 : memref<1x50xi32, #tpu.memory_space<vmem>> -> memref<50xi32, #tpu.memory_space<vmem>>
    %dma_start3A_15 = arith.constant 0 : i32
    %dma_start3A_16 = arith.constant 0 : i32
    %dma_start3A_17 = tpu.memref_slice %arg8[%dma_start3A_15, %dma_start3A_16] : memref<1000000x64xf32, #tpu.memory_space<hbm>> -> memref<1000000x64xf32, #tpu.memory_space<hbm>>
    tpu.enqueue_indirect_dma source(%dma_start3A_17 : memref<1000000x64xf32, #tpu.memory_space<hbm>>) target(%arg19 : memref<50x64xf32, #tpu.memory_space<vmem>>) offsets(%dma_start3A_14 : memref<50xi32, #tpu.memory_space<vmem>>) semaphore(%arg24 : memref<!tpu.dma_semaphore, #tpu.memory_space<semaphore_mem>>)
    %dma_wait3A = arith.constant 0 : i32
    %dma_wait3A_18 = arith.constant 0 : i32
    %dma_wait3A_19 = tpu.memref_slice %arg7[%dma_wait3A, %dma_wait3A_18] : memref<1000000x64xf32, #tpu.memory_space<hbm>> -> memref<1000000x64xf32, #tpu.memory_space<hbm>>
    tpu.wait_indirect_dma semaphore(%arg23 : memref<!tpu.dma_semaphore, #tpu.memory_space<semaphore_mem>>) src(%dma_wait3A_19 : memref<1000000x64xf32, #tpu.memory_space<hbm>>) dst(%arg16 : memref<128x64xf32, #tpu.memory_space<vmem>>)
    %dma_wait3A_20 = arith.constant 0 : i32
    %dma_wait3A_21 = arith.constant 0 : i32
    %dma_wait3A_22 = tpu.memref_slice %arg8[%dma_wait3A_20, %dma_wait3A_21] : memref<1000000x64xf32, #tpu.memory_space<hbm>> -> memref<1000000x64xf32, #tpu.memory_space<hbm>>
    tpu.wait_indirect_dma semaphore(%arg23 : memref<!tpu.dma_semaphore, #tpu.memory_space<semaphore_mem>>) src(%dma_wait3A_22 : memref<1000000x64xf32, #tpu.memory_space<hbm>>) dst(%arg17 : memref<128x64xf32, #tpu.memory_space<vmem>>)
    %dma_wait3A_23 = arith.constant 0 : i32
    %dma_wait3A_24 = arith.constant 0 : i32
    %dma_wait3A_25 = tpu.memref_slice %arg8[%dma_wait3A_23, %dma_wait3A_24] : memref<1000000x64xf32, #tpu.memory_space<hbm>> -> memref<1000000x64xf32, #tpu.memory_space<hbm>>
    tpu.wait_indirect_dma semaphore(%arg23 : memref<!tpu.dma_semaphore, #tpu.memory_space<semaphore_mem>>) src(%dma_wait3A_25 : memref<1000000x64xf32, #tpu.memory_space<hbm>>) dst(%arg18 : memref<128x64xf32, #tpu.memory_space<vmem>>)
    %iota3A = tpu.iota {dimensions = array<i32: 0>} : vector<16xi32>
    %broadcast_in_dim3A = arith.constant 0.000000e+00 : f32
    %broadcast_in_dim3A_26 = vector.broadcast %broadcast_in_dim3A : f32 to vector<16xf32>
    %scan3A = arith.constant 0 : i32
    %scan3A_27 = arith.constant 64 : i32
    %scan3A_28 = arith.addi %scan3A, %scan3A_27 : i32
    %scan3A_29 = arith.constant 1 : i32
    %scan3A_30:2 = scf.for %scan3A_32 = %scan3A to %scan3A_28 step %scan3A_29 iter_args(%scan3A_33 = %broadcast_in_dim3A_26, %scan3A_34 = %broadcast_in_dim3A_26) -> (vector<16xf32>, vector<16xf32>)  : i32 {
      %mul3A_35 = arith.constant 2 : i32
      %mul3A_36 = arith.muli %mul3A_35, %scan3A_32 : i32
      %add3A_37 = arith.constant 0 : i32
      %add3A_38 = arith.addi %mul3A_36, %add3A_37 : i32
      %add3A_39 = arith.constant 1 : i32
      %add3A_40 = arith.addi %add3A_38, %add3A_39 : i32
      %lt3A = arith.constant 128 : i32
      %lt3A_41 = arith.cmpi slt, %add3A_40, %lt3A : i32
      %convert_element_type3A = arith.extui %lt3A_41 : i1 to i32
      %cond3A = arith.constant 0 : i32
      %cond3A_42 = arith.cmpi ne, %convert_element_type3A, %cond3A : i32
      scf.if %cond3A_42 {
        %dma_start3A_4593 = arith.constant 0 : i32
        %dma_start3A_4594 = tpu.memref_slice %arg11[%add3A_40, %dma_start3A_4593] : memref<128x50xi32, #tpu.memory_space<vmem>> -> memref<1x50xi32, #tpu.memory_space<vmem>>
        %dma_start3A_4595 = tpu.memref_squeeze %dma_start3A_4594 : memref<1x50xi32, #tpu.memory_space<vmem>> -> memref<50xi32, #tpu.memory_space<vmem>>
        %dma_start3A_4596 = arith.constant 0 : i32
        %dma_start3A_4597 = arith.constant 0 : i32
        %dma_start3A_4598 = tpu.memref_slice %arg8[%dma_start3A_4596, %dma_start3A_4597] : memref<1000000x64xf32, #tpu.memory_space<hbm>> -> memref<1000000x64xf32, #tpu.memory_space<hbm>>
        tpu.enqueue_indirect_dma source(%dma_start3A_4598 : memref<1000000x64xf32, #tpu.memory_space<hbm>>) target(%arg20 : memref<50x64xf32, #tpu.memory_space<vmem>>) offsets(%dma_start3A_4595 : memref<50xi32, #tpu.memory_space<vmem>>) semaphore(%arg25 : memref<!tpu.dma_semaphore, #tpu.memory_space<semaphore_mem>>)
      } else {
      }
      %dma_wait3A_43 = arith.constant 0 : i32
      %dma_wait3A_44 = tpu.memref_slice %arg11[%add3A_38, %dma_wait3A_43] : memref<128x50xi32, #tpu.memory_space<vmem>> -> memref<1x50xi32, #tpu.memory_space<vmem>>
      %dma_wait3A_45 = tpu.memref_squeeze %dma_wait3A_44 : memref<1x50xi32, #tpu.memory_space<vmem>> -> memref<50xi32, #tpu.memory_space<vmem>>
      %dma_wait3A_46 = arith.constant 0 : i32
      %dma_wait3A_47 = arith.constant 0 : i32
      %dma_wait3A_48 = tpu.memref_slice %arg8[%dma_wait3A_46, %dma_wait3A_47] : memref<1000000x64xf32, #tpu.memory_space<hbm>> -> memref<1000000x64xf32, #tpu.memory_space<hbm>>
      tpu.wait_indirect_dma semaphore(%arg24 : memref<!tpu.dma_semaphore, #tpu.memory_space<semaphore_mem>>) src(%dma_wait3A_48 : memref<1000000x64xf32, #tpu.memory_space<hbm>>) dst(%arg19 : memref<50x64xf32, #tpu.memory_space<vmem>>)
      %broadcast_in_dim3A_49 = arith.constant 0.000000e+00 : f32
      %broadcast_in_dim3A_50 = vector.broadcast %broadcast_in_dim3A_49 : f32 to vector<16xf32>
      %get3A = arith.index_cast %add3A_38 : i32 to index
      %get3A_51 = arith.constant 0 : index
      %get3A_52 = tpu.vector_load %arg12[%get3A, %get3A_51] {strides = array<i32>} : memref<128x50xf32, #tpu.memory_space<vmem>>, vector<1x16xf32>,
      %get3A_53 = vector.shape_cast %get3A_52 : vector<1x16xf32> to vector<16xf32>
      %get3A_54 = arith.index_cast %add3A_38 : i32 to index
      %get3A_55 = arith.constant 16 : index
      %get3A_56 = tpu.vector_load %arg12[%get3A_54, %get3A_55] {strides = array<i32>} : memref<128x50xf32, #tpu.memory_space<vmem>>, vector<1x16xf32>,
      %get3A_57 = vector.shape_cast %get3A_56 : vector<1x16xf32> to vector<16xf32>
      %get3A_58 = arith.index_cast %add3A_38 : i32 to index
      %get3A_59 = arith.constant 32 : index
      %get3A_60 = tpu.vector_load %arg12[%get3A_58, %get3A_59] {strides = array<i32>} : memref<128x50xf32, #tpu.memory_space<vmem>>, vector<1x16xf32>,
      %get3A_61 = vector.shape_cast %get3A_60 : vector<1x16xf32> to vector<16xf32>
      %get3A_62 = arith.index_cast %add3A_38 : i32 to index
      %get3A_63 = arith.constant 34 : index
      %get3A_64 = tpu.vector_load %arg12[%get3A_62, %get3A_63] {strides = array<i32>} : memref<128x50xf32, #tpu.memory_space<vmem>>, vector<1x16xf32>,
      %get3A_65 = vector.shape_cast %get3A_64 : vector<1x16xf32> to vector<16xf32>
      %broadcast_in_dim3A_66 = arith.constant 0 : i32
      %broadcast_in_dim3A_67 = vector.broadcast %broadcast_in_dim3A_66 : i32 to vector<16xi32>
      %lt3A_68 = arith.constant 0 : i32
      %lt3A_69 = vector.broadcast %lt3A_68 : i32 to vector<16xi32>
      %lt3A_70 = arith.cmpi slt, %broadcast_in_dim3A_67, %lt3A_69 : vector<16xi32>
      %add3A_71 = arith.constant 16 : i32
      %add3A_72 = vector.broadcast %add3A_71 : i32 to vector<16xi32>
      %add3A_73 = arith.addi %broadcast_in_dim3A_67, %add3A_72 : vector<16xi32>
      %select_n3A = arith.select %lt3A_70, %add3A_73, %broadcast_in_dim3A_67 : vector<16xi1>, vector<16xi32>
      %broadcast_in_dim3A_74 = vector.shape_cast %select_n3A : vector<16xi32> to vector<16x1xi32>
      %gather3A = vector.shape_cast %broadcast_in_dim3A_74 : vector<16x1xi32> to vector<16xi32>
      %gather3A_75 = tpu.dynamic_gather %get3A_53[%gather3A] in [0] : vector<16xf32>, vector<16xi32> -> vector<16xf32>
      %get3A_76 = arith.constant 0 : i32
      %get3A_77 = arith.index_cast %get3A_76 : i32 to index
      %get3A_78 = arith.constant 0 : index
      %get3A_79 = tpu.vector_load %arg19[%get3A_77, %get3A_78] {strides = array<i32>} : memref<50x64xf32, #tpu.memory_space<vmem>>, vector<1x16xf32>,
      %get3A_80 = vector.shape_cast %get3A_79 : vector<1x16xf32> to vector<16xf32>
      %mul3A_81 = arith.mulf %get3A_80, %gather3A_75 : vector<16xf32>
      %add3A_82 = arith.addf %broadcast_in_dim3A_50, %mul3A_81 : vector<16xf32>
      %get3A_83 = arith.constant 0 : i32
      %get3A_84 = arith.index_cast %get3A_83 : i32 to index
      %get3A_85 = arith.constant 16 : index
      %get3A_86 = tpu.vector_load %arg19[%get3A_84, %get3A_85] {strides = array<i32>} : memref<50x64xf32, #tpu.memory_space<vmem>>, vector<1x16xf32>,
      %get3A_87 = vector.shape_cast %get3A_86 : vector<1x16xf32> to vector<16xf32>
      %mul3A_88 = arith.mulf %get3A_87, %gather3A_75 : vector<16xf32>
      %add3A_89 = arith.addf %broadcast_in_dim3A_50, %mul3A_88 : vector<16xf32>
      %get3A_90 = arith.constant 0 : i32
      %get3A_91 = arith.index_cast %get3A_90 : i32 to index
      %get3A_92 = arith.constant 32 : index
      %get3A_93 = tpu.vector_load %arg19[%get3A_91, %get3A_92] {strides = array<i32>} : memref<50x64xf32, #tpu.memory_space<vmem>>, vector<1x16xf32>,
      %get3A_94 = vector.shape_cast %get3A_93 : vector<1x16xf32> to vector<16xf32>
      %mul3A_95 = arith.mulf %get3A_94, %gather3A_75 : vector<16xf32>
      %add3A_96 = arith.addf %broadcast_in_dim3A_50, %mul3A_95 : vector<16xf32>
      %get3A_97 = arith.constant 0 : i32
      %get3A_98 = arith.index_cast %get3A_97 : i32 to index
      %get3A_99 = arith.constant 48 : index
      %get3A_100 = tpu.vector_load %arg19[%get3A_98, %get3A_99] {strides = array<i32>} : memref<50x64xf32, #tpu.memory_space<vmem>>, vector<1x16xf32>,
      %get3A_101 = vector.shape_cast %get3A_100 : vector<1x16xf32> to vector<16xf32>
      %mul3A_102 = arith.mulf %get3A_101, %gather3A_75 : vector<16xf32>
      %add3A_103 = arith.addf %broadcast_in_dim3A_50, %mul3A_102 : vector<16xf32>
      %add3A_104 = arith.addf %broadcast_in_dim3A_50, %gather3A_75 : vector<16xf32>
      %broadcast_in_dim3A_105 = arith.constant 1 : i32
      %broadcast_in_dim3A_106 = vector.broadcast %broadcast_in_dim3A_105 : i32 to vector<16xi32>
      %lt3A_107 = arith.constant 0 : i32
      %lt3A_108 = vector.broadcast %lt3A_107 : i32 to vector<16xi32>
      %lt3A_109 = arith.cmpi slt, %broadcast_in_dim3A_106, %lt3A_108 : vector<16xi32>
      %add3A_110 = arith.constant 16 : i32
      %add3A_111 = vector.broadcast %add3A_110 : i32 to vector<16xi32>
      %add3A_112 = arith.addi %broadcast_in_dim3A_106, %add3A_111 : vector<16xi32>
      %select_n3A_113 = arith.select %lt3A_109, %add3A_112, %broadcast_in_dim3A_106 : vector<16xi1>, vector<16xi32>
      %broadcast_in_dim3A_114 = vector.shape_cast %select_n3A_113 : vector<16xi32> to vector<16x1xi32>
      %gather3A_115 = vector.shape_cast %broadcast_in_dim3A_114 : vector<16x1xi32> to vector<16xi32>
      %gather3A_116 = tpu.dynamic_gather %get3A_53[%gather3A_115] in [0] : vector<16xf32>, vector<16xi32> -> vector<16xf32>
      %get3A_117 = arith.constant 1 : i32
      %get3A_118 = arith.index_cast %get3A_117 : i32 to index
      %get3A_119 = arith.constant 0 : index
      %get3A_120 = tpu.vector_load %arg19[%get3A_118, %get3A_119] {strides = array<i32>} : memref<50x64xf32, #tpu.memory_space<vmem>>, vector<1x16xf32>,
      %get3A_121 = vector.shape_cast %get3A_120 : vector<1x16xf32> to vector<16xf32>
      %mul3A_122 = arith.mulf %get3A_121, %gather3A_116 : vector<16xf32>
      %add3A_123 = arith.addf %add3A_82, %mul3A_122 : vector<16xf32>
      %get3A_124 = arith.constant 1 : i32
      %get3A_125 = arith.index_cast %get3A_124 : i32 to index
      %get3A_126 = arith.constant 16 : index
      %get3A_127 = tpu.vector_load %arg19[%get3A_125, %get3A_126] {strides = array<i32>} : memref<50x64xf32, #tpu.memory_space<vmem>>, vector<1x16xf32>,
      %get3A_128 = vector.shape_cast %get3A_127 : vector<1x16xf32> to vector<16xf32>
      %mul3A_129 = arith.mulf %get3A_128, %gather3A_116 : vector<16xf32>
      %add3A_130 = arith.addf %add3A_89, %mul3A_129 : vector<16xf32>
      %get3A_131 = arith.constant 1 : i32
      %get3A_132 = arith.index_cast %get3A_131 : i32 to index
      %get3A_133 = arith.constant 32 : index
      %get3A_134 = tpu.vector_load %arg19[%get3A_132, %get3A_133] {strides = array<i32>} : memref<50x64xf32, #tpu.memory_space<vmem>>, vector<1x16xf32>,
      %get3A_135 = vector.shape_cast %get3A_134 : vector<1x16xf32> to vector<16xf32>
      %mul3A_136 = arith.mulf %get3A_135, %gather3A_116 : vector<16xf32>
      %add3A_137 = arith.addf %add3A_96, %mul3A_136 : vector<16xf32>
      %get3A_138 = arith.constant 1 : i32
      %get3A_139 = arith.index_cast %get3A_138 : i32 to index
      %get3A_140 = arith.constant 48 : index
      %get3A_141 = tpu.vector_load %arg19[%get3A_139, %get3A_140] {strides = array<i32>} : memref<50x64xf32, #tpu.memory_space<vmem>>, vector<1x16xf32>,
      %get3A_142 = vector.shape_cast %get3A_141 : vector<1x16xf32> to vector<16xf32>
      %mul3A_143 = arith.mulf %get3A_142, %gather3A_116 : vector<16xf32>
      %add3A_144 = arith.addf %add3A_103, %mul3A_143 : vector<16xf32>
      %add3A_145 = arith.addf %add3A_104, %gather3A_116 : vector<16xf32>
      %broadcast_in_dim3A_146 = arith.constant 2 : i32
      %broadcast_in_dim3A_147 = vector.broadcast %broadcast_in_dim3A_146 : i32 to vector<16xi32>
      %lt3A_148 = arith.constant 0 : i32
      %lt3A_149 = vector.broadcast %lt3A_148 : i32 to vector<16xi32>
      %lt3A_150 = arith.cmpi slt, %broadcast_in_dim3A_147, %lt3A_149 : vector<16xi32>
      %add3A_151 = arith.constant 16 : i32
      %add3A_152 = vector.broadcast %add3A_151 : i32 to vector<16xi32>
      %add3A_153 = arith.addi %broadcast_in_dim3A_147, %add3A_152 : vector<16xi32>
      %select_n3A_154 = arith.select %lt3A_150, %add3A_153, %broadcast_in_dim3A_147 : vector<16xi1>, vector<16xi32>
      %broadcast_in_dim3A_155 = vector.shape_cast %select_n3A_154 : vector<16xi32> to vector<16x1xi32>
      %gather3A_156 = vector.shape_cast %broadcast_in_dim3A_155 : vector<16x1xi32> to vector<16xi32>
      %gather3A_157 = tpu.dynamic_gather %get3A_53[%gather3A_156] in [0] : vector<16xf32>, vector<16xi32> -> vector<16xf32>
      %get3A_158 = arith.constant 2 : i32
      %get3A_159 = arith.index_cast %get3A_158 : i32 to index
      %get3A_160 = arith.constant 0 : index
      %get3A_161 = tpu.vector_load %arg19[%get3A_159, %get3A_160] {strides = array<i32>} : memref<50x64xf32, #tpu.memory_space<vmem>>, vector<1x16xf32>,
      %get3A_162 = vector.shape_cast %get3A_161 : vector<1x16xf32> to vector<16xf32>
      %mul3A_163 = arith.mulf %get3A_162, %gather3A_157 : vector<16xf32>
      %add3A_164 = arith.addf %add3A_123, %mul3A_163 : vector<16xf32>
      %get3A_165 = arith.constant 2 : i32
      %get3A_166 = arith.index_cast %get3A_165 : i32 to index
      %get3A_167 = arith.constant 16 : index
      %get3A_168 = tpu.vector_load %arg19[%get3A_166, %get3A_167] {strides = array<i32>} : memref<50x64xf32, #tpu.memory_space<vmem>>, vector<1x16xf32>,
      %get3A_169 = vector.shape_cast %get3A_168 : vector<1x16xf32> to vector<16xf32>
      %mul3A_170 = arith.mulf %get3A_169, %gather3A_157 : vector<16xf32>
      %add3A_171 = arith.addf %add3A_130, %mul3A_170 : vector<16xf32>
      %get3A_172 = arith.constant 2 : i32
      %get3A_173 = arith.index_cast %get3A_172 : i32 to index
      %get3A_174 = arith.constant 32 : index
      %get3A_175 = tpu.vector_load %arg19[%get3A_173, %get3A_174] {strides = array<i32>} : memref<50x64xf32, #tpu.memory_space<vmem>>, vector<1x16xf32>,
      %get3A_176 = vector.shape_cast %get3A_175 : vector<1x16xf32> to vector<16xf32>
      %mul3A_177 = arith.mulf %get3A_176, %gather3A_157 : vector<16xf32>
      %add3A_178 = arith.addf %add3A_137, %mul3A_177 : vector<16xf32>
      %get3A_179 = arith.constant 2 : i32
      %get3A_180 = arith.index_cast %get3A_179 : i32 to index
      %get3A_181 = arith.constant 48 : index
      %get3A_182 = tpu.vector_load %arg19[%get3A_180, %get3A_181] {strides = array<i32>} : memref<50x64xf32, #tpu.memory_space<vmem>>, vector<1x16xf32>,
      %get3A_183 = vector.shape_cast %get3A_182 : vector<1x16xf32> to vector<16xf32>
      %mul3A_184 = arith.mulf %get3A_183, %gather3A_157 : vector<16xf32>
      %add3A_185 = arith.addf %add3A_144, %mul3A_184 : vector<16xf32>
      %add3A_186 = arith.addf %add3A_145, %gather3A_157 : vector<16xf32>
      %broadcast_in_dim3A_187 = arith.constant 3 : i32
      %broadcast_in_dim3A_188 = vector.broadcast %broadcast_in_dim3A_187 : i32 to vector<16xi32>
      %lt3A_189 = arith.constant 0 : i32
      %lt3A_190 = vector.broadcast %lt3A_189 : i32 to vector<16xi32>
      %lt3A_191 = arith.cmpi slt, %broadcast_in_dim3A_188, %lt3A_190 : vector<16xi32>
      %add3A_192 = arith.constant 16 : i32
      %add3A_193 = vector.broadcast %add3A_192 : i32 to vector<16xi32>
      %add3A_194 = arith.addi %broadcast_in_dim3A_188, %add3A_193 : vector<16xi32>
      %select_n3A_195 = arith.select %lt3A_191, %add3A_194, %broadcast_in_dim3A_188 : vector<16xi1>, vector<16xi32>
      %broadcast_in_dim3A_196 = vector.shape_cast %select_n3A_195 : vector<16xi32> to vector<16x1xi32>
      %gather3A_197 = vector.shape_cast %broadcast_in_dim3A_196 : vector<16x1xi32> to vector<16xi32>
      %gather3A_198 = tpu.dynamic_gather %get3A_53[%gather3A_197] in [0] : vector<16xf32>, vector<16xi32> -> vector<16xf32>
      %get3A_199 = arith.constant 3 : i32
      %get3A_200 = arith.index_cast %get3A_199 : i32 to index
      %get3A_201 = arith.constant 0 : index
      %get3A_202 = tpu.vector_load %arg19[%get3A_200, %get3A_201] {strides = array<i32>} : memref<50x64xf32, #tpu.memory_space<vmem>>, vector<1x16xf32>,
      %get3A_203 = vector.shape_cast %get3A_202 : vector<1x16xf32> to vector<16xf32>
      %mul3A_204 = arith.mulf %get3A_203, %gather3A_198 : vector<16xf32>
      %add3A_205 = arith.addf %add3A_164, %mul3A_204 : vector<16xf32>
      %get3A_206 = arith.constant 3 : i32
      %get3A_207 = arith.index_cast %get3A_206 : i32 to index
      %get3A_208 = arith.constant 16 : index
      %get3A_209 = tpu.vector_load %arg19[%get3A_207, %get3A_208] {strides = array<i32>} : memref<50x64xf32, #tpu.memory_space<vmem>>, vector<1x16xf32>,
      %get3A_210 = vector.shape_cast %get3A_209 : vector<1x16xf32> to vector<16xf32>
      %mul3A_211 = arith.mulf %get3A_210, %gather3A_198 : vector<16xf32>
      %add3A_212 = arith.addf %add3A_171, %mul3A_211 : vector<16xf32>
      %get3A_213 = arith.constant 3 : i32
      %get3A_214 = arith.index_cast %get3A_213 : i32 to index
      %get3A_215 = arith.constant 32 : index
      %get3A_216 = tpu.vector_load %arg19[%get3A_214, %get3A_215] {strides = array<i32>} : memref<50x64xf32, #tpu.memory_space<vmem>>, vector<1x16xf32>,
      %get3A_217 = vector.shape_cast %get3A_216 : vector<1x16xf32> to vector<16xf32>
      %mul3A_218 = arith.mulf %get3A_217, %gather3A_198 : vector<16xf32>
      %add3A_219 = arith.addf %add3A_178, %mul3A_218 : vector<16xf32>
      %get3A_220 = arith.constant 3 : i32
      %get3A_221 = arith.index_cast %get3A_220 : i32 to index
      %get3A_222 = arith.constant 48 : index
      %get3A_223 = tpu.vector_load %arg19[%get3A_221, %get3A_222] {strides = array<i32>} : memref<50x64xf32, #tpu.memory_space<vmem>>, vector<1x16xf32>,
      %get3A_224 = vector.shape_cast %get3A_223 : vector<1x16xf32> to vector<16xf32>
      %mul3A_225 = arith.mulf %get3A_224, %gather3A_198 : vector<16xf32>
      %add3A_226 = arith.addf %add3A_185, %mul3A_225 : vector<16xf32>
      %add3A_227 = arith.addf %add3A_186, %gather3A_198 : vector<16xf32>
      %broadcast_in_dim3A_228 = arith.constant 4 : i32
      %broadcast_in_dim3A_229 = vector.broadcast %broadcast_in_dim3A_228 : i32 to vector<16xi32>
      %lt3A_230 = arith.constant 0 : i32
      %lt3A_231 = vector.broadcast %lt3A_230 : i32 to vector<16xi32>
      %lt3A_232 = arith.cmpi slt, %broadcast_in_dim3A_229, %lt3A_231 : vector<16xi32>
      %add3A_233 = arith.constant 16 : i32
      %add3A_234 = vector.broadcast %add3A_233 : i32 to vector<16xi32>
      %add3A_235 = arith.addi %broadcast_in_dim3A_229, %add3A_234 : vector<16xi32>
      %select_n3A_236 = arith.select %lt3A_232, %add3A_235, %broadcast_in_dim3A_229 : vector<16xi1>, vector<16xi32>
      %broadcast_in_dim3A_237 = vector.shape_cast %select_n3A_236 : vector<16xi32> to vector<16x1xi32>
      %gather3A_238 = vector.shape_cast %broadcast_in_dim3A_237 : vector<16x1xi32> to vector<16xi32>
      %gather3A_239 = tpu.dynamic_gather %get3A_53[%gather3A_238] in [0] : vector<16xf32>, vector<16xi32> -> vector<16xf32>
      %get3A_240 = arith.constant 4 : i32
      %get3A_241 = arith.index_cast %get3A_240 : i32 to index
      %get3A_242 = arith.constant 0 : index
      %get3A_243 = tpu.vector_load %arg19[%get3A_241, %get3A_242] {strides = array<i32>} : memref<50x64xf32, #tpu.memory_space<vmem>>, vector<1x16xf32>,
      %get3A_244 = vector.shape_cast %get3A_243 : vector<1x16xf32> to vector<16xf32>
      %mul3A_245 = arith.mulf %get3A_244, %gather3A_239 : vector<16xf32>
      %add3A_246 = arith.addf %add3A_205, %mul3A_245 : vector<16xf32>
      %get3A_247 = arith.constant 4 : i32
      %get3A_248 = arith.index_cast %get3A_247 : i32 to index
      %get3A_249 = arith.constant 16 : index
      %get3A_250 = tpu.vector_load %arg19[%get3A_248, %get3A_249] {strides = array<i32>} : memref<50x64xf32, #tpu.memory_space<vmem>>, vector<1x16xf32>,
      %get3A_251 = vector.shape_cast %get3A_250 : vector<1x16xf32> to vector<16xf32>
      %mul3A_252 = arith.mulf %get3A_251, %gather3A_239 : vector<16xf32>
      %add3A_253 = arith.addf %add3A_212, %mul3A_252 : vector<16xf32>
      %get3A_254 = arith.constant 4 : i32
      %get3A_255 = arith.index_cast %get3A_254 : i32 to index
      %get3A_256 = arith.constant 32 : index
      %get3A_257 = tpu.vector_load %arg19[%get3A_255, %get3A_256] {strides = array<i32>} : memref<50x64xf32, #tpu.memory_space<vmem>>, vector<1x16xf32>,
      %get3A_258 = vector.shape_cast %get3A_257 : vector<1x16xf32> to vector<16xf32>
      %mul3A_259 = arith.mulf %get3A_258, %gather3A_239 : vector<16xf32>
      %add3A_260 = arith.addf %add3A_219, %mul3A_259 : vector<16xf32>
      %get3A_261 = arith.constant 4 : i32
      %get3A_262 = arith.index_cast %get3A_261 : i32 to index
      %get3A_263 = arith.constant 48 : index
      %get3A_264 = tpu.vector_load %arg19[%get3A_262, %get3A_263] {strides = array<i32>} : memref<50x64xf32, #tpu.memory_space<vmem>>, vector<1x16xf32>,
      %get3A_265 = vector.shape_cast %get3A_264 : vector<1x16xf32> to vector<16xf32>
      %mul3A_266 = arith.mulf %get3A_265, %gather3A_239 : vector<16xf32>
      %add3A_267 = arith.addf %add3A_226, %mul3A_266 : vector<16xf32>
      %add3A_268 = arith.addf %add3A_227, %gather3A_239 : vector<16xf32>
      %broadcast_in_dim3A_269 = arith.constant 5 : i32
      %broadcast_in_dim3A_270 = vector.broadcast %broadcast_in_dim3A_269 : i32 to vector<16xi32>
      %lt3A_271 = arith.constant 0 : i32
      %lt3A_272 = vector.broadcast %lt3A_271 : i32 to vector<16xi32>
      %lt3A_273 = arith.cmpi slt, %broadcast_in_dim3A_270, %lt3A_272 : vector<16xi32>
      %add3A_274 = arith.constant 16 : i32
      %add3A_275 = vector.broadcast %add3A_274 : i32 to vector<16xi32>
      %add3A_276 = arith.addi %broadcast_in_dim3A_270, %add3A_275 : vector<16xi32>
      %select_n3A_277 = arith.select %lt3A_273, %add3A_276, %broadcast_in_dim3A_270 : vector<16xi1>, vector<16xi32>
      %broadcast_in_dim3A_278 = vector.shape_cast %select_n3A_277 : vector<16xi32> to vector<16x1xi32>
      %gather3A_279 = vector.shape_cast %broadcast_in_dim3A_278 : vector<16x1xi32> to vector<16xi32>
      %gather3A_280 = tpu.dynamic_gather %get3A_53[%gather3A_279] in [0] : vector<16xf32>, vector<16xi32> -> vector<16xf32>
      %get3A_281 = arith.constant 5 : i32
      %get3A_282 = arith.index_cast %get3A_281 : i32 to index
      %get3A_283 = arith.constant 0 : index
      %get3A_284 = tpu.vector_load %arg19[%get3A_282, %get3A_283] {strides = array<i32>} : memref<50x64xf32, #tpu.memory_space<vmem>>, vector<1x16xf32>,
      %get3A_285 = vector.shape_cast %get3A_284 : vector<1x16xf32> to vector<16xf32>
      %mul3A_286 = arith.mulf %get3A_285, %gather3A_280 : vector<16xf32>
      %add3A_287 = arith.addf %add3A_246, %mul3A_286 : vector<16xf32>
      %get3A_288 = arith.constant 5 : i32
      %get3A_289 = arith.index_cast %get3A_288 : i32 to index
      %get3A_290 = arith.constant 16 : index
      %get3A_291 = tpu.vector_load %arg19[%get3A_289, %get3A_290] {strides = array<i32>} : memref<50x64xf32, #tpu.memory_space<vmem>>, vector<1x16xf32>,
      %get3A_292 = vector.shape_cast %get3A_291 : vector<1x16xf32> to vector<16xf32>
      %mul3A_293 = arith.mulf %get3A_292, %gather3A_280 : vector<16xf32>
      %add3A_294 = arith.addf %add3A_253, %mul3A_293 : vector<16xf32>
      %get3A_295 = arith.constant 5 : i32
      %get3A_296 = arith.index_cast %get3A_295 : i32 to index
      %get3A_297 = arith.constant 32 : index
      %get3A_298 = tpu.vector_load %arg19[%get3A_296, %get3A_297] {strides = array<i32>} : memref<50x64xf32, #tpu.memory_space<vmem>>, vector<1x16xf32>,
      %get3A_299 = vector.shape_cast %get3A_298 : vector<1x16xf32> to vector<16xf32>
      %mul3A_300 = arith.mulf %get3A_299, %gather3A_280 : vector<16xf32>
      %add3A_301 = arith.addf %add3A_260, %mul3A_300 : vector<16xf32>
      %get3A_302 = arith.constant 5 : i32
      %get3A_303 = arith.index_cast %get3A_302 : i32 to index
      %get3A_304 = arith.constant 48 : index
      %get3A_305 = tpu.vector_load %arg19[%get3A_303, %get3A_304] {strides = array<i32>} : memref<50x64xf32, #tpu.memory_space<vmem>>, vector<1x16xf32>,
      %get3A_306 = vector.shape_cast %get3A_305 : vector<1x16xf32> to vector<16xf32>
      %mul3A_307 = arith.mulf %get3A_306, %gather3A_280 : vector<16xf32>
      %add3A_308 = arith.addf %add3A_267, %mul3A_307 : vector<16xf32>
      %add3A_309 = arith.addf %add3A_268, %gather3A_280 : vector<16xf32>
      %broadcast_in_dim3A_310 = arith.constant 6 : i32
      %broadcast_in_dim3A_311 = vector.broadcast %broadcast_in_dim3A_310 : i32 to vector<16xi32>
      %lt3A_312 = arith.constant 0 : i32
      %lt3A_313 = vector.broadcast %lt3A_312 : i32 to vector<16xi32>
      %lt3A_314 = arith.cmpi slt, %broadcast_in_dim3A_311, %lt3A_313 : vector<16xi32>
      %add3A_315 = arith.constant 16 : i32
      %add3A_316 = vector.broadcast %add3A_315 : i32 to vector<16xi32>
      %add3A_317 = arith.addi %broadcast_in_dim3A_311, %add3A_316 : vector<16xi32>
      %select_n3A_318 = arith.select %lt3A_314, %add3A_317, %broadcast_in_dim3A_311 : vector<16xi1>, vector<16xi32>
      %broadcast_in_dim3A_319 = vector.shape_cast %select_n3A_318 : vector<16xi32> to vector<16x1xi32>
      %gather3A_320 = vector.shape_cast %broadcast_in_dim3A_319 : vector<16x1xi32> to vector<16xi32>
      %gather3A_321 = tpu.dynamic_gather %get3A_53[%gather3A_320] in [0] : vector<16xf32>, vector<16xi32> -> vector<16xf32>
      %get3A_322 = arith.constant 6 : i32
      %get3A_323 = arith.index_cast %get3A_322 : i32 to index
      %get3A_324 = arith.constant 0 : index
      %get3A_325 = tpu.vector_load %arg19[%get3A_323, %get3A_324] {strides = array<i32>} : memref<50x64xf32, #tpu.memory_space<vmem>>, vector<1x16xf32>,
      %get3A_326 = vector.shape_cast %get3A_325 : vector<1x16xf32> to vector<16xf32>
      %mul3A_327 = arith.mulf %get3A_326, %gather3A_321 : vector<16xf32>
      %add3A_328 = arith.addf %add3A_287, %mul3A_327 : vector<16xf32>
      %get3A_329 = arith.constant 6 : i32
      %get3A_330 = arith.index_cast %get3A_329 : i32 to index
      %get3A_331 = arith.constant 16 : index
      %get3A_332 = tpu.vector_load %arg19[%get3A_330, %get3A_331] {strides = array<i32>} : memref<50x64xf32, #tpu.memory_space<vmem>>, vector<1x16xf32>,
      %get3A_333 = vector.shape_cast %get3A_332 : vector<1x16xf32> to vector<16xf32>
      %mul3A_334 = arith.mulf %get3A_333, %gather3A_321 : vector<16xf32>
      %add3A_335 = arith.addf %add3A_294, %mul3A_334 : vector<16xf32>
      %get3A_336 = arith.constant 6 : i32
      %get3A_337 = arith.index_cast %get3A_336 : i32 to index
      %get3A_338 = arith.constant 32 : index
      %get3A_339 = tpu.vector_load %arg19[%get3A_337, %get3A_338] {strides = array<i32>} : memref<50x64xf32, #tpu.memory_space<vmem>>, vector<1x16xf32>,
      %get3A_340 = vector.shape_cast %get3A_339 : vector<1x16xf32> to vector<16xf32>
      %mul3A_341 = arith.mulf %get3A_340, %gather3A_321 : vector<16xf32>
      %add3A_342 = arith.addf %add3A_301, %mul3A_341 : vector<16xf32>
      %get3A_343 = arith.constant 6 : i32
      %get3A_344 = arith.index_cast %get3A_343 : i32 to index
      %get3A_345 = arith.constant 48 : index
      %get3A_346 = tpu.vector_load %arg19[%get3A_344, %get3A_345] {strides = array<i32>} : memref<50x64xf32, #tpu.memory_space<vmem>>, vector<1x16xf32>,
      %get3A_347 = vector.shape_cast %get3A_346 : vector<1x16xf32> to vector<16xf32>
      %mul3A_348 = arith.mulf %get3A_347, %gather3A_321 : vector<16xf32>
      %add3A_349 = arith.addf %add3A_308, %mul3A_348 : vector<16xf32>
      %add3A_350 = arith.addf %add3A_309, %gather3A_321 : vector<16xf32>
      %broadcast_in_dim3A_351 = arith.constant 7 : i32
      %broadcast_in_dim3A_352 = vector.broadcast %broadcast_in_dim3A_351 : i32 to vector<16xi32>
      %lt3A_353 = arith.constant 0 : i32
      %lt3A_354 = vector.broadcast %lt3A_353 : i32 to vector<16xi32>
      %lt3A_355 = arith.cmpi slt, %broadcast_in_dim3A_352, %lt3A_354 : vector<16xi32>
      %add3A_356 = arith.constant 16 : i32
      %add3A_357 = vector.broadcast %add3A_356 : i32 to vector<16xi32>
      %add3A_358 = arith.addi %broadcast_in_dim3A_352, %add3A_357 : vector<16xi32>
      %select_n3A_359 = arith.select %lt3A_355, %add3A_358, %broadcast_in_dim3A_352 : vector<16xi1>, vector<16xi32>
      %broadcast_in_dim3A_360 = vector.shape_cast %select_n3A_359 : vector<16xi32> to vector<16x1xi32>
      %gather3A_361 = vector.shape_cast %broadcast_in_dim3A_360 : vector<16x1xi32> to vector<16xi32>
      %gather3A_362 = tpu.dynamic_gather %get3A_53[%gather3A_361] in [0] : vector<16xf32>, vector<16xi32> -> vector<16xf32>
      %get3A_363 = arith.constant 7 : i32
      %get3A_364 = arith.index_cast %get3A_363 : i32 to index
      %get3A_365 = arith.constant 0 : index
      %get3A_366 = tpu.vector_load %arg19[%get3A_364, %get3A_365] {strides = array<i32>} : memref<50x64xf32, #tpu.memory_space<vmem>>, vector<1x16xf32>,
      %get3A_367 = vector.shape_cast %get3A_366 : vector<1x16xf32> to vector<16xf32>
      %mul3A_368 = arith.mulf %get3A_367, %gather3A_362 : vector<16xf32>
      %add3A_369 = arith.addf %add3A_328, %mul3A_368 : vector<16xf32>
      %get3A_370 = arith.constant 7 : i32
      %get3A_371 = arith.index_cast %get3A_370 : i32 to index
      %get3A_372 = arith.constant 16 : index
      %get3A_373 = tpu.vector_load %arg19[%get3A_371, %get3A_372] {strides = array<i32>} : memref<50x64xf32, #tpu.memory_space<vmem>>, vector<1x16xf32>,
      %get3A_374 = vector.shape_cast %get3A_373 : vector<1x16xf32> to vector<16xf32>
      %mul3A_375 = arith.mulf %get3A_374, %gather3A_362 : vector<16xf32>
      %add3A_376 = arith.addf %add3A_335, %mul3A_375 : vector<16xf32>
      %get3A_377 = arith.constant 7 : i32
      %get3A_378 = arith.index_cast %get3A_377 : i32 to index
      %get3A_379 = arith.constant 32 : index
      %get3A_380 = tpu.vector_load %arg19[%get3A_378, %get3A_379] {strides = array<i32>} : memref<50x64xf32, #tpu.memory_space<vmem>>, vector<1x16xf32>,
      %get3A_381 = vector.shape_cast %get3A_380 : vector<1x16xf32> to vector<16xf32>
      %mul3A_382 = arith.mulf %get3A_381, %gather3A_362 : vector<16xf32>
      %add3A_383 = arith.addf %add3A_342, %mul3A_382 : vector<16xf32>
      %get3A_384 = arith.constant 7 : i32
      %get3A_385 = arith.index_cast %get3A_384 : i32 to index
      %get3A_386 = arith.constant 48 : index
      %get3A_387 = tpu.vector_load %arg19[%get3A_385, %get3A_386] {strides = array<i32>} : memref<50x64xf32, #tpu.memory_space<vmem>>, vector<1x16xf32>,
      %get3A_388 = vector.shape_cast %get3A_387 : vector<1x16xf32> to vector<16xf32>
      %mul3A_389 = arith.mulf %get3A_388, %gather3A_362 : vector<16xf32>
      %add3A_390 = arith.addf %add3A_349, %mul3A_389 : vector<16xf32>
      %add3A_391 = arith.addf %add3A_350, %gather3A_362 : vector<16xf32>
      %broadcast_in_dim3A_392 = arith.constant 8 : i32
      %broadcast_in_dim3A_393 = vector.broadcast %broadcast_in_dim3A_392 : i32 to vector<16xi32>
      %lt3A_394 = arith.constant 0 : i32
      %lt3A_395 = vector.broadcast %lt3A_394 : i32 to vector<16xi32>
      %lt3A_396 = arith.cmpi slt, %broadcast_in_dim3A_393, %lt3A_395 : vector<16xi32>
      %add3A_397 = arith.constant 16 : i32
      %add3A_398 = vector.broadcast %add3A_397 : i32 to vector<16xi32>
      %add3A_399 = arith.addi %broadcast_in_dim3A_393, %add3A_398 : vector<16xi32>
      %select_n3A_400 = arith.select %lt3A_396, %add3A_399, %broadcast_in_dim3A_393 : vector<16xi1>, vector<16xi32>
      %broadcast_in_dim3A_401 = vector.shape_cast %select_n3A_400 : vector<16xi32> to vector<16x1xi32>
      %gather3A_402 = vector.shape_cast %broadcast_in_dim3A_401 : vector<16x1xi32> to vector<16xi32>
      %gather3A_403 = tpu.dynamic_gather %get3A_53[%gather3A_402] in [0] : vector<16xf32>, vector<16xi32> -> vector<16xf32>
      %get3A_404 = arith.constant 8 : i32
      %get3A_405 = arith.index_cast %get3A_404 : i32 to index
      %get3A_406 = arith.constant 0 : index
      %get3A_407 = tpu.vector_load %arg19[%get3A_405, %get3A_406] {strides = array<i32>} : memref<50x64xf32, #tpu.memory_space<vmem>>, vector<1x16xf32>,
      %get3A_408 = vector.shape_cast %get3A_407 : vector<1x16xf32> to vector<16xf32>
      %mul3A_409 = arith.mulf %get3A_408, %gather3A_403 : vector<16xf32>
      %add3A_410 = arith.addf %add3A_369, %mul3A_409 : vector<16xf32>
      %get3A_411 = arith.constant 8 : i32
      %get3A_412 = arith.index_cast %get3A_411 : i32 to index
      %get3A_413 = arith.constant 16 : index
      %get3A_414 = tpu.vector_load %arg19[%get3A_412, %get3A_413] {strides = array<i32>} : memref<50x64xf32, #tpu.memory_space<vmem>>, vector<1x16xf32>,
      %get3A_415 = vector.shape_cast %get3A_414 : vector<1x16xf32> to vector<16xf32>
      %mul3A_416 = arith.mulf %get3A_415, %gather3A_403 : vector<16xf32>
      %add3A_417 = arith.addf %add3A_376, %mul3A_416 : vector<16xf32>
      %get3A_418 = arith.constant 8 : i32
      %get3A_419 = arith.index_cast %get3A_418 : i32 to index
      %get3A_420 = arith.constant 32 : index
      %get3A_421 = tpu.vector_load %arg19[%get3A_419, %get3A_420] {strides = array<i32>} : memref<50x64xf32, #tpu.memory_space<vmem>>, vector<1x16xf32>,
      %get3A_422 = vector.shape_cast %get3A_421 : vector<1x16xf32> to vector<16xf32>
      %mul3A_423 = arith.mulf %get3A_422, %gather3A_403 : vector<16xf32>
      %add3A_424 = arith.addf %add3A_383, %mul3A_423 : vector<16xf32>
      %get3A_425 = arith.constant 8 : i32
      %get3A_426 = arith.index_cast %get3A_425 : i32 to index
      %get3A_427 = arith.constant 48 : index
      %get3A_428 = tpu.vector_load %arg19[%get3A_426, %get3A_427] {strides = array<i32>} : memref<50x64xf32, #tpu.memory_space<vmem>>, vector<1x16xf32>,
      %get3A_429 = vector.shape_cast %get3A_428 : vector<1x16xf32> to vector<16xf32>
      %mul3A_430 = arith.mulf %get3A_429, %gather3A_403 : vector<16xf32>
      %add3A_431 = arith.addf %add3A_390, %mul3A_430 : vector<16xf32>
      %add3A_432 = arith.addf %add3A_391, %gather3A_403 : vector<16xf32>
      %broadcast_in_dim3A_433 = arith.constant 9 : i32
      %broadcast_in_dim3A_434 = vector.broadcast %broadcast_in_dim3A_433 : i32 to vector<16xi32>
      %lt3A_435 = arith.constant 0 : i32
      %lt3A_436 = vector.broadcast %lt3A_435 : i32 to vector<16xi32>
      %lt3A_437 = arith.cmpi slt, %broadcast_in_dim3A_434, %lt3A_436 : vector<16xi32>
      %add3A_438 = arith.constant 16 : i32
      %add3A_439 = vector.broadcast %add3A_438 : i32 to vector<16xi32>
      %add3A_440 = arith.addi %broadcast_in_dim3A_434, %add3A_439 : vector<16xi32>
      %select_n3A_441 = arith.select %lt3A_437, %add3A_440, %broadcast_in_dim3A_434 : vector<16xi1>, vector<16xi32>
      %broadcast_in_dim3A_442 = vector.shape_cast %select_n3A_441 : vector<16xi32> to vector<16x1xi32>
      %gather3A_443 = vector.shape_cast %broadcast_in_dim3A_442 : vector<16x1xi32> to vector<16xi32>
      %gather3A_444 = tpu.dynamic_gather %get3A_53[%gather3A_443] in [0] : vector<16xf32>, vector<16xi32> -> vector<16xf32>
      %get3A_445 = arith.constant 9 : i32
      %get3A_446 = arith.index_cast %get3A_445 : i32 to index
      %get3A_447 = arith.constant 0 : index
      %get3A_448 = tpu.vector_load %arg19[%get3A_446, %get3A_447] {strides = array<i32>} : memref<50x64xf32, #tpu.memory_space<vmem>>, vector<1x16xf32>,
      %get3A_449 = vector.shape_cast %get3A_448 : vector<1x16xf32> to vector<16xf32>
      %mul3A_450 = arith.mulf %get3A_449, %gather3A_444 : vector<16xf32>
      %add3A_451 = arith.addf %add3A_410, %mul3A_450 : vector<16xf32>
      %get3A_452 = arith.constant 9 : i32
      %get3A_453 = arith.index_cast %get3A_452 : i32 to index
      %get3A_454 = arith.constant 16 : index
      %get3A_455 = tpu.vector_load %arg19[%get3A_453, %get3A_454] {strides = array<i32>} : memref<50x64xf32, #tpu.memory_space<vmem>>, vector<1x16xf32>,
      %get3A_456 = vector.shape_cast %get3A_455 : vector<1x16xf32> to vector<16xf32>
      %mul3A_457 = arith.mulf %get3A_456, %gather3A_444 : vector<16xf32>
      %add3A_458 = arith.addf %add3A_417, %mul3A_457 : vector<16xf32>
      %get3A_459 = arith.constant 9 : i32
      %get3A_460 = arith.index_cast %get3A_459 : i32 to index
      %get3A_461 = arith.constant 32 : index
      %get3A_462 = tpu.vector_load %arg19[%get3A_460, %get3A_461] {strides = array<i32>} : memref<50x64xf32, #tpu.memory_space<vmem>>, vector<1x16xf32>,
      %get3A_463 = vector.shape_cast %get3A_462 : vector<1x16xf32> to vector<16xf32>
      %mul3A_464 = arith.mulf %get3A_463, %gather3A_444 : vector<16xf32>
      %add3A_465 = arith.addf %add3A_424, %mul3A_464 : vector<16xf32>
      %get3A_466 = arith.constant 9 : i32
      %get3A_467 = arith.index_cast %get3A_466 : i32 to index
      %get3A_468 = arith.constant 48 : index
      %get3A_469 = tpu.vector_load %arg19[%get3A_467, %get3A_468] {strides = array<i32>} : memref<50x64xf32, #tpu.memory_space<vmem>>, vector<1x16xf32>,
      %get3A_470 = vector.shape_cast %get3A_469 : vector<1x16xf32> to vector<16xf32>
      %mul3A_471 = arith.mulf %get3A_470, %gather3A_444 : vector<16xf32>
      %add3A_472 = arith.addf %add3A_431, %mul3A_471 : vector<16xf32>
      %add3A_473 = arith.addf %add3A_432, %gather3A_444 : vector<16xf32>
      %broadcast_in_dim3A_474 = arith.constant 10 : i32
      %broadcast_in_dim3A_475 = vector.broadcast %broadcast_in_dim3A_474 : i32 to vector<16xi32>
      %lt3A_476 = arith.constant 0 : i32
      %lt3A_477 = vector.broadcast %lt3A_476 : i32 to vector<16xi32>
      %lt3A_478 = arith.cmpi slt, %broadcast_in_dim3A_475, %lt3A_477 : vector<16xi32>
      %add3A_479 = arith.constant 16 : i32
      %add3A_480 = vector.broadcast %add3A_479 : i32 to vector<16xi32>
      %add3A_481 = arith.addi %broadcast_in_dim3A_475, %add3A_480 : vector<16xi32>
      %select_n3A_482 = arith.select %lt3A_478, %add3A_481, %broadcast_in_dim3A_475 : vector<16xi1>, vector<16xi32>
      %broadcast_in_dim3A_483 = vector.shape_cast %select_n3A_482 : vector<16xi32> to vector<16x1xi32>
      %gather3A_484 = vector.shape_cast %broadcast_in_dim3A_483 : vector<16x1xi32> to vector<16xi32>
      %gather3A_485 = tpu.dynamic_gather %get3A_53[%gather3A_484] in [0] : vector<16xf32>, vector<16xi32> -> vector<16xf32>
      %get3A_486 = arith.constant 10 : i32
      %get3A_487 = arith.index_cast %get3A_486 : i32 to index
      %get3A_488 = arith.constant 0 : index
      %get3A_489 = tpu.vector_load %arg19[%get3A_487, %get3A_488] {strides = array<i32>} : memref<50x64xf32, #tpu.memory_space<vmem>>, vector<1x16xf32>,
      %get3A_490 = vector.shape_cast %get3A_489 : vector<1x16xf32> to vector<16xf32>
      %mul3A_491 = arith.mulf %get3A_490, %gather3A_485 : vector<16xf32>
      %add3A_492 = arith.addf %add3A_451, %mul3A_491 : vector<16xf32>
      %get3A_493 = arith.constant 10 : i32
      %get3A_494 = arith.index_cast %get3A_493 : i32 to index
      %get3A_495 = arith.constant 16 : index
      %get3A_496 = tpu.vector_load %arg19[%get3A_494, %get3A_495] {strides = array<i32>} : memref<50x64xf32, #tpu.memory_space<vmem>>, vector<1x16xf32>,
      %get3A_497 = vector.shape_cast %get3A_496 : vector<1x16xf32> to vector<16xf32>
      %mul3A_498 = arith.mulf %get3A_497, %gather3A_485 : vector<16xf32>
      %add3A_499 = arith.addf %add3A_458, %mul3A_498 : vector<16xf32>
      %get3A_500 = arith.constant 10 : i32
      %get3A_501 = arith.index_cast %get3A_500 : i32 to index
      %get3A_502 = arith.constant 32 : index
      %get3A_503 = tpu.vector_load %arg19[%get3A_501, %get3A_502] {strides = array<i32>} : memref<50x64xf32, #tpu.memory_space<vmem>>, vector<1x16xf32>,
      %get3A_504 = vector.shape_cast %get3A_503 : vector<1x16xf32> to vector<16xf32>
      %mul3A_505 = arith.mulf %get3A_504, %gather3A_485 : vector<16xf32>
      %add3A_506 = arith.addf %add3A_465, %mul3A_505 : vector<16xf32>
      %get3A_507 = arith.constant 10 : i32
      %get3A_508 = arith.index_cast %get3A_507 : i32 to index
      %get3A_509 = arith.constant 48 : index
      %get3A_510 = tpu.vector_load %arg19[%get3A_508, %get3A_509] {strides = array<i32>} : memref<50x64xf32, #tpu.memory_space<vmem>>, vector<1x16xf32>,
      %get3A_511 = vector.shape_cast %get3A_510 : vector<1x16xf32> to vector<16xf32>
      %mul3A_512 = arith.mulf %get3A_511, %gather3A_485 : vector<16xf32>
      %add3A_513 = arith.addf %add3A_472, %mul3A_512 : vector<16xf32>
      %add3A_514 = arith.addf %add3A_473, %gather3A_485 : vector<16xf32>
      %broadcast_in_dim3A_515 = arith.constant 11 : i32
      %broadcast_in_dim3A_516 = vector.broadcast %broadcast_in_dim3A_515 : i32 to vector<16xi32>
      %lt3A_517 = arith.constant 0 : i32
      %lt3A_518 = vector.broadcast %lt3A_517 : i32 to vector<16xi32>
      %lt3A_519 = arith.cmpi slt, %broadcast_in_dim3A_516, %lt3A_518 : vector<16xi32>
      %add3A_520 = arith.constant 16 : i32
      %add3A_521 = vector.broadcast %add3A_520 : i32 to vector<16xi32>
      %add3A_522 = arith.addi %broadcast_in_dim3A_516, %add3A_521 : vector<16xi32>
      %select_n3A_523 = arith.select %lt3A_519, %add3A_522, %broadcast_in_dim3A_516 : vector<16xi1>, vector<16xi32>
      %broadcast_in_dim3A_524 = vector.shape_cast %select_n3A_523 : vector<16xi32> to vector<16x1xi32>
      %gather3A_525 = vector.shape_cast %broadcast_in_dim3A_524 : vector<16x1xi32> to vector<16xi32>
      %gather3A_526 = tpu.dynamic_gather %get3A_53[%gather3A_525] in [0] : vector<16xf32>, vector<16xi32> -> vector<16xf32>
      %get3A_527 = arith.constant 11 : i32
      %get3A_528 = arith.index_cast %get3A_527 : i32 to index
      %get3A_529 = arith.constant 0 : index
      %get3A_530 = tpu.vector_load %arg19[%get3A_528, %get3A_529] {strides = array<i32>} : memref<50x64xf32, #tpu.memory_space<vmem>>, vector<1x16xf32>,
      %get3A_531 = vector.shape_cast %get3A_530 : vector<1x16xf32> to vector<16xf32>
      %mul3A_532 = arith.mulf %get3A_531, %gather3A_526 : vector<16xf32>
      %add3A_533 = arith.addf %add3A_492, %mul3A_532 : vector<16xf32>
      %get3A_534 = arith.constant 11 : i32
      %get3A_535 = arith.index_cast %get3A_534 : i32 to index
      %get3A_536 = arith.constant 16 : index
      %get3A_537 = tpu.vector_load %arg19[%get3A_535, %get3A_536] {strides = array<i32>} : memref<50x64xf32, #tpu.memory_space<vmem>>, vector<1x16xf32>,
      %get3A_538 = vector.shape_cast %get3A_537 : vector<1x16xf32> to vector<16xf32>
      %mul3A_539 = arith.mulf %get3A_538, %gather3A_526 : vector<16xf32>
      %add3A_540 = arith.addf %add3A_499, %mul3A_539 : vector<16xf32>
      %get3A_541 = arith.constant 11 : i32
      %get3A_542 = arith.index_cast %get3A_541 : i32 to index
      %get3A_543 = arith.constant 32 : index
      %get3A_544 = tpu.vector_load %arg19[%get3A_542, %get3A_543] {strides = array<i32>} : memref<50x64xf32, #tpu.memory_space<vmem>>, vector<1x16xf32>,
      %get3A_545 = vector.shape_cast %get3A_544 : vector<1x16xf32> to vector<16xf32>
      %mul3A_546 = arith.mulf %get3A_545, %gather3A_526 : vector<16xf32>
      %add3A_547 = arith.addf %add3A_506, %mul3A_546 : vector<16xf32>
      %get3A_548 = arith.constant 11 : i32
      %get3A_549 = arith.index_cast %get3A_548 : i32 to index
      %get3A_550 = arith.constant 48 : index
      %get3A_551 = tpu.vector_load %arg19[%get3A_549, %get3A_550] {strides = array<i32>} : memref<50x64xf32, #tpu.memory_space<vmem>>, vector<1x16xf32>,
      %get3A_552 = vector.shape_cast %get3A_551 : vector<1x16xf32> to vector<16xf32>
      %mul3A_553 = arith.mulf %get3A_552, %gather3A_526 : vector<16xf32>
      %add3A_554 = arith.addf %add3A_513, %mul3A_553 : vector<16xf32>
      %add3A_555 = arith.addf %add3A_514, %gather3A_526 : vector<16xf32>
      %broadcast_in_dim3A_556 = arith.constant 12 : i32
      %broadcast_in_dim3A_557 = vector.broadcast %broadcast_in_dim3A_556 : i32 to vector<16xi32>
      %lt3A_558 = arith.constant 0 : i32
      %lt3A_559 = vector.broadcast %lt3A_558 : i32 to vector<16xi32>
      %lt3A_560 = arith.cmpi slt, %broadcast_in_dim3A_557, %lt3A_559 : vector<16xi32>
      %add3A_561 = arith.constant 16 : i32
      %add3A_562 = vector.broadcast %add3A_561 : i32 to vector<16xi32>
      %add3A_563 = arith.addi %broadcast_in_dim3A_557, %add3A_562 : vector<16xi32>
      %select_n3A_564 = arith.select %lt3A_560, %add3A_563, %broadcast_in_dim3A_557 : vector<16xi1>, vector<16xi32>
      %broadcast_in_dim3A_565 = vector.shape_cast %select_n3A_564 : vector<16xi32> to vector<16x1xi32>
      %gather3A_566 = vector.shape_cast %broadcast_in_dim3A_565 : vector<16x1xi32> to vector<16xi32>
      %gather3A_567 = tpu.dynamic_gather %get3A_53[%gather3A_566] in [0] : vector<16xf32>, vector<16xi32> -> vector<16xf32>
      %get3A_568 = arith.constant 12 : i32
      %get3A_569 = arith.index_cast %get3A_568 : i32 to index
      %get3A_570 = arith.constant 0 : index
      %get3A_571 = tpu.vector_load %arg19[%get3A_569, %get3A_570] {strides = array<i32>} : memref<50x64xf32, #tpu.memory_space<vmem>>, vector<1x16xf32>,
      %get3A_572 = vector.shape_cast %get3A_571 : vector<1x16xf32> to vector<16xf32>
      %mul3A_573 = arith.mulf %get3A_572, %gather3A_567 : vector<16xf32>
      %add3A_574 = arith.addf %add3A_533, %mul3A_573 : vector<16xf32>
      %get3A_575 = arith.constant 12 : i32
      %get3A_576 = arith.index_cast %get3A_575 : i32 to index
      %get3A_577 = arith.constant 16 : index
      %get3A_578 = tpu.vector_load %arg19[%get3A_576, %get3A_577] {strides = array<i32>} : memref<50x64xf32, #tpu.memory_space<vmem>>, vector<1x16xf32>,
      %get3A_579 = vector.shape_cast %get3A_578 : vector<1x16xf32> to vector<16xf32>
      %mul3A_580 = arith.mulf %get3A_579, %gather3A_567 : vector<16xf32>
      %add3A_581 = arith.addf %add3A_540, %mul3A_580 : vector<16xf32>
      %get3A_582 = arith.constant 12 : i32
      %get3A_583 = arith.index_cast %get3A_582 : i32 to index
      %get3A_584 = arith.constant 32 : index
      %get3A_585 = tpu.vector_load %arg19[%get3A_583, %get3A_584] {strides = array<i32>} : memref<50x64xf32, #tpu.memory_space<vmem>>, vector<1x16xf32>,
      %get3A_586 = vector.shape_cast %get3A_585 : vector<1x16xf32> to vector<16xf32>
      %mul3A_587 = arith.mulf %get3A_586, %gather3A_567 : vector<16xf32>
      %add3A_588 = arith.addf %add3A_547, %mul3A_587 : vector<16xf32>
      %get3A_589 = arith.constant 12 : i32
      %get3A_590 = arith.index_cast %get3A_589 : i32 to index
      %get3A_591 = arith.constant 48 : index
      %get3A_592 = tpu.vector_load %arg19[%get3A_590, %get3A_591] {strides = array<i32>} : memref<50x64xf32, #tpu.memory_space<vmem>>, vector<1x16xf32>,
      %get3A_593 = vector.shape_cast %get3A_592 : vector<1x16xf32> to vector<16xf32>
      %mul3A_594 = arith.mulf %get3A_593, %gather3A_567 : vector<16xf32>
      %add3A_595 = arith.addf %add3A_554, %mul3A_594 : vector<16xf32>
      %add3A_596 = arith.addf %add3A_555, %gather3A_567 : vector<16xf32>
      %broadcast_in_dim3A_597 = arith.constant 13 : i32
      %broadcast_in_dim3A_598 = vector.broadcast %broadcast_in_dim3A_597 : i32 to vector<16xi32>
      %lt3A_599 = arith.constant 0 : i32
      %lt3A_600 = vector.broadcast %lt3A_599 : i32 to vector<16xi32>
      %lt3A_601 = arith.cmpi slt, %broadcast_in_dim3A_598, %lt3A_600 : vector<16xi32>
      %add3A_602 = arith.constant 16 : i32
      %add3A_603 = vector.broadcast %add3A_602 : i32 to vector<16xi32>
      %add3A_604 = arith.addi %broadcast_in_dim3A_598, %add3A_603 : vector<16xi32>
      %select_n3A_605 = arith.select %lt3A_601, %add3A_604, %broadcast_in_dim3A_598 : vector<16xi1>, vector<16xi32>
      %broadcast_in_dim3A_606 = vector.shape_cast %select_n3A_605 : vector<16xi32> to vector<16x1xi32>
      %gather3A_607 = vector.shape_cast %broadcast_in_dim3A_606 : vector<16x1xi32> to vector<16xi32>
      %gather3A_608 = tpu.dynamic_gather %get3A_53[%gather3A_607] in [0] : vector<16xf32>, vector<16xi32> -> vector<16xf32>
      %get3A_609 = arith.constant 13 : i32
      %get3A_610 = arith.index_cast %get3A_609 : i32 to index
      %get3A_611 = arith.constant 0 : index
      %get3A_612 = tpu.vector_load %arg19[%get3A_610, %get3A_611] {strides = array<i32>} : memref<50x64xf32, #tpu.memory_space<vmem>>, vector<1x16xf32>,
      %get3A_613 = vector.shape_cast %get3A_612 : vector<1x16xf32> to vector<16xf32>
      %mul3A_614 = arith.mulf %get3A_613, %gather3A_608 : vector<16xf32>
      %add3A_615 = arith.addf %add3A_574, %mul3A_614 : vector<16xf32>
      %get3A_616 = arith.constant 13 : i32
      %get3A_617 = arith.index_cast %get3A_616 : i32 to index
      %get3A_618 = arith.constant 16 : index
      %get3A_619 = tpu.vector_load %arg19[%get3A_617, %get3A_618] {strides = array<i32>} : memref<50x64xf32, #tpu.memory_space<vmem>>, vector<1x16xf32>,
      %get3A_620 = vector.shape_cast %get3A_619 : vector<1x16xf32> to vector<16xf32>
      %mul3A_621 = arith.mulf %get3A_620, %gather3A_608 : vector<16xf32>
      %add3A_622 = arith.addf %add3A_581, %mul3A_621 : vector<16xf32>
      %get3A_623 = arith.constant 13 : i32
      %get3A_624 = arith.index_cast %get3A_623 : i32 to index
      %get3A_625 = arith.constant 32 : index
      %get3A_626 = tpu.vector_load %arg19[%get3A_624, %get3A_625] {strides = array<i32>} : memref<50x64xf32, #tpu.memory_space<vmem>>, vector<1x16xf32>,
      %get3A_627 = vector.shape_cast %get3A_626 : vector<1x16xf32> to vector<16xf32>
      %mul3A_628 = arith.mulf %get3A_627, %gather3A_608 : vector<16xf32>
      %add3A_629 = arith.addf %add3A_588, %mul3A_628 : vector<16xf32>
      %get3A_630 = arith.constant 13 : i32
      %get3A_631 = arith.index_cast %get3A_630 : i32 to index
      %get3A_632 = arith.constant 48 : index
      %get3A_633 = tpu.vector_load %arg19[%get3A_631, %get3A_632] {strides = array<i32>} : memref<50x64xf32, #tpu.memory_space<vmem>>, vector<1x16xf32>,
      %get3A_634 = vector.shape_cast %get3A_633 : vector<1x16xf32> to vector<16xf32>
      %mul3A_635 = arith.mulf %get3A_634, %gather3A_608 : vector<16xf32>
      %add3A_636 = arith.addf %add3A_595, %mul3A_635 : vector<16xf32>
      %add3A_637 = arith.addf %add3A_596, %gather3A_608 : vector<16xf32>
      %broadcast_in_dim3A_638 = arith.constant 14 : i32
      %broadcast_in_dim3A_639 = vector.broadcast %broadcast_in_dim3A_638 : i32 to vector<16xi32>
      %lt3A_640 = arith.constant 0 : i32
      %lt3A_641 = vector.broadcast %lt3A_640 : i32 to vector<16xi32>
      %lt3A_642 = arith.cmpi slt, %broadcast_in_dim3A_639, %lt3A_641 : vector<16xi32>
      %add3A_643 = arith.constant 16 : i32
      %add3A_644 = vector.broadcast %add3A_643 : i32 to vector<16xi32>
      %add3A_645 = arith.addi %broadcast_in_dim3A_639, %add3A_644 : vector<16xi32>
      %select_n3A_646 = arith.select %lt3A_642, %add3A_645, %broadcast_in_dim3A_639 : vector<16xi1>, vector<16xi32>
      %broadcast_in_dim3A_647 = vector.shape_cast %select_n3A_646 : vector<16xi32> to vector<16x1xi32>
      %gather3A_648 = vector.shape_cast %broadcast_in_dim3A_647 : vector<16x1xi32> to vector<16xi32>
      %gather3A_649 = tpu.dynamic_gather %get3A_53[%gather3A_648] in [0] : vector<16xf32>, vector<16xi32> -> vector<16xf32>
      %get3A_650 = arith.constant 14 : i32
      %get3A_651 = arith.index_cast %get3A_650 : i32 to index
      %get3A_652 = arith.constant 0 : index
      %get3A_653 = tpu.vector_load %arg19[%get3A_651, %get3A_652] {strides = array<i32>} : memref<50x64xf32, #tpu.memory_space<vmem>>, vector<1x16xf32>,
      %get3A_654 = vector.shape_cast %get3A_653 : vector<1x16xf32> to vector<16xf32>
      %mul3A_655 = arith.mulf %get3A_654, %gather3A_649 : vector<16xf32>
      %add3A_656 = arith.addf %add3A_615, %mul3A_655 : vector<16xf32>
      %get3A_657 = arith.constant 14 : i32
      %get3A_658 = arith.index_cast %get3A_657 : i32 to index
      %get3A_659 = arith.constant 16 : index
      %get3A_660 = tpu.vector_load %arg19[%get3A_658, %get3A_659] {strides = array<i32>} : memref<50x64xf32, #tpu.memory_space<vmem>>, vector<1x16xf32>,
      %get3A_661 = vector.shape_cast %get3A_660 : vector<1x16xf32> to vector<16xf32>
      %mul3A_662 = arith.mulf %get3A_661, %gather3A_649 : vector<16xf32>
      %add3A_663 = arith.addf %add3A_622, %mul3A_662 : vector<16xf32>
      %get3A_664 = arith.constant 14 : i32
      %get3A_665 = arith.index_cast %get3A_664 : i32 to index
      %get3A_666 = arith.constant 32 : index
      %get3A_667 = tpu.vector_load %arg19[%get3A_665, %get3A_666] {strides = array<i32>} : memref<50x64xf32, #tpu.memory_space<vmem>>, vector<1x16xf32>,
      %get3A_668 = vector.shape_cast %get3A_667 : vector<1x16xf32> to vector<16xf32>
      %mul3A_669 = arith.mulf %get3A_668, %gather3A_649 : vector<16xf32>
      %add3A_670 = arith.addf %add3A_629, %mul3A_669 : vector<16xf32>
      %get3A_671 = arith.constant 14 : i32
      %get3A_672 = arith.index_cast %get3A_671 : i32 to index
      %get3A_673 = arith.constant 48 : index
      %get3A_674 = tpu.vector_load %arg19[%get3A_672, %get3A_673] {strides = array<i32>} : memref<50x64xf32, #tpu.memory_space<vmem>>, vector<1x16xf32>,
      %get3A_675 = vector.shape_cast %get3A_674 : vector<1x16xf32> to vector<16xf32>
      %mul3A_676 = arith.mulf %get3A_675, %gather3A_649 : vector<16xf32>
      %add3A_677 = arith.addf %add3A_636, %mul3A_676 : vector<16xf32>
      %add3A_678 = arith.addf %add3A_637, %gather3A_649 : vector<16xf32>
      %broadcast_in_dim3A_679 = arith.constant 15 : i32
      %broadcast_in_dim3A_680 = vector.broadcast %broadcast_in_dim3A_679 : i32 to vector<16xi32>
      %lt3A_681 = arith.constant 0 : i32
      %lt3A_682 = vector.broadcast %lt3A_681 : i32 to vector<16xi32>
      %lt3A_683 = arith.cmpi slt, %broadcast_in_dim3A_680, %lt3A_682 : vector<16xi32>
      %add3A_684 = arith.constant 16 : i32
      %add3A_685 = vector.broadcast %add3A_684 : i32 to vector<16xi32>
      %add3A_686 = arith.addi %broadcast_in_dim3A_680, %add3A_685 : vector<16xi32>
      %select_n3A_687 = arith.select %lt3A_683, %add3A_686, %broadcast_in_dim3A_680 : vector<16xi1>, vector<16xi32>
      %broadcast_in_dim3A_688 = vector.shape_cast %select_n3A_687 : vector<16xi32> to vector<16x1xi32>
      %gather3A_689 = vector.shape_cast %broadcast_in_dim3A_688 : vector<16x1xi32> to vector<16xi32>
      %gather3A_690 = tpu.dynamic_gather %get3A_53[%gather3A_689] in [0] : vector<16xf32>, vector<16xi32> -> vector<16xf32>
      %get3A_691 = arith.constant 15 : i32
      %get3A_692 = arith.index_cast %get3A_691 : i32 to index
      %get3A_693 = arith.constant 0 : index
      %get3A_694 = tpu.vector_load %arg19[%get3A_692, %get3A_693] {strides = array<i32>} : memref<50x64xf32, #tpu.memory_space<vmem>>, vector<1x16xf32>,
      %get3A_695 = vector.shape_cast %get3A_694 : vector<1x16xf32> to vector<16xf32>
      %mul3A_696 = arith.mulf %get3A_695, %gather3A_690 : vector<16xf32>
      %add3A_697 = arith.addf %add3A_656, %mul3A_696 : vector<16xf32>
      %get3A_698 = arith.constant 15 : i32
      %get3A_699 = arith.index_cast %get3A_698 : i32 to index
      %get3A_700 = arith.constant 16 : index
      %get3A_701 = tpu.vector_load %arg19[%get3A_699, %get3A_700] {strides = array<i32>} : memref<50x64xf32, #tpu.memory_space<vmem>>, vector<1x16xf32>,
      %get3A_702 = vector.shape_cast %get3A_701 : vector<1x16xf32> to vector<16xf32>
      %mul3A_703 = arith.mulf %get3A_702, %gather3A_690 : vector<16xf32>
      %add3A_704 = arith.addf %add3A_663, %mul3A_703 : vector<16xf32>
      %get3A_705 = arith.constant 15 : i32
      %get3A_706 = arith.index_cast %get3A_705 : i32 to index
      %get3A_707 = arith.constant 32 : index
      %get3A_708 = tpu.vector_load %arg19[%get3A_706, %get3A_707] {strides = array<i32>} : memref<50x64xf32, #tpu.memory_space<vmem>>, vector<1x16xf32>,
      %get3A_709 = vector.shape_cast %get3A_708 : vector<1x16xf32> to vector<16xf32>
      %mul3A_710 = arith.mulf %get3A_709, %gather3A_690 : vector<16xf32>
      %add3A_711 = arith.addf %add3A_670, %mul3A_710 : vector<16xf32>
      %get3A_712 = arith.constant 15 : i32
      %get3A_713 = arith.index_cast %get3A_712 : i32 to index
      %get3A_714 = arith.constant 48 : index
      %get3A_715 = tpu.vector_load %arg19[%get3A_713, %get3A_714] {strides = array<i32>} : memref<50x64xf32, #tpu.memory_space<vmem>>, vector<1x16xf32>,
      %get3A_716 = vector.shape_cast %get3A_715 : vector<1x16xf32> to vector<16xf32>
      %mul3A_717 = arith.mulf %get3A_716, %gather3A_690 : vector<16xf32>
      %add3A_718 = arith.addf %add3A_677, %mul3A_717 : vector<16xf32>
      %add3A_719 = arith.addf %add3A_678, %gather3A_690 : vector<16xf32>
      %broadcast_in_dim3A_720 = arith.constant 0 : i32
      %broadcast_in_dim3A_721 = vector.broadcast %broadcast_in_dim3A_720 : i32 to vector<16xi32>
      %lt3A_722 = arith.constant 0 : i32
      %lt3A_723 = vector.broadcast %lt3A_722 : i32 to vector<16xi32>
      %lt3A_724 = arith.cmpi slt, %broadcast_in_dim3A_721, %lt3A_723 : vector<16xi32>
      %add3A_725 = arith.constant 16 : i32
      %add3A_726 = vector.broadcast %add3A_725 : i32 to vector<16xi32>
      %add3A_727 = arith.addi %broadcast_in_dim3A_721, %add3A_726 : vector<16xi32>
      %select_n3A_728 = arith.select %lt3A_724, %add3A_727, %broadcast_in_dim3A_721 : vector<16xi1>, vector<16xi32>
      %broadcast_in_dim3A_729 = vector.shape_cast %select_n3A_728 : vector<16xi32> to vector<16x1xi32>
      %gather3A_730 = vector.shape_cast %broadcast_in_dim3A_729 : vector<16x1xi32> to vector<16xi32>
      %gather3A_731 = tpu.dynamic_gather %get3A_57[%gather3A_730] in [0] : vector<16xf32>, vector<16xi32> -> vector<16xf32>
      %get3A_732 = arith.constant 16 : i32
      %get3A_733 = arith.index_cast %get3A_732 : i32 to index
      %get3A_734 = arith.constant 0 : index
      %get3A_735 = tpu.vector_load %arg19[%get3A_733, %get3A_734] {strides = array<i32>} : memref<50x64xf32, #tpu.memory_space<vmem>>, vector<1x16xf32>,
      %get3A_736 = vector.shape_cast %get3A_735 : vector<1x16xf32> to vector<16xf32>
      %mul3A_737 = arith.mulf %get3A_736, %gather3A_731 : vector<16xf32>
      %add3A_738 = arith.addf %add3A_697, %mul3A_737 : vector<16xf32>
      %get3A_739 = arith.constant 16 : i32
      %get3A_740 = arith.index_cast %get3A_739 : i32 to index
      %get3A_741 = arith.constant 16 : index
      %get3A_742 = tpu.vector_load %arg19[%get3A_740, %get3A_741] {strides = array<i32>} : memref<50x64xf32, #tpu.memory_space<vmem>>, vector<1x16xf32>,
      %get3A_743 = vector.shape_cast %get3A_742 : vector<1x16xf32> to vector<16xf32>
      %mul3A_744 = arith.mulf %get3A_743, %gather3A_731 : vector<16xf32>
      %add3A_745 = arith.addf %add3A_704, %mul3A_744 : vector<16xf32>
      %get3A_746 = arith.constant 16 : i32
      %get3A_747 = arith.index_cast %get3A_746 : i32 to index
      %get3A_748 = arith.constant 32 : index
      %get3A_749 = tpu.vector_load %arg19[%get3A_747, %get3A_748] {strides = array<i32>} : memref<50x64xf32, #tpu.memory_space<vmem>>, vector<1x16xf32>,
      %get3A_750 = vector.shape_cast %get3A_749 : vector<1x16xf32> to vector<16xf32>
      %mul3A_751 = arith.mulf %get3A_750, %gather3A_731 : vector<16xf32>
      %add3A_752 = arith.addf %add3A_711, %mul3A_751 : vector<16xf32>
      %get3A_753 = arith.constant 16 : i32
      %get3A_754 = arith.index_cast %get3A_753 : i32 to index
      %get3A_755 = arith.constant 48 : index
      %get3A_756 = tpu.vector_load %arg19[%get3A_754, %get3A_755] {strides = array<i32>} : memref<50x64xf32, #tpu.memory_space<vmem>>, vector<1x16xf32>,
      %get3A_757 = vector.shape_cast %get3A_756 : vector<1x16xf32> to vector<16xf32>
      %mul3A_758 = arith.mulf %get3A_757, %gather3A_731 : vector<16xf32>
      %add3A_759 = arith.addf %add3A_718, %mul3A_758 : vector<16xf32>
      %add3A_760 = arith.addf %add3A_719, %gather3A_731 : vector<16xf32>
      %broadcast_in_dim3A_761 = arith.constant 1 : i32
      %broadcast_in_dim3A_762 = vector.broadcast %broadcast_in_dim3A_761 : i32 to vector<16xi32>
      %lt3A_763 = arith.constant 0 : i32
      %lt3A_764 = vector.broadcast %lt3A_763 : i32 to vector<16xi32>
      %lt3A_765 = arith.cmpi slt, %broadcast_in_dim3A_762, %lt3A_764 : vector<16xi32>
      %add3A_766 = arith.constant 16 : i32
      %add3A_767 = vector.broadcast %add3A_766 : i32 to vector<16xi32>
      %add3A_768 = arith.addi %broadcast_in_dim3A_762, %add3A_767 : vector<16xi32>
      %select_n3A_769 = arith.select %lt3A_765, %add3A_768, %broadcast_in_dim3A_762 : vector<16xi1>, vector<16xi32>
      %broadcast_in_dim3A_770 = vector.shape_cast %select_n3A_769 : vector<16xi32> to vector<16x1xi32>
      %gather3A_771 = vector.shape_cast %broadcast_in_dim3A_770 : vector<16x1xi32> to vector<16xi32>
      %gather3A_772 = tpu.dynamic_gather %get3A_57[%gather3A_771] in [0] : vector<16xf32>, vector<16xi32> -> vector<16xf32>
      %get3A_773 = arith.constant 17 : i32
      %get3A_774 = arith.index_cast %get3A_773 : i32 to index
      %get3A_775 = arith.constant 0 : index
      %get3A_776 = tpu.vector_load %arg19[%get3A_774, %get3A_775] {strides = array<i32>} : memref<50x64xf32, #tpu.memory_space<vmem>>, vector<1x16xf32>,
      %get3A_777 = vector.shape_cast %get3A_776 : vector<1x16xf32> to vector<16xf32>
      %mul3A_778 = arith.mulf %get3A_777, %gather3A_772 : vector<16xf32>
      %add3A_779 = arith.addf %add3A_738, %mul3A_778 : vector<16xf32>
      %get3A_780 = arith.constant 17 : i32
      %get3A_781 = arith.index_cast %get3A_780 : i32 to index
      %get3A_782 = arith.constant 16 : index
      %get3A_783 = tpu.vector_load %arg19[%get3A_781, %get3A_782] {strides = array<i32>} : memref<50x64xf32, #tpu.memory_space<vmem>>, vector<1x16xf32>,
      %get3A_784 = vector.shape_cast %get3A_783 : vector<1x16xf32> to vector<16xf32>
      %mul3A_785 = arith.mulf %get3A_784, %gather3A_772 : vector<16xf32>
      %add3A_786 = arith.addf %add3A_745, %mul3A_785 : vector<16xf32>
      %get3A_787 = arith.constant 17 : i32
      %get3A_788 = arith.index_cast %get3A_787 : i32 to index
      %get3A_789 = arith.constant 32 : index
      %get3A_790 = tpu.vector_load %arg19[%get3A_788, %get3A_789] {strides = array<i32>} : memref<50x64xf32, #tpu.memory_space<vmem>>, vector<1x16xf32>,
      %get3A_791 = vector.shape_cast %get3A_790 : vector<1x16xf32> to vector<16xf32>
      %mul3A_792 = arith.mulf %get3A_791, %gather3A_772 : vector<16xf32>
      %add3A_793 = arith.addf %add3A_752, %mul3A_792 : vector<16xf32>
      %get3A_794 = arith.constant 17 : i32
      %get3A_795 = arith.index_cast %get3A_794 : i32 to index
      %get3A_796 = arith.constant 48 : index
      %get3A_797 = tpu.vector_load %arg19[%get3A_795, %get3A_796] {strides = array<i32>} : memref<50x64xf32, #tpu.memory_space<vmem>>, vector<1x16xf32>,
      %get3A_798 = vector.shape_cast %get3A_797 : vector<1x16xf32> to vector<16xf32>
      %mul3A_799 = arith.mulf %get3A_798, %gather3A_772 : vector<16xf32>
      %add3A_800 = arith.addf %add3A_759, %mul3A_799 : vector<16xf32>
      %add3A_801 = arith.addf %add3A_760, %gather3A_772 : vector<16xf32>
      %broadcast_in_dim3A_802 = arith.constant 2 : i32
      %broadcast_in_dim3A_803 = vector.broadcast %broadcast_in_dim3A_802 : i32 to vector<16xi32>
      %lt3A_804 = arith.constant 0 : i32
      %lt3A_805 = vector.broadcast %lt3A_804 : i32 to vector<16xi32>
      %lt3A_806 = arith.cmpi slt, %broadcast_in_dim3A_803, %lt3A_805 : vector<16xi32>
      %add3A_807 = arith.constant 16 : i32
      %add3A_808 = vector.broadcast %add3A_807 : i32 to vector<16xi32>
      %add3A_809 = arith.addi %broadcast_in_dim3A_803, %add3A_808 : vector<16xi32>
      %select_n3A_810 = arith.select %lt3A_806, %add3A_809, %broadcast_in_dim3A_803 : vector<16xi1>, vector<16xi32>
      %broadcast_in_dim3A_811 = vector.shape_cast %select_n3A_810 : vector<16xi32> to vector<16x1xi32>
      %gather3A_812 = vector.shape_cast %broadcast_in_dim3A_811 : vector<16x1xi32> to vector<16xi32>
      %gather3A_813 = tpu.dynamic_gather %get3A_57[%gather3A_812] in [0] : vector<16xf32>, vector<16xi32> -> vector<16xf32>
      %get3A_814 = arith.constant 18 : i32
      %get3A_815 = arith.index_cast %get3A_814 : i32 to index
      %get3A_816 = arith.constant 0 : index
      %get3A_817 = tpu.vector_load %arg19[%get3A_815, %get3A_816] {strides = array<i32>} : memref<50x64xf32, #tpu.memory_space<vmem>>, vector<1x16xf32>,
      %get3A_818 = vector.shape_cast %get3A_817 : vector<1x16xf32> to vector<16xf32>
      %mul3A_819 = arith.mulf %get3A_818, %gather3A_813 : vector<16xf32>
      %add3A_820 = arith.addf %add3A_779, %mul3A_819 : vector<16xf32>
      %get3A_821 = arith.constant 18 : i32
      %get3A_822 = arith.index_cast %get3A_821 : i32 to index
      %get3A_823 = arith.constant 16 : index
      %get3A_824 = tpu.vector_load %arg19[%get3A_822, %get3A_823] {strides = array<i32>} : memref<50x64xf32, #tpu.memory_space<vmem>>, vector<1x16xf32>,
      %get3A_825 = vector.shape_cast %get3A_824 : vector<1x16xf32> to vector<16xf32>
      %mul3A_826 = arith.mulf %get3A_825, %gather3A_813 : vector<16xf32>
      %add3A_827 = arith.addf %add3A_786, %mul3A_826 : vector<16xf32>
      %get3A_828 = arith.constant 18 : i32
      %get3A_829 = arith.index_cast %get3A_828 : i32 to index
      %get3A_830 = arith.constant 32 : index
      %get3A_831 = tpu.vector_load %arg19[%get3A_829, %get3A_830] {strides = array<i32>} : memref<50x64xf32, #tpu.memory_space<vmem>>, vector<1x16xf32>,
      %get3A_832 = vector.shape_cast %get3A_831 : vector<1x16xf32> to vector<16xf32>
      %mul3A_833 = arith.mulf %get3A_832, %gather3A_813 : vector<16xf32>
      %add3A_834 = arith.addf %add3A_793, %mul3A_833 : vector<16xf32>
      %get3A_835 = arith.constant 18 : i32
      %get3A_836 = arith.index_cast %get3A_835 : i32 to index
      %get3A_837 = arith.constant 48 : index
      %get3A_838 = tpu.vector_load %arg19[%get3A_836, %get3A_837] {strides = array<i32>} : memref<50x64xf32, #tpu.memory_space<vmem>>, vector<1x16xf32>,
      %get3A_839 = vector.shape_cast %get3A_838 : vector<1x16xf32> to vector<16xf32>
      %mul3A_840 = arith.mulf %get3A_839, %gather3A_813 : vector<16xf32>
      %add3A_841 = arith.addf %add3A_800, %mul3A_840 : vector<16xf32>
      %add3A_842 = arith.addf %add3A_801, %gather3A_813 : vector<16xf32>
      %broadcast_in_dim3A_843 = arith.constant 3 : i32
      %broadcast_in_dim3A_844 = vector.broadcast %broadcast_in_dim3A_843 : i32 to vector<16xi32>
      %lt3A_845 = arith.constant 0 : i32
      %lt3A_846 = vector.broadcast %lt3A_845 : i32 to vector<16xi32>
      %lt3A_847 = arith.cmpi slt, %broadcast_in_dim3A_844, %lt3A_846 : vector<16xi32>
      %add3A_848 = arith.constant 16 : i32
      %add3A_849 = vector.broadcast %add3A_848 : i32 to vector<16xi32>
      %add3A_850 = arith.addi %broadcast_in_dim3A_844, %add3A_849 : vector<16xi32>
      %select_n3A_851 = arith.select %lt3A_847, %add3A_850, %broadcast_in_dim3A_844 : vector<16xi1>, vector<16xi32>
      %broadcast_in_dim3A_852 = vector.shape_cast %select_n3A_851 : vector<16xi32> to vector<16x1xi32>
      %gather3A_853 = vector.shape_cast %broadcast_in_dim3A_852 : vector<16x1xi32> to vector<16xi32>
      %gather3A_854 = tpu.dynamic_gather %get3A_57[%gather3A_853] in [0] : vector<16xf32>, vector<16xi32> -> vector<16xf32>
      %get3A_855 = arith.constant 19 : i32
      %get3A_856 = arith.index_cast %get3A_855 : i32 to index
      %get3A_857 = arith.constant 0 : index
      %get3A_858 = tpu.vector_load %arg19[%get3A_856, %get3A_857] {strides = array<i32>} : memref<50x64xf32, #tpu.memory_space<vmem>>, vector<1x16xf32>,
      %get3A_859 = vector.shape_cast %get3A_858 : vector<1x16xf32> to vector<16xf32>
      %mul3A_860 = arith.mulf %get3A_859, %gather3A_854 : vector<16xf32>
      %add3A_861 = arith.addf %add3A_820, %mul3A_860 : vector<16xf32>
      %get3A_862 = arith.constant 19 : i32
      %get3A_863 = arith.index_cast %get3A_862 : i32 to index
      %get3A_864 = arith.constant 16 : index
      %get3A_865 = tpu.vector_load %arg19[%get3A_863, %get3A_864] {strides = array<i32>} : memref<50x64xf32, #tpu.memory_space<vmem>>, vector<1x16xf32>,
      %get3A_866 = vector.shape_cast %get3A_865 : vector<1x16xf32> to vector<16xf32>
      %mul3A_867 = arith.mulf %get3A_866, %gather3A_854 : vector<16xf32>
      %add3A_868 = arith.addf %add3A_827, %mul3A_867 : vector<16xf32>
      %get3A_869 = arith.constant 19 : i32
      %get3A_870 = arith.index_cast %get3A_869 : i32 to index
      %get3A_871 = arith.constant 32 : index
      %get3A_872 = tpu.vector_load %arg19[%get3A_870, %get3A_871] {strides = array<i32>} : memref<50x64xf32, #tpu.memory_space<vmem>>, vector<1x16xf32>,
      %get3A_873 = vector.shape_cast %get3A_872 : vector<1x16xf32> to vector<16xf32>
      %mul3A_874 = arith.mulf %get3A_873, %gather3A_854 : vector<16xf32>
      %add3A_875 = arith.addf %add3A_834, %mul3A_874 : vector<16xf32>
      %get3A_876 = arith.constant 19 : i32
      %get3A_877 = arith.index_cast %get3A_876 : i32 to index
      %get3A_878 = arith.constant 48 : index
      %get3A_879 = tpu.vector_load %arg19[%get3A_877, %get3A_878] {strides = array<i32>} : memref<50x64xf32, #tpu.memory_space<vmem>>, vector<1x16xf32>,
      %get3A_880 = vector.shape_cast %get3A_879 : vector<1x16xf32> to vector<16xf32>
      %mul3A_881 = arith.mulf %get3A_880, %gather3A_854 : vector<16xf32>
      %add3A_882 = arith.addf %add3A_841, %mul3A_881 : vector<16xf32>
      %add3A_883 = arith.addf %add3A_842, %gather3A_854 : vector<16xf32>
      %broadcast_in_dim3A_884 = arith.constant 4 : i32
      %broadcast_in_dim3A_885 = vector.broadcast %broadcast_in_dim3A_884 : i32 to vector<16xi32>
      %lt3A_886 = arith.constant 0 : i32
      %lt3A_887 = vector.broadcast %lt3A_886 : i32 to vector<16xi32>
      %lt3A_888 = arith.cmpi slt, %broadcast_in_dim3A_885, %lt3A_887 : vector<16xi32>
      %add3A_889 = arith.constant 16 : i32
      %add3A_890 = vector.broadcast %add3A_889 : i32 to vector<16xi32>
      %add3A_891 = arith.addi %broadcast_in_dim3A_885, %add3A_890 : vector<16xi32>
      %select_n3A_892 = arith.select %lt3A_888, %add3A_891, %broadcast_in_dim3A_885 : vector<16xi1>, vector<16xi32>
      %broadcast_in_dim3A_893 = vector.shape_cast %select_n3A_892 : vector<16xi32> to vector<16x1xi32>
      %gather3A_894 = vector.shape_cast %broadcast_in_dim3A_893 : vector<16x1xi32> to vector<16xi32>
      %gather3A_895 = tpu.dynamic_gather %get3A_57[%gather3A_894] in [0] : vector<16xf32>, vector<16xi32> -> vector<16xf32>
      %get3A_896 = arith.constant 20 : i32
      %get3A_897 = arith.index_cast %get3A_896 : i32 to index
      %get3A_898 = arith.constant 0 : index
      %get3A_899 = tpu.vector_load %arg19[%get3A_897, %get3A_898] {strides = array<i32>} : memref<50x64xf32, #tpu.memory_space<vmem>>, vector<1x16xf32>,
      %get3A_900 = vector.shape_cast %get3A_899 : vector<1x16xf32> to vector<16xf32>
      %mul3A_901 = arith.mulf %get3A_900, %gather3A_895 : vector<16xf32>
      %add3A_902 = arith.addf %add3A_861, %mul3A_901 : vector<16xf32>
      %get3A_903 = arith.constant 20 : i32
      %get3A_904 = arith.index_cast %get3A_903 : i32 to index
      %get3A_905 = arith.constant 16 : index
      %get3A_906 = tpu.vector_load %arg19[%get3A_904, %get3A_905] {strides = array<i32>} : memref<50x64xf32, #tpu.memory_space<vmem>>, vector<1x16xf32>,
      %get3A_907 = vector.shape_cast %get3A_906 : vector<1x16xf32> to vector<16xf32>
      %mul3A_908 = arith.mulf %get3A_907, %gather3A_895 : vector<16xf32>
      %add3A_909 = arith.addf %add3A_868, %mul3A_908 : vector<16xf32>
      %get3A_910 = arith.constant 20 : i32
      %get3A_911 = arith.index_cast %get3A_910 : i32 to index
      %get3A_912 = arith.constant 32 : index
      %get3A_913 = tpu.vector_load %arg19[%get3A_911, %get3A_912] {strides = array<i32>} : memref<50x64xf32, #tpu.memory_space<vmem>>, vector<1x16xf32>,
      %get3A_914 = vector.shape_cast %get3A_913 : vector<1x16xf32> to vector<16xf32>
      %mul3A_915 = arith.mulf %get3A_914, %gather3A_895 : vector<16xf32>
      %add3A_916 = arith.addf %add3A_875, %mul3A_915 : vector<16xf32>
      %get3A_917 = arith.constant 20 : i32
      %get3A_918 = arith.index_cast %get3A_917 : i32 to index
      %get3A_919 = arith.constant 48 : index
      %get3A_920 = tpu.vector_load %arg19[%get3A_918, %get3A_919] {strides = array<i32>} : memref<50x64xf32, #tpu.memory_space<vmem>>, vector<1x16xf32>,
      %get3A_921 = vector.shape_cast %get3A_920 : vector<1x16xf32> to vector<16xf32>
      %mul3A_922 = arith.mulf %get3A_921, %gather3A_895 : vector<16xf32>
      %add3A_923 = arith.addf %add3A_882, %mul3A_922 : vector<16xf32>
      %add3A_924 = arith.addf %add3A_883, %gather3A_895 : vector<16xf32>
      %broadcast_in_dim3A_925 = arith.constant 5 : i32
      %broadcast_in_dim3A_926 = vector.broadcast %broadcast_in_dim3A_925 : i32 to vector<16xi32>
      %lt3A_927 = arith.constant 0 : i32
      %lt3A_928 = vector.broadcast %lt3A_927 : i32 to vector<16xi32>
      %lt3A_929 = arith.cmpi slt, %broadcast_in_dim3A_926, %lt3A_928 : vector<16xi32>
      %add3A_930 = arith.constant 16 : i32
      %add3A_931 = vector.broadcast %add3A_930 : i32 to vector<16xi32>
      %add3A_932 = arith.addi %broadcast_in_dim3A_926, %add3A_931 : vector<16xi32>
      %select_n3A_933 = arith.select %lt3A_929, %add3A_932, %broadcast_in_dim3A_926 : vector<16xi1>, vector<16xi32>
      %broadcast_in_dim3A_934 = vector.shape_cast %select_n3A_933 : vector<16xi32> to vector<16x1xi32>
      %gather3A_935 = vector.shape_cast %broadcast_in_dim3A_934 : vector<16x1xi32> to vector<16xi32>
      %gather3A_936 = tpu.dynamic_gather %get3A_57[%gather3A_935] in [0] : vector<16xf32>, vector<16xi32> -> vector<16xf32>
      %get3A_937 = arith.constant 21 : i32
      %get3A_938 = arith.index_cast %get3A_937 : i32 to index
      %get3A_939 = arith.constant 0 : index
      %get3A_940 = tpu.vector_load %arg19[%get3A_938, %get3A_939] {strides = array<i32>} : memref<50x64xf32, #tpu.memory_space<vmem>>, vector<1x16xf32>,
      %get3A_941 = vector.shape_cast %get3A_940 : vector<1x16xf32> to vector<16xf32>
      %mul3A_942 = arith.mulf %get3A_941, %gather3A_936 : vector<16xf32>
      %add3A_943 = arith.addf %add3A_902, %mul3A_942 : vector<16xf32>
      %get3A_944 = arith.constant 21 : i32
      %get3A_945 = arith.index_cast %get3A_944 : i32 to index
      %get3A_946 = arith.constant 16 : index
      %get3A_947 = tpu.vector_load %arg19[%get3A_945, %get3A_946] {strides = array<i32>} : memref<50x64xf32, #tpu.memory_space<vmem>>, vector<1x16xf32>,
      %get3A_948 = vector.shape_cast %get3A_947 : vector<1x16xf32> to vector<16xf32>
      %mul3A_949 = arith.mulf %get3A_948, %gather3A_936 : vector<16xf32>
      %add3A_950 = arith.addf %add3A_909, %mul3A_949 : vector<16xf32>
      %get3A_951 = arith.constant 21 : i32
      %get3A_952 = arith.index_cast %get3A_951 : i32 to index
      %get3A_953 = arith.constant 32 : index
      %get3A_954 = tpu.vector_load %arg19[%get3A_952, %get3A_953] {strides = array<i32>} : memref<50x64xf32, #tpu.memory_space<vmem>>, vector<1x16xf32>,
      %get3A_955 = vector.shape_cast %get3A_954 : vector<1x16xf32> to vector<16xf32>
      %mul3A_956 = arith.mulf %get3A_955, %gather3A_936 : vector<16xf32>
      %add3A_957 = arith.addf %add3A_916, %mul3A_956 : vector<16xf32>
      %get3A_958 = arith.constant 21 : i32
      %get3A_959 = arith.index_cast %get3A_958 : i32 to index
      %get3A_960 = arith.constant 48 : index
      %get3A_961 = tpu.vector_load %arg19[%get3A_959, %get3A_960] {strides = array<i32>} : memref<50x64xf32, #tpu.memory_space<vmem>>, vector<1x16xf32>,
      %get3A_962 = vector.shape_cast %get3A_961 : vector<1x16xf32> to vector<16xf32>
      %mul3A_963 = arith.mulf %get3A_962, %gather3A_936 : vector<16xf32>
      %add3A_964 = arith.addf %add3A_923, %mul3A_963 : vector<16xf32>
      %add3A_965 = arith.addf %add3A_924, %gather3A_936 : vector<16xf32>
      %broadcast_in_dim3A_966 = arith.constant 6 : i32
      %broadcast_in_dim3A_967 = vector.broadcast %broadcast_in_dim3A_966 : i32 to vector<16xi32>
      %lt3A_968 = arith.constant 0 : i32
      %lt3A_969 = vector.broadcast %lt3A_968 : i32 to vector<16xi32>
      %lt3A_970 = arith.cmpi slt, %broadcast_in_dim3A_967, %lt3A_969 : vector<16xi32>
      %add3A_971 = arith.constant 16 : i32
      %add3A_972 = vector.broadcast %add3A_971 : i32 to vector<16xi32>
      %add3A_973 = arith.addi %broadcast_in_dim3A_967, %add3A_972 : vector<16xi32>
      %select_n3A_974 = arith.select %lt3A_970, %add3A_973, %broadcast_in_dim3A_967 : vector<16xi1>, vector<16xi32>
      %broadcast_in_dim3A_975 = vector.shape_cast %select_n3A_974 : vector<16xi32> to vector<16x1xi32>
      %gather3A_976 = vector.shape_cast %broadcast_in_dim3A_975 : vector<16x1xi32> to vector<16xi32>
      %gather3A_977 = tpu.dynamic_gather %get3A_57[%gather3A_976] in [0] : vector<16xf32>, vector<16xi32> -> vector<16xf32>
      %get3A_978 = arith.constant 22 : i32
      %get3A_979 = arith.index_cast %get3A_978 : i32 to index
      %get3A_980 = arith.constant 0 : index
      %get3A_981 = tpu.vector_load %arg19[%get3A_979, %get3A_980] {strides = array<i32>} : memref<50x64xf32, #tpu.memory_space<vmem>>, vector<1x16xf32>,
      %get3A_982 = vector.shape_cast %get3A_981 : vector<1x16xf32> to vector<16xf32>
      %mul3A_983 = arith.mulf %get3A_982, %gather3A_977 : vector<16xf32>
      %add3A_984 = arith.addf %add3A_943, %mul3A_983 : vector<16xf32>
      %get3A_985 = arith.constant 22 : i32
      %get3A_986 = arith.index_cast %get3A_985 : i32 to index
      %get3A_987 = arith.constant 16 : index
      %get3A_988 = tpu.vector_load %arg19[%get3A_986, %get3A_987] {strides = array<i32>} : memref<50x64xf32, #tpu.memory_space<vmem>>, vector<1x16xf32>,
      %get3A_989 = vector.shape_cast %get3A_988 : vector<1x16xf32> to vector<16xf32>
      %mul3A_990 = arith.mulf %get3A_989, %gather3A_977 : vector<16xf32>
      %add3A_991 = arith.addf %add3A_950, %mul3A_990 : vector<16xf32>
      %get3A_992 = arith.constant 22 : i32
      %get3A_993 = arith.index_cast %get3A_992 : i32 to index
      %get3A_994 = arith.constant 32 : index
      %get3A_995 = tpu.vector_load %arg19[%get3A_993, %get3A_994] {strides = array<i32>} : memref<50x64xf32, #tpu.memory_space<vmem>>, vector<1x16xf32>,
      %get3A_996 = vector.shape_cast %get3A_995 : vector<1x16xf32> to vector<16xf32>
      %mul3A_997 = arith.mulf %get3A_996, %gather3A_977 : vector<16xf32>
      %add3A_998 = arith.addf %add3A_957, %mul3A_997 : vector<16xf32>
      %get3A_999 = arith.constant 22 : i32
      %get3A_1000 = arith.index_cast %get3A_999 : i32 to index
      %get3A_1001 = arith.constant 48 : index
      %get3A_1002 = tpu.vector_load %arg19[%get3A_1000, %get3A_1001] {strides = array<i32>} : memref<50x64xf32, #tpu.memory_space<vmem>>, vector<1x16xf32>,
      %get3A_1003 = vector.shape_cast %get3A_1002 : vector<1x16xf32> to vector<16xf32>
      %mul3A_1004 = arith.mulf %get3A_1003, %gather3A_977 : vector<16xf32>
      %add3A_1005 = arith.addf %add3A_964, %mul3A_1004 : vector<16xf32>
      %add3A_1006 = arith.addf %add3A_965, %gather3A_977 : vector<16xf32>
      %broadcast_in_dim3A_1007 = arith.constant 7 : i32
      %broadcast_in_dim3A_1008 = vector.broadcast %broadcast_in_dim3A_1007 : i32 to vector<16xi32>
      %lt3A_1009 = arith.constant 0 : i32
      %lt3A_1010 = vector.broadcast %lt3A_1009 : i32 to vector<16xi32>
      %lt3A_1011 = arith.cmpi slt, %broadcast_in_dim3A_1008, %lt3A_1010 : vector<16xi32>
      %add3A_1012 = arith.constant 16 : i32
      %add3A_1013 = vector.broadcast %add3A_1012 : i32 to vector<16xi32>
      %add3A_1014 = arith.addi %broadcast_in_dim3A_1008, %add3A_1013 : vector<16xi32>
      %select_n3A_1015 = arith.select %lt3A_1011, %add3A_1014, %broadcast_in_dim3A_1008 : vector<16xi1>, vector<16xi32>
      %broadcast_in_dim3A_1016 = vector.shape_cast %select_n3A_1015 : vector<16xi32> to vector<16x1xi32>
      %gather3A_1017 = vector.shape_cast %broadcast_in_dim3A_1016 : vector<16x1xi32> to vector<16xi32>
      %gather3A_1018 = tpu.dynamic_gather %get3A_57[%gather3A_1017] in [0] : vector<16xf32>, vector<16xi32> -> vector<16xf32>
      %get3A_1019 = arith.constant 23 : i32
      %get3A_1020 = arith.index_cast %get3A_1019 : i32 to index
      %get3A_1021 = arith.constant 0 : index
      %get3A_1022 = tpu.vector_load %arg19[%get3A_1020, %get3A_1021] {strides = array<i32>} : memref<50x64xf32, #tpu.memory_space<vmem>>, vector<1x16xf32>,
      %get3A_1023 = vector.shape_cast %get3A_1022 : vector<1x16xf32> to vector<16xf32>
      %mul3A_1024 = arith.mulf %get3A_1023, %gather3A_1018 : vector<16xf32>
      %add3A_1025 = arith.addf %add3A_984, %mul3A_1024 : vector<16xf32>
      %get3A_1026 = arith.constant 23 : i32
      %get3A_1027 = arith.index_cast %get3A_1026 : i32 to index
      %get3A_1028 = arith.constant 16 : index
      %get3A_1029 = tpu.vector_load %arg19[%get3A_1027, %get3A_1028] {strides = array<i32>} : memref<50x64xf32, #tpu.memory_space<vmem>>, vector<1x16xf32>,
      %get3A_1030 = vector.shape_cast %get3A_1029 : vector<1x16xf32> to vector<16xf32>
      %mul3A_1031 = arith.mulf %get3A_1030, %gather3A_1018 : vector<16xf32>
      %add3A_1032 = arith.addf %add3A_991, %mul3A_1031 : vector<16xf32>
      %get3A_1033 = arith.constant 23 : i32
      %get3A_1034 = arith.index_cast %get3A_1033 : i32 to index
      %get3A_1035 = arith.constant 32 : index
      %get3A_1036 = tpu.vector_load %arg19[%get3A_1034, %get3A_1035] {strides = array<i32>} : memref<50x64xf32, #tpu.memory_space<vmem>>, vector<1x16xf32>,
      %get3A_1037 = vector.shape_cast %get3A_1036 : vector<1x16xf32> to vector<16xf32>
      %mul3A_1038 = arith.mulf %get3A_1037, %gather3A_1018 : vector<16xf32>
      %add3A_1039 = arith.addf %add3A_998, %mul3A_1038 : vector<16xf32>
      %get3A_1040 = arith.constant 23 : i32
      %get3A_1041 = arith.index_cast %get3A_1040 : i32 to index
      %get3A_1042 = arith.constant 48 : index
      %get3A_1043 = tpu.vector_load %arg19[%get3A_1041, %get3A_1042] {strides = array<i32>} : memref<50x64xf32, #tpu.memory_space<vmem>>, vector<1x16xf32>,
      %get3A_1044 = vector.shape_cast %get3A_1043 : vector<1x16xf32> to vector<16xf32>
      %mul3A_1045 = arith.mulf %get3A_1044, %gather3A_1018 : vector<16xf32>
      %add3A_1046 = arith.addf %add3A_1005, %mul3A_1045 : vector<16xf32>
      %add3A_1047 = arith.addf %add3A_1006, %gather3A_1018 : vector<16xf32>
      %broadcast_in_dim3A_1048 = arith.constant 8 : i32
      %broadcast_in_dim3A_1049 = vector.broadcast %broadcast_in_dim3A_1048 : i32 to vector<16xi32>
      %lt3A_1050 = arith.constant 0 : i32
      %lt3A_1051 = vector.broadcast %lt3A_1050 : i32 to vector<16xi32>
      %lt3A_1052 = arith.cmpi slt, %broadcast_in_dim3A_1049, %lt3A_1051 : vector<16xi32>
      %add3A_1053 = arith.constant 16 : i32
      %add3A_1054 = vector.broadcast %add3A_1053 : i32 to vector<16xi32>
      %add3A_1055 = arith.addi %broadcast_in_dim3A_1049, %add3A_1054 : vector<16xi32>
      %select_n3A_1056 = arith.select %lt3A_1052, %add3A_1055, %broadcast_in_dim3A_1049 : vector<16xi1>, vector<16xi32>
      %broadcast_in_dim3A_1057 = vector.shape_cast %select_n3A_1056 : vector<16xi32> to vector<16x1xi32>
      %gather3A_1058 = vector.shape_cast %broadcast_in_dim3A_1057 : vector<16x1xi32> to vector<16xi32>
      %gather3A_1059 = tpu.dynamic_gather %get3A_57[%gather3A_1058] in [0] : vector<16xf32>, vector<16xi32> -> vector<16xf32>
      %get3A_1060 = arith.constant 24 : i32
      %get3A_1061 = arith.index_cast %get3A_1060 : i32 to index
      %get3A_1062 = arith.constant 0 : index
      %get3A_1063 = tpu.vector_load %arg19[%get3A_1061, %get3A_1062] {strides = array<i32>} : memref<50x64xf32, #tpu.memory_space<vmem>>, vector<1x16xf32>,
      %get3A_1064 = vector.shape_cast %get3A_1063 : vector<1x16xf32> to vector<16xf32>
      %mul3A_1065 = arith.mulf %get3A_1064, %gather3A_1059 : vector<16xf32>
      %add3A_1066 = arith.addf %add3A_1025, %mul3A_1065 : vector<16xf32>
      %get3A_1067 = arith.constant 24 : i32
      %get3A_1068 = arith.index_cast %get3A_1067 : i32 to index
      %get3A_1069 = arith.constant 16 : index
      %get3A_1070 = tpu.vector_load %arg19[%get3A_1068, %get3A_1069] {strides = array<i32>} : memref<50x64xf32, #tpu.memory_space<vmem>>, vector<1x16xf32>,
      %get3A_1071 = vector.shape_cast %get3A_1070 : vector<1x16xf32> to vector<16xf32>
      %mul3A_1072 = arith.mulf %get3A_1071, %gather3A_1059 : vector<16xf32>
      %add3A_1073 = arith.addf %add3A_1032, %mul3A_1072 : vector<16xf32>
      %get3A_1074 = arith.constant 24 : i32
      %get3A_1075 = arith.index_cast %get3A_1074 : i32 to index
      %get3A_1076 = arith.constant 32 : index
      %get3A_1077 = tpu.vector_load %arg19[%get3A_1075, %get3A_1076] {strides = array<i32>} : memref<50x64xf32, #tpu.memory_space<vmem>>, vector<1x16xf32>,
      %get3A_1078 = vector.shape_cast %get3A_1077 : vector<1x16xf32> to vector<16xf32>
      %mul3A_1079 = arith.mulf %get3A_1078, %gather3A_1059 : vector<16xf32>
      %add3A_1080 = arith.addf %add3A_1039, %mul3A_1079 : vector<16xf32>
      %get3A_1081 = arith.constant 24 : i32
      %get3A_1082 = arith.index_cast %get3A_1081 : i32 to index
      %get3A_1083 = arith.constant 48 : index
      %get3A_1084 = tpu.vector_load %arg19[%get3A_1082, %get3A_1083] {strides = array<i32>} : memref<50x64xf32, #tpu.memory_space<vmem>>, vector<1x16xf32>,
      %get3A_1085 = vector.shape_cast %get3A_1084 : vector<1x16xf32> to vector<16xf32>
      %mul3A_1086 = arith.mulf %get3A_1085, %gather3A_1059 : vector<16xf32>
      %add3A_1087 = arith.addf %add3A_1046, %mul3A_1086 : vector<16xf32>
      %add3A_1088 = arith.addf %add3A_1047, %gather3A_1059 : vector<16xf32>
      %broadcast_in_dim3A_1089 = arith.constant 9 : i32
      %broadcast_in_dim3A_1090 = vector.broadcast %broadcast_in_dim3A_1089 : i32 to vector<16xi32>
      %lt3A_1091 = arith.constant 0 : i32
      %lt3A_1092 = vector.broadcast %lt3A_1091 : i32 to vector<16xi32>
      %lt3A_1093 = arith.cmpi slt, %broadcast_in_dim3A_1090, %lt3A_1092 : vector<16xi32>
      %add3A_1094 = arith.constant 16 : i32
      %add3A_1095 = vector.broadcast %add3A_1094 : i32 to vector<16xi32>
      %add3A_1096 = arith.addi %broadcast_in_dim3A_1090, %add3A_1095 : vector<16xi32>
      %select_n3A_1097 = arith.select %lt3A_1093, %add3A_1096, %broadcast_in_dim3A_1090 : vector<16xi1>, vector<16xi32>
      %broadcast_in_dim3A_1098 = vector.shape_cast %select_n3A_1097 : vector<16xi32> to vector<16x1xi32>
      %gather3A_1099 = vector.shape_cast %broadcast_in_dim3A_1098 : vector<16x1xi32> to vector<16xi32>
      %gather3A_1100 = tpu.dynamic_gather %get3A_57[%gather3A_1099] in [0] : vector<16xf32>, vector<16xi32> -> vector<16xf32>
      %get3A_1101 = arith.constant 25 : i32
      %get3A_1102 = arith.index_cast %get3A_1101 : i32 to index
      %get3A_1103 = arith.constant 0 : index
      %get3A_1104 = tpu.vector_load %arg19[%get3A_1102, %get3A_1103] {strides = array<i32>} : memref<50x64xf32, #tpu.memory_space<vmem>>, vector<1x16xf32>,
      %get3A_1105 = vector.shape_cast %get3A_1104 : vector<1x16xf32> to vector<16xf32>
      %mul3A_1106 = arith.mulf %get3A_1105, %gather3A_1100 : vector<16xf32>
      %add3A_1107 = arith.addf %add3A_1066, %mul3A_1106 : vector<16xf32>
      %get3A_1108 = arith.constant 25 : i32
      %get3A_1109 = arith.index_cast %get3A_1108 : i32 to index
      %get3A_1110 = arith.constant 16 : index
      %get3A_1111 = tpu.vector_load %arg19[%get3A_1109, %get3A_1110] {strides = array<i32>} : memref<50x64xf32, #tpu.memory_space<vmem>>, vector<1x16xf32>,
      %get3A_1112 = vector.shape_cast %get3A_1111 : vector<1x16xf32> to vector<16xf32>
      %mul3A_1113 = arith.mulf %get3A_1112, %gather3A_1100 : vector<16xf32>
      %add3A_1114 = arith.addf %add3A_1073, %mul3A_1113 : vector<16xf32>
      %get3A_1115 = arith.constant 25 : i32
      %get3A_1116 = arith.index_cast %get3A_1115 : i32 to index
      %get3A_1117 = arith.constant 32 : index
      %get3A_1118 = tpu.vector_load %arg19[%get3A_1116, %get3A_1117] {strides = array<i32>} : memref<50x64xf32, #tpu.memory_space<vmem>>, vector<1x16xf32>,
      %get3A_1119 = vector.shape_cast %get3A_1118 : vector<1x16xf32> to vector<16xf32>
      %mul3A_1120 = arith.mulf %get3A_1119, %gather3A_1100 : vector<16xf32>
      %add3A_1121 = arith.addf %add3A_1080, %mul3A_1120 : vector<16xf32>
      %get3A_1122 = arith.constant 25 : i32
      %get3A_1123 = arith.index_cast %get3A_1122 : i32 to index
      %get3A_1124 = arith.constant 48 : index
      %get3A_1125 = tpu.vector_load %arg19[%get3A_1123, %get3A_1124] {strides = array<i32>} : memref<50x64xf32, #tpu.memory_space<vmem>>, vector<1x16xf32>,
      %get3A_1126 = vector.shape_cast %get3A_1125 : vector<1x16xf32> to vector<16xf32>
      %mul3A_1127 = arith.mulf %get3A_1126, %gather3A_1100 : vector<16xf32>
      %add3A_1128 = arith.addf %add3A_1087, %mul3A_1127 : vector<16xf32>
      %add3A_1129 = arith.addf %add3A_1088, %gather3A_1100 : vector<16xf32>
      %broadcast_in_dim3A_1130 = arith.constant 10 : i32
      %broadcast_in_dim3A_1131 = vector.broadcast %broadcast_in_dim3A_1130 : i32 to vector<16xi32>
      %lt3A_1132 = arith.constant 0 : i32
      %lt3A_1133 = vector.broadcast %lt3A_1132 : i32 to vector<16xi32>
      %lt3A_1134 = arith.cmpi slt, %broadcast_in_dim3A_1131, %lt3A_1133 : vector<16xi32>
      %add3A_1135 = arith.constant 16 : i32
      %add3A_1136 = vector.broadcast %add3A_1135 : i32 to vector<16xi32>
      %add3A_1137 = arith.addi %broadcast_in_dim3A_1131, %add3A_1136 : vector<16xi32>
      %select_n3A_1138 = arith.select %lt3A_1134, %add3A_1137, %broadcast_in_dim3A_1131 : vector<16xi1>, vector<16xi32>
      %broadcast_in_dim3A_1139 = vector.shape_cast %select_n3A_1138 : vector<16xi32> to vector<16x1xi32>
      %gather3A_1140 = vector.shape_cast %broadcast_in_dim3A_1139 : vector<16x1xi32> to vector<16xi32>
      %gather3A_1141 = tpu.dynamic_gather %get3A_57[%gather3A_1140] in [0] : vector<16xf32>, vector<16xi32> -> vector<16xf32>
      %get3A_1142 = arith.constant 26 : i32
      %get3A_1143 = arith.index_cast %get3A_1142 : i32 to index
      %get3A_1144 = arith.constant 0 : index
      %get3A_1145 = tpu.vector_load %arg19[%get3A_1143, %get3A_1144] {strides = array<i32>} : memref<50x64xf32, #tpu.memory_space<vmem>>, vector<1x16xf32>,
      %get3A_1146 = vector.shape_cast %get3A_1145 : vector<1x16xf32> to vector<16xf32>
      %mul3A_1147 = arith.mulf %get3A_1146, %gather3A_1141 : vector<16xf32>
      %add3A_1148 = arith.addf %add3A_1107, %mul3A_1147 : vector<16xf32>
      %get3A_1149 = arith.constant 26 : i32
      %get3A_1150 = arith.index_cast %get3A_1149 : i32 to index
      %get3A_1151 = arith.constant 16 : index
      %get3A_1152 = tpu.vector_load %arg19[%get3A_1150, %get3A_1151] {strides = array<i32>} : memref<50x64xf32, #tpu.memory_space<vmem>>, vector<1x16xf32>,
      %get3A_1153 = vector.shape_cast %get3A_1152 : vector<1x16xf32> to vector<16xf32>
      %mul3A_1154 = arith.mulf %get3A_1153, %gather3A_1141 : vector<16xf32>
      %add3A_1155 = arith.addf %add3A_1114, %mul3A_1154 : vector<16xf32>
      %get3A_1156 = arith.constant 26 : i32
      %get3A_1157 = arith.index_cast %get3A_1156 : i32 to index
      %get3A_1158 = arith.constant 32 : index
      %get3A_1159 = tpu.vector_load %arg19[%get3A_1157, %get3A_1158] {strides = array<i32>} : memref<50x64xf32, #tpu.memory_space<vmem>>, vector<1x16xf32>,
      %get3A_1160 = vector.shape_cast %get3A_1159 : vector<1x16xf32> to vector<16xf32>
      %mul3A_1161 = arith.mulf %get3A_1160, %gather3A_1141 : vector<16xf32>
      %add3A_1162 = arith.addf %add3A_1121, %mul3A_1161 : vector<16xf32>
      %get3A_1163 = arith.constant 26 : i32
      %get3A_1164 = arith.index_cast %get3A_1163 : i32 to index
      %get3A_1165 = arith.constant 48 : index
      %get3A_1166 = tpu.vector_load %arg19[%get3A_1164, %get3A_1165] {strides = array<i32>} : memref<50x64xf32, #tpu.memory_space<vmem>>, vector<1x16xf32>,
      %get3A_1167 = vector.shape_cast %get3A_1166 : vector<1x16xf32> to vector<16xf32>
      %mul3A_1168 = arith.mulf %get3A_1167, %gather3A_1141 : vector<16xf32>
      %add3A_1169 = arith.addf %add3A_1128, %mul3A_1168 : vector<16xf32>
      %add3A_1170 = arith.addf %add3A_1129, %gather3A_1141 : vector<16xf32>
      %broadcast_in_dim3A_1171 = arith.constant 11 : i32
      %broadcast_in_dim3A_1172 = vector.broadcast %broadcast_in_dim3A_1171 : i32 to vector<16xi32>
      %lt3A_1173 = arith.constant 0 : i32
      %lt3A_1174 = vector.broadcast %lt3A_1173 : i32 to vector<16xi32>
      %lt3A_1175 = arith.cmpi slt, %broadcast_in_dim3A_1172, %lt3A_1174 : vector<16xi32>
      %add3A_1176 = arith.constant 16 : i32
      %add3A_1177 = vector.broadcast %add3A_1176 : i32 to vector<16xi32>
      %add3A_1178 = arith.addi %broadcast_in_dim3A_1172, %add3A_1177 : vector<16xi32>
      %select_n3A_1179 = arith.select %lt3A_1175, %add3A_1178, %broadcast_in_dim3A_1172 : vector<16xi1>, vector<16xi32>
      %broadcast_in_dim3A_1180 = vector.shape_cast %select_n3A_1179 : vector<16xi32> to vector<16x1xi32>
      %gather3A_1181 = vector.shape_cast %broadcast_in_dim3A_1180 : vector<16x1xi32> to vector<16xi32>
      %gather3A_1182 = tpu.dynamic_gather %get3A_57[%gather3A_1181] in [0] : vector<16xf32>, vector<16xi32> -> vector<16xf32>
      %get3A_1183 = arith.constant 27 : i32
      %get3A_1184 = arith.index_cast %get3A_1183 : i32 to index
      %get3A_1185 = arith.constant 0 : index
      %get3A_1186 = tpu.vector_load %arg19[%get3A_1184, %get3A_1185] {strides = array<i32>} : memref<50x64xf32, #tpu.memory_space<vmem>>, vector<1x16xf32>,
      %get3A_1187 = vector.shape_cast %get3A_1186 : vector<1x16xf32> to vector<16xf32>
      %mul3A_1188 = arith.mulf %get3A_1187, %gather3A_1182 : vector<16xf32>
      %add3A_1189 = arith.addf %add3A_1148, %mul3A_1188 : vector<16xf32>
      %get3A_1190 = arith.constant 27 : i32
      %get3A_1191 = arith.index_cast %get3A_1190 : i32 to index
      %get3A_1192 = arith.constant 16 : index
      %get3A_1193 = tpu.vector_load %arg19[%get3A_1191, %get3A_1192] {strides = array<i32>} : memref<50x64xf32, #tpu.memory_space<vmem>>, vector<1x16xf32>,
      %get3A_1194 = vector.shape_cast %get3A_1193 : vector<1x16xf32> to vector<16xf32>
      %mul3A_1195 = arith.mulf %get3A_1194, %gather3A_1182 : vector<16xf32>
      %add3A_1196 = arith.addf %add3A_1155, %mul3A_1195 : vector<16xf32>
      %get3A_1197 = arith.constant 27 : i32
      %get3A_1198 = arith.index_cast %get3A_1197 : i32 to index
      %get3A_1199 = arith.constant 32 : index
      %get3A_1200 = tpu.vector_load %arg19[%get3A_1198, %get3A_1199] {strides = array<i32>} : memref<50x64xf32, #tpu.memory_space<vmem>>, vector<1x16xf32>,
      %get3A_1201 = vector.shape_cast %get3A_1200 : vector<1x16xf32> to vector<16xf32>
      %mul3A_1202 = arith.mulf %get3A_1201, %gather3A_1182 : vector<16xf32>
      %add3A_1203 = arith.addf %add3A_1162, %mul3A_1202 : vector<16xf32>
      %get3A_1204 = arith.constant 27 : i32
      %get3A_1205 = arith.index_cast %get3A_1204 : i32 to index
      %get3A_1206 = arith.constant 48 : index
      %get3A_1207 = tpu.vector_load %arg19[%get3A_1205, %get3A_1206] {strides = array<i32>} : memref<50x64xf32, #tpu.memory_space<vmem>>, vector<1x16xf32>,
      %get3A_1208 = vector.shape_cast %get3A_1207 : vector<1x16xf32> to vector<16xf32>
      %mul3A_1209 = arith.mulf %get3A_1208, %gather3A_1182 : vector<16xf32>
      %add3A_1210 = arith.addf %add3A_1169, %mul3A_1209 : vector<16xf32>
      %add3A_1211 = arith.addf %add3A_1170, %gather3A_1182 : vector<16xf32>
      %broadcast_in_dim3A_1212 = arith.constant 12 : i32
      %broadcast_in_dim3A_1213 = vector.broadcast %broadcast_in_dim3A_1212 : i32 to vector<16xi32>
      %lt3A_1214 = arith.constant 0 : i32
      %lt3A_1215 = vector.broadcast %lt3A_1214 : i32 to vector<16xi32>
      %lt3A_1216 = arith.cmpi slt, %broadcast_in_dim3A_1213, %lt3A_1215 : vector<16xi32>
      %add3A_1217 = arith.constant 16 : i32
      %add3A_1218 = vector.broadcast %add3A_1217 : i32 to vector<16xi32>
      %add3A_1219 = arith.addi %broadcast_in_dim3A_1213, %add3A_1218 : vector<16xi32>
      %select_n3A_1220 = arith.select %lt3A_1216, %add3A_1219, %broadcast_in_dim3A_1213 : vector<16xi1>, vector<16xi32>
      %broadcast_in_dim3A_1221 = vector.shape_cast %select_n3A_1220 : vector<16xi32> to vector<16x1xi32>
      %gather3A_1222 = vector.shape_cast %broadcast_in_dim3A_1221 : vector<16x1xi32> to vector<16xi32>
      %gather3A_1223 = tpu.dynamic_gather %get3A_57[%gather3A_1222] in [0] : vector<16xf32>, vector<16xi32> -> vector<16xf32>
      %get3A_1224 = arith.constant 28 : i32
      %get3A_1225 = arith.index_cast %get3A_1224 : i32 to index
      %get3A_1226 = arith.constant 0 : index
      %get3A_1227 = tpu.vector_load %arg19[%get3A_1225, %get3A_1226] {strides = array<i32>} : memref<50x64xf32, #tpu.memory_space<vmem>>, vector<1x16xf32>,
      %get3A_1228 = vector.shape_cast %get3A_1227 : vector<1x16xf32> to vector<16xf32>
      %mul3A_1229 = arith.mulf %get3A_1228, %gather3A_1223 : vector<16xf32>
      %add3A_1230 = arith.addf %add3A_1189, %mul3A_1229 : vector<16xf32>
      %get3A_1231 = arith.constant 28 : i32
      %get3A_1232 = arith.index_cast %get3A_1231 : i32 to index
      %get3A_1233 = arith.constant 16 : index
      %get3A_1234 = tpu.vector_load %arg19[%get3A_1232, %get3A_1233] {strides = array<i32>} : memref<50x64xf32, #tpu.memory_space<vmem>>, vector<1x16xf32>,
      %get3A_1235 = vector.shape_cast %get3A_1234 : vector<1x16xf32> to vector<16xf32>
      %mul3A_1236 = arith.mulf %get3A_1235, %gather3A_1223 : vector<16xf32>
      %add3A_1237 = arith.addf %add3A_1196, %mul3A_1236 : vector<16xf32>
      %get3A_1238 = arith.constant 28 : i32
      %get3A_1239 = arith.index_cast %get3A_1238 : i32 to index
      %get3A_1240 = arith.constant 32 : index
      %get3A_1241 = tpu.vector_load %arg19[%get3A_1239, %get3A_1240] {strides = array<i32>} : memref<50x64xf32, #tpu.memory_space<vmem>>, vector<1x16xf32>,
      %get3A_1242 = vector.shape_cast %get3A_1241 : vector<1x16xf32> to vector<16xf32>
      %mul3A_1243 = arith.mulf %get3A_1242, %gather3A_1223 : vector<16xf32>
      %add3A_1244 = arith.addf %add3A_1203, %mul3A_1243 : vector<16xf32>
      %get3A_1245 = arith.constant 28 : i32
      %get3A_1246 = arith.index_cast %get3A_1245 : i32 to index
      %get3A_1247 = arith.constant 48 : index
      %get3A_1248 = tpu.vector_load %arg19[%get3A_1246, %get3A_1247] {strides = array<i32>} : memref<50x64xf32, #tpu.memory_space<vmem>>, vector<1x16xf32>,
      %get3A_1249 = vector.shape_cast %get3A_1248 : vector<1x16xf32> to vector<16xf32>
      %mul3A_1250 = arith.mulf %get3A_1249, %gather3A_1223 : vector<16xf32>
      %add3A_1251 = arith.addf %add3A_1210, %mul3A_1250 : vector<16xf32>
      %add3A_1252 = arith.addf %add3A_1211, %gather3A_1223 : vector<16xf32>
      %broadcast_in_dim3A_1253 = arith.constant 13 : i32
      %broadcast_in_dim3A_1254 = vector.broadcast %broadcast_in_dim3A_1253 : i32 to vector<16xi32>
      %lt3A_1255 = arith.constant 0 : i32
      %lt3A_1256 = vector.broadcast %lt3A_1255 : i32 to vector<16xi32>
      %lt3A_1257 = arith.cmpi slt, %broadcast_in_dim3A_1254, %lt3A_1256 : vector<16xi32>
      %add3A_1258 = arith.constant 16 : i32
      %add3A_1259 = vector.broadcast %add3A_1258 : i32 to vector<16xi32>
      %add3A_1260 = arith.addi %broadcast_in_dim3A_1254, %add3A_1259 : vector<16xi32>
      %select_n3A_1261 = arith.select %lt3A_1257, %add3A_1260, %broadcast_in_dim3A_1254 : vector<16xi1>, vector<16xi32>
      %broadcast_in_dim3A_1262 = vector.shape_cast %select_n3A_1261 : vector<16xi32> to vector<16x1xi32>
      %gather3A_1263 = vector.shape_cast %broadcast_in_dim3A_1262 : vector<16x1xi32> to vector<16xi32>
      %gather3A_1264 = tpu.dynamic_gather %get3A_57[%gather3A_1263] in [0] : vector<16xf32>, vector<16xi32> -> vector<16xf32>
      %get3A_1265 = arith.constant 29 : i32
      %get3A_1266 = arith.index_cast %get3A_1265 : i32 to index
      %get3A_1267 = arith.constant 0 : index
      %get3A_1268 = tpu.vector_load %arg19[%get3A_1266, %get3A_1267] {strides = array<i32>} : memref<50x64xf32, #tpu.memory_space<vmem>>, vector<1x16xf32>,
      %get3A_1269 = vector.shape_cast %get3A_1268 : vector<1x16xf32> to vector<16xf32>
      %mul3A_1270 = arith.mulf %get3A_1269, %gather3A_1264 : vector<16xf32>
      %add3A_1271 = arith.addf %add3A_1230, %mul3A_1270 : vector<16xf32>
      %get3A_1272 = arith.constant 29 : i32
      %get3A_1273 = arith.index_cast %get3A_1272 : i32 to index
      %get3A_1274 = arith.constant 16 : index
      %get3A_1275 = tpu.vector_load %arg19[%get3A_1273, %get3A_1274] {strides = array<i32>} : memref<50x64xf32, #tpu.memory_space<vmem>>, vector<1x16xf32>,
      %get3A_1276 = vector.shape_cast %get3A_1275 : vector<1x16xf32> to vector<16xf32>
      %mul3A_1277 = arith.mulf %get3A_1276, %gather3A_1264 : vector<16xf32>
      %add3A_1278 = arith.addf %add3A_1237, %mul3A_1277 : vector<16xf32>
      %get3A_1279 = arith.constant 29 : i32
      %get3A_1280 = arith.index_cast %get3A_1279 : i32 to index
      %get3A_1281 = arith.constant 32 : index
      %get3A_1282 = tpu.vector_load %arg19[%get3A_1280, %get3A_1281] {strides = array<i32>} : memref<50x64xf32, #tpu.memory_space<vmem>>, vector<1x16xf32>,
      %get3A_1283 = vector.shape_cast %get3A_1282 : vector<1x16xf32> to vector<16xf32>
      %mul3A_1284 = arith.mulf %get3A_1283, %gather3A_1264 : vector<16xf32>
      %add3A_1285 = arith.addf %add3A_1244, %mul3A_1284 : vector<16xf32>
      %get3A_1286 = arith.constant 29 : i32
      %get3A_1287 = arith.index_cast %get3A_1286 : i32 to index
      %get3A_1288 = arith.constant 48 : index
      %get3A_1289 = tpu.vector_load %arg19[%get3A_1287, %get3A_1288] {strides = array<i32>} : memref<50x64xf32, #tpu.memory_space<vmem>>, vector<1x16xf32>,
      %get3A_1290 = vector.shape_cast %get3A_1289 : vector<1x16xf32> to vector<16xf32>
      %mul3A_1291 = arith.mulf %get3A_1290, %gather3A_1264 : vector<16xf32>
      %add3A_1292 = arith.addf %add3A_1251, %mul3A_1291 : vector<16xf32>
      %add3A_1293 = arith.addf %add3A_1252, %gather3A_1264 : vector<16xf32>
      %broadcast_in_dim3A_1294 = arith.constant 14 : i32
      %broadcast_in_dim3A_1295 = vector.broadcast %broadcast_in_dim3A_1294 : i32 to vector<16xi32>
      %lt3A_1296 = arith.constant 0 : i32
      %lt3A_1297 = vector.broadcast %lt3A_1296 : i32 to vector<16xi32>
      %lt3A_1298 = arith.cmpi slt, %broadcast_in_dim3A_1295, %lt3A_1297 : vector<16xi32>
      %add3A_1299 = arith.constant 16 : i32
      %add3A_1300 = vector.broadcast %add3A_1299 : i32 to vector<16xi32>
      %add3A_1301 = arith.addi %broadcast_in_dim3A_1295, %add3A_1300 : vector<16xi32>
      %select_n3A_1302 = arith.select %lt3A_1298, %add3A_1301, %broadcast_in_dim3A_1295 : vector<16xi1>, vector<16xi32>
      %broadcast_in_dim3A_1303 = vector.shape_cast %select_n3A_1302 : vector<16xi32> to vector<16x1xi32>
      %gather3A_1304 = vector.shape_cast %broadcast_in_dim3A_1303 : vector<16x1xi32> to vector<16xi32>
      %gather3A_1305 = tpu.dynamic_gather %get3A_57[%gather3A_1304] in [0] : vector<16xf32>, vector<16xi32> -> vector<16xf32>
      %get3A_1306 = arith.constant 30 : i32
      %get3A_1307 = arith.index_cast %get3A_1306 : i32 to index
      %get3A_1308 = arith.constant 0 : index
      %get3A_1309 = tpu.vector_load %arg19[%get3A_1307, %get3A_1308] {strides = array<i32>} : memref<50x64xf32, #tpu.memory_space<vmem>>, vector<1x16xf32>,
      %get3A_1310 = vector.shape_cast %get3A_1309 : vector<1x16xf32> to vector<16xf32>
      %mul3A_1311 = arith.mulf %get3A_1310, %gather3A_1305 : vector<16xf32>
      %add3A_1312 = arith.addf %add3A_1271, %mul3A_1311 : vector<16xf32>
      %get3A_1313 = arith.constant 30 : i32
      %get3A_1314 = arith.index_cast %get3A_1313 : i32 to index
      %get3A_1315 = arith.constant 16 : index
      %get3A_1316 = tpu.vector_load %arg19[%get3A_1314, %get3A_1315] {strides = array<i32>} : memref<50x64xf32, #tpu.memory_space<vmem>>, vector<1x16xf32>,
      %get3A_1317 = vector.shape_cast %get3A_1316 : vector<1x16xf32> to vector<16xf32>
      %mul3A_1318 = arith.mulf %get3A_1317, %gather3A_1305 : vector<16xf32>
      %add3A_1319 = arith.addf %add3A_1278, %mul3A_1318 : vector<16xf32>
      %get3A_1320 = arith.constant 30 : i32
      %get3A_1321 = arith.index_cast %get3A_1320 : i32 to index
      %get3A_1322 = arith.constant 32 : index
      %get3A_1323 = tpu.vector_load %arg19[%get3A_1321, %get3A_1322] {strides = array<i32>} : memref<50x64xf32, #tpu.memory_space<vmem>>, vector<1x16xf32>,
      %get3A_1324 = vector.shape_cast %get3A_1323 : vector<1x16xf32> to vector<16xf32>
      %mul3A_1325 = arith.mulf %get3A_1324, %gather3A_1305 : vector<16xf32>
      %add3A_1326 = arith.addf %add3A_1285, %mul3A_1325 : vector<16xf32>
      %get3A_1327 = arith.constant 30 : i32
      %get3A_1328 = arith.index_cast %get3A_1327 : i32 to index
      %get3A_1329 = arith.constant 48 : index
      %get3A_1330 = tpu.vector_load %arg19[%get3A_1328, %get3A_1329] {strides = array<i32>} : memref<50x64xf32, #tpu.memory_space<vmem>>, vector<1x16xf32>,
      %get3A_1331 = vector.shape_cast %get3A_1330 : vector<1x16xf32> to vector<16xf32>
      %mul3A_1332 = arith.mulf %get3A_1331, %gather3A_1305 : vector<16xf32>
      %add3A_1333 = arith.addf %add3A_1292, %mul3A_1332 : vector<16xf32>
      %add3A_1334 = arith.addf %add3A_1293, %gather3A_1305 : vector<16xf32>
      %broadcast_in_dim3A_1335 = arith.constant 15 : i32
      %broadcast_in_dim3A_1336 = vector.broadcast %broadcast_in_dim3A_1335 : i32 to vector<16xi32>
      %lt3A_1337 = arith.constant 0 : i32
      %lt3A_1338 = vector.broadcast %lt3A_1337 : i32 to vector<16xi32>
      %lt3A_1339 = arith.cmpi slt, %broadcast_in_dim3A_1336, %lt3A_1338 : vector<16xi32>
      %add3A_1340 = arith.constant 16 : i32
      %add3A_1341 = vector.broadcast %add3A_1340 : i32 to vector<16xi32>
      %add3A_1342 = arith.addi %broadcast_in_dim3A_1336, %add3A_1341 : vector<16xi32>
      %select_n3A_1343 = arith.select %lt3A_1339, %add3A_1342, %broadcast_in_dim3A_1336 : vector<16xi1>, vector<16xi32>
      %broadcast_in_dim3A_1344 = vector.shape_cast %select_n3A_1343 : vector<16xi32> to vector<16x1xi32>
      %gather3A_1345 = vector.shape_cast %broadcast_in_dim3A_1344 : vector<16x1xi32> to vector<16xi32>
      %gather3A_1346 = tpu.dynamic_gather %get3A_57[%gather3A_1345] in [0] : vector<16xf32>, vector<16xi32> -> vector<16xf32>
      %get3A_1347 = arith.constant 31 : i32
      %get3A_1348 = arith.index_cast %get3A_1347 : i32 to index
      %get3A_1349 = arith.constant 0 : index
      %get3A_1350 = tpu.vector_load %arg19[%get3A_1348, %get3A_1349] {strides = array<i32>} : memref<50x64xf32, #tpu.memory_space<vmem>>, vector<1x16xf32>,
      %get3A_1351 = vector.shape_cast %get3A_1350 : vector<1x16xf32> to vector<16xf32>
      %mul3A_1352 = arith.mulf %get3A_1351, %gather3A_1346 : vector<16xf32>
      %add3A_1353 = arith.addf %add3A_1312, %mul3A_1352 : vector<16xf32>
      %get3A_1354 = arith.constant 31 : i32
      %get3A_1355 = arith.index_cast %get3A_1354 : i32 to index
      %get3A_1356 = arith.constant 16 : index
      %get3A_1357 = tpu.vector_load %arg19[%get3A_1355, %get3A_1356] {strides = array<i32>} : memref<50x64xf32, #tpu.memory_space<vmem>>, vector<1x16xf32>,
      %get3A_1358 = vector.shape_cast %get3A_1357 : vector<1x16xf32> to vector<16xf32>
      %mul3A_1359 = arith.mulf %get3A_1358, %gather3A_1346 : vector<16xf32>
      %add3A_1360 = arith.addf %add3A_1319, %mul3A_1359 : vector<16xf32>
      %get3A_1361 = arith.constant 31 : i32
      %get3A_1362 = arith.index_cast %get3A_1361 : i32 to index
      %get3A_1363 = arith.constant 32 : index
      %get3A_1364 = tpu.vector_load %arg19[%get3A_1362, %get3A_1363] {strides = array<i32>} : memref<50x64xf32, #tpu.memory_space<vmem>>, vector<1x16xf32>,
      %get3A_1365 = vector.shape_cast %get3A_1364 : vector<1x16xf32> to vector<16xf32>
      %mul3A_1366 = arith.mulf %get3A_1365, %gather3A_1346 : vector<16xf32>
      %add3A_1367 = arith.addf %add3A_1326, %mul3A_1366 : vector<16xf32>
      %get3A_1368 = arith.constant 31 : i32
      %get3A_1369 = arith.index_cast %get3A_1368 : i32 to index
      %get3A_1370 = arith.constant 48 : index
      %get3A_1371 = tpu.vector_load %arg19[%get3A_1369, %get3A_1370] {strides = array<i32>} : memref<50x64xf32, #tpu.memory_space<vmem>>, vector<1x16xf32>,
      %get3A_1372 = vector.shape_cast %get3A_1371 : vector<1x16xf32> to vector<16xf32>
      %mul3A_1373 = arith.mulf %get3A_1372, %gather3A_1346 : vector<16xf32>
      %add3A_1374 = arith.addf %add3A_1333, %mul3A_1373 : vector<16xf32>
      %add3A_1375 = arith.addf %add3A_1334, %gather3A_1346 : vector<16xf32>
      %broadcast_in_dim3A_1376 = arith.constant 0 : i32
      %broadcast_in_dim3A_1377 = vector.broadcast %broadcast_in_dim3A_1376 : i32 to vector<16xi32>
      %lt3A_1378 = arith.constant 0 : i32
      %lt3A_1379 = vector.broadcast %lt3A_1378 : i32 to vector<16xi32>
      %lt3A_1380 = arith.cmpi slt, %broadcast_in_dim3A_1377, %lt3A_1379 : vector<16xi32>
      %add3A_1381 = arith.constant 16 : i32
      %add3A_1382 = vector.broadcast %add3A_1381 : i32 to vector<16xi32>
      %add3A_1383 = arith.addi %broadcast_in_dim3A_1377, %add3A_1382 : vector<16xi32>
      %select_n3A_1384 = arith.select %lt3A_1380, %add3A_1383, %broadcast_in_dim3A_1377 : vector<16xi1>, vector<16xi32>
      %broadcast_in_dim3A_1385 = vector.shape_cast %select_n3A_1384 : vector<16xi32> to vector<16x1xi32>
      %gather3A_1386 = vector.shape_cast %broadcast_in_dim3A_1385 : vector<16x1xi32> to vector<16xi32>
      %gather3A_1387 = tpu.dynamic_gather %get3A_61[%gather3A_1386] in [0] : vector<16xf32>, vector<16xi32> -> vector<16xf32>
      %get3A_1388 = arith.constant 32 : i32
      %get3A_1389 = arith.index_cast %get3A_1388 : i32 to index
      %get3A_1390 = arith.constant 0 : index
      %get3A_1391 = tpu.vector_load %arg19[%get3A_1389, %get3A_1390] {strides = array<i32>} : memref<50x64xf32, #tpu.memory_space<vmem>>, vector<1x16xf32>,
      %get3A_1392 = vector.shape_cast %get3A_1391 : vector<1x16xf32> to vector<16xf32>
      %mul3A_1393 = arith.mulf %get3A_1392, %gather3A_1387 : vector<16xf32>
      %add3A_1394 = arith.addf %add3A_1353, %mul3A_1393 : vector<16xf32>
      %get3A_1395 = arith.constant 32 : i32
      %get3A_1396 = arith.index_cast %get3A_1395 : i32 to index
      %get3A_1397 = arith.constant 16 : index
      %get3A_1398 = tpu.vector_load %arg19[%get3A_1396, %get3A_1397] {strides = array<i32>} : memref<50x64xf32, #tpu.memory_space<vmem>>, vector<1x16xf32>,
      %get3A_1399 = vector.shape_cast %get3A_1398 : vector<1x16xf32> to vector<16xf32>
      %mul3A_1400 = arith.mulf %get3A_1399, %gather3A_1387 : vector<16xf32>
      %add3A_1401 = arith.addf %add3A_1360, %mul3A_1400 : vector<16xf32>
      %get3A_1402 = arith.constant 32 : i32
      %get3A_1403 = arith.index_cast %get3A_1402 : i32 to index
      %get3A_1404 = arith.constant 32 : index
      %get3A_1405 = tpu.vector_load %arg19[%get3A_1403, %get3A_1404] {strides = array<i32>} : memref<50x64xf32, #tpu.memory_space<vmem>>, vector<1x16xf32>,
      %get3A_1406 = vector.shape_cast %get3A_1405 : vector<1x16xf32> to vector<16xf32>
      %mul3A_1407 = arith.mulf %get3A_1406, %gather3A_1387 : vector<16xf32>
      %add3A_1408 = arith.addf %add3A_1367, %mul3A_1407 : vector<16xf32>
      %get3A_1409 = arith.constant 32 : i32
      %get3A_1410 = arith.index_cast %get3A_1409 : i32 to index
      %get3A_1411 = arith.constant 48 : index
      %get3A_1412 = tpu.vector_load %arg19[%get3A_1410, %get3A_1411] {strides = array<i32>} : memref<50x64xf32, #tpu.memory_space<vmem>>, vector<1x16xf32>,
      %get3A_1413 = vector.shape_cast %get3A_1412 : vector<1x16xf32> to vector<16xf32>
      %mul3A_1414 = arith.mulf %get3A_1413, %gather3A_1387 : vector<16xf32>
      %add3A_1415 = arith.addf %add3A_1374, %mul3A_1414 : vector<16xf32>
      %add3A_1416 = arith.addf %add3A_1375, %gather3A_1387 : vector<16xf32>
      %broadcast_in_dim3A_1417 = arith.constant 1 : i32
      %broadcast_in_dim3A_1418 = vector.broadcast %broadcast_in_dim3A_1417 : i32 to vector<16xi32>
      %lt3A_1419 = arith.constant 0 : i32
      %lt3A_1420 = vector.broadcast %lt3A_1419 : i32 to vector<16xi32>
      %lt3A_1421 = arith.cmpi slt, %broadcast_in_dim3A_1418, %lt3A_1420 : vector<16xi32>
      %add3A_1422 = arith.constant 16 : i32
      %add3A_1423 = vector.broadcast %add3A_1422 : i32 to vector<16xi32>
      %add3A_1424 = arith.addi %broadcast_in_dim3A_1418, %add3A_1423 : vector<16xi32>
      %select_n3A_1425 = arith.select %lt3A_1421, %add3A_1424, %broadcast_in_dim3A_1418 : vector<16xi1>, vector<16xi32>
      %broadcast_in_dim3A_1426 = vector.shape_cast %select_n3A_1425 : vector<16xi32> to vector<16x1xi32>
      %gather3A_1427 = vector.shape_cast %broadcast_in_dim3A_1426 : vector<16x1xi32> to vector<16xi32>
      %gather3A_1428 = tpu.dynamic_gather %get3A_61[%gather3A_1427] in [0] : vector<16xf32>, vector<16xi32> -> vector<16xf32>
      %get3A_1429 = arith.constant 33 : i32
      %get3A_1430 = arith.index_cast %get3A_1429 : i32 to index
      %get3A_1431 = arith.constant 0 : index
      %get3A_1432 = tpu.vector_load %arg19[%get3A_1430, %get3A_1431] {strides = array<i32>} : memref<50x64xf32, #tpu.memory_space<vmem>>, vector<1x16xf32>,
      %get3A_1433 = vector.shape_cast %get3A_1432 : vector<1x16xf32> to vector<16xf32>
      %mul3A_1434 = arith.mulf %get3A_1433, %gather3A_1428 : vector<16xf32>
      %add3A_1435 = arith.addf %add3A_1394, %mul3A_1434 : vector<16xf32>
      %get3A_1436 = arith.constant 33 : i32
      %get3A_1437 = arith.index_cast %get3A_1436 : i32 to index
      %get3A_1438 = arith.constant 16 : index
      %get3A_1439 = tpu.vector_load %arg19[%get3A_1437, %get3A_1438] {strides = array<i32>} : memref<50x64xf32, #tpu.memory_space<vmem>>, vector<1x16xf32>,
      %get3A_1440 = vector.shape_cast %get3A_1439 : vector<1x16xf32> to vector<16xf32>
      %mul3A_1441 = arith.mulf %get3A_1440, %gather3A_1428 : vector<16xf32>
      %add3A_1442 = arith.addf %add3A_1401, %mul3A_1441 : vector<16xf32>
      %get3A_1443 = arith.constant 33 : i32
      %get3A_1444 = arith.index_cast %get3A_1443 : i32 to index
      %get3A_1445 = arith.constant 32 : index
      %get3A_1446 = tpu.vector_load %arg19[%get3A_1444, %get3A_1445] {strides = array<i32>} : memref<50x64xf32, #tpu.memory_space<vmem>>, vector<1x16xf32>,
      %get3A_1447 = vector.shape_cast %get3A_1446 : vector<1x16xf32> to vector<16xf32>
      %mul3A_1448 = arith.mulf %get3A_1447, %gather3A_1428 : vector<16xf32>
      %add3A_1449 = arith.addf %add3A_1408, %mul3A_1448 : vector<16xf32>
      %get3A_1450 = arith.constant 33 : i32
      %get3A_1451 = arith.index_cast %get3A_1450 : i32 to index
      %get3A_1452 = arith.constant 48 : index
      %get3A_1453 = tpu.vector_load %arg19[%get3A_1451, %get3A_1452] {strides = array<i32>} : memref<50x64xf32, #tpu.memory_space<vmem>>, vector<1x16xf32>,
      %get3A_1454 = vector.shape_cast %get3A_1453 : vector<1x16xf32> to vector<16xf32>
      %mul3A_1455 = arith.mulf %get3A_1454, %gather3A_1428 : vector<16xf32>
      %add3A_1456 = arith.addf %add3A_1415, %mul3A_1455 : vector<16xf32>
      %add3A_1457 = arith.addf %add3A_1416, %gather3A_1428 : vector<16xf32>
      %broadcast_in_dim3A_1458 = arith.constant 2 : i32
      %broadcast_in_dim3A_1459 = vector.broadcast %broadcast_in_dim3A_1458 : i32 to vector<16xi32>
      %lt3A_1460 = arith.constant 0 : i32
      %lt3A_1461 = vector.broadcast %lt3A_1460 : i32 to vector<16xi32>
      %lt3A_1462 = arith.cmpi slt, %broadcast_in_dim3A_1459, %lt3A_1461 : vector<16xi32>
      %add3A_1463 = arith.constant 16 : i32
      %add3A_1464 = vector.broadcast %add3A_1463 : i32 to vector<16xi32>
      %add3A_1465 = arith.addi %broadcast_in_dim3A_1459, %add3A_1464 : vector<16xi32>
      %select_n3A_1466 = arith.select %lt3A_1462, %add3A_1465, %broadcast_in_dim3A_1459 : vector<16xi1>, vector<16xi32>
      %broadcast_in_dim3A_1467 = vector.shape_cast %select_n3A_1466 : vector<16xi32> to vector<16x1xi32>
      %gather3A_1468 = vector.shape_cast %broadcast_in_dim3A_1467 : vector<16x1xi32> to vector<16xi32>
      %gather3A_1469 = tpu.dynamic_gather %get3A_61[%gather3A_1468] in [0] : vector<16xf32>, vector<16xi32> -> vector<16xf32>
      %get3A_1470 = arith.constant 34 : i32
      %get3A_1471 = arith.index_cast %get3A_1470 : i32 to index
      %get3A_1472 = arith.constant 0 : index
      %get3A_1473 = tpu.vector_load %arg19[%get3A_1471, %get3A_1472] {strides = array<i32>} : memref<50x64xf32, #tpu.memory_space<vmem>>, vector<1x16xf32>,
      %get3A_1474 = vector.shape_cast %get3A_1473 : vector<1x16xf32> to vector<16xf32>
      %mul3A_1475 = arith.mulf %get3A_1474, %gather3A_1469 : vector<16xf32>
      %add3A_1476 = arith.addf %add3A_1435, %mul3A_1475 : vector<16xf32>
      %get3A_1477 = arith.constant 34 : i32
      %get3A_1478 = arith.index_cast %get3A_1477 : i32 to index
      %get3A_1479 = arith.constant 16 : index
      %get3A_1480 = tpu.vector_load %arg19[%get3A_1478, %get3A_1479] {strides = array<i32>} : memref<50x64xf32, #tpu.memory_space<vmem>>, vector<1x16xf32>,
      %get3A_1481 = vector.shape_cast %get3A_1480 : vector<1x16xf32> to vector<16xf32>
      %mul3A_1482 = arith.mulf %get3A_1481, %gather3A_1469 : vector<16xf32>
      %add3A_1483 = arith.addf %add3A_1442, %mul3A_1482 : vector<16xf32>
      %get3A_1484 = arith.constant 34 : i32
      %get3A_1485 = arith.index_cast %get3A_1484 : i32 to index
      %get3A_1486 = arith.constant 32 : index
      %get3A_1487 = tpu.vector_load %arg19[%get3A_1485, %get3A_1486] {strides = array<i32>} : memref<50x64xf32, #tpu.memory_space<vmem>>, vector<1x16xf32>,
      %get3A_1488 = vector.shape_cast %get3A_1487 : vector<1x16xf32> to vector<16xf32>
      %mul3A_1489 = arith.mulf %get3A_1488, %gather3A_1469 : vector<16xf32>
      %add3A_1490 = arith.addf %add3A_1449, %mul3A_1489 : vector<16xf32>
      %get3A_1491 = arith.constant 34 : i32
      %get3A_1492 = arith.index_cast %get3A_1491 : i32 to index
      %get3A_1493 = arith.constant 48 : index
      %get3A_1494 = tpu.vector_load %arg19[%get3A_1492, %get3A_1493] {strides = array<i32>} : memref<50x64xf32, #tpu.memory_space<vmem>>, vector<1x16xf32>,
      %get3A_1495 = vector.shape_cast %get3A_1494 : vector<1x16xf32> to vector<16xf32>
      %mul3A_1496 = arith.mulf %get3A_1495, %gather3A_1469 : vector<16xf32>
      %add3A_1497 = arith.addf %add3A_1456, %mul3A_1496 : vector<16xf32>
      %add3A_1498 = arith.addf %add3A_1457, %gather3A_1469 : vector<16xf32>
      %broadcast_in_dim3A_1499 = arith.constant 3 : i32
      %broadcast_in_dim3A_1500 = vector.broadcast %broadcast_in_dim3A_1499 : i32 to vector<16xi32>
      %lt3A_1501 = arith.constant 0 : i32
      %lt3A_1502 = vector.broadcast %lt3A_1501 : i32 to vector<16xi32>
      %lt3A_1503 = arith.cmpi slt, %broadcast_in_dim3A_1500, %lt3A_1502 : vector<16xi32>
      %add3A_1504 = arith.constant 16 : i32
      %add3A_1505 = vector.broadcast %add3A_1504 : i32 to vector<16xi32>
      %add3A_1506 = arith.addi %broadcast_in_dim3A_1500, %add3A_1505 : vector<16xi32>
      %select_n3A_1507 = arith.select %lt3A_1503, %add3A_1506, %broadcast_in_dim3A_1500 : vector<16xi1>, vector<16xi32>
      %broadcast_in_dim3A_1508 = vector.shape_cast %select_n3A_1507 : vector<16xi32> to vector<16x1xi32>
      %gather3A_1509 = vector.shape_cast %broadcast_in_dim3A_1508 : vector<16x1xi32> to vector<16xi32>
      %gather3A_1510 = tpu.dynamic_gather %get3A_61[%gather3A_1509] in [0] : vector<16xf32>, vector<16xi32> -> vector<16xf32>
      %get3A_1511 = arith.constant 35 : i32
      %get3A_1512 = arith.index_cast %get3A_1511 : i32 to index
      %get3A_1513 = arith.constant 0 : index
      %get3A_1514 = tpu.vector_load %arg19[%get3A_1512, %get3A_1513] {strides = array<i32>} : memref<50x64xf32, #tpu.memory_space<vmem>>, vector<1x16xf32>,
      %get3A_1515 = vector.shape_cast %get3A_1514 : vector<1x16xf32> to vector<16xf32>
      %mul3A_1516 = arith.mulf %get3A_1515, %gather3A_1510 : vector<16xf32>
      %add3A_1517 = arith.addf %add3A_1476, %mul3A_1516 : vector<16xf32>
      %get3A_1518 = arith.constant 35 : i32
      %get3A_1519 = arith.index_cast %get3A_1518 : i32 to index
      %get3A_1520 = arith.constant 16 : index
      %get3A_1521 = tpu.vector_load %arg19[%get3A_1519, %get3A_1520] {strides = array<i32>} : memref<50x64xf32, #tpu.memory_space<vmem>>, vector<1x16xf32>,
      %get3A_1522 = vector.shape_cast %get3A_1521 : vector<1x16xf32> to vector<16xf32>
      %mul3A_1523 = arith.mulf %get3A_1522, %gather3A_1510 : vector<16xf32>
      %add3A_1524 = arith.addf %add3A_1483, %mul3A_1523 : vector<16xf32>
      %get3A_1525 = arith.constant 35 : i32
      %get3A_1526 = arith.index_cast %get3A_1525 : i32 to index
      %get3A_1527 = arith.constant 32 : index
      %get3A_1528 = tpu.vector_load %arg19[%get3A_1526, %get3A_1527] {strides = array<i32>} : memref<50x64xf32, #tpu.memory_space<vmem>>, vector<1x16xf32>,
      %get3A_1529 = vector.shape_cast %get3A_1528 : vector<1x16xf32> to vector<16xf32>
      %mul3A_1530 = arith.mulf %get3A_1529, %gather3A_1510 : vector<16xf32>
      %add3A_1531 = arith.addf %add3A_1490, %mul3A_1530 : vector<16xf32>
      %get3A_1532 = arith.constant 35 : i32
      %get3A_1533 = arith.index_cast %get3A_1532 : i32 to index
      %get3A_1534 = arith.constant 48 : index
      %get3A_1535 = tpu.vector_load %arg19[%get3A_1533, %get3A_1534] {strides = array<i32>} : memref<50x64xf32, #tpu.memory_space<vmem>>, vector<1x16xf32>,
      %get3A_1536 = vector.shape_cast %get3A_1535 : vector<1x16xf32> to vector<16xf32>
      %mul3A_1537 = arith.mulf %get3A_1536, %gather3A_1510 : vector<16xf32>
      %add3A_1538 = arith.addf %add3A_1497, %mul3A_1537 : vector<16xf32>
      %add3A_1539 = arith.addf %add3A_1498, %gather3A_1510 : vector<16xf32>
      %broadcast_in_dim3A_1540 = arith.constant 4 : i32
      %broadcast_in_dim3A_1541 = vector.broadcast %broadcast_in_dim3A_1540 : i32 to vector<16xi32>
      %lt3A_1542 = arith.constant 0 : i32
      %lt3A_1543 = vector.broadcast %lt3A_1542 : i32 to vector<16xi32>
      %lt3A_1544 = arith.cmpi slt, %broadcast_in_dim3A_1541, %lt3A_1543 : vector<16xi32>
      %add3A_1545 = arith.constant 16 : i32
      %add3A_1546 = vector.broadcast %add3A_1545 : i32 to vector<16xi32>
      %add3A_1547 = arith.addi %broadcast_in_dim3A_1541, %add3A_1546 : vector<16xi32>
      %select_n3A_1548 = arith.select %lt3A_1544, %add3A_1547, %broadcast_in_dim3A_1541 : vector<16xi1>, vector<16xi32>
      %broadcast_in_dim3A_1549 = vector.shape_cast %select_n3A_1548 : vector<16xi32> to vector<16x1xi32>
      %gather3A_1550 = vector.shape_cast %broadcast_in_dim3A_1549 : vector<16x1xi32> to vector<16xi32>
      %gather3A_1551 = tpu.dynamic_gather %get3A_61[%gather3A_1550] in [0] : vector<16xf32>, vector<16xi32> -> vector<16xf32>
      %get3A_1552 = arith.constant 36 : i32
      %get3A_1553 = arith.index_cast %get3A_1552 : i32 to index
      %get3A_1554 = arith.constant 0 : index
      %get3A_1555 = tpu.vector_load %arg19[%get3A_1553, %get3A_1554] {strides = array<i32>} : memref<50x64xf32, #tpu.memory_space<vmem>>, vector<1x16xf32>,
      %get3A_1556 = vector.shape_cast %get3A_1555 : vector<1x16xf32> to vector<16xf32>
      %mul3A_1557 = arith.mulf %get3A_1556, %gather3A_1551 : vector<16xf32>
      %add3A_1558 = arith.addf %add3A_1517, %mul3A_1557 : vector<16xf32>
      %get3A_1559 = arith.constant 36 : i32
      %get3A_1560 = arith.index_cast %get3A_1559 : i32 to index
      %get3A_1561 = arith.constant 16 : index
      %get3A_1562 = tpu.vector_load %arg19[%get3A_1560, %get3A_1561] {strides = array<i32>} : memref<50x64xf32, #tpu.memory_space<vmem>>, vector<1x16xf32>,
      %get3A_1563 = vector.shape_cast %get3A_1562 : vector<1x16xf32> to vector<16xf32>
      %mul3A_1564 = arith.mulf %get3A_1563, %gather3A_1551 : vector<16xf32>
      %add3A_1565 = arith.addf %add3A_1524, %mul3A_1564 : vector<16xf32>
      %get3A_1566 = arith.constant 36 : i32
      %get3A_1567 = arith.index_cast %get3A_1566 : i32 to index
      %get3A_1568 = arith.constant 32 : index
      %get3A_1569 = tpu.vector_load %arg19[%get3A_1567, %get3A_1568] {strides = array<i32>} : memref<50x64xf32, #tpu.memory_space<vmem>>, vector<1x16xf32>,
      %get3A_1570 = vector.shape_cast %get3A_1569 : vector<1x16xf32> to vector<16xf32>
      %mul3A_1571 = arith.mulf %get3A_1570, %gather3A_1551 : vector<16xf32>
      %add3A_1572 = arith.addf %add3A_1531, %mul3A_1571 : vector<16xf32>
      %get3A_1573 = arith.constant 36 : i32
      %get3A_1574 = arith.index_cast %get3A_1573 : i32 to index
      %get3A_1575 = arith.constant 48 : index
      %get3A_1576 = tpu.vector_load %arg19[%get3A_1574, %get3A_1575] {strides = array<i32>} : memref<50x64xf32, #tpu.memory_space<vmem>>, vector<1x16xf32>,
      %get3A_1577 = vector.shape_cast %get3A_1576 : vector<1x16xf32> to vector<16xf32>
      %mul3A_1578 = arith.mulf %get3A_1577, %gather3A_1551 : vector<16xf32>
      %add3A_1579 = arith.addf %add3A_1538, %mul3A_1578 : vector<16xf32>
      %add3A_1580 = arith.addf %add3A_1539, %gather3A_1551 : vector<16xf32>
      %broadcast_in_dim3A_1581 = arith.constant 5 : i32
      %broadcast_in_dim3A_1582 = vector.broadcast %broadcast_in_dim3A_1581 : i32 to vector<16xi32>
      %lt3A_1583 = arith.constant 0 : i32
      %lt3A_1584 = vector.broadcast %lt3A_1583 : i32 to vector<16xi32>
      %lt3A_1585 = arith.cmpi slt, %broadcast_in_dim3A_1582, %lt3A_1584 : vector<16xi32>
      %add3A_1586 = arith.constant 16 : i32
      %add3A_1587 = vector.broadcast %add3A_1586 : i32 to vector<16xi32>
      %add3A_1588 = arith.addi %broadcast_in_dim3A_1582, %add3A_1587 : vector<16xi32>
      %select_n3A_1589 = arith.select %lt3A_1585, %add3A_1588, %broadcast_in_dim3A_1582 : vector<16xi1>, vector<16xi32>
      %broadcast_in_dim3A_1590 = vector.shape_cast %select_n3A_1589 : vector<16xi32> to vector<16x1xi32>
      %gather3A_1591 = vector.shape_cast %broadcast_in_dim3A_1590 : vector<16x1xi32> to vector<16xi32>
      %gather3A_1592 = tpu.dynamic_gather %get3A_61[%gather3A_1591] in [0] : vector<16xf32>, vector<16xi32> -> vector<16xf32>
      %get3A_1593 = arith.constant 37 : i32
      %get3A_1594 = arith.index_cast %get3A_1593 : i32 to index
      %get3A_1595 = arith.constant 0 : index
      %get3A_1596 = tpu.vector_load %arg19[%get3A_1594, %get3A_1595] {strides = array<i32>} : memref<50x64xf32, #tpu.memory_space<vmem>>, vector<1x16xf32>,
      %get3A_1597 = vector.shape_cast %get3A_1596 : vector<1x16xf32> to vector<16xf32>
      %mul3A_1598 = arith.mulf %get3A_1597, %gather3A_1592 : vector<16xf32>
      %add3A_1599 = arith.addf %add3A_1558, %mul3A_1598 : vector<16xf32>
      %get3A_1600 = arith.constant 37 : i32
      %get3A_1601 = arith.index_cast %get3A_1600 : i32 to index
      %get3A_1602 = arith.constant 16 : index
      %get3A_1603 = tpu.vector_load %arg19[%get3A_1601, %get3A_1602] {strides = array<i32>} : memref<50x64xf32, #tpu.memory_space<vmem>>, vector<1x16xf32>,
      %get3A_1604 = vector.shape_cast %get3A_1603 : vector<1x16xf32> to vector<16xf32>
      %mul3A_1605 = arith.mulf %get3A_1604, %gather3A_1592 : vector<16xf32>
      %add3A_1606 = arith.addf %add3A_1565, %mul3A_1605 : vector<16xf32>
      %get3A_1607 = arith.constant 37 : i32
      %get3A_1608 = arith.index_cast %get3A_1607 : i32 to index
      %get3A_1609 = arith.constant 32 : index
      %get3A_1610 = tpu.vector_load %arg19[%get3A_1608, %get3A_1609] {strides = array<i32>} : memref<50x64xf32, #tpu.memory_space<vmem>>, vector<1x16xf32>,
      %get3A_1611 = vector.shape_cast %get3A_1610 : vector<1x16xf32> to vector<16xf32>
      %mul3A_1612 = arith.mulf %get3A_1611, %gather3A_1592 : vector<16xf32>
      %add3A_1613 = arith.addf %add3A_1572, %mul3A_1612 : vector<16xf32>
      %get3A_1614 = arith.constant 37 : i32
      %get3A_1615 = arith.index_cast %get3A_1614 : i32 to index
      %get3A_1616 = arith.constant 48 : index
      %get3A_1617 = tpu.vector_load %arg19[%get3A_1615, %get3A_1616] {strides = array<i32>} : memref<50x64xf32, #tpu.memory_space<vmem>>, vector<1x16xf32>,
      %get3A_1618 = vector.shape_cast %get3A_1617 : vector<1x16xf32> to vector<16xf32>
      %mul3A_1619 = arith.mulf %get3A_1618, %gather3A_1592 : vector<16xf32>
      %add3A_1620 = arith.addf %add3A_1579, %mul3A_1619 : vector<16xf32>
      %add3A_1621 = arith.addf %add3A_1580, %gather3A_1592 : vector<16xf32>
      %broadcast_in_dim3A_1622 = arith.constant 6 : i32
      %broadcast_in_dim3A_1623 = vector.broadcast %broadcast_in_dim3A_1622 : i32 to vector<16xi32>
      %lt3A_1624 = arith.constant 0 : i32
      %lt3A_1625 = vector.broadcast %lt3A_1624 : i32 to vector<16xi32>
      %lt3A_1626 = arith.cmpi slt, %broadcast_in_dim3A_1623, %lt3A_1625 : vector<16xi32>
      %add3A_1627 = arith.constant 16 : i32
      %add3A_1628 = vector.broadcast %add3A_1627 : i32 to vector<16xi32>
      %add3A_1629 = arith.addi %broadcast_in_dim3A_1623, %add3A_1628 : vector<16xi32>
      %select_n3A_1630 = arith.select %lt3A_1626, %add3A_1629, %broadcast_in_dim3A_1623 : vector<16xi1>, vector<16xi32>
      %broadcast_in_dim3A_1631 = vector.shape_cast %select_n3A_1630 : vector<16xi32> to vector<16x1xi32>
      %gather3A_1632 = vector.shape_cast %broadcast_in_dim3A_1631 : vector<16x1xi32> to vector<16xi32>
      %gather3A_1633 = tpu.dynamic_gather %get3A_61[%gather3A_1632] in [0] : vector<16xf32>, vector<16xi32> -> vector<16xf32>
      %get3A_1634 = arith.constant 38 : i32
      %get3A_1635 = arith.index_cast %get3A_1634 : i32 to index
      %get3A_1636 = arith.constant 0 : index
      %get3A_1637 = tpu.vector_load %arg19[%get3A_1635, %get3A_1636] {strides = array<i32>} : memref<50x64xf32, #tpu.memory_space<vmem>>, vector<1x16xf32>,
      %get3A_1638 = vector.shape_cast %get3A_1637 : vector<1x16xf32> to vector<16xf32>
      %mul3A_1639 = arith.mulf %get3A_1638, %gather3A_1633 : vector<16xf32>
      %add3A_1640 = arith.addf %add3A_1599, %mul3A_1639 : vector<16xf32>
      %get3A_1641 = arith.constant 38 : i32
      %get3A_1642 = arith.index_cast %get3A_1641 : i32 to index
      %get3A_1643 = arith.constant 16 : index
      %get3A_1644 = tpu.vector_load %arg19[%get3A_1642, %get3A_1643] {strides = array<i32>} : memref<50x64xf32, #tpu.memory_space<vmem>>, vector<1x16xf32>,
      %get3A_1645 = vector.shape_cast %get3A_1644 : vector<1x16xf32> to vector<16xf32>
      %mul3A_1646 = arith.mulf %get3A_1645, %gather3A_1633 : vector<16xf32>
      %add3A_1647 = arith.addf %add3A_1606, %mul3A_1646 : vector<16xf32>
      %get3A_1648 = arith.constant 38 : i32
      %get3A_1649 = arith.index_cast %get3A_1648 : i32 to index
      %get3A_1650 = arith.constant 32 : index
      %get3A_1651 = tpu.vector_load %arg19[%get3A_1649, %get3A_1650] {strides = array<i32>} : memref<50x64xf32, #tpu.memory_space<vmem>>, vector<1x16xf32>,
      %get3A_1652 = vector.shape_cast %get3A_1651 : vector<1x16xf32> to vector<16xf32>
      %mul3A_1653 = arith.mulf %get3A_1652, %gather3A_1633 : vector<16xf32>
      %add3A_1654 = arith.addf %add3A_1613, %mul3A_1653 : vector<16xf32>
      %get3A_1655 = arith.constant 38 : i32
      %get3A_1656 = arith.index_cast %get3A_1655 : i32 to index
      %get3A_1657 = arith.constant 48 : index
      %get3A_1658 = tpu.vector_load %arg19[%get3A_1656, %get3A_1657] {strides = array<i32>} : memref<50x64xf32, #tpu.memory_space<vmem>>, vector<1x16xf32>,
      %get3A_1659 = vector.shape_cast %get3A_1658 : vector<1x16xf32> to vector<16xf32>
      %mul3A_1660 = arith.mulf %get3A_1659, %gather3A_1633 : vector<16xf32>
      %add3A_1661 = arith.addf %add3A_1620, %mul3A_1660 : vector<16xf32>
      %add3A_1662 = arith.addf %add3A_1621, %gather3A_1633 : vector<16xf32>
      %broadcast_in_dim3A_1663 = arith.constant 7 : i32
      %broadcast_in_dim3A_1664 = vector.broadcast %broadcast_in_dim3A_1663 : i32 to vector<16xi32>
      %lt3A_1665 = arith.constant 0 : i32
      %lt3A_1666 = vector.broadcast %lt3A_1665 : i32 to vector<16xi32>
      %lt3A_1667 = arith.cmpi slt, %broadcast_in_dim3A_1664, %lt3A_1666 : vector<16xi32>
      %add3A_1668 = arith.constant 16 : i32
      %add3A_1669 = vector.broadcast %add3A_1668 : i32 to vector<16xi32>
      %add3A_1670 = arith.addi %broadcast_in_dim3A_1664, %add3A_1669 : vector<16xi32>
      %select_n3A_1671 = arith.select %lt3A_1667, %add3A_1670, %broadcast_in_dim3A_1664 : vector<16xi1>, vector<16xi32>
      %broadcast_in_dim3A_1672 = vector.shape_cast %select_n3A_1671 : vector<16xi32> to vector<16x1xi32>
      %gather3A_1673 = vector.shape_cast %broadcast_in_dim3A_1672 : vector<16x1xi32> to vector<16xi32>
      %gather3A_1674 = tpu.dynamic_gather %get3A_61[%gather3A_1673] in [0] : vector<16xf32>, vector<16xi32> -> vector<16xf32>
      %get3A_1675 = arith.constant 39 : i32
      %get3A_1676 = arith.index_cast %get3A_1675 : i32 to index
      %get3A_1677 = arith.constant 0 : index
      %get3A_1678 = tpu.vector_load %arg19[%get3A_1676, %get3A_1677] {strides = array<i32>} : memref<50x64xf32, #tpu.memory_space<vmem>>, vector<1x16xf32>,
      %get3A_1679 = vector.shape_cast %get3A_1678 : vector<1x16xf32> to vector<16xf32>
      %mul3A_1680 = arith.mulf %get3A_1679, %gather3A_1674 : vector<16xf32>
      %add3A_1681 = arith.addf %add3A_1640, %mul3A_1680 : vector<16xf32>
      %get3A_1682 = arith.constant 39 : i32
      %get3A_1683 = arith.index_cast %get3A_1682 : i32 to index
      %get3A_1684 = arith.constant 16 : index
      %get3A_1685 = tpu.vector_load %arg19[%get3A_1683, %get3A_1684] {strides = array<i32>} : memref<50x64xf32, #tpu.memory_space<vmem>>, vector<1x16xf32>,
      %get3A_1686 = vector.shape_cast %get3A_1685 : vector<1x16xf32> to vector<16xf32>
      %mul3A_1687 = arith.mulf %get3A_1686, %gather3A_1674 : vector<16xf32>
      %add3A_1688 = arith.addf %add3A_1647, %mul3A_1687 : vector<16xf32>
      %get3A_1689 = arith.constant 39 : i32
      %get3A_1690 = arith.index_cast %get3A_1689 : i32 to index
      %get3A_1691 = arith.constant 32 : index
      %get3A_1692 = tpu.vector_load %arg19[%get3A_1690, %get3A_1691] {strides = array<i32>} : memref<50x64xf32, #tpu.memory_space<vmem>>, vector<1x16xf32>,
      %get3A_1693 = vector.shape_cast %get3A_1692 : vector<1x16xf32> to vector<16xf32>
      %mul3A_1694 = arith.mulf %get3A_1693, %gather3A_1674 : vector<16xf32>
      %add3A_1695 = arith.addf %add3A_1654, %mul3A_1694 : vector<16xf32>
      %get3A_1696 = arith.constant 39 : i32
      %get3A_1697 = arith.index_cast %get3A_1696 : i32 to index
      %get3A_1698 = arith.constant 48 : index
      %get3A_1699 = tpu.vector_load %arg19[%get3A_1697, %get3A_1698] {strides = array<i32>} : memref<50x64xf32, #tpu.memory_space<vmem>>, vector<1x16xf32>,
      %get3A_1700 = vector.shape_cast %get3A_1699 : vector<1x16xf32> to vector<16xf32>
      %mul3A_1701 = arith.mulf %get3A_1700, %gather3A_1674 : vector<16xf32>
      %add3A_1702 = arith.addf %add3A_1661, %mul3A_1701 : vector<16xf32>
      %add3A_1703 = arith.addf %add3A_1662, %gather3A_1674 : vector<16xf32>
      %broadcast_in_dim3A_1704 = arith.constant 8 : i32
      %broadcast_in_dim3A_1705 = vector.broadcast %broadcast_in_dim3A_1704 : i32 to vector<16xi32>
      %lt3A_1706 = arith.constant 0 : i32
      %lt3A_1707 = vector.broadcast %lt3A_1706 : i32 to vector<16xi32>
      %lt3A_1708 = arith.cmpi slt, %broadcast_in_dim3A_1705, %lt3A_1707 : vector<16xi32>
      %add3A_1709 = arith.constant 16 : i32
      %add3A_1710 = vector.broadcast %add3A_1709 : i32 to vector<16xi32>
      %add3A_1711 = arith.addi %broadcast_in_dim3A_1705, %add3A_1710 : vector<16xi32>
      %select_n3A_1712 = arith.select %lt3A_1708, %add3A_1711, %broadcast_in_dim3A_1705 : vector<16xi1>, vector<16xi32>
      %broadcast_in_dim3A_1713 = vector.shape_cast %select_n3A_1712 : vector<16xi32> to vector<16x1xi32>
      %gather3A_1714 = vector.shape_cast %broadcast_in_dim3A_1713 : vector<16x1xi32> to vector<16xi32>
      %gather3A_1715 = tpu.dynamic_gather %get3A_61[%gather3A_1714] in [0] : vector<16xf32>, vector<16xi32> -> vector<16xf32>
      %get3A_1716 = arith.constant 40 : i32
      %get3A_1717 = arith.index_cast %get3A_1716 : i32 to index
      %get3A_1718 = arith.constant 0 : index
      %get3A_1719 = tpu.vector_load %arg19[%get3A_1717, %get3A_1718] {strides = array<i32>} : memref<50x64xf32, #tpu.memory_space<vmem>>, vector<1x16xf32>,
      %get3A_1720 = vector.shape_cast %get3A_1719 : vector<1x16xf32> to vector<16xf32>
      %mul3A_1721 = arith.mulf %get3A_1720, %gather3A_1715 : vector<16xf32>
      %add3A_1722 = arith.addf %add3A_1681, %mul3A_1721 : vector<16xf32>
      %get3A_1723 = arith.constant 40 : i32
      %get3A_1724 = arith.index_cast %get3A_1723 : i32 to index
      %get3A_1725 = arith.constant 16 : index
      %get3A_1726 = tpu.vector_load %arg19[%get3A_1724, %get3A_1725] {strides = array<i32>} : memref<50x64xf32, #tpu.memory_space<vmem>>, vector<1x16xf32>,
      %get3A_1727 = vector.shape_cast %get3A_1726 : vector<1x16xf32> to vector<16xf32>
      %mul3A_1728 = arith.mulf %get3A_1727, %gather3A_1715 : vector<16xf32>
      %add3A_1729 = arith.addf %add3A_1688, %mul3A_1728 : vector<16xf32>
      %get3A_1730 = arith.constant 40 : i32
      %get3A_1731 = arith.index_cast %get3A_1730 : i32 to index
      %get3A_1732 = arith.constant 32 : index
      %get3A_1733 = tpu.vector_load %arg19[%get3A_1731, %get3A_1732] {strides = array<i32>} : memref<50x64xf32, #tpu.memory_space<vmem>>, vector<1x16xf32>,
      %get3A_1734 = vector.shape_cast %get3A_1733 : vector<1x16xf32> to vector<16xf32>
      %mul3A_1735 = arith.mulf %get3A_1734, %gather3A_1715 : vector<16xf32>
      %add3A_1736 = arith.addf %add3A_1695, %mul3A_1735 : vector<16xf32>
      %get3A_1737 = arith.constant 40 : i32
      %get3A_1738 = arith.index_cast %get3A_1737 : i32 to index
      %get3A_1739 = arith.constant 48 : index
      %get3A_1740 = tpu.vector_load %arg19[%get3A_1738, %get3A_1739] {strides = array<i32>} : memref<50x64xf32, #tpu.memory_space<vmem>>, vector<1x16xf32>,
      %get3A_1741 = vector.shape_cast %get3A_1740 : vector<1x16xf32> to vector<16xf32>
      %mul3A_1742 = arith.mulf %get3A_1741, %gather3A_1715 : vector<16xf32>
      %add3A_1743 = arith.addf %add3A_1702, %mul3A_1742 : vector<16xf32>
      %add3A_1744 = arith.addf %add3A_1703, %gather3A_1715 : vector<16xf32>
      %broadcast_in_dim3A_1745 = arith.constant 9 : i32
      %broadcast_in_dim3A_1746 = vector.broadcast %broadcast_in_dim3A_1745 : i32 to vector<16xi32>
      %lt3A_1747 = arith.constant 0 : i32
      %lt3A_1748 = vector.broadcast %lt3A_1747 : i32 to vector<16xi32>
      %lt3A_1749 = arith.cmpi slt, %broadcast_in_dim3A_1746, %lt3A_1748 : vector<16xi32>
      %add3A_1750 = arith.constant 16 : i32
      %add3A_1751 = vector.broadcast %add3A_1750 : i32 to vector<16xi32>
      %add3A_1752 = arith.addi %broadcast_in_dim3A_1746, %add3A_1751 : vector<16xi32>
      %select_n3A_1753 = arith.select %lt3A_1749, %add3A_1752, %broadcast_in_dim3A_1746 : vector<16xi1>, vector<16xi32>
      %broadcast_in_dim3A_1754 = vector.shape_cast %select_n3A_1753 : vector<16xi32> to vector<16x1xi32>
      %gather3A_1755 = vector.shape_cast %broadcast_in_dim3A_1754 : vector<16x1xi32> to vector<16xi32>
      %gather3A_1756 = tpu.dynamic_gather %get3A_61[%gather3A_1755] in [0] : vector<16xf32>, vector<16xi32> -> vector<16xf32>
      %get3A_1757 = arith.constant 41 : i32
      %get3A_1758 = arith.index_cast %get3A_1757 : i32 to index
      %get3A_1759 = arith.constant 0 : index
      %get3A_1760 = tpu.vector_load %arg19[%get3A_1758, %get3A_1759] {strides = array<i32>} : memref<50x64xf32, #tpu.memory_space<vmem>>, vector<1x16xf32>,
      %get3A_1761 = vector.shape_cast %get3A_1760 : vector<1x16xf32> to vector<16xf32>
      %mul3A_1762 = arith.mulf %get3A_1761, %gather3A_1756 : vector<16xf32>
      %add3A_1763 = arith.addf %add3A_1722, %mul3A_1762 : vector<16xf32>
      %get3A_1764 = arith.constant 41 : i32
      %get3A_1765 = arith.index_cast %get3A_1764 : i32 to index
      %get3A_1766 = arith.constant 16 : index
      %get3A_1767 = tpu.vector_load %arg19[%get3A_1765, %get3A_1766] {strides = array<i32>} : memref<50x64xf32, #tpu.memory_space<vmem>>, vector<1x16xf32>,
      %get3A_1768 = vector.shape_cast %get3A_1767 : vector<1x16xf32> to vector<16xf32>
      %mul3A_1769 = arith.mulf %get3A_1768, %gather3A_1756 : vector<16xf32>
      %add3A_1770 = arith.addf %add3A_1729, %mul3A_1769 : vector<16xf32>
      %get3A_1771 = arith.constant 41 : i32
      %get3A_1772 = arith.index_cast %get3A_1771 : i32 to index
      %get3A_1773 = arith.constant 32 : index
      %get3A_1774 = tpu.vector_load %arg19[%get3A_1772, %get3A_1773] {strides = array<i32>} : memref<50x64xf32, #tpu.memory_space<vmem>>, vector<1x16xf32>,
      %get3A_1775 = vector.shape_cast %get3A_1774 : vector<1x16xf32> to vector<16xf32>
      %mul3A_1776 = arith.mulf %get3A_1775, %gather3A_1756 : vector<16xf32>
      %add3A_1777 = arith.addf %add3A_1736, %mul3A_1776 : vector<16xf32>
      %get3A_1778 = arith.constant 41 : i32
      %get3A_1779 = arith.index_cast %get3A_1778 : i32 to index
      %get3A_1780 = arith.constant 48 : index
      %get3A_1781 = tpu.vector_load %arg19[%get3A_1779, %get3A_1780] {strides = array<i32>} : memref<50x64xf32, #tpu.memory_space<vmem>>, vector<1x16xf32>,
      %get3A_1782 = vector.shape_cast %get3A_1781 : vector<1x16xf32> to vector<16xf32>
      %mul3A_1783 = arith.mulf %get3A_1782, %gather3A_1756 : vector<16xf32>
      %add3A_1784 = arith.addf %add3A_1743, %mul3A_1783 : vector<16xf32>
      %add3A_1785 = arith.addf %add3A_1744, %gather3A_1756 : vector<16xf32>
      %broadcast_in_dim3A_1786 = arith.constant 10 : i32
      %broadcast_in_dim3A_1787 = vector.broadcast %broadcast_in_dim3A_1786 : i32 to vector<16xi32>
      %lt3A_1788 = arith.constant 0 : i32
      %lt3A_1789 = vector.broadcast %lt3A_1788 : i32 to vector<16xi32>
      %lt3A_1790 = arith.cmpi slt, %broadcast_in_dim3A_1787, %lt3A_1789 : vector<16xi32>
      %add3A_1791 = arith.constant 16 : i32
      %add3A_1792 = vector.broadcast %add3A_1791 : i32 to vector<16xi32>
      %add3A_1793 = arith.addi %broadcast_in_dim3A_1787, %add3A_1792 : vector<16xi32>
      %select_n3A_1794 = arith.select %lt3A_1790, %add3A_1793, %broadcast_in_dim3A_1787 : vector<16xi1>, vector<16xi32>
      %broadcast_in_dim3A_1795 = vector.shape_cast %select_n3A_1794 : vector<16xi32> to vector<16x1xi32>
      %gather3A_1796 = vector.shape_cast %broadcast_in_dim3A_1795 : vector<16x1xi32> to vector<16xi32>
      %gather3A_1797 = tpu.dynamic_gather %get3A_61[%gather3A_1796] in [0] : vector<16xf32>, vector<16xi32> -> vector<16xf32>
      %get3A_1798 = arith.constant 42 : i32
      %get3A_1799 = arith.index_cast %get3A_1798 : i32 to index
      %get3A_1800 = arith.constant 0 : index
      %get3A_1801 = tpu.vector_load %arg19[%get3A_1799, %get3A_1800] {strides = array<i32>} : memref<50x64xf32, #tpu.memory_space<vmem>>, vector<1x16xf32>,
      %get3A_1802 = vector.shape_cast %get3A_1801 : vector<1x16xf32> to vector<16xf32>
      %mul3A_1803 = arith.mulf %get3A_1802, %gather3A_1797 : vector<16xf32>
      %add3A_1804 = arith.addf %add3A_1763, %mul3A_1803 : vector<16xf32>
      %get3A_1805 = arith.constant 42 : i32
      %get3A_1806 = arith.index_cast %get3A_1805 : i32 to index
      %get3A_1807 = arith.constant 16 : index
      %get3A_1808 = tpu.vector_load %arg19[%get3A_1806, %get3A_1807] {strides = array<i32>} : memref<50x64xf32, #tpu.memory_space<vmem>>, vector<1x16xf32>,
      %get3A_1809 = vector.shape_cast %get3A_1808 : vector<1x16xf32> to vector<16xf32>
      %mul3A_1810 = arith.mulf %get3A_1809, %gather3A_1797 : vector<16xf32>
      %add3A_1811 = arith.addf %add3A_1770, %mul3A_1810 : vector<16xf32>
      %get3A_1812 = arith.constant 42 : i32
      %get3A_1813 = arith.index_cast %get3A_1812 : i32 to index
      %get3A_1814 = arith.constant 32 : index
      %get3A_1815 = tpu.vector_load %arg19[%get3A_1813, %get3A_1814] {strides = array<i32>} : memref<50x64xf32, #tpu.memory_space<vmem>>, vector<1x16xf32>,
      %get3A_1816 = vector.shape_cast %get3A_1815 : vector<1x16xf32> to vector<16xf32>
      %mul3A_1817 = arith.mulf %get3A_1816, %gather3A_1797 : vector<16xf32>
      %add3A_1818 = arith.addf %add3A_1777, %mul3A_1817 : vector<16xf32>
      %get3A_1819 = arith.constant 42 : i32
      %get3A_1820 = arith.index_cast %get3A_1819 : i32 to index
      %get3A_1821 = arith.constant 48 : index
      %get3A_1822 = tpu.vector_load %arg19[%get3A_1820, %get3A_1821] {strides = array<i32>} : memref<50x64xf32, #tpu.memory_space<vmem>>, vector<1x16xf32>,
      %get3A_1823 = vector.shape_cast %get3A_1822 : vector<1x16xf32> to vector<16xf32>
      %mul3A_1824 = arith.mulf %get3A_1823, %gather3A_1797 : vector<16xf32>
      %add3A_1825 = arith.addf %add3A_1784, %mul3A_1824 : vector<16xf32>
      %add3A_1826 = arith.addf %add3A_1785, %gather3A_1797 : vector<16xf32>
      %broadcast_in_dim3A_1827 = arith.constant 11 : i32
      %broadcast_in_dim3A_1828 = vector.broadcast %broadcast_in_dim3A_1827 : i32 to vector<16xi32>
      %lt3A_1829 = arith.constant 0 : i32
      %lt3A_1830 = vector.broadcast %lt3A_1829 : i32 to vector<16xi32>
      %lt3A_1831 = arith.cmpi slt, %broadcast_in_dim3A_1828, %lt3A_1830 : vector<16xi32>
      %add3A_1832 = arith.constant 16 : i32
      %add3A_1833 = vector.broadcast %add3A_1832 : i32 to vector<16xi32>
      %add3A_1834 = arith.addi %broadcast_in_dim3A_1828, %add3A_1833 : vector<16xi32>
      %select_n3A_1835 = arith.select %lt3A_1831, %add3A_1834, %broadcast_in_dim3A_1828 : vector<16xi1>, vector<16xi32>
      %broadcast_in_dim3A_1836 = vector.shape_cast %select_n3A_1835 : vector<16xi32> to vector<16x1xi32>
      %gather3A_1837 = vector.shape_cast %broadcast_in_dim3A_1836 : vector<16x1xi32> to vector<16xi32>
      %gather3A_1838 = tpu.dynamic_gather %get3A_61[%gather3A_1837] in [0] : vector<16xf32>, vector<16xi32> -> vector<16xf32>
      %get3A_1839 = arith.constant 43 : i32
      %get3A_1840 = arith.index_cast %get3A_1839 : i32 to index
      %get3A_1841 = arith.constant 0 : index
      %get3A_1842 = tpu.vector_load %arg19[%get3A_1840, %get3A_1841] {strides = array<i32>} : memref<50x64xf32, #tpu.memory_space<vmem>>, vector<1x16xf32>,
      %get3A_1843 = vector.shape_cast %get3A_1842 : vector<1x16xf32> to vector<16xf32>
      %mul3A_1844 = arith.mulf %get3A_1843, %gather3A_1838 : vector<16xf32>
      %add3A_1845 = arith.addf %add3A_1804, %mul3A_1844 : vector<16xf32>
      %get3A_1846 = arith.constant 43 : i32
      %get3A_1847 = arith.index_cast %get3A_1846 : i32 to index
      %get3A_1848 = arith.constant 16 : index
      %get3A_1849 = tpu.vector_load %arg19[%get3A_1847, %get3A_1848] {strides = array<i32>} : memref<50x64xf32, #tpu.memory_space<vmem>>, vector<1x16xf32>,
      %get3A_1850 = vector.shape_cast %get3A_1849 : vector<1x16xf32> to vector<16xf32>
      %mul3A_1851 = arith.mulf %get3A_1850, %gather3A_1838 : vector<16xf32>
      %add3A_1852 = arith.addf %add3A_1811, %mul3A_1851 : vector<16xf32>
      %get3A_1853 = arith.constant 43 : i32
      %get3A_1854 = arith.index_cast %get3A_1853 : i32 to index
      %get3A_1855 = arith.constant 32 : index
      %get3A_1856 = tpu.vector_load %arg19[%get3A_1854, %get3A_1855] {strides = array<i32>} : memref<50x64xf32, #tpu.memory_space<vmem>>, vector<1x16xf32>,
      %get3A_1857 = vector.shape_cast %get3A_1856 : vector<1x16xf32> to vector<16xf32>
      %mul3A_1858 = arith.mulf %get3A_1857, %gather3A_1838 : vector<16xf32>
      %add3A_1859 = arith.addf %add3A_1818, %mul3A_1858 : vector<16xf32>
      %get3A_1860 = arith.constant 43 : i32
      %get3A_1861 = arith.index_cast %get3A_1860 : i32 to index
      %get3A_1862 = arith.constant 48 : index
      %get3A_1863 = tpu.vector_load %arg19[%get3A_1861, %get3A_1862] {strides = array<i32>} : memref<50x64xf32, #tpu.memory_space<vmem>>, vector<1x16xf32>,
      %get3A_1864 = vector.shape_cast %get3A_1863 : vector<1x16xf32> to vector<16xf32>
      %mul3A_1865 = arith.mulf %get3A_1864, %gather3A_1838 : vector<16xf32>
      %add3A_1866 = arith.addf %add3A_1825, %mul3A_1865 : vector<16xf32>
      %add3A_1867 = arith.addf %add3A_1826, %gather3A_1838 : vector<16xf32>
      %broadcast_in_dim3A_1868 = arith.constant 12 : i32
      %broadcast_in_dim3A_1869 = vector.broadcast %broadcast_in_dim3A_1868 : i32 to vector<16xi32>
      %lt3A_1870 = arith.constant 0 : i32
      %lt3A_1871 = vector.broadcast %lt3A_1870 : i32 to vector<16xi32>
      %lt3A_1872 = arith.cmpi slt, %broadcast_in_dim3A_1869, %lt3A_1871 : vector<16xi32>
      %add3A_1873 = arith.constant 16 : i32
      %add3A_1874 = vector.broadcast %add3A_1873 : i32 to vector<16xi32>
      %add3A_1875 = arith.addi %broadcast_in_dim3A_1869, %add3A_1874 : vector<16xi32>
      %select_n3A_1876 = arith.select %lt3A_1872, %add3A_1875, %broadcast_in_dim3A_1869 : vector<16xi1>, vector<16xi32>
      %broadcast_in_dim3A_1877 = vector.shape_cast %select_n3A_1876 : vector<16xi32> to vector<16x1xi32>
      %gather3A_1878 = vector.shape_cast %broadcast_in_dim3A_1877 : vector<16x1xi32> to vector<16xi32>
      %gather3A_1879 = tpu.dynamic_gather %get3A_61[%gather3A_1878] in [0] : vector<16xf32>, vector<16xi32> -> vector<16xf32>
      %get3A_1880 = arith.constant 44 : i32
      %get3A_1881 = arith.index_cast %get3A_1880 : i32 to index
      %get3A_1882 = arith.constant 0 : index
      %get3A_1883 = tpu.vector_load %arg19[%get3A_1881, %get3A_1882] {strides = array<i32>} : memref<50x64xf32, #tpu.memory_space<vmem>>, vector<1x16xf32>,
      %get3A_1884 = vector.shape_cast %get3A_1883 : vector<1x16xf32> to vector<16xf32>
      %mul3A_1885 = arith.mulf %get3A_1884, %gather3A_1879 : vector<16xf32>
      %add3A_1886 = arith.addf %add3A_1845, %mul3A_1885 : vector<16xf32>
      %get3A_1887 = arith.constant 44 : i32
      %get3A_1888 = arith.index_cast %get3A_1887 : i32 to index
      %get3A_1889 = arith.constant 16 : index
      %get3A_1890 = tpu.vector_load %arg19[%get3A_1888, %get3A_1889] {strides = array<i32>} : memref<50x64xf32, #tpu.memory_space<vmem>>, vector<1x16xf32>,
      %get3A_1891 = vector.shape_cast %get3A_1890 : vector<1x16xf32> to vector<16xf32>
      %mul3A_1892 = arith.mulf %get3A_1891, %gather3A_1879 : vector<16xf32>
      %add3A_1893 = arith.addf %add3A_1852, %mul3A_1892 : vector<16xf32>
      %get3A_1894 = arith.constant 44 : i32
      %get3A_1895 = arith.index_cast %get3A_1894 : i32 to index
      %get3A_1896 = arith.constant 32 : index
      %get3A_1897 = tpu.vector_load %arg19[%get3A_1895, %get3A_1896] {strides = array<i32>} : memref<50x64xf32, #tpu.memory_space<vmem>>, vector<1x16xf32>,
      %get3A_1898 = vector.shape_cast %get3A_1897 : vector<1x16xf32> to vector<16xf32>
      %mul3A_1899 = arith.mulf %get3A_1898, %gather3A_1879 : vector<16xf32>
      %add3A_1900 = arith.addf %add3A_1859, %mul3A_1899 : vector<16xf32>
      %get3A_1901 = arith.constant 44 : i32
      %get3A_1902 = arith.index_cast %get3A_1901 : i32 to index
      %get3A_1903 = arith.constant 48 : index
      %get3A_1904 = tpu.vector_load %arg19[%get3A_1902, %get3A_1903] {strides = array<i32>} : memref<50x64xf32, #tpu.memory_space<vmem>>, vector<1x16xf32>,
      %get3A_1905 = vector.shape_cast %get3A_1904 : vector<1x16xf32> to vector<16xf32>
      %mul3A_1906 = arith.mulf %get3A_1905, %gather3A_1879 : vector<16xf32>
      %add3A_1907 = arith.addf %add3A_1866, %mul3A_1906 : vector<16xf32>
      %add3A_1908 = arith.addf %add3A_1867, %gather3A_1879 : vector<16xf32>
      %broadcast_in_dim3A_1909 = arith.constant 13 : i32
      %broadcast_in_dim3A_1910 = vector.broadcast %broadcast_in_dim3A_1909 : i32 to vector<16xi32>
      %lt3A_1911 = arith.constant 0 : i32
      %lt3A_1912 = vector.broadcast %lt3A_1911 : i32 to vector<16xi32>
      %lt3A_1913 = arith.cmpi slt, %broadcast_in_dim3A_1910, %lt3A_1912 : vector<16xi32>
      %add3A_1914 = arith.constant 16 : i32
      %add3A_1915 = vector.broadcast %add3A_1914 : i32 to vector<16xi32>
      %add3A_1916 = arith.addi %broadcast_in_dim3A_1910, %add3A_1915 : vector<16xi32>
      %select_n3A_1917 = arith.select %lt3A_1913, %add3A_1916, %broadcast_in_dim3A_1910 : vector<16xi1>, vector<16xi32>
      %broadcast_in_dim3A_1918 = vector.shape_cast %select_n3A_1917 : vector<16xi32> to vector<16x1xi32>
      %gather3A_1919 = vector.shape_cast %broadcast_in_dim3A_1918 : vector<16x1xi32> to vector<16xi32>
      %gather3A_1920 = tpu.dynamic_gather %get3A_61[%gather3A_1919] in [0] : vector<16xf32>, vector<16xi32> -> vector<16xf32>
      %get3A_1921 = arith.constant 45 : i32
      %get3A_1922 = arith.index_cast %get3A_1921 : i32 to index
      %get3A_1923 = arith.constant 0 : index
      %get3A_1924 = tpu.vector_load %arg19[%get3A_1922, %get3A_1923] {strides = array<i32>} : memref<50x64xf32, #tpu.memory_space<vmem>>, vector<1x16xf32>,
      %get3A_1925 = vector.shape_cast %get3A_1924 : vector<1x16xf32> to vector<16xf32>
      %mul3A_1926 = arith.mulf %get3A_1925, %gather3A_1920 : vector<16xf32>
      %add3A_1927 = arith.addf %add3A_1886, %mul3A_1926 : vector<16xf32>
      %get3A_1928 = arith.constant 45 : i32
      %get3A_1929 = arith.index_cast %get3A_1928 : i32 to index
      %get3A_1930 = arith.constant 16 : index
      %get3A_1931 = tpu.vector_load %arg19[%get3A_1929, %get3A_1930] {strides = array<i32>} : memref<50x64xf32, #tpu.memory_space<vmem>>, vector<1x16xf32>,
      %get3A_1932 = vector.shape_cast %get3A_1931 : vector<1x16xf32> to vector<16xf32>
      %mul3A_1933 = arith.mulf %get3A_1932, %gather3A_1920 : vector<16xf32>
      %add3A_1934 = arith.addf %add3A_1893, %mul3A_1933 : vector<16xf32>
      %get3A_1935 = arith.constant 45 : i32
      %get3A_1936 = arith.index_cast %get3A_1935 : i32 to index
      %get3A_1937 = arith.constant 32 : index
      %get3A_1938 = tpu.vector_load %arg19[%get3A_1936, %get3A_1937] {strides = array<i32>} : memref<50x64xf32, #tpu.memory_space<vmem>>, vector<1x16xf32>,
      %get3A_1939 = vector.shape_cast %get3A_1938 : vector<1x16xf32> to vector<16xf32>
      %mul3A_1940 = arith.mulf %get3A_1939, %gather3A_1920 : vector<16xf32>
      %add3A_1941 = arith.addf %add3A_1900, %mul3A_1940 : vector<16xf32>
      %get3A_1942 = arith.constant 45 : i32
      %get3A_1943 = arith.index_cast %get3A_1942 : i32 to index
      %get3A_1944 = arith.constant 48 : index
      %get3A_1945 = tpu.vector_load %arg19[%get3A_1943, %get3A_1944] {strides = array<i32>} : memref<50x64xf32, #tpu.memory_space<vmem>>, vector<1x16xf32>,
      %get3A_1946 = vector.shape_cast %get3A_1945 : vector<1x16xf32> to vector<16xf32>
      %mul3A_1947 = arith.mulf %get3A_1946, %gather3A_1920 : vector<16xf32>
      %add3A_1948 = arith.addf %add3A_1907, %mul3A_1947 : vector<16xf32>
      %add3A_1949 = arith.addf %add3A_1908, %gather3A_1920 : vector<16xf32>
      %broadcast_in_dim3A_1950 = arith.constant 14 : i32
      %broadcast_in_dim3A_1951 = vector.broadcast %broadcast_in_dim3A_1950 : i32 to vector<16xi32>
      %lt3A_1952 = arith.constant 0 : i32
      %lt3A_1953 = vector.broadcast %lt3A_1952 : i32 to vector<16xi32>
      %lt3A_1954 = arith.cmpi slt, %broadcast_in_dim3A_1951, %lt3A_1953 : vector<16xi32>
      %add3A_1955 = arith.constant 16 : i32
      %add3A_1956 = vector.broadcast %add3A_1955 : i32 to vector<16xi32>
      %add3A_1957 = arith.addi %broadcast_in_dim3A_1951, %add3A_1956 : vector<16xi32>
      %select_n3A_1958 = arith.select %lt3A_1954, %add3A_1957, %broadcast_in_dim3A_1951 : vector<16xi1>, vector<16xi32>
      %broadcast_in_dim3A_1959 = vector.shape_cast %select_n3A_1958 : vector<16xi32> to vector<16x1xi32>
      %gather3A_1960 = vector.shape_cast %broadcast_in_dim3A_1959 : vector<16x1xi32> to vector<16xi32>
      %gather3A_1961 = tpu.dynamic_gather %get3A_61[%gather3A_1960] in [0] : vector<16xf32>, vector<16xi32> -> vector<16xf32>
      %get3A_1962 = arith.constant 46 : i32
      %get3A_1963 = arith.index_cast %get3A_1962 : i32 to index
      %get3A_1964 = arith.constant 0 : index
      %get3A_1965 = tpu.vector_load %arg19[%get3A_1963, %get3A_1964] {strides = array<i32>} : memref<50x64xf32, #tpu.memory_space<vmem>>, vector<1x16xf32>,
      %get3A_1966 = vector.shape_cast %get3A_1965 : vector<1x16xf32> to vector<16xf32>
      %mul3A_1967 = arith.mulf %get3A_1966, %gather3A_1961 : vector<16xf32>
      %add3A_1968 = arith.addf %add3A_1927, %mul3A_1967 : vector<16xf32>
      %get3A_1969 = arith.constant 46 : i32
      %get3A_1970 = arith.index_cast %get3A_1969 : i32 to index
      %get3A_1971 = arith.constant 16 : index
      %get3A_1972 = tpu.vector_load %arg19[%get3A_1970, %get3A_1971] {strides = array<i32>} : memref<50x64xf32, #tpu.memory_space<vmem>>, vector<1x16xf32>,
      %get3A_1973 = vector.shape_cast %get3A_1972 : vector<1x16xf32> to vector<16xf32>
      %mul3A_1974 = arith.mulf %get3A_1973, %gather3A_1961 : vector<16xf32>
      %add3A_1975 = arith.addf %add3A_1934, %mul3A_1974 : vector<16xf32>
      %get3A_1976 = arith.constant 46 : i32
      %get3A_1977 = arith.index_cast %get3A_1976 : i32 to index
      %get3A_1978 = arith.constant 32 : index
      %get3A_1979 = tpu.vector_load %arg19[%get3A_1977, %get3A_1978] {strides = array<i32>} : memref<50x64xf32, #tpu.memory_space<vmem>>, vector<1x16xf32>,
      %get3A_1980 = vector.shape_cast %get3A_1979 : vector<1x16xf32> to vector<16xf32>
      %mul3A_1981 = arith.mulf %get3A_1980, %gather3A_1961 : vector<16xf32>
      %add3A_1982 = arith.addf %add3A_1941, %mul3A_1981 : vector<16xf32>
      %get3A_1983 = arith.constant 46 : i32
      %get3A_1984 = arith.index_cast %get3A_1983 : i32 to index
      %get3A_1985 = arith.constant 48 : index
      %get3A_1986 = tpu.vector_load %arg19[%get3A_1984, %get3A_1985] {strides = array<i32>} : memref<50x64xf32, #tpu.memory_space<vmem>>, vector<1x16xf32>,
      %get3A_1987 = vector.shape_cast %get3A_1986 : vector<1x16xf32> to vector<16xf32>
      %mul3A_1988 = arith.mulf %get3A_1987, %gather3A_1961 : vector<16xf32>
      %add3A_1989 = arith.addf %add3A_1948, %mul3A_1988 : vector<16xf32>
      %add3A_1990 = arith.addf %add3A_1949, %gather3A_1961 : vector<16xf32>
      %broadcast_in_dim3A_1991 = arith.constant 15 : i32
      %broadcast_in_dim3A_1992 = vector.broadcast %broadcast_in_dim3A_1991 : i32 to vector<16xi32>
      %lt3A_1993 = arith.constant 0 : i32
      %lt3A_1994 = vector.broadcast %lt3A_1993 : i32 to vector<16xi32>
      %lt3A_1995 = arith.cmpi slt, %broadcast_in_dim3A_1992, %lt3A_1994 : vector<16xi32>
      %add3A_1996 = arith.constant 16 : i32
      %add3A_1997 = vector.broadcast %add3A_1996 : i32 to vector<16xi32>
      %add3A_1998 = arith.addi %broadcast_in_dim3A_1992, %add3A_1997 : vector<16xi32>
      %select_n3A_1999 = arith.select %lt3A_1995, %add3A_1998, %broadcast_in_dim3A_1992 : vector<16xi1>, vector<16xi32>
      %broadcast_in_dim3A_2000 = vector.shape_cast %select_n3A_1999 : vector<16xi32> to vector<16x1xi32>
      %gather3A_2001 = vector.shape_cast %broadcast_in_dim3A_2000 : vector<16x1xi32> to vector<16xi32>
      %gather3A_2002 = tpu.dynamic_gather %get3A_61[%gather3A_2001] in [0] : vector<16xf32>, vector<16xi32> -> vector<16xf32>
      %get3A_2003 = arith.constant 47 : i32
      %get3A_2004 = arith.index_cast %get3A_2003 : i32 to index
      %get3A_2005 = arith.constant 0 : index
      %get3A_2006 = tpu.vector_load %arg19[%get3A_2004, %get3A_2005] {strides = array<i32>} : memref<50x64xf32, #tpu.memory_space<vmem>>, vector<1x16xf32>,
      %get3A_2007 = vector.shape_cast %get3A_2006 : vector<1x16xf32> to vector<16xf32>
      %mul3A_2008 = arith.mulf %get3A_2007, %gather3A_2002 : vector<16xf32>
      %add3A_2009 = arith.addf %add3A_1968, %mul3A_2008 : vector<16xf32>
      %get3A_2010 = arith.constant 47 : i32
      %get3A_2011 = arith.index_cast %get3A_2010 : i32 to index
      %get3A_2012 = arith.constant 16 : index
      %get3A_2013 = tpu.vector_load %arg19[%get3A_2011, %get3A_2012] {strides = array<i32>} : memref<50x64xf32, #tpu.memory_space<vmem>>, vector<1x16xf32>,
      %get3A_2014 = vector.shape_cast %get3A_2013 : vector<1x16xf32> to vector<16xf32>
      %mul3A_2015 = arith.mulf %get3A_2014, %gather3A_2002 : vector<16xf32>
      %add3A_2016 = arith.addf %add3A_1975, %mul3A_2015 : vector<16xf32>
      %get3A_2017 = arith.constant 47 : i32
      %get3A_2018 = arith.index_cast %get3A_2017 : i32 to index
      %get3A_2019 = arith.constant 32 : index
      %get3A_2020 = tpu.vector_load %arg19[%get3A_2018, %get3A_2019] {strides = array<i32>} : memref<50x64xf32, #tpu.memory_space<vmem>>, vector<1x16xf32>,
      %get3A_2021 = vector.shape_cast %get3A_2020 : vector<1x16xf32> to vector<16xf32>
      %mul3A_2022 = arith.mulf %get3A_2021, %gather3A_2002 : vector<16xf32>
      %add3A_2023 = arith.addf %add3A_1982, %mul3A_2022 : vector<16xf32>
      %get3A_2024 = arith.constant 47 : i32
      %get3A_2025 = arith.index_cast %get3A_2024 : i32 to index
      %get3A_2026 = arith.constant 48 : index
      %get3A_2027 = tpu.vector_load %arg19[%get3A_2025, %get3A_2026] {strides = array<i32>} : memref<50x64xf32, #tpu.memory_space<vmem>>, vector<1x16xf32>,
      %get3A_2028 = vector.shape_cast %get3A_2027 : vector<1x16xf32> to vector<16xf32>
      %mul3A_2029 = arith.mulf %get3A_2028, %gather3A_2002 : vector<16xf32>
      %add3A_2030 = arith.addf %add3A_1989, %mul3A_2029 : vector<16xf32>
      %add3A_2031 = arith.addf %add3A_1990, %gather3A_2002 : vector<16xf32>
      %broadcast_in_dim3A_2032 = arith.constant 14 : i32
      %broadcast_in_dim3A_2033 = vector.broadcast %broadcast_in_dim3A_2032 : i32 to vector<16xi32>
      %lt3A_2034 = arith.constant 0 : i32
      %lt3A_2035 = vector.broadcast %lt3A_2034 : i32 to vector<16xi32>
      %lt3A_2036 = arith.cmpi slt, %broadcast_in_dim3A_2033, %lt3A_2035 : vector<16xi32>
      %add3A_2037 = arith.constant 16 : i32
      %add3A_2038 = vector.broadcast %add3A_2037 : i32 to vector<16xi32>
      %add3A_2039 = arith.addi %broadcast_in_dim3A_2033, %add3A_2038 : vector<16xi32>
      %select_n3A_2040 = arith.select %lt3A_2036, %add3A_2039, %broadcast_in_dim3A_2033 : vector<16xi1>, vector<16xi32>
      %broadcast_in_dim3A_2041 = vector.shape_cast %select_n3A_2040 : vector<16xi32> to vector<16x1xi32>
      %gather3A_2042 = vector.shape_cast %broadcast_in_dim3A_2041 : vector<16x1xi32> to vector<16xi32>
      %gather3A_2043 = tpu.dynamic_gather %get3A_65[%gather3A_2042] in [0] : vector<16xf32>, vector<16xi32> -> vector<16xf32>
      %get3A_2044 = arith.constant 48 : i32
      %get3A_2045 = arith.index_cast %get3A_2044 : i32 to index
      %get3A_2046 = arith.constant 0 : index
      %get3A_2047 = tpu.vector_load %arg19[%get3A_2045, %get3A_2046] {strides = array<i32>} : memref<50x64xf32, #tpu.memory_space<vmem>>, vector<1x16xf32>,
      %get3A_2048 = vector.shape_cast %get3A_2047 : vector<1x16xf32> to vector<16xf32>
      %mul3A_2049 = arith.mulf %get3A_2048, %gather3A_2043 : vector<16xf32>
      %add3A_2050 = arith.addf %add3A_2009, %mul3A_2049 : vector<16xf32>
      %get3A_2051 = arith.constant 48 : i32
      %get3A_2052 = arith.index_cast %get3A_2051 : i32 to index
      %get3A_2053 = arith.constant 16 : index
      %get3A_2054 = tpu.vector_load %arg19[%get3A_2052, %get3A_2053] {strides = array<i32>} : memref<50x64xf32, #tpu.memory_space<vmem>>, vector<1x16xf32>,
      %get3A_2055 = vector.shape_cast %get3A_2054 : vector<1x16xf32> to vector<16xf32>
      %mul3A_2056 = arith.mulf %get3A_2055, %gather3A_2043 : vector<16xf32>
      %add3A_2057 = arith.addf %add3A_2016, %mul3A_2056 : vector<16xf32>
      %get3A_2058 = arith.constant 48 : i32
      %get3A_2059 = arith.index_cast %get3A_2058 : i32 to index
      %get3A_2060 = arith.constant 32 : index
      %get3A_2061 = tpu.vector_load %arg19[%get3A_2059, %get3A_2060] {strides = array<i32>} : memref<50x64xf32, #tpu.memory_space<vmem>>, vector<1x16xf32>,
      %get3A_2062 = vector.shape_cast %get3A_2061 : vector<1x16xf32> to vector<16xf32>
      %mul3A_2063 = arith.mulf %get3A_2062, %gather3A_2043 : vector<16xf32>
      %add3A_2064 = arith.addf %add3A_2023, %mul3A_2063 : vector<16xf32>
      %get3A_2065 = arith.constant 48 : i32
      %get3A_2066 = arith.index_cast %get3A_2065 : i32 to index
      %get3A_2067 = arith.constant 48 : index
      %get3A_2068 = tpu.vector_load %arg19[%get3A_2066, %get3A_2067] {strides = array<i32>} : memref<50x64xf32, #tpu.memory_space<vmem>>, vector<1x16xf32>,
      %get3A_2069 = vector.shape_cast %get3A_2068 : vector<1x16xf32> to vector<16xf32>
      %mul3A_2070 = arith.mulf %get3A_2069, %gather3A_2043 : vector<16xf32>
      %add3A_2071 = arith.addf %add3A_2030, %mul3A_2070 : vector<16xf32>
      %add3A_2072 = arith.addf %add3A_2031, %gather3A_2043 : vector<16xf32>
      %broadcast_in_dim3A_2073 = arith.constant 15 : i32
      %broadcast_in_dim3A_2074 = vector.broadcast %broadcast_in_dim3A_2073 : i32 to vector<16xi32>
      %lt3A_2075 = arith.constant 0 : i32
      %lt3A_2076 = vector.broadcast %lt3A_2075 : i32 to vector<16xi32>
      %lt3A_2077 = arith.cmpi slt, %broadcast_in_dim3A_2074, %lt3A_2076 : vector<16xi32>
      %add3A_2078 = arith.constant 16 : i32
      %add3A_2079 = vector.broadcast %add3A_2078 : i32 to vector<16xi32>
      %add3A_2080 = arith.addi %broadcast_in_dim3A_2074, %add3A_2079 : vector<16xi32>
      %select_n3A_2081 = arith.select %lt3A_2077, %add3A_2080, %broadcast_in_dim3A_2074 : vector<16xi1>, vector<16xi32>
      %broadcast_in_dim3A_2082 = vector.shape_cast %select_n3A_2081 : vector<16xi32> to vector<16x1xi32>
      %gather3A_2083 = vector.shape_cast %broadcast_in_dim3A_2082 : vector<16x1xi32> to vector<16xi32>
      %gather3A_2084 = tpu.dynamic_gather %get3A_65[%gather3A_2083] in [0] : vector<16xf32>, vector<16xi32> -> vector<16xf32>
      %get3A_2085 = arith.constant 49 : i32
      %get3A_2086 = arith.index_cast %get3A_2085 : i32 to index
      %get3A_2087 = arith.constant 0 : index
      %get3A_2088 = tpu.vector_load %arg19[%get3A_2086, %get3A_2087] {strides = array<i32>} : memref<50x64xf32, #tpu.memory_space<vmem>>, vector<1x16xf32>,
      %get3A_2089 = vector.shape_cast %get3A_2088 : vector<1x16xf32> to vector<16xf32>
      %mul3A_2090 = arith.mulf %get3A_2089, %gather3A_2084 : vector<16xf32>
      %add3A_2091 = arith.addf %add3A_2050, %mul3A_2090 : vector<16xf32>
      %get3A_2092 = arith.constant 49 : i32
      %get3A_2093 = arith.index_cast %get3A_2092 : i32 to index
      %get3A_2094 = arith.constant 16 : index
      %get3A_2095 = tpu.vector_load %arg19[%get3A_2093, %get3A_2094] {strides = array<i32>} : memref<50x64xf32, #tpu.memory_space<vmem>>, vector<1x16xf32>,
      %get3A_2096 = vector.shape_cast %get3A_2095 : vector<1x16xf32> to vector<16xf32>
      %mul3A_2097 = arith.mulf %get3A_2096, %gather3A_2084 : vector<16xf32>
      %add3A_2098 = arith.addf %add3A_2057, %mul3A_2097 : vector<16xf32>
      %get3A_2099 = arith.constant 49 : i32
      %get3A_2100 = arith.index_cast %get3A_2099 : i32 to index
      %get3A_2101 = arith.constant 32 : index
      %get3A_2102 = tpu.vector_load %arg19[%get3A_2100, %get3A_2101] {strides = array<i32>} : memref<50x64xf32, #tpu.memory_space<vmem>>, vector<1x16xf32>,
      %get3A_2103 = vector.shape_cast %get3A_2102 : vector<1x16xf32> to vector<16xf32>
      %mul3A_2104 = arith.mulf %get3A_2103, %gather3A_2084 : vector<16xf32>
      %add3A_2105 = arith.addf %add3A_2064, %mul3A_2104 : vector<16xf32>
      %get3A_2106 = arith.constant 49 : i32
      %get3A_2107 = arith.index_cast %get3A_2106 : i32 to index
      %get3A_2108 = arith.constant 48 : index
      %get3A_2109 = tpu.vector_load %arg19[%get3A_2107, %get3A_2108] {strides = array<i32>} : memref<50x64xf32, #tpu.memory_space<vmem>>, vector<1x16xf32>,
      %get3A_2110 = vector.shape_cast %get3A_2109 : vector<1x16xf32> to vector<16xf32>
      %mul3A_2111 = arith.mulf %get3A_2110, %gather3A_2084 : vector<16xf32>
      %add3A_2112 = arith.addf %add3A_2071, %mul3A_2111 : vector<16xf32>
      %add3A_2113 = arith.addf %add3A_2072, %gather3A_2084 : vector<16xf32>
      %max3A = arith.constant 1.000000e+00 : f32
      %max3A_2114 = vector.broadcast %max3A : f32 to vector<16xf32>
      %max3A_2115 = arith.maximumf %add3A_2113, %max3A_2114 : vector<16xf32>
      %div3A = arith.constant 1.000000e+00 : f32
      %div3A_2116 = vector.broadcast %div3A : f32 to vector<16xf32>
      %div3A_2117 = arith.divf %div3A_2116, %max3A_2115 : vector<16xf32>
      %get3A_2118 = arith.index_cast %add3A_38 : i32 to index
      %get3A_2119 = arith.constant 0 : index
      %get3A_2120 = tpu.vector_load %arg16[%get3A_2118, %get3A_2119] {strides = array<i32>} : memref<128x64xf32, #tpu.memory_space<vmem>>, vector<1x16xf32>,
      %get3A_2121 = vector.shape_cast %get3A_2120 : vector<1x16xf32> to vector<16xf32>
      %mul3A_2122 = arith.mulf %add3A_2091, %div3A_2117 : vector<16xf32>
      %add3A_2123 = arith.addf %get3A_2121, %mul3A_2122 : vector<16xf32>
      %get3A_2124 = arith.index_cast %add3A_38 : i32 to index
      %get3A_2125 = arith.constant 0 : index
      %get3A_2126 = tpu.vector_load %arg17[%get3A_2124, %get3A_2125] {strides = array<i32>} : memref<128x64xf32, #tpu.memory_space<vmem>>, vector<1x16xf32>,
      %get3A_2127 = vector.shape_cast %get3A_2126 : vector<1x16xf32> to vector<16xf32>
      %mul3A_2128 = arith.mulf %add3A_2123, %get3A_2127 : vector<16xf32>
      %add3A_2129 = arith.addf %broadcast_in_dim3A_50, %mul3A_2128 : vector<16xf32>
      %get3A_2130 = arith.index_cast %add3A_38 : i32 to index
      %get3A_2131 = arith.constant 0 : index
      %get3A_2132 = tpu.vector_load %arg18[%get3A_2130, %get3A_2131] {strides = array<i32>} : memref<128x64xf32, #tpu.memory_space<vmem>>, vector<1x16xf32>,
      %get3A_2133 = vector.shape_cast %get3A_2132 : vector<1x16xf32> to vector<16xf32>
      %mul3A_2134 = arith.mulf %add3A_2123, %get3A_2133 : vector<16xf32>
      %add3A_2135 = arith.addf %broadcast_in_dim3A_50, %mul3A_2134 : vector<16xf32>
      %get3A_2136 = arith.index_cast %add3A_38 : i32 to index
      %get3A_2137 = arith.constant 16 : index
      %get3A_2138 = tpu.vector_load %arg16[%get3A_2136, %get3A_2137] {strides = array<i32>} : memref<128x64xf32, #tpu.memory_space<vmem>>, vector<1x16xf32>,
      %get3A_2139 = vector.shape_cast %get3A_2138 : vector<1x16xf32> to vector<16xf32>
      %mul3A_2140 = arith.mulf %add3A_2098, %div3A_2117 : vector<16xf32>
      %add3A_2141 = arith.addf %get3A_2139, %mul3A_2140 : vector<16xf32>
      %get3A_2142 = arith.index_cast %add3A_38 : i32 to index
      %get3A_2143 = arith.constant 16 : index
      %get3A_2144 = tpu.vector_load %arg17[%get3A_2142, %get3A_2143] {strides = array<i32>} : memref<128x64xf32, #tpu.memory_space<vmem>>, vector<1x16xf32>,
      %get3A_2145 = vector.shape_cast %get3A_2144 : vector<1x16xf32> to vector<16xf32>
      %mul3A_2146 = arith.mulf %add3A_2141, %get3A_2145 : vector<16xf32>
      %add3A_2147 = arith.addf %add3A_2129, %mul3A_2146 : vector<16xf32>
      %get3A_2148 = arith.index_cast %add3A_38 : i32 to index
      %get3A_2149 = arith.constant 16 : index
      %get3A_2150 = tpu.vector_load %arg18[%get3A_2148, %get3A_2149] {strides = array<i32>} : memref<128x64xf32, #tpu.memory_space<vmem>>, vector<1x16xf32>,
      %get3A_2151 = vector.shape_cast %get3A_2150 : vector<1x16xf32> to vector<16xf32>
      %mul3A_2152 = arith.mulf %add3A_2141, %get3A_2151 : vector<16xf32>
      %add3A_2153 = arith.addf %add3A_2135, %mul3A_2152 : vector<16xf32>
      %get3A_2154 = arith.index_cast %add3A_38 : i32 to index
      %get3A_2155 = arith.constant 32 : index
      %get3A_2156 = tpu.vector_load %arg16[%get3A_2154, %get3A_2155] {strides = array<i32>} : memref<128x64xf32, #tpu.memory_space<vmem>>, vector<1x16xf32>,
      %get3A_2157 = vector.shape_cast %get3A_2156 : vector<1x16xf32> to vector<16xf32>
      %mul3A_2158 = arith.mulf %add3A_2105, %div3A_2117 : vector<16xf32>
      %add3A_2159 = arith.addf %get3A_2157, %mul3A_2158 : vector<16xf32>
      %get3A_2160 = arith.index_cast %add3A_38 : i32 to index
      %get3A_2161 = arith.constant 32 : index
      %get3A_2162 = tpu.vector_load %arg17[%get3A_2160, %get3A_2161] {strides = array<i32>} : memref<128x64xf32, #tpu.memory_space<vmem>>, vector<1x16xf32>,
      %get3A_2163 = vector.shape_cast %get3A_2162 : vector<1x16xf32> to vector<16xf32>
      %mul3A_2164 = arith.mulf %add3A_2159, %get3A_2163 : vector<16xf32>
      %add3A_2165 = arith.addf %add3A_2147, %mul3A_2164 : vector<16xf32>
      %get3A_2166 = arith.index_cast %add3A_38 : i32 to index
      %get3A_2167 = arith.constant 32 : index
      %get3A_2168 = tpu.vector_load %arg18[%get3A_2166, %get3A_2167] {strides = array<i32>} : memref<128x64xf32, #tpu.memory_space<vmem>>, vector<1x16xf32>,
      %get3A_2169 = vector.shape_cast %get3A_2168 : vector<1x16xf32> to vector<16xf32>
      %mul3A_2170 = arith.mulf %add3A_2159, %get3A_2169 : vector<16xf32>
      %add3A_2171 = arith.addf %add3A_2153, %mul3A_2170 : vector<16xf32>
      %get3A_2172 = arith.index_cast %add3A_38 : i32 to index
      %get3A_2173 = arith.constant 48 : index
      %get3A_2174 = tpu.vector_load %arg16[%get3A_2172, %get3A_2173] {strides = array<i32>} : memref<128x64xf32, #tpu.memory_space<vmem>>, vector<1x16xf32>,
      %get3A_2175 = vector.shape_cast %get3A_2174 : vector<1x16xf32> to vector<16xf32>
      %mul3A_2176 = arith.mulf %add3A_2112, %div3A_2117 : vector<16xf32>
      %add3A_2177 = arith.addf %get3A_2175, %mul3A_2176 : vector<16xf32>
      %get3A_2178 = arith.index_cast %add3A_38 : i32 to index
      %get3A_2179 = arith.constant 48 : index
      %get3A_2180 = tpu.vector_load %arg17[%get3A_2178, %get3A_2179] {strides = array<i32>} : memref<128x64xf32, #tpu.memory_space<vmem>>, vector<1x16xf32>,
      %get3A_2181 = vector.shape_cast %get3A_2180 : vector<1x16xf32> to vector<16xf32>
      %mul3A_2182 = arith.mulf %add3A_2177, %get3A_2181 : vector<16xf32>
      %add3A_2183 = arith.addf %add3A_2165, %mul3A_2182 : vector<16xf32>
      %get3A_2184 = arith.index_cast %add3A_38 : i32 to index
      %get3A_2185 = arith.constant 48 : index
      %get3A_2186 = tpu.vector_load %arg18[%get3A_2184, %get3A_2185] {strides = array<i32>} : memref<128x64xf32, #tpu.memory_space<vmem>>, vector<1x16xf32>,
      %get3A_2187 = vector.shape_cast %get3A_2186 : vector<1x16xf32> to vector<16xf32>
      %mul3A_2188 = arith.mulf %add3A_2177, %get3A_2187 : vector<16xf32>
      %add3A_2189 = arith.addf %add3A_2171, %mul3A_2188 : vector<16xf32>
      %xor3A = arith.constant 8 : i32
      %xor3A_2190 = vector.broadcast %xor3A : i32 to vector<16xi32>
      %xor3A_2191 = arith.xori %iota3A, %xor3A_2190 : vector<16xi32>
      %lt3A_2192 = arith.constant 0 : i32
      %lt3A_2193 = vector.broadcast %lt3A_2192 : i32 to vector<16xi32>
      %lt3A_2194 = arith.cmpi slt, %xor3A_2191, %lt3A_2193 : vector<16xi32>
      %add3A_2195 = arith.constant 16 : i32
      %add3A_2196 = vector.broadcast %add3A_2195 : i32 to vector<16xi32>
      %add3A_2197 = arith.addi %xor3A_2191, %add3A_2196 : vector<16xi32>
      %select_n3A_2198 = arith.select %lt3A_2194, %add3A_2197, %xor3A_2191 : vector<16xi1>, vector<16xi32>
      %broadcast_in_dim3A_2199 = vector.shape_cast %select_n3A_2198 : vector<16xi32> to vector<16x1xi32>
      %gather3A_2200 = vector.shape_cast %broadcast_in_dim3A_2199 : vector<16x1xi32> to vector<16xi32>
      %gather3A_2201 = tpu.dynamic_gather %add3A_2183[%gather3A_2200] in [0] : vector<16xf32>, vector<16xi32> -> vector<16xf32>
      %add3A_2202 = arith.addf %add3A_2183, %gather3A_2201 : vector<16xf32>
      %xor3A_2203 = arith.constant 4 : i32
      %xor3A_2204 = vector.broadcast %xor3A_2203 : i32 to vector<16xi32>
      %xor3A_2205 = arith.xori %iota3A, %xor3A_2204 : vector<16xi32>
      %lt3A_2206 = arith.constant 0 : i32
      %lt3A_2207 = vector.broadcast %lt3A_2206 : i32 to vector<16xi32>
      %lt3A_2208 = arith.cmpi slt, %xor3A_2205, %lt3A_2207 : vector<16xi32>
      %add3A_2209 = arith.constant 16 : i32
      %add3A_2210 = vector.broadcast %add3A_2209 : i32 to vector<16xi32>
      %add3A_2211 = arith.addi %xor3A_2205, %add3A_2210 : vector<16xi32>
      %select_n3A_2212 = arith.select %lt3A_2208, %add3A_2211, %xor3A_2205 : vector<16xi1>, vector<16xi32>
      %broadcast_in_dim3A_2213 = vector.shape_cast %select_n3A_2212 : vector<16xi32> to vector<16x1xi32>
      %gather3A_2214 = vector.shape_cast %broadcast_in_dim3A_2213 : vector<16x1xi32> to vector<16xi32>
      %gather3A_2215 = tpu.dynamic_gather %add3A_2202[%gather3A_2214] in [0] : vector<16xf32>, vector<16xi32> -> vector<16xf32>
      %add3A_2216 = arith.addf %add3A_2202, %gather3A_2215 : vector<16xf32>
      %xor3A_2217 = arith.constant 2 : i32
      %xor3A_2218 = vector.broadcast %xor3A_2217 : i32 to vector<16xi32>
      %xor3A_2219 = arith.xori %iota3A, %xor3A_2218 : vector<16xi32>
      %lt3A_2220 = arith.constant 0 : i32
      %lt3A_2221 = vector.broadcast %lt3A_2220 : i32 to vector<16xi32>
      %lt3A_2222 = arith.cmpi slt, %xor3A_2219, %lt3A_2221 : vector<16xi32>
      %add3A_2223 = arith.constant 16 : i32
      %add3A_2224 = vector.broadcast %add3A_2223 : i32 to vector<16xi32>
      %add3A_2225 = arith.addi %xor3A_2219, %add3A_2224 : vector<16xi32>
      %select_n3A_2226 = arith.select %lt3A_2222, %add3A_2225, %xor3A_2219 : vector<16xi1>, vector<16xi32>
      %broadcast_in_dim3A_2227 = vector.shape_cast %select_n3A_2226 : vector<16xi32> to vector<16x1xi32>
      %gather3A_2228 = vector.shape_cast %broadcast_in_dim3A_2227 : vector<16x1xi32> to vector<16xi32>
      %gather3A_2229 = tpu.dynamic_gather %add3A_2216[%gather3A_2228] in [0] : vector<16xf32>, vector<16xi32> -> vector<16xf32>
      %add3A_2230 = arith.addf %add3A_2216, %gather3A_2229 : vector<16xf32>
      %xor3A_2231 = arith.constant 1 : i32
      %xor3A_2232 = vector.broadcast %xor3A_2231 : i32 to vector<16xi32>
      %xor3A_2233 = arith.xori %iota3A, %xor3A_2232 : vector<16xi32>
      %lt3A_2234 = arith.constant 0 : i32
      %lt3A_2235 = vector.broadcast %lt3A_2234 : i32 to vector<16xi32>
      %lt3A_2236 = arith.cmpi slt, %xor3A_2233, %lt3A_2235 : vector<16xi32>
      %add3A_2237 = arith.constant 16 : i32
      %add3A_2238 = vector.broadcast %add3A_2237 : i32 to vector<16xi32>
      %add3A_2239 = arith.addi %xor3A_2233, %add3A_2238 : vector<16xi32>
      %select_n3A_2240 = arith.select %lt3A_2236, %add3A_2239, %xor3A_2233 : vector<16xi1>, vector<16xi32>
      %broadcast_in_dim3A_2241 = vector.shape_cast %select_n3A_2240 : vector<16xi32> to vector<16x1xi32>
      %gather3A_2242 = vector.shape_cast %broadcast_in_dim3A_2241 : vector<16x1xi32> to vector<16xi32>
      %gather3A_2243 = tpu.dynamic_gather %add3A_2230[%gather3A_2242] in [0] : vector<16xf32>, vector<16xi32> -> vector<16xf32>
      %add3A_2244 = arith.addf %add3A_2230, %gather3A_2243 : vector<16xf32>
      %xor3A_2245 = arith.constant 8 : i32
      %xor3A_2246 = vector.broadcast %xor3A_2245 : i32 to vector<16xi32>
      %xor3A_2247 = arith.xori %iota3A, %xor3A_2246 : vector<16xi32>
      %lt3A_2248 = arith.constant 0 : i32
      %lt3A_2249 = vector.broadcast %lt3A_2248 : i32 to vector<16xi32>
      %lt3A_2250 = arith.cmpi slt, %xor3A_2247, %lt3A_2249 : vector<16xi32>
      %add3A_2251 = arith.constant 16 : i32
      %add3A_2252 = vector.broadcast %add3A_2251 : i32 to vector<16xi32>
      %add3A_2253 = arith.addi %xor3A_2247, %add3A_2252 : vector<16xi32>
      %select_n3A_2254 = arith.select %lt3A_2250, %add3A_2253, %xor3A_2247 : vector<16xi1>, vector<16xi32>
      %broadcast_in_dim3A_2255 = vector.shape_cast %select_n3A_2254 : vector<16xi32> to vector<16x1xi32>
      %gather3A_2256 = vector.shape_cast %broadcast_in_dim3A_2255 : vector<16x1xi32> to vector<16xi32>
      %gather3A_2257 = tpu.dynamic_gather %add3A_2189[%gather3A_2256] in [0] : vector<16xf32>, vector<16xi32> -> vector<16xf32>
      %add3A_2258 = arith.addf %add3A_2189, %gather3A_2257 : vector<16xf32>
      %xor3A_2259 = arith.constant 4 : i32
      %xor3A_2260 = vector.broadcast %xor3A_2259 : i32 to vector<16xi32>
      %xor3A_2261 = arith.xori %iota3A, %xor3A_2260 : vector<16xi32>
      %lt3A_2262 = arith.constant 0 : i32
      %lt3A_2263 = vector.broadcast %lt3A_2262 : i32 to vector<16xi32>
      %lt3A_2264 = arith.cmpi slt, %xor3A_2261, %lt3A_2263 : vector<16xi32>
      %add3A_2265 = arith.constant 16 : i32
      %add3A_2266 = vector.broadcast %add3A_2265 : i32 to vector<16xi32>
      %add3A_2267 = arith.addi %xor3A_2261, %add3A_2266 : vector<16xi32>
      %select_n3A_2268 = arith.select %lt3A_2264, %add3A_2267, %xor3A_2261 : vector<16xi1>, vector<16xi32>
      %broadcast_in_dim3A_2269 = vector.shape_cast %select_n3A_2268 : vector<16xi32> to vector<16x1xi32>
      %gather3A_2270 = vector.shape_cast %broadcast_in_dim3A_2269 : vector<16x1xi32> to vector<16xi32>
      %gather3A_2271 = tpu.dynamic_gather %add3A_2258[%gather3A_2270] in [0] : vector<16xf32>, vector<16xi32> -> vector<16xf32>
      %add3A_2272 = arith.addf %add3A_2258, %gather3A_2271 : vector<16xf32>
      %xor3A_2273 = arith.constant 2 : i32
      %xor3A_2274 = vector.broadcast %xor3A_2273 : i32 to vector<16xi32>
      %xor3A_2275 = arith.xori %iota3A, %xor3A_2274 : vector<16xi32>
      %lt3A_2276 = arith.constant 0 : i32
      %lt3A_2277 = vector.broadcast %lt3A_2276 : i32 to vector<16xi32>
      %lt3A_2278 = arith.cmpi slt, %xor3A_2275, %lt3A_2277 : vector<16xi32>
      %add3A_2279 = arith.constant 16 : i32
      %add3A_2280 = vector.broadcast %add3A_2279 : i32 to vector<16xi32>
      %add3A_2281 = arith.addi %xor3A_2275, %add3A_2280 : vector<16xi32>
      %select_n3A_2282 = arith.select %lt3A_2278, %add3A_2281, %xor3A_2275 : vector<16xi1>, vector<16xi32>
      %broadcast_in_dim3A_2283 = vector.shape_cast %select_n3A_2282 : vector<16xi32> to vector<16x1xi32>
      %gather3A_2284 = vector.shape_cast %broadcast_in_dim3A_2283 : vector<16x1xi32> to vector<16xi32>
      %gather3A_2285 = tpu.dynamic_gather %add3A_2272[%gather3A_2284] in [0] : vector<16xf32>, vector<16xi32> -> vector<16xf32>
      %add3A_2286 = arith.addf %add3A_2272, %gather3A_2285 : vector<16xf32>
      %xor3A_2287 = arith.constant 1 : i32
      %xor3A_2288 = vector.broadcast %xor3A_2287 : i32 to vector<16xi32>
      %xor3A_2289 = arith.xori %iota3A, %xor3A_2288 : vector<16xi32>
      %lt3A_2290 = arith.constant 0 : i32
      %lt3A_2291 = vector.broadcast %lt3A_2290 : i32 to vector<16xi32>
      %lt3A_2292 = arith.cmpi slt, %xor3A_2289, %lt3A_2291 : vector<16xi32>
      %add3A_2293 = arith.constant 16 : i32
      %add3A_2294 = vector.broadcast %add3A_2293 : i32 to vector<16xi32>
      %add3A_2295 = arith.addi %xor3A_2289, %add3A_2294 : vector<16xi32>
      %select_n3A_2296 = arith.select %lt3A_2292, %add3A_2295, %xor3A_2289 : vector<16xi1>, vector<16xi32>
      %broadcast_in_dim3A_2297 = vector.shape_cast %select_n3A_2296 : vector<16xi32> to vector<16x1xi32>
      %gather3A_2298 = vector.shape_cast %broadcast_in_dim3A_2297 : vector<16x1xi32> to vector<16xi32>
      %gather3A_2299 = tpu.dynamic_gather %add3A_2286[%gather3A_2298] in [0] : vector<16xf32>, vector<16xi32> -> vector<16xf32>
      %add3A_2300 = arith.addf %add3A_2286, %gather3A_2299 : vector<16xf32>
      %rem3A = arith.constant 16 : i32
      %rem3A_2301 = arith.remsi %add3A_38, %rem3A : i32
      %eq3A = vector.broadcast %rem3A_2301 : i32 to vector<16xi32>
      %eq3A_2302 = arith.cmpi eq, %iota3A, %eq3A : vector<16xi32>
      %select_n3A_2303 = arith.select %eq3A_2302, %add3A_2244, %scan3A_33 : vector<16xi1>, vector<16xf32>
      %select_n3A_2304 = arith.select %eq3A_2302, %add3A_2300, %scan3A_34 : vector<16xi1>, vector<16xf32>
      %mul3A_2305 = arith.constant 2 : i32
      %mul3A_2306 = arith.muli %mul3A_2305, %scan3A_32 : i32
      %add3A_2307 = arith.constant 1 : i32
      %add3A_2308 = arith.addi %mul3A_2306, %add3A_2307 : i32
      %add3A_2309 = arith.constant 1 : i32
      %add3A_2310 = arith.addi %add3A_2308, %add3A_2309 : i32
      %lt3A_2311 = arith.constant 128 : i32
      %lt3A_2312 = arith.cmpi slt, %add3A_2310, %lt3A_2311 : i32
      %convert_element_type3A_2313 = arith.extui %lt3A_2312 : i1 to i32
      %cond3A_2314 = arith.constant 0 : i32
      %cond3A_2315 = arith.cmpi ne, %convert_element_type3A_2313, %cond3A_2314 : i32
      scf.if %cond3A_2315 {
        %dma_start3A_4593 = arith.constant 0 : i32
        %dma_start3A_4594 = tpu.memref_slice %arg11[%add3A_2310, %dma_start3A_4593] : memref<128x50xi32, #tpu.memory_space<vmem>> -> memref<1x50xi32, #tpu.memory_space<vmem>>
        %dma_start3A_4595 = tpu.memref_squeeze %dma_start3A_4594 : memref<1x50xi32, #tpu.memory_space<vmem>> -> memref<50xi32, #tpu.memory_space<vmem>>
        %dma_start3A_4596 = arith.constant 0 : i32
        %dma_start3A_4597 = arith.constant 0 : i32
        %dma_start3A_4598 = tpu.memref_slice %arg8[%dma_start3A_4596, %dma_start3A_4597] : memref<1000000x64xf32, #tpu.memory_space<hbm>> -> memref<1000000x64xf32, #tpu.memory_space<hbm>>
        tpu.enqueue_indirect_dma source(%dma_start3A_4598 : memref<1000000x64xf32, #tpu.memory_space<hbm>>) target(%arg19 : memref<50x64xf32, #tpu.memory_space<vmem>>) offsets(%dma_start3A_4595 : memref<50xi32, #tpu.memory_space<vmem>>) semaphore(%arg24 : memref<!tpu.dma_semaphore, #tpu.memory_space<semaphore_mem>>)
      } else {
      }
      %dma_wait3A_2316 = arith.constant 0 : i32
      %dma_wait3A_2317 = tpu.memref_slice %arg11[%add3A_2308, %dma_wait3A_2316] : memref<128x50xi32, #tpu.memory_space<vmem>> -> memref<1x50xi32, #tpu.memory_space<vmem>>
      %dma_wait3A_2318 = tpu.memref_squeeze %dma_wait3A_2317 : memref<1x50xi32, #tpu.memory_space<vmem>> -> memref<50xi32, #tpu.memory_space<vmem>>
      %dma_wait3A_2319 = arith.constant 0 : i32
      %dma_wait3A_2320 = arith.constant 0 : i32
      %dma_wait3A_2321 = tpu.memref_slice %arg8[%dma_wait3A_2319, %dma_wait3A_2320] : memref<1000000x64xf32, #tpu.memory_space<hbm>> -> memref<1000000x64xf32, #tpu.memory_space<hbm>>
      tpu.wait_indirect_dma semaphore(%arg25 : memref<!tpu.dma_semaphore, #tpu.memory_space<semaphore_mem>>) src(%dma_wait3A_2321 : memref<1000000x64xf32, #tpu.memory_space<hbm>>) dst(%arg20 : memref<50x64xf32, #tpu.memory_space<vmem>>)
      %broadcast_in_dim3A_2322 = arith.constant 0.000000e+00 : f32
      %broadcast_in_dim3A_2323 = vector.broadcast %broadcast_in_dim3A_2322 : f32 to vector<16xf32>
      %get3A_2324 = arith.index_cast %add3A_2308 : i32 to index
      %get3A_2325 = arith.constant 0 : index
      %get3A_2326 = tpu.vector_load %arg12[%get3A_2324, %get3A_2325] {strides = array<i32>} : memref<128x50xf32, #tpu.memory_space<vmem>>, vector<1x16xf32>,
      %get3A_2327 = vector.shape_cast %get3A_2326 : vector<1x16xf32> to vector<16xf32>
      %get3A_2328 = arith.index_cast %add3A_2308 : i32 to index
      %get3A_2329 = arith.constant 16 : index
      %get3A_2330 = tpu.vector_load %arg12[%get3A_2328, %get3A_2329] {strides = array<i32>} : memref<128x50xf32, #tpu.memory_space<vmem>>, vector<1x16xf32>,
      %get3A_2331 = vector.shape_cast %get3A_2330 : vector<1x16xf32> to vector<16xf32>
      %get3A_2332 = arith.index_cast %add3A_2308 : i32 to index
      %get3A_2333 = arith.constant 32 : index
      %get3A_2334 = tpu.vector_load %arg12[%get3A_2332, %get3A_2333] {strides = array<i32>} : memref<128x50xf32, #tpu.memory_space<vmem>>, vector<1x16xf32>,
      %get3A_2335 = vector.shape_cast %get3A_2334 : vector<1x16xf32> to vector<16xf32>
      %get3A_2336 = arith.index_cast %add3A_2308 : i32 to index
      %get3A_2337 = arith.constant 34 : index
      %get3A_2338 = tpu.vector_load %arg12[%get3A_2336, %get3A_2337] {strides = array<i32>} : memref<128x50xf32, #tpu.memory_space<vmem>>, vector<1x16xf32>,
      %get3A_2339 = vector.shape_cast %get3A_2338 : vector<1x16xf32> to vector<16xf32>
      %broadcast_in_dim3A_2340 = arith.constant 0 : i32
      %broadcast_in_dim3A_2341 = vector.broadcast %broadcast_in_dim3A_2340 : i32 to vector<16xi32>
      %lt3A_2342 = arith.constant 0 : i32
      %lt3A_2343 = vector.broadcast %lt3A_2342 : i32 to vector<16xi32>
      %lt3A_2344 = arith.cmpi slt, %broadcast_in_dim3A_2341, %lt3A_2343 : vector<16xi32>
      %add3A_2345 = arith.constant 16 : i32
      %add3A_2346 = vector.broadcast %add3A_2345 : i32 to vector<16xi32>
      %add3A_2347 = arith.addi %broadcast_in_dim3A_2341, %add3A_2346 : vector<16xi32>
      %select_n3A_2348 = arith.select %lt3A_2344, %add3A_2347, %broadcast_in_dim3A_2341 : vector<16xi1>, vector<16xi32>
      %broadcast_in_dim3A_2349 = vector.shape_cast %select_n3A_2348 : vector<16xi32> to vector<16x1xi32>
      %gather3A_2350 = vector.shape_cast %broadcast_in_dim3A_2349 : vector<16x1xi32> to vector<16xi32>
      %gather3A_2351 = tpu.dynamic_gather %get3A_2327[%gather3A_2350] in [0] : vector<16xf32>, vector<16xi32> -> vector<16xf32>
      %get3A_2352 = arith.constant 0 : i32
      %get3A_2353 = arith.index_cast %get3A_2352 : i32 to index
      %get3A_2354 = arith.constant 0 : index
      %get3A_2355 = tpu.vector_load %arg20[%get3A_2353, %get3A_2354] {strides = array<i32>} : memref<50x64xf32, #tpu.memory_space<vmem>>, vector<1x16xf32>,
      %get3A_2356 = vector.shape_cast %get3A_2355 : vector<1x16xf32> to vector<16xf32>
      %mul3A_2357 = arith.mulf %get3A_2356, %gather3A_2351 : vector<16xf32>
      %add3A_2358 = arith.addf %broadcast_in_dim3A_2323, %mul3A_2357 : vector<16xf32>
      %get3A_2359 = arith.constant 0 : i32
      %get3A_2360 = arith.index_cast %get3A_2359 : i32 to index
      %get3A_2361 = arith.constant 16 : index
      %get3A_2362 = tpu.vector_load %arg20[%get3A_2360, %get3A_2361] {strides = array<i32>} : memref<50x64xf32, #tpu.memory_space<vmem>>, vector<1x16xf32>,
      %get3A_2363 = vector.shape_cast %get3A_2362 : vector<1x16xf32> to vector<16xf32>
      %mul3A_2364 = arith.mulf %get3A_2363, %gather3A_2351 : vector<16xf32>
      %add3A_2365 = arith.addf %broadcast_in_dim3A_2323, %mul3A_2364 : vector<16xf32>
      %get3A_2366 = arith.constant 0 : i32
      %get3A_2367 = arith.index_cast %get3A_2366 : i32 to index
      %get3A_2368 = arith.constant 32 : index
      %get3A_2369 = tpu.vector_load %arg20[%get3A_2367, %get3A_2368] {strides = array<i32>} : memref<50x64xf32, #tpu.memory_space<vmem>>, vector<1x16xf32>,
      %get3A_2370 = vector.shape_cast %get3A_2369 : vector<1x16xf32> to vector<16xf32>
      %mul3A_2371 = arith.mulf %get3A_2370, %gather3A_2351 : vector<16xf32>
      %add3A_2372 = arith.addf %broadcast_in_dim3A_2323, %mul3A_2371 : vector<16xf32>
      %get3A_2373 = arith.constant 0 : i32
      %get3A_2374 = arith.index_cast %get3A_2373 : i32 to index
      %get3A_2375 = arith.constant 48 : index
      %get3A_2376 = tpu.vector_load %arg20[%get3A_2374, %get3A_2375] {strides = array<i32>} : memref<50x64xf32, #tpu.memory_space<vmem>>, vector<1x16xf32>,
      %get3A_2377 = vector.shape_cast %get3A_2376 : vector<1x16xf32> to vector<16xf32>
      %mul3A_2378 = arith.mulf %get3A_2377, %gather3A_2351 : vector<16xf32>
      %add3A_2379 = arith.addf %broadcast_in_dim3A_2323, %mul3A_2378 : vector<16xf32>
      %add3A_2380 = arith.addf %broadcast_in_dim3A_2323, %gather3A_2351 : vector<16xf32>
      %broadcast_in_dim3A_2381 = arith.constant 1 : i32
      %broadcast_in_dim3A_2382 = vector.broadcast %broadcast_in_dim3A_2381 : i32 to vector<16xi32>
      %lt3A_2383 = arith.constant 0 : i32
      %lt3A_2384 = vector.broadcast %lt3A_2383 : i32 to vector<16xi32>
      %lt3A_2385 = arith.cmpi slt, %broadcast_in_dim3A_2382, %lt3A_2384 : vector<16xi32>
      %add3A_2386 = arith.constant 16 : i32
      %add3A_2387 = vector.broadcast %add3A_2386 : i32 to vector<16xi32>
      %add3A_2388 = arith.addi %broadcast_in_dim3A_2382, %add3A_2387 : vector<16xi32>
      %select_n3A_2389 = arith.select %lt3A_2385, %add3A_2388, %broadcast_in_dim3A_2382 : vector<16xi1>, vector<16xi32>
      %broadcast_in_dim3A_2390 = vector.shape_cast %select_n3A_2389 : vector<16xi32> to vector<16x1xi32>
      %gather3A_2391 = vector.shape_cast %broadcast_in_dim3A_2390 : vector<16x1xi32> to vector<16xi32>
      %gather3A_2392 = tpu.dynamic_gather %get3A_2327[%gather3A_2391] in [0] : vector<16xf32>, vector<16xi32> -> vector<16xf32>
      %get3A_2393 = arith.constant 1 : i32
      %get3A_2394 = arith.index_cast %get3A_2393 : i32 to index
      %get3A_2395 = arith.constant 0 : index
      %get3A_2396 = tpu.vector_load %arg20[%get3A_2394, %get3A_2395] {strides = array<i32>} : memref<50x64xf32, #tpu.memory_space<vmem>>, vector<1x16xf32>,
      %get3A_2397 = vector.shape_cast %get3A_2396 : vector<1x16xf32> to vector<16xf32>
      %mul3A_2398 = arith.mulf %get3A_2397, %gather3A_2392 : vector<16xf32>
      %add3A_2399 = arith.addf %add3A_2358, %mul3A_2398 : vector<16xf32>
      %get3A_2400 = arith.constant 1 : i32
      %get3A_2401 = arith.index_cast %get3A_2400 : i32 to index
      %get3A_2402 = arith.constant 16 : index
      %get3A_2403 = tpu.vector_load %arg20[%get3A_2401, %get3A_2402] {strides = array<i32>} : memref<50x64xf32, #tpu.memory_space<vmem>>, vector<1x16xf32>,
      %get3A_2404 = vector.shape_cast %get3A_2403 : vector<1x16xf32> to vector<16xf32>
      %mul3A_2405 = arith.mulf %get3A_2404, %gather3A_2392 : vector<16xf32>
      %add3A_2406 = arith.addf %add3A_2365, %mul3A_2405 : vector<16xf32>
      %get3A_2407 = arith.constant 1 : i32
      %get3A_2408 = arith.index_cast %get3A_2407 : i32 to index
      %get3A_2409 = arith.constant 32 : index
      %get3A_2410 = tpu.vector_load %arg20[%get3A_2408, %get3A_2409] {strides = array<i32>} : memref<50x64xf32, #tpu.memory_space<vmem>>, vector<1x16xf32>,
      %get3A_2411 = vector.shape_cast %get3A_2410 : vector<1x16xf32> to vector<16xf32>
      %mul3A_2412 = arith.mulf %get3A_2411, %gather3A_2392 : vector<16xf32>
      %add3A_2413 = arith.addf %add3A_2372, %mul3A_2412 : vector<16xf32>
      %get3A_2414 = arith.constant 1 : i32
      %get3A_2415 = arith.index_cast %get3A_2414 : i32 to index
      %get3A_2416 = arith.constant 48 : index
      %get3A_2417 = tpu.vector_load %arg20[%get3A_2415, %get3A_2416] {strides = array<i32>} : memref<50x64xf32, #tpu.memory_space<vmem>>, vector<1x16xf32>,
      %get3A_2418 = vector.shape_cast %get3A_2417 : vector<1x16xf32> to vector<16xf32>
      %mul3A_2419 = arith.mulf %get3A_2418, %gather3A_2392 : vector<16xf32>
      %add3A_2420 = arith.addf %add3A_2379, %mul3A_2419 : vector<16xf32>
      %add3A_2421 = arith.addf %add3A_2380, %gather3A_2392 : vector<16xf32>
      %broadcast_in_dim3A_2422 = arith.constant 2 : i32
      %broadcast_in_dim3A_2423 = vector.broadcast %broadcast_in_dim3A_2422 : i32 to vector<16xi32>
      %lt3A_2424 = arith.constant 0 : i32
      %lt3A_2425 = vector.broadcast %lt3A_2424 : i32 to vector<16xi32>
      %lt3A_2426 = arith.cmpi slt, %broadcast_in_dim3A_2423, %lt3A_2425 : vector<16xi32>
      %add3A_2427 = arith.constant 16 : i32
      %add3A_2428 = vector.broadcast %add3A_2427 : i32 to vector<16xi32>
      %add3A_2429 = arith.addi %broadcast_in_dim3A_2423, %add3A_2428 : vector<16xi32>
      %select_n3A_2430 = arith.select %lt3A_2426, %add3A_2429, %broadcast_in_dim3A_2423 : vector<16xi1>, vector<16xi32>
      %broadcast_in_dim3A_2431 = vector.shape_cast %select_n3A_2430 : vector<16xi32> to vector<16x1xi32>
      %gather3A_2432 = vector.shape_cast %broadcast_in_dim3A_2431 : vector<16x1xi32> to vector<16xi32>
      %gather3A_2433 = tpu.dynamic_gather %get3A_2327[%gather3A_2432] in [0] : vector<16xf32>, vector<16xi32> -> vector<16xf32>
      %get3A_2434 = arith.constant 2 : i32
      %get3A_2435 = arith.index_cast %get3A_2434 : i32 to index
      %get3A_2436 = arith.constant 0 : index
      %get3A_2437 = tpu.vector_load %arg20[%get3A_2435, %get3A_2436] {strides = array<i32>} : memref<50x64xf32, #tpu.memory_space<vmem>>, vector<1x16xf32>,
      %get3A_2438 = vector.shape_cast %get3A_2437 : vector<1x16xf32> to vector<16xf32>
      %mul3A_2439 = arith.mulf %get3A_2438, %gather3A_2433 : vector<16xf32>
      %add3A_2440 = arith.addf %add3A_2399, %mul3A_2439 : vector<16xf32>
      %get3A_2441 = arith.constant 2 : i32
      %get3A_2442 = arith.index_cast %get3A_2441 : i32 to index
      %get3A_2443 = arith.constant 16 : index
      %get3A_2444 = tpu.vector_load %arg20[%get3A_2442, %get3A_2443] {strides = array<i32>} : memref<50x64xf32, #tpu.memory_space<vmem>>, vector<1x16xf32>,
      %get3A_2445 = vector.shape_cast %get3A_2444 : vector<1x16xf32> to vector<16xf32>
      %mul3A_2446 = arith.mulf %get3A_2445, %gather3A_2433 : vector<16xf32>
      %add3A_2447 = arith.addf %add3A_2406, %mul3A_2446 : vector<16xf32>
      %get3A_2448 = arith.constant 2 : i32
      %get3A_2449 = arith.index_cast %get3A_2448 : i32 to index
      %get3A_2450 = arith.constant 32 : index
      %get3A_2451 = tpu.vector_load %arg20[%get3A_2449, %get3A_2450] {strides = array<i32>} : memref<50x64xf32, #tpu.memory_space<vmem>>, vector<1x16xf32>,
      %get3A_2452 = vector.shape_cast %get3A_2451 : vector<1x16xf32> to vector<16xf32>
      %mul3A_2453 = arith.mulf %get3A_2452, %gather3A_2433 : vector<16xf32>
      %add3A_2454 = arith.addf %add3A_2413, %mul3A_2453 : vector<16xf32>
      %get3A_2455 = arith.constant 2 : i32
      %get3A_2456 = arith.index_cast %get3A_2455 : i32 to index
      %get3A_2457 = arith.constant 48 : index
      %get3A_2458 = tpu.vector_load %arg20[%get3A_2456, %get3A_2457] {strides = array<i32>} : memref<50x64xf32, #tpu.memory_space<vmem>>, vector<1x16xf32>,
      %get3A_2459 = vector.shape_cast %get3A_2458 : vector<1x16xf32> to vector<16xf32>
      %mul3A_2460 = arith.mulf %get3A_2459, %gather3A_2433 : vector<16xf32>
      %add3A_2461 = arith.addf %add3A_2420, %mul3A_2460 : vector<16xf32>
      %add3A_2462 = arith.addf %add3A_2421, %gather3A_2433 : vector<16xf32>
      %broadcast_in_dim3A_2463 = arith.constant 3 : i32
      %broadcast_in_dim3A_2464 = vector.broadcast %broadcast_in_dim3A_2463 : i32 to vector<16xi32>
      %lt3A_2465 = arith.constant 0 : i32
      %lt3A_2466 = vector.broadcast %lt3A_2465 : i32 to vector<16xi32>
      %lt3A_2467 = arith.cmpi slt, %broadcast_in_dim3A_2464, %lt3A_2466 : vector<16xi32>
      %add3A_2468 = arith.constant 16 : i32
      %add3A_2469 = vector.broadcast %add3A_2468 : i32 to vector<16xi32>
      %add3A_2470 = arith.addi %broadcast_in_dim3A_2464, %add3A_2469 : vector<16xi32>
      %select_n3A_2471 = arith.select %lt3A_2467, %add3A_2470, %broadcast_in_dim3A_2464 : vector<16xi1>, vector<16xi32>
      %broadcast_in_dim3A_2472 = vector.shape_cast %select_n3A_2471 : vector<16xi32> to vector<16x1xi32>
      %gather3A_2473 = vector.shape_cast %broadcast_in_dim3A_2472 : vector<16x1xi32> to vector<16xi32>
      %gather3A_2474 = tpu.dynamic_gather %get3A_2327[%gather3A_2473] in [0] : vector<16xf32>, vector<16xi32> -> vector<16xf32>
      %get3A_2475 = arith.constant 3 : i32
      %get3A_2476 = arith.index_cast %get3A_2475 : i32 to index
      %get3A_2477 = arith.constant 0 : index
      %get3A_2478 = tpu.vector_load %arg20[%get3A_2476, %get3A_2477] {strides = array<i32>} : memref<50x64xf32, #tpu.memory_space<vmem>>, vector<1x16xf32>,
      %get3A_2479 = vector.shape_cast %get3A_2478 : vector<1x16xf32> to vector<16xf32>
      %mul3A_2480 = arith.mulf %get3A_2479, %gather3A_2474 : vector<16xf32>
      %add3A_2481 = arith.addf %add3A_2440, %mul3A_2480 : vector<16xf32>
      %get3A_2482 = arith.constant 3 : i32
      %get3A_2483 = arith.index_cast %get3A_2482 : i32 to index
      %get3A_2484 = arith.constant 16 : index
      %get3A_2485 = tpu.vector_load %arg20[%get3A_2483, %get3A_2484] {strides = array<i32>} : memref<50x64xf32, #tpu.memory_space<vmem>>, vector<1x16xf32>,
      %get3A_2486 = vector.shape_cast %get3A_2485 : vector<1x16xf32> to vector<16xf32>
      %mul3A_2487 = arith.mulf %get3A_2486, %gather3A_2474 : vector<16xf32>
      %add3A_2488 = arith.addf %add3A_2447, %mul3A_2487 : vector<16xf32>
      %get3A_2489 = arith.constant 3 : i32
      %get3A_2490 = arith.index_cast %get3A_2489 : i32 to index
      %get3A_2491 = arith.constant 32 : index
      %get3A_2492 = tpu.vector_load %arg20[%get3A_2490, %get3A_2491] {strides = array<i32>} : memref<50x64xf32, #tpu.memory_space<vmem>>, vector<1x16xf32>,
      %get3A_2493 = vector.shape_cast %get3A_2492 : vector<1x16xf32> to vector<16xf32>
      %mul3A_2494 = arith.mulf %get3A_2493, %gather3A_2474 : vector<16xf32>
      %add3A_2495 = arith.addf %add3A_2454, %mul3A_2494 : vector<16xf32>
      %get3A_2496 = arith.constant 3 : i32
      %get3A_2497 = arith.index_cast %get3A_2496 : i32 to index
      %get3A_2498 = arith.constant 48 : index
      %get3A_2499 = tpu.vector_load %arg20[%get3A_2497, %get3A_2498] {strides = array<i32>} : memref<50x64xf32, #tpu.memory_space<vmem>>, vector<1x16xf32>,
      %get3A_2500 = vector.shape_cast %get3A_2499 : vector<1x16xf32> to vector<16xf32>
      %mul3A_2501 = arith.mulf %get3A_2500, %gather3A_2474 : vector<16xf32>
      %add3A_2502 = arith.addf %add3A_2461, %mul3A_2501 : vector<16xf32>
      %add3A_2503 = arith.addf %add3A_2462, %gather3A_2474 : vector<16xf32>
      %broadcast_in_dim3A_2504 = arith.constant 4 : i32
      %broadcast_in_dim3A_2505 = vector.broadcast %broadcast_in_dim3A_2504 : i32 to vector<16xi32>
      %lt3A_2506 = arith.constant 0 : i32
      %lt3A_2507 = vector.broadcast %lt3A_2506 : i32 to vector<16xi32>
      %lt3A_2508 = arith.cmpi slt, %broadcast_in_dim3A_2505, %lt3A_2507 : vector<16xi32>
      %add3A_2509 = arith.constant 16 : i32
      %add3A_2510 = vector.broadcast %add3A_2509 : i32 to vector<16xi32>
      %add3A_2511 = arith.addi %broadcast_in_dim3A_2505, %add3A_2510 : vector<16xi32>
      %select_n3A_2512 = arith.select %lt3A_2508, %add3A_2511, %broadcast_in_dim3A_2505 : vector<16xi1>, vector<16xi32>
      %broadcast_in_dim3A_2513 = vector.shape_cast %select_n3A_2512 : vector<16xi32> to vector<16x1xi32>
      %gather3A_2514 = vector.shape_cast %broadcast_in_dim3A_2513 : vector<16x1xi32> to vector<16xi32>
      %gather3A_2515 = tpu.dynamic_gather %get3A_2327[%gather3A_2514] in [0] : vector<16xf32>, vector<16xi32> -> vector<16xf32>
      %get3A_2516 = arith.constant 4 : i32
      %get3A_2517 = arith.index_cast %get3A_2516 : i32 to index
      %get3A_2518 = arith.constant 0 : index
      %get3A_2519 = tpu.vector_load %arg20[%get3A_2517, %get3A_2518] {strides = array<i32>} : memref<50x64xf32, #tpu.memory_space<vmem>>, vector<1x16xf32>,
      %get3A_2520 = vector.shape_cast %get3A_2519 : vector<1x16xf32> to vector<16xf32>
      %mul3A_2521 = arith.mulf %get3A_2520, %gather3A_2515 : vector<16xf32>
      %add3A_2522 = arith.addf %add3A_2481, %mul3A_2521 : vector<16xf32>
      %get3A_2523 = arith.constant 4 : i32
      %get3A_2524 = arith.index_cast %get3A_2523 : i32 to index
      %get3A_2525 = arith.constant 16 : index
      %get3A_2526 = tpu.vector_load %arg20[%get3A_2524, %get3A_2525] {strides = array<i32>} : memref<50x64xf32, #tpu.memory_space<vmem>>, vector<1x16xf32>,
      %get3A_2527 = vector.shape_cast %get3A_2526 : vector<1x16xf32> to vector<16xf32>
      %mul3A_2528 = arith.mulf %get3A_2527, %gather3A_2515 : vector<16xf32>
      %add3A_2529 = arith.addf %add3A_2488, %mul3A_2528 : vector<16xf32>
      %get3A_2530 = arith.constant 4 : i32
      %get3A_2531 = arith.index_cast %get3A_2530 : i32 to index
      %get3A_2532 = arith.constant 32 : index
      %get3A_2533 = tpu.vector_load %arg20[%get3A_2531, %get3A_2532] {strides = array<i32>} : memref<50x64xf32, #tpu.memory_space<vmem>>, vector<1x16xf32>,
      %get3A_2534 = vector.shape_cast %get3A_2533 : vector<1x16xf32> to vector<16xf32>
      %mul3A_2535 = arith.mulf %get3A_2534, %gather3A_2515 : vector<16xf32>
      %add3A_2536 = arith.addf %add3A_2495, %mul3A_2535 : vector<16xf32>
      %get3A_2537 = arith.constant 4 : i32
      %get3A_2538 = arith.index_cast %get3A_2537 : i32 to index
      %get3A_2539 = arith.constant 48 : index
      %get3A_2540 = tpu.vector_load %arg20[%get3A_2538, %get3A_2539] {strides = array<i32>} : memref<50x64xf32, #tpu.memory_space<vmem>>, vector<1x16xf32>,
      %get3A_2541 = vector.shape_cast %get3A_2540 : vector<1x16xf32> to vector<16xf32>
      %mul3A_2542 = arith.mulf %get3A_2541, %gather3A_2515 : vector<16xf32>
      %add3A_2543 = arith.addf %add3A_2502, %mul3A_2542 : vector<16xf32>
      %add3A_2544 = arith.addf %add3A_2503, %gather3A_2515 : vector<16xf32>
      %broadcast_in_dim3A_2545 = arith.constant 5 : i32
      %broadcast_in_dim3A_2546 = vector.broadcast %broadcast_in_dim3A_2545 : i32 to vector<16xi32>
      %lt3A_2547 = arith.constant 0 : i32
      %lt3A_2548 = vector.broadcast %lt3A_2547 : i32 to vector<16xi32>
      %lt3A_2549 = arith.cmpi slt, %broadcast_in_dim3A_2546, %lt3A_2548 : vector<16xi32>
      %add3A_2550 = arith.constant 16 : i32
      %add3A_2551 = vector.broadcast %add3A_2550 : i32 to vector<16xi32>
      %add3A_2552 = arith.addi %broadcast_in_dim3A_2546, %add3A_2551 : vector<16xi32>
      %select_n3A_2553 = arith.select %lt3A_2549, %add3A_2552, %broadcast_in_dim3A_2546 : vector<16xi1>, vector<16xi32>
      %broadcast_in_dim3A_2554 = vector.shape_cast %select_n3A_2553 : vector<16xi32> to vector<16x1xi32>
      %gather3A_2555 = vector.shape_cast %broadcast_in_dim3A_2554 : vector<16x1xi32> to vector<16xi32>
      %gather3A_2556 = tpu.dynamic_gather %get3A_2327[%gather3A_2555] in [0] : vector<16xf32>, vector<16xi32> -> vector<16xf32>
      %get3A_2557 = arith.constant 5 : i32
      %get3A_2558 = arith.index_cast %get3A_2557 : i32 to index
      %get3A_2559 = arith.constant 0 : index
      %get3A_2560 = tpu.vector_load %arg20[%get3A_2558, %get3A_2559] {strides = array<i32>} : memref<50x64xf32, #tpu.memory_space<vmem>>, vector<1x16xf32>,
      %get3A_2561 = vector.shape_cast %get3A_2560 : vector<1x16xf32> to vector<16xf32>
      %mul3A_2562 = arith.mulf %get3A_2561, %gather3A_2556 : vector<16xf32>
      %add3A_2563 = arith.addf %add3A_2522, %mul3A_2562 : vector<16xf32>
      %get3A_2564 = arith.constant 5 : i32
      %get3A_2565 = arith.index_cast %get3A_2564 : i32 to index
      %get3A_2566 = arith.constant 16 : index
      %get3A_2567 = tpu.vector_load %arg20[%get3A_2565, %get3A_2566] {strides = array<i32>} : memref<50x64xf32, #tpu.memory_space<vmem>>, vector<1x16xf32>,
      %get3A_2568 = vector.shape_cast %get3A_2567 : vector<1x16xf32> to vector<16xf32>
      %mul3A_2569 = arith.mulf %get3A_2568, %gather3A_2556 : vector<16xf32>
      %add3A_2570 = arith.addf %add3A_2529, %mul3A_2569 : vector<16xf32>
      %get3A_2571 = arith.constant 5 : i32
      %get3A_2572 = arith.index_cast %get3A_2571 : i32 to index
      %get3A_2573 = arith.constant 32 : index
      %get3A_2574 = tpu.vector_load %arg20[%get3A_2572, %get3A_2573] {strides = array<i32>} : memref<50x64xf32, #tpu.memory_space<vmem>>, vector<1x16xf32>,
      %get3A_2575 = vector.shape_cast %get3A_2574 : vector<1x16xf32> to vector<16xf32>
      %mul3A_2576 = arith.mulf %get3A_2575, %gather3A_2556 : vector<16xf32>
      %add3A_2577 = arith.addf %add3A_2536, %mul3A_2576 : vector<16xf32>
      %get3A_2578 = arith.constant 5 : i32
      %get3A_2579 = arith.index_cast %get3A_2578 : i32 to index
      %get3A_2580 = arith.constant 48 : index
      %get3A_2581 = tpu.vector_load %arg20[%get3A_2579, %get3A_2580] {strides = array<i32>} : memref<50x64xf32, #tpu.memory_space<vmem>>, vector<1x16xf32>,
      %get3A_2582 = vector.shape_cast %get3A_2581 : vector<1x16xf32> to vector<16xf32>
      %mul3A_2583 = arith.mulf %get3A_2582, %gather3A_2556 : vector<16xf32>
      %add3A_2584 = arith.addf %add3A_2543, %mul3A_2583 : vector<16xf32>
      %add3A_2585 = arith.addf %add3A_2544, %gather3A_2556 : vector<16xf32>
      %broadcast_in_dim3A_2586 = arith.constant 6 : i32
      %broadcast_in_dim3A_2587 = vector.broadcast %broadcast_in_dim3A_2586 : i32 to vector<16xi32>
      %lt3A_2588 = arith.constant 0 : i32
      %lt3A_2589 = vector.broadcast %lt3A_2588 : i32 to vector<16xi32>
      %lt3A_2590 = arith.cmpi slt, %broadcast_in_dim3A_2587, %lt3A_2589 : vector<16xi32>
      %add3A_2591 = arith.constant 16 : i32
      %add3A_2592 = vector.broadcast %add3A_2591 : i32 to vector<16xi32>
      %add3A_2593 = arith.addi %broadcast_in_dim3A_2587, %add3A_2592 : vector<16xi32>
      %select_n3A_2594 = arith.select %lt3A_2590, %add3A_2593, %broadcast_in_dim3A_2587 : vector<16xi1>, vector<16xi32>
      %broadcast_in_dim3A_2595 = vector.shape_cast %select_n3A_2594 : vector<16xi32> to vector<16x1xi32>
      %gather3A_2596 = vector.shape_cast %broadcast_in_dim3A_2595 : vector<16x1xi32> to vector<16xi32>
      %gather3A_2597 = tpu.dynamic_gather %get3A_2327[%gather3A_2596] in [0] : vector<16xf32>, vector<16xi32> -> vector<16xf32>
      %get3A_2598 = arith.constant 6 : i32
      %get3A_2599 = arith.index_cast %get3A_2598 : i32 to index
      %get3A_2600 = arith.constant 0 : index
      %get3A_2601 = tpu.vector_load %arg20[%get3A_2599, %get3A_2600] {strides = array<i32>} : memref<50x64xf32, #tpu.memory_space<vmem>>, vector<1x16xf32>,
      %get3A_2602 = vector.shape_cast %get3A_2601 : vector<1x16xf32> to vector<16xf32>
      %mul3A_2603 = arith.mulf %get3A_2602, %gather3A_2597 : vector<16xf32>
      %add3A_2604 = arith.addf %add3A_2563, %mul3A_2603 : vector<16xf32>
      %get3A_2605 = arith.constant 6 : i32
      %get3A_2606 = arith.index_cast %get3A_2605 : i32 to index
      %get3A_2607 = arith.constant 16 : index
      %get3A_2608 = tpu.vector_load %arg20[%get3A_2606, %get3A_2607] {strides = array<i32>} : memref<50x64xf32, #tpu.memory_space<vmem>>, vector<1x16xf32>,
      %get3A_2609 = vector.shape_cast %get3A_2608 : vector<1x16xf32> to vector<16xf32>
      %mul3A_2610 = arith.mulf %get3A_2609, %gather3A_2597 : vector<16xf32>
      %add3A_2611 = arith.addf %add3A_2570, %mul3A_2610 : vector<16xf32>
      %get3A_2612 = arith.constant 6 : i32
      %get3A_2613 = arith.index_cast %get3A_2612 : i32 to index
      %get3A_2614 = arith.constant 32 : index
      %get3A_2615 = tpu.vector_load %arg20[%get3A_2613, %get3A_2614] {strides = array<i32>} : memref<50x64xf32, #tpu.memory_space<vmem>>, vector<1x16xf32>,
      %get3A_2616 = vector.shape_cast %get3A_2615 : vector<1x16xf32> to vector<16xf32>
      %mul3A_2617 = arith.mulf %get3A_2616, %gather3A_2597 : vector<16xf32>
      %add3A_2618 = arith.addf %add3A_2577, %mul3A_2617 : vector<16xf32>
      %get3A_2619 = arith.constant 6 : i32
      %get3A_2620 = arith.index_cast %get3A_2619 : i32 to index
      %get3A_2621 = arith.constant 48 : index
      %get3A_2622 = tpu.vector_load %arg20[%get3A_2620, %get3A_2621] {strides = array<i32>} : memref<50x64xf32, #tpu.memory_space<vmem>>, vector<1x16xf32>,
      %get3A_2623 = vector.shape_cast %get3A_2622 : vector<1x16xf32> to vector<16xf32>
      %mul3A_2624 = arith.mulf %get3A_2623, %gather3A_2597 : vector<16xf32>
      %add3A_2625 = arith.addf %add3A_2584, %mul3A_2624 : vector<16xf32>
      %add3A_2626 = arith.addf %add3A_2585, %gather3A_2597 : vector<16xf32>
      %broadcast_in_dim3A_2627 = arith.constant 7 : i32
      %broadcast_in_dim3A_2628 = vector.broadcast %broadcast_in_dim3A_2627 : i32 to vector<16xi32>
      %lt3A_2629 = arith.constant 0 : i32
      %lt3A_2630 = vector.broadcast %lt3A_2629 : i32 to vector<16xi32>
      %lt3A_2631 = arith.cmpi slt, %broadcast_in_dim3A_2628, %lt3A_2630 : vector<16xi32>
      %add3A_2632 = arith.constant 16 : i32
      %add3A_2633 = vector.broadcast %add3A_2632 : i32 to vector<16xi32>
      %add3A_2634 = arith.addi %broadcast_in_dim3A_2628, %add3A_2633 : vector<16xi32>
      %select_n3A_2635 = arith.select %lt3A_2631, %add3A_2634, %broadcast_in_dim3A_2628 : vector<16xi1>, vector<16xi32>
      %broadcast_in_dim3A_2636 = vector.shape_cast %select_n3A_2635 : vector<16xi32> to vector<16x1xi32>
      %gather3A_2637 = vector.shape_cast %broadcast_in_dim3A_2636 : vector<16x1xi32> to vector<16xi32>
      %gather3A_2638 = tpu.dynamic_gather %get3A_2327[%gather3A_2637] in [0] : vector<16xf32>, vector<16xi32> -> vector<16xf32>
      %get3A_2639 = arith.constant 7 : i32
      %get3A_2640 = arith.index_cast %get3A_2639 : i32 to index
      %get3A_2641 = arith.constant 0 : index
      %get3A_2642 = tpu.vector_load %arg20[%get3A_2640, %get3A_2641] {strides = array<i32>} : memref<50x64xf32, #tpu.memory_space<vmem>>, vector<1x16xf32>,
      %get3A_2643 = vector.shape_cast %get3A_2642 : vector<1x16xf32> to vector<16xf32>
      %mul3A_2644 = arith.mulf %get3A_2643, %gather3A_2638 : vector<16xf32>
      %add3A_2645 = arith.addf %add3A_2604, %mul3A_2644 : vector<16xf32>
      %get3A_2646 = arith.constant 7 : i32
      %get3A_2647 = arith.index_cast %get3A_2646 : i32 to index
      %get3A_2648 = arith.constant 16 : index
      %get3A_2649 = tpu.vector_load %arg20[%get3A_2647, %get3A_2648] {strides = array<i32>} : memref<50x64xf32, #tpu.memory_space<vmem>>, vector<1x16xf32>,
      %get3A_2650 = vector.shape_cast %get3A_2649 : vector<1x16xf32> to vector<16xf32>
      %mul3A_2651 = arith.mulf %get3A_2650, %gather3A_2638 : vector<16xf32>
      %add3A_2652 = arith.addf %add3A_2611, %mul3A_2651 : vector<16xf32>
      %get3A_2653 = arith.constant 7 : i32
      %get3A_2654 = arith.index_cast %get3A_2653 : i32 to index
      %get3A_2655 = arith.constant 32 : index
      %get3A_2656 = tpu.vector_load %arg20[%get3A_2654, %get3A_2655] {strides = array<i32>} : memref<50x64xf32, #tpu.memory_space<vmem>>, vector<1x16xf32>,
      %get3A_2657 = vector.shape_cast %get3A_2656 : vector<1x16xf32> to vector<16xf32>
      %mul3A_2658 = arith.mulf %get3A_2657, %gather3A_2638 : vector<16xf32>
      %add3A_2659 = arith.addf %add3A_2618, %mul3A_2658 : vector<16xf32>
      %get3A_2660 = arith.constant 7 : i32
      %get3A_2661 = arith.index_cast %get3A_2660 : i32 to index
      %get3A_2662 = arith.constant 48 : index
      %get3A_2663 = tpu.vector_load %arg20[%get3A_2661, %get3A_2662] {strides = array<i32>} : memref<50x64xf32, #tpu.memory_space<vmem>>, vector<1x16xf32>,
      %get3A_2664 = vector.shape_cast %get3A_2663 : vector<1x16xf32> to vector<16xf32>
      %mul3A_2665 = arith.mulf %get3A_2664, %gather3A_2638 : vector<16xf32>
      %add3A_2666 = arith.addf %add3A_2625, %mul3A_2665 : vector<16xf32>
      %add3A_2667 = arith.addf %add3A_2626, %gather3A_2638 : vector<16xf32>
      %broadcast_in_dim3A_2668 = arith.constant 8 : i32
      %broadcast_in_dim3A_2669 = vector.broadcast %broadcast_in_dim3A_2668 : i32 to vector<16xi32>
      %lt3A_2670 = arith.constant 0 : i32
      %lt3A_2671 = vector.broadcast %lt3A_2670 : i32 to vector<16xi32>
      %lt3A_2672 = arith.cmpi slt, %broadcast_in_dim3A_2669, %lt3A_2671 : vector<16xi32>
      %add3A_2673 = arith.constant 16 : i32
      %add3A_2674 = vector.broadcast %add3A_2673 : i32 to vector<16xi32>
      %add3A_2675 = arith.addi %broadcast_in_dim3A_2669, %add3A_2674 : vector<16xi32>
      %select_n3A_2676 = arith.select %lt3A_2672, %add3A_2675, %broadcast_in_dim3A_2669 : vector<16xi1>, vector<16xi32>
      %broadcast_in_dim3A_2677 = vector.shape_cast %select_n3A_2676 : vector<16xi32> to vector<16x1xi32>
      %gather3A_2678 = vector.shape_cast %broadcast_in_dim3A_2677 : vector<16x1xi32> to vector<16xi32>
      %gather3A_2679 = tpu.dynamic_gather %get3A_2327[%gather3A_2678] in [0] : vector<16xf32>, vector<16xi32> -> vector<16xf32>
      %get3A_2680 = arith.constant 8 : i32
      %get3A_2681 = arith.index_cast %get3A_2680 : i32 to index
      %get3A_2682 = arith.constant 0 : index
      %get3A_2683 = tpu.vector_load %arg20[%get3A_2681, %get3A_2682] {strides = array<i32>} : memref<50x64xf32, #tpu.memory_space<vmem>>, vector<1x16xf32>,
      %get3A_2684 = vector.shape_cast %get3A_2683 : vector<1x16xf32> to vector<16xf32>
      %mul3A_2685 = arith.mulf %get3A_2684, %gather3A_2679 : vector<16xf32>
      %add3A_2686 = arith.addf %add3A_2645, %mul3A_2685 : vector<16xf32>
      %get3A_2687 = arith.constant 8 : i32
      %get3A_2688 = arith.index_cast %get3A_2687 : i32 to index
      %get3A_2689 = arith.constant 16 : index
      %get3A_2690 = tpu.vector_load %arg20[%get3A_2688, %get3A_2689] {strides = array<i32>} : memref<50x64xf32, #tpu.memory_space<vmem>>, vector<1x16xf32>,
      %get3A_2691 = vector.shape_cast %get3A_2690 : vector<1x16xf32> to vector<16xf32>
      %mul3A_2692 = arith.mulf %get3A_2691, %gather3A_2679 : vector<16xf32>
      %add3A_2693 = arith.addf %add3A_2652, %mul3A_2692 : vector<16xf32>
      %get3A_2694 = arith.constant 8 : i32
      %get3A_2695 = arith.index_cast %get3A_2694 : i32 to index
      %get3A_2696 = arith.constant 32 : index
      %get3A_2697 = tpu.vector_load %arg20[%get3A_2695, %get3A_2696] {strides = array<i32>} : memref<50x64xf32, #tpu.memory_space<vmem>>, vector<1x16xf32>,
      %get3A_2698 = vector.shape_cast %get3A_2697 : vector<1x16xf32> to vector<16xf32>
      %mul3A_2699 = arith.mulf %get3A_2698, %gather3A_2679 : vector<16xf32>
      %add3A_2700 = arith.addf %add3A_2659, %mul3A_2699 : vector<16xf32>
      %get3A_2701 = arith.constant 8 : i32
      %get3A_2702 = arith.index_cast %get3A_2701 : i32 to index
      %get3A_2703 = arith.constant 48 : index
      %get3A_2704 = tpu.vector_load %arg20[%get3A_2702, %get3A_2703] {strides = array<i32>} : memref<50x64xf32, #tpu.memory_space<vmem>>, vector<1x16xf32>,
      %get3A_2705 = vector.shape_cast %get3A_2704 : vector<1x16xf32> to vector<16xf32>
      %mul3A_2706 = arith.mulf %get3A_2705, %gather3A_2679 : vector<16xf32>
      %add3A_2707 = arith.addf %add3A_2666, %mul3A_2706 : vector<16xf32>
      %add3A_2708 = arith.addf %add3A_2667, %gather3A_2679 : vector<16xf32>
      %broadcast_in_dim3A_2709 = arith.constant 9 : i32
      %broadcast_in_dim3A_2710 = vector.broadcast %broadcast_in_dim3A_2709 : i32 to vector<16xi32>
      %lt3A_2711 = arith.constant 0 : i32
      %lt3A_2712 = vector.broadcast %lt3A_2711 : i32 to vector<16xi32>
      %lt3A_2713 = arith.cmpi slt, %broadcast_in_dim3A_2710, %lt3A_2712 : vector<16xi32>
      %add3A_2714 = arith.constant 16 : i32
      %add3A_2715 = vector.broadcast %add3A_2714 : i32 to vector<16xi32>
      %add3A_2716 = arith.addi %broadcast_in_dim3A_2710, %add3A_2715 : vector<16xi32>
      %select_n3A_2717 = arith.select %lt3A_2713, %add3A_2716, %broadcast_in_dim3A_2710 : vector<16xi1>, vector<16xi32>
      %broadcast_in_dim3A_2718 = vector.shape_cast %select_n3A_2717 : vector<16xi32> to vector<16x1xi32>
      %gather3A_2719 = vector.shape_cast %broadcast_in_dim3A_2718 : vector<16x1xi32> to vector<16xi32>
      %gather3A_2720 = tpu.dynamic_gather %get3A_2327[%gather3A_2719] in [0] : vector<16xf32>, vector<16xi32> -> vector<16xf32>
      %get3A_2721 = arith.constant 9 : i32
      %get3A_2722 = arith.index_cast %get3A_2721 : i32 to index
      %get3A_2723 = arith.constant 0 : index
      %get3A_2724 = tpu.vector_load %arg20[%get3A_2722, %get3A_2723] {strides = array<i32>} : memref<50x64xf32, #tpu.memory_space<vmem>>, vector<1x16xf32>,
      %get3A_2725 = vector.shape_cast %get3A_2724 : vector<1x16xf32> to vector<16xf32>
      %mul3A_2726 = arith.mulf %get3A_2725, %gather3A_2720 : vector<16xf32>
      %add3A_2727 = arith.addf %add3A_2686, %mul3A_2726 : vector<16xf32>
      %get3A_2728 = arith.constant 9 : i32
      %get3A_2729 = arith.index_cast %get3A_2728 : i32 to index
      %get3A_2730 = arith.constant 16 : index
      %get3A_2731 = tpu.vector_load %arg20[%get3A_2729, %get3A_2730] {strides = array<i32>} : memref<50x64xf32, #tpu.memory_space<vmem>>, vector<1x16xf32>,
      %get3A_2732 = vector.shape_cast %get3A_2731 : vector<1x16xf32> to vector<16xf32>
      %mul3A_2733 = arith.mulf %get3A_2732, %gather3A_2720 : vector<16xf32>
      %add3A_2734 = arith.addf %add3A_2693, %mul3A_2733 : vector<16xf32>
      %get3A_2735 = arith.constant 9 : i32
      %get3A_2736 = arith.index_cast %get3A_2735 : i32 to index
      %get3A_2737 = arith.constant 32 : index
      %get3A_2738 = tpu.vector_load %arg20[%get3A_2736, %get3A_2737] {strides = array<i32>} : memref<50x64xf32, #tpu.memory_space<vmem>>, vector<1x16xf32>,
      %get3A_2739 = vector.shape_cast %get3A_2738 : vector<1x16xf32> to vector<16xf32>
      %mul3A_2740 = arith.mulf %get3A_2739, %gather3A_2720 : vector<16xf32>
      %add3A_2741 = arith.addf %add3A_2700, %mul3A_2740 : vector<16xf32>
      %get3A_2742 = arith.constant 9 : i32
      %get3A_2743 = arith.index_cast %get3A_2742 : i32 to index
      %get3A_2744 = arith.constant 48 : index
      %get3A_2745 = tpu.vector_load %arg20[%get3A_2743, %get3A_2744] {strides = array<i32>} : memref<50x64xf32, #tpu.memory_space<vmem>>, vector<1x16xf32>,
      %get3A_2746 = vector.shape_cast %get3A_2745 : vector<1x16xf32> to vector<16xf32>
      %mul3A_2747 = arith.mulf %get3A_2746, %gather3A_2720 : vector<16xf32>
      %add3A_2748 = arith.addf %add3A_2707, %mul3A_2747 : vector<16xf32>
      %add3A_2749 = arith.addf %add3A_2708, %gather3A_2720 : vector<16xf32>
      %broadcast_in_dim3A_2750 = arith.constant 10 : i32
      %broadcast_in_dim3A_2751 = vector.broadcast %broadcast_in_dim3A_2750 : i32 to vector<16xi32>
      %lt3A_2752 = arith.constant 0 : i32
      %lt3A_2753 = vector.broadcast %lt3A_2752 : i32 to vector<16xi32>
      %lt3A_2754 = arith.cmpi slt, %broadcast_in_dim3A_2751, %lt3A_2753 : vector<16xi32>
      %add3A_2755 = arith.constant 16 : i32
      %add3A_2756 = vector.broadcast %add3A_2755 : i32 to vector<16xi32>
      %add3A_2757 = arith.addi %broadcast_in_dim3A_2751, %add3A_2756 : vector<16xi32>
      %select_n3A_2758 = arith.select %lt3A_2754, %add3A_2757, %broadcast_in_dim3A_2751 : vector<16xi1>, vector<16xi32>
      %broadcast_in_dim3A_2759 = vector.shape_cast %select_n3A_2758 : vector<16xi32> to vector<16x1xi32>
      %gather3A_2760 = vector.shape_cast %broadcast_in_dim3A_2759 : vector<16x1xi32> to vector<16xi32>
      %gather3A_2761 = tpu.dynamic_gather %get3A_2327[%gather3A_2760] in [0] : vector<16xf32>, vector<16xi32> -> vector<16xf32>
      %get3A_2762 = arith.constant 10 : i32
      %get3A_2763 = arith.index_cast %get3A_2762 : i32 to index
      %get3A_2764 = arith.constant 0 : index
      %get3A_2765 = tpu.vector_load %arg20[%get3A_2763, %get3A_2764] {strides = array<i32>} : memref<50x64xf32, #tpu.memory_space<vmem>>, vector<1x16xf32>,
      %get3A_2766 = vector.shape_cast %get3A_2765 : vector<1x16xf32> to vector<16xf32>
      %mul3A_2767 = arith.mulf %get3A_2766, %gather3A_2761 : vector<16xf32>
      %add3A_2768 = arith.addf %add3A_2727, %mul3A_2767 : vector<16xf32>
      %get3A_2769 = arith.constant 10 : i32
      %get3A_2770 = arith.index_cast %get3A_2769 : i32 to index
      %get3A_2771 = arith.constant 16 : index
      %get3A_2772 = tpu.vector_load %arg20[%get3A_2770, %get3A_2771] {strides = array<i32>} : memref<50x64xf32, #tpu.memory_space<vmem>>, vector<1x16xf32>,
      %get3A_2773 = vector.shape_cast %get3A_2772 : vector<1x16xf32> to vector<16xf32>
      %mul3A_2774 = arith.mulf %get3A_2773, %gather3A_2761 : vector<16xf32>
      %add3A_2775 = arith.addf %add3A_2734, %mul3A_2774 : vector<16xf32>
      %get3A_2776 = arith.constant 10 : i32
      %get3A_2777 = arith.index_cast %get3A_2776 : i32 to index
      %get3A_2778 = arith.constant 32 : index
      %get3A_2779 = tpu.vector_load %arg20[%get3A_2777, %get3A_2778] {strides = array<i32>} : memref<50x64xf32, #tpu.memory_space<vmem>>, vector<1x16xf32>,
      %get3A_2780 = vector.shape_cast %get3A_2779 : vector<1x16xf32> to vector<16xf32>
      %mul3A_2781 = arith.mulf %get3A_2780, %gather3A_2761 : vector<16xf32>
      %add3A_2782 = arith.addf %add3A_2741, %mul3A_2781 : vector<16xf32>
      %get3A_2783 = arith.constant 10 : i32
      %get3A_2784 = arith.index_cast %get3A_2783 : i32 to index
      %get3A_2785 = arith.constant 48 : index
      %get3A_2786 = tpu.vector_load %arg20[%get3A_2784, %get3A_2785] {strides = array<i32>} : memref<50x64xf32, #tpu.memory_space<vmem>>, vector<1x16xf32>,
      %get3A_2787 = vector.shape_cast %get3A_2786 : vector<1x16xf32> to vector<16xf32>
      %mul3A_2788 = arith.mulf %get3A_2787, %gather3A_2761 : vector<16xf32>
      %add3A_2789 = arith.addf %add3A_2748, %mul3A_2788 : vector<16xf32>
      %add3A_2790 = arith.addf %add3A_2749, %gather3A_2761 : vector<16xf32>
      %broadcast_in_dim3A_2791 = arith.constant 11 : i32
      %broadcast_in_dim3A_2792 = vector.broadcast %broadcast_in_dim3A_2791 : i32 to vector<16xi32>
      %lt3A_2793 = arith.constant 0 : i32
      %lt3A_2794 = vector.broadcast %lt3A_2793 : i32 to vector<16xi32>
      %lt3A_2795 = arith.cmpi slt, %broadcast_in_dim3A_2792, %lt3A_2794 : vector<16xi32>
      %add3A_2796 = arith.constant 16 : i32
      %add3A_2797 = vector.broadcast %add3A_2796 : i32 to vector<16xi32>
      %add3A_2798 = arith.addi %broadcast_in_dim3A_2792, %add3A_2797 : vector<16xi32>
      %select_n3A_2799 = arith.select %lt3A_2795, %add3A_2798, %broadcast_in_dim3A_2792 : vector<16xi1>, vector<16xi32>
      %broadcast_in_dim3A_2800 = vector.shape_cast %select_n3A_2799 : vector<16xi32> to vector<16x1xi32>
      %gather3A_2801 = vector.shape_cast %broadcast_in_dim3A_2800 : vector<16x1xi32> to vector<16xi32>
      %gather3A_2802 = tpu.dynamic_gather %get3A_2327[%gather3A_2801] in [0] : vector<16xf32>, vector<16xi32> -> vector<16xf32>
      %get3A_2803 = arith.constant 11 : i32
      %get3A_2804 = arith.index_cast %get3A_2803 : i32 to index
      %get3A_2805 = arith.constant 0 : index
      %get3A_2806 = tpu.vector_load %arg20[%get3A_2804, %get3A_2805] {strides = array<i32>} : memref<50x64xf32, #tpu.memory_space<vmem>>, vector<1x16xf32>,
      %get3A_2807 = vector.shape_cast %get3A_2806 : vector<1x16xf32> to vector<16xf32>
      %mul3A_2808 = arith.mulf %get3A_2807, %gather3A_2802 : vector<16xf32>
      %add3A_2809 = arith.addf %add3A_2768, %mul3A_2808 : vector<16xf32>
      %get3A_2810 = arith.constant 11 : i32
      %get3A_2811 = arith.index_cast %get3A_2810 : i32 to index
      %get3A_2812 = arith.constant 16 : index
      %get3A_2813 = tpu.vector_load %arg20[%get3A_2811, %get3A_2812] {strides = array<i32>} : memref<50x64xf32, #tpu.memory_space<vmem>>, vector<1x16xf32>,
      %get3A_2814 = vector.shape_cast %get3A_2813 : vector<1x16xf32> to vector<16xf32>
      %mul3A_2815 = arith.mulf %get3A_2814, %gather3A_2802 : vector<16xf32>
      %add3A_2816 = arith.addf %add3A_2775, %mul3A_2815 : vector<16xf32>
      %get3A_2817 = arith.constant 11 : i32
      %get3A_2818 = arith.index_cast %get3A_2817 : i32 to index
      %get3A_2819 = arith.constant 32 : index
      %get3A_2820 = tpu.vector_load %arg20[%get3A_2818, %get3A_2819] {strides = array<i32>} : memref<50x64xf32, #tpu.memory_space<vmem>>, vector<1x16xf32>,
      %get3A_2821 = vector.shape_cast %get3A_2820 : vector<1x16xf32> to vector<16xf32>
      %mul3A_2822 = arith.mulf %get3A_2821, %gather3A_2802 : vector<16xf32>
      %add3A_2823 = arith.addf %add3A_2782, %mul3A_2822 : vector<16xf32>
      %get3A_2824 = arith.constant 11 : i32
      %get3A_2825 = arith.index_cast %get3A_2824 : i32 to index
      %get3A_2826 = arith.constant 48 : index
      %get3A_2827 = tpu.vector_load %arg20[%get3A_2825, %get3A_2826] {strides = array<i32>} : memref<50x64xf32, #tpu.memory_space<vmem>>, vector<1x16xf32>,
      %get3A_2828 = vector.shape_cast %get3A_2827 : vector<1x16xf32> to vector<16xf32>
      %mul3A_2829 = arith.mulf %get3A_2828, %gather3A_2802 : vector<16xf32>
      %add3A_2830 = arith.addf %add3A_2789, %mul3A_2829 : vector<16xf32>
      %add3A_2831 = arith.addf %add3A_2790, %gather3A_2802 : vector<16xf32>
      %broadcast_in_dim3A_2832 = arith.constant 12 : i32
      %broadcast_in_dim3A_2833 = vector.broadcast %broadcast_in_dim3A_2832 : i32 to vector<16xi32>
      %lt3A_2834 = arith.constant 0 : i32
      %lt3A_2835 = vector.broadcast %lt3A_2834 : i32 to vector<16xi32>
      %lt3A_2836 = arith.cmpi slt, %broadcast_in_dim3A_2833, %lt3A_2835 : vector<16xi32>
      %add3A_2837 = arith.constant 16 : i32
      %add3A_2838 = vector.broadcast %add3A_2837 : i32 to vector<16xi32>
      %add3A_2839 = arith.addi %broadcast_in_dim3A_2833, %add3A_2838 : vector<16xi32>
      %select_n3A_2840 = arith.select %lt3A_2836, %add3A_2839, %broadcast_in_dim3A_2833 : vector<16xi1>, vector<16xi32>
      %broadcast_in_dim3A_2841 = vector.shape_cast %select_n3A_2840 : vector<16xi32> to vector<16x1xi32>
      %gather3A_2842 = vector.shape_cast %broadcast_in_dim3A_2841 : vector<16x1xi32> to vector<16xi32>
      %gather3A_2843 = tpu.dynamic_gather %get3A_2327[%gather3A_2842] in [0] : vector<16xf32>, vector<16xi32> -> vector<16xf32>
      %get3A_2844 = arith.constant 12 : i32
      %get3A_2845 = arith.index_cast %get3A_2844 : i32 to index
      %get3A_2846 = arith.constant 0 : index
      %get3A_2847 = tpu.vector_load %arg20[%get3A_2845, %get3A_2846] {strides = array<i32>} : memref<50x64xf32, #tpu.memory_space<vmem>>, vector<1x16xf32>,
      %get3A_2848 = vector.shape_cast %get3A_2847 : vector<1x16xf32> to vector<16xf32>
      %mul3A_2849 = arith.mulf %get3A_2848, %gather3A_2843 : vector<16xf32>
      %add3A_2850 = arith.addf %add3A_2809, %mul3A_2849 : vector<16xf32>
      %get3A_2851 = arith.constant 12 : i32
      %get3A_2852 = arith.index_cast %get3A_2851 : i32 to index
      %get3A_2853 = arith.constant 16 : index
      %get3A_2854 = tpu.vector_load %arg20[%get3A_2852, %get3A_2853] {strides = array<i32>} : memref<50x64xf32, #tpu.memory_space<vmem>>, vector<1x16xf32>,
      %get3A_2855 = vector.shape_cast %get3A_2854 : vector<1x16xf32> to vector<16xf32>
      %mul3A_2856 = arith.mulf %get3A_2855, %gather3A_2843 : vector<16xf32>
      %add3A_2857 = arith.addf %add3A_2816, %mul3A_2856 : vector<16xf32>
      %get3A_2858 = arith.constant 12 : i32
      %get3A_2859 = arith.index_cast %get3A_2858 : i32 to index
      %get3A_2860 = arith.constant 32 : index
      %get3A_2861 = tpu.vector_load %arg20[%get3A_2859, %get3A_2860] {strides = array<i32>} : memref<50x64xf32, #tpu.memory_space<vmem>>, vector<1x16xf32>,
      %get3A_2862 = vector.shape_cast %get3A_2861 : vector<1x16xf32> to vector<16xf32>
      %mul3A_2863 = arith.mulf %get3A_2862, %gather3A_2843 : vector<16xf32>
      %add3A_2864 = arith.addf %add3A_2823, %mul3A_2863 : vector<16xf32>
      %get3A_2865 = arith.constant 12 : i32
      %get3A_2866 = arith.index_cast %get3A_2865 : i32 to index
      %get3A_2867 = arith.constant 48 : index
      %get3A_2868 = tpu.vector_load %arg20[%get3A_2866, %get3A_2867] {strides = array<i32>} : memref<50x64xf32, #tpu.memory_space<vmem>>, vector<1x16xf32>,
      %get3A_2869 = vector.shape_cast %get3A_2868 : vector<1x16xf32> to vector<16xf32>
      %mul3A_2870 = arith.mulf %get3A_2869, %gather3A_2843 : vector<16xf32>
      %add3A_2871 = arith.addf %add3A_2830, %mul3A_2870 : vector<16xf32>
      %add3A_2872 = arith.addf %add3A_2831, %gather3A_2843 : vector<16xf32>
      %broadcast_in_dim3A_2873 = arith.constant 13 : i32
      %broadcast_in_dim3A_2874 = vector.broadcast %broadcast_in_dim3A_2873 : i32 to vector<16xi32>
      %lt3A_2875 = arith.constant 0 : i32
      %lt3A_2876 = vector.broadcast %lt3A_2875 : i32 to vector<16xi32>
      %lt3A_2877 = arith.cmpi slt, %broadcast_in_dim3A_2874, %lt3A_2876 : vector<16xi32>
      %add3A_2878 = arith.constant 16 : i32
      %add3A_2879 = vector.broadcast %add3A_2878 : i32 to vector<16xi32>
      %add3A_2880 = arith.addi %broadcast_in_dim3A_2874, %add3A_2879 : vector<16xi32>
      %select_n3A_2881 = arith.select %lt3A_2877, %add3A_2880, %broadcast_in_dim3A_2874 : vector<16xi1>, vector<16xi32>
      %broadcast_in_dim3A_2882 = vector.shape_cast %select_n3A_2881 : vector<16xi32> to vector<16x1xi32>
      %gather3A_2883 = vector.shape_cast %broadcast_in_dim3A_2882 : vector<16x1xi32> to vector<16xi32>
      %gather3A_2884 = tpu.dynamic_gather %get3A_2327[%gather3A_2883] in [0] : vector<16xf32>, vector<16xi32> -> vector<16xf32>
      %get3A_2885 = arith.constant 13 : i32
      %get3A_2886 = arith.index_cast %get3A_2885 : i32 to index
      %get3A_2887 = arith.constant 0 : index
      %get3A_2888 = tpu.vector_load %arg20[%get3A_2886, %get3A_2887] {strides = array<i32>} : memref<50x64xf32, #tpu.memory_space<vmem>>, vector<1x16xf32>,
      %get3A_2889 = vector.shape_cast %get3A_2888 : vector<1x16xf32> to vector<16xf32>
      %mul3A_2890 = arith.mulf %get3A_2889, %gather3A_2884 : vector<16xf32>
      %add3A_2891 = arith.addf %add3A_2850, %mul3A_2890 : vector<16xf32>
      %get3A_2892 = arith.constant 13 : i32
      %get3A_2893 = arith.index_cast %get3A_2892 : i32 to index
      %get3A_2894 = arith.constant 16 : index
      %get3A_2895 = tpu.vector_load %arg20[%get3A_2893, %get3A_2894] {strides = array<i32>} : memref<50x64xf32, #tpu.memory_space<vmem>>, vector<1x16xf32>,
      %get3A_2896 = vector.shape_cast %get3A_2895 : vector<1x16xf32> to vector<16xf32>
      %mul3A_2897 = arith.mulf %get3A_2896, %gather3A_2884 : vector<16xf32>
      %add3A_2898 = arith.addf %add3A_2857, %mul3A_2897 : vector<16xf32>
      %get3A_2899 = arith.constant 13 : i32
      %get3A_2900 = arith.index_cast %get3A_2899 : i32 to index
      %get3A_2901 = arith.constant 32 : index
      %get3A_2902 = tpu.vector_load %arg20[%get3A_2900, %get3A_2901] {strides = array<i32>} : memref<50x64xf32, #tpu.memory_space<vmem>>, vector<1x16xf32>,
      %get3A_2903 = vector.shape_cast %get3A_2902 : vector<1x16xf32> to vector<16xf32>
      %mul3A_2904 = arith.mulf %get3A_2903, %gather3A_2884 : vector<16xf32>
      %add3A_2905 = arith.addf %add3A_2864, %mul3A_2904 : vector<16xf32>
      %get3A_2906 = arith.constant 13 : i32
      %get3A_2907 = arith.index_cast %get3A_2906 : i32 to index
      %get3A_2908 = arith.constant 48 : index
      %get3A_2909 = tpu.vector_load %arg20[%get3A_2907, %get3A_2908] {strides = array<i32>} : memref<50x64xf32, #tpu.memory_space<vmem>>, vector<1x16xf32>,
      %get3A_2910 = vector.shape_cast %get3A_2909 : vector<1x16xf32> to vector<16xf32>
      %mul3A_2911 = arith.mulf %get3A_2910, %gather3A_2884 : vector<16xf32>
      %add3A_2912 = arith.addf %add3A_2871, %mul3A_2911 : vector<16xf32>
      %add3A_2913 = arith.addf %add3A_2872, %gather3A_2884 : vector<16xf32>
      %broadcast_in_dim3A_2914 = arith.constant 14 : i32
      %broadcast_in_dim3A_2915 = vector.broadcast %broadcast_in_dim3A_2914 : i32 to vector<16xi32>
      %lt3A_2916 = arith.constant 0 : i32
      %lt3A_2917 = vector.broadcast %lt3A_2916 : i32 to vector<16xi32>
      %lt3A_2918 = arith.cmpi slt, %broadcast_in_dim3A_2915, %lt3A_2917 : vector<16xi32>
      %add3A_2919 = arith.constant 16 : i32
      %add3A_2920 = vector.broadcast %add3A_2919 : i32 to vector<16xi32>
      %add3A_2921 = arith.addi %broadcast_in_dim3A_2915, %add3A_2920 : vector<16xi32>
      %select_n3A_2922 = arith.select %lt3A_2918, %add3A_2921, %broadcast_in_dim3A_2915 : vector<16xi1>, vector<16xi32>
      %broadcast_in_dim3A_2923 = vector.shape_cast %select_n3A_2922 : vector<16xi32> to vector<16x1xi32>
      %gather3A_2924 = vector.shape_cast %broadcast_in_dim3A_2923 : vector<16x1xi32> to vector<16xi32>
      %gather3A_2925 = tpu.dynamic_gather %get3A_2327[%gather3A_2924] in [0] : vector<16xf32>, vector<16xi32> -> vector<16xf32>
      %get3A_2926 = arith.constant 14 : i32
      %get3A_2927 = arith.index_cast %get3A_2926 : i32 to index
      %get3A_2928 = arith.constant 0 : index
      %get3A_2929 = tpu.vector_load %arg20[%get3A_2927, %get3A_2928] {strides = array<i32>} : memref<50x64xf32, #tpu.memory_space<vmem>>, vector<1x16xf32>,
      %get3A_2930 = vector.shape_cast %get3A_2929 : vector<1x16xf32> to vector<16xf32>
      %mul3A_2931 = arith.mulf %get3A_2930, %gather3A_2925 : vector<16xf32>
      %add3A_2932 = arith.addf %add3A_2891, %mul3A_2931 : vector<16xf32>
      %get3A_2933 = arith.constant 14 : i32
      %get3A_2934 = arith.index_cast %get3A_2933 : i32 to index
      %get3A_2935 = arith.constant 16 : index
      %get3A_2936 = tpu.vector_load %arg20[%get3A_2934, %get3A_2935] {strides = array<i32>} : memref<50x64xf32, #tpu.memory_space<vmem>>, vector<1x16xf32>,
      %get3A_2937 = vector.shape_cast %get3A_2936 : vector<1x16xf32> to vector<16xf32>
      %mul3A_2938 = arith.mulf %get3A_2937, %gather3A_2925 : vector<16xf32>
      %add3A_2939 = arith.addf %add3A_2898, %mul3A_2938 : vector<16xf32>
      %get3A_2940 = arith.constant 14 : i32
      %get3A_2941 = arith.index_cast %get3A_2940 : i32 to index
      %get3A_2942 = arith.constant 32 : index
      %get3A_2943 = tpu.vector_load %arg20[%get3A_2941, %get3A_2942] {strides = array<i32>} : memref<50x64xf32, #tpu.memory_space<vmem>>, vector<1x16xf32>,
      %get3A_2944 = vector.shape_cast %get3A_2943 : vector<1x16xf32> to vector<16xf32>
      %mul3A_2945 = arith.mulf %get3A_2944, %gather3A_2925 : vector<16xf32>
      %add3A_2946 = arith.addf %add3A_2905, %mul3A_2945 : vector<16xf32>
      %get3A_2947 = arith.constant 14 : i32
      %get3A_2948 = arith.index_cast %get3A_2947 : i32 to index
      %get3A_2949 = arith.constant 48 : index
      %get3A_2950 = tpu.vector_load %arg20[%get3A_2948, %get3A_2949] {strides = array<i32>} : memref<50x64xf32, #tpu.memory_space<vmem>>, vector<1x16xf32>,
      %get3A_2951 = vector.shape_cast %get3A_2950 : vector<1x16xf32> to vector<16xf32>
      %mul3A_2952 = arith.mulf %get3A_2951, %gather3A_2925 : vector<16xf32>
      %add3A_2953 = arith.addf %add3A_2912, %mul3A_2952 : vector<16xf32>
      %add3A_2954 = arith.addf %add3A_2913, %gather3A_2925 : vector<16xf32>
      %broadcast_in_dim3A_2955 = arith.constant 15 : i32
      %broadcast_in_dim3A_2956 = vector.broadcast %broadcast_in_dim3A_2955 : i32 to vector<16xi32>
      %lt3A_2957 = arith.constant 0 : i32
      %lt3A_2958 = vector.broadcast %lt3A_2957 : i32 to vector<16xi32>
      %lt3A_2959 = arith.cmpi slt, %broadcast_in_dim3A_2956, %lt3A_2958 : vector<16xi32>
      %add3A_2960 = arith.constant 16 : i32
      %add3A_2961 = vector.broadcast %add3A_2960 : i32 to vector<16xi32>
      %add3A_2962 = arith.addi %broadcast_in_dim3A_2956, %add3A_2961 : vector<16xi32>
      %select_n3A_2963 = arith.select %lt3A_2959, %add3A_2962, %broadcast_in_dim3A_2956 : vector<16xi1>, vector<16xi32>
      %broadcast_in_dim3A_2964 = vector.shape_cast %select_n3A_2963 : vector<16xi32> to vector<16x1xi32>
      %gather3A_2965 = vector.shape_cast %broadcast_in_dim3A_2964 : vector<16x1xi32> to vector<16xi32>
      %gather3A_2966 = tpu.dynamic_gather %get3A_2327[%gather3A_2965] in [0] : vector<16xf32>, vector<16xi32> -> vector<16xf32>
      %get3A_2967 = arith.constant 15 : i32
      %get3A_2968 = arith.index_cast %get3A_2967 : i32 to index
      %get3A_2969 = arith.constant 0 : index
      %get3A_2970 = tpu.vector_load %arg20[%get3A_2968, %get3A_2969] {strides = array<i32>} : memref<50x64xf32, #tpu.memory_space<vmem>>, vector<1x16xf32>,
      %get3A_2971 = vector.shape_cast %get3A_2970 : vector<1x16xf32> to vector<16xf32>
      %mul3A_2972 = arith.mulf %get3A_2971, %gather3A_2966 : vector<16xf32>
      %add3A_2973 = arith.addf %add3A_2932, %mul3A_2972 : vector<16xf32>
      %get3A_2974 = arith.constant 15 : i32
      %get3A_2975 = arith.index_cast %get3A_2974 : i32 to index
      %get3A_2976 = arith.constant 16 : index
      %get3A_2977 = tpu.vector_load %arg20[%get3A_2975, %get3A_2976] {strides = array<i32>} : memref<50x64xf32, #tpu.memory_space<vmem>>, vector<1x16xf32>,
      %get3A_2978 = vector.shape_cast %get3A_2977 : vector<1x16xf32> to vector<16xf32>
      %mul3A_2979 = arith.mulf %get3A_2978, %gather3A_2966 : vector<16xf32>
      %add3A_2980 = arith.addf %add3A_2939, %mul3A_2979 : vector<16xf32>
      %get3A_2981 = arith.constant 15 : i32
      %get3A_2982 = arith.index_cast %get3A_2981 : i32 to index
      %get3A_2983 = arith.constant 32 : index
      %get3A_2984 = tpu.vector_load %arg20[%get3A_2982, %get3A_2983] {strides = array<i32>} : memref<50x64xf32, #tpu.memory_space<vmem>>, vector<1x16xf32>,
      %get3A_2985 = vector.shape_cast %get3A_2984 : vector<1x16xf32> to vector<16xf32>
      %mul3A_2986 = arith.mulf %get3A_2985, %gather3A_2966 : vector<16xf32>
      %add3A_2987 = arith.addf %add3A_2946, %mul3A_2986 : vector<16xf32>
      %get3A_2988 = arith.constant 15 : i32
      %get3A_2989 = arith.index_cast %get3A_2988 : i32 to index
      %get3A_2990 = arith.constant 48 : index
      %get3A_2991 = tpu.vector_load %arg20[%get3A_2989, %get3A_2990] {strides = array<i32>} : memref<50x64xf32, #tpu.memory_space<vmem>>, vector<1x16xf32>,
      %get3A_2992 = vector.shape_cast %get3A_2991 : vector<1x16xf32> to vector<16xf32>
      %mul3A_2993 = arith.mulf %get3A_2992, %gather3A_2966 : vector<16xf32>
      %add3A_2994 = arith.addf %add3A_2953, %mul3A_2993 : vector<16xf32>
      %add3A_2995 = arith.addf %add3A_2954, %gather3A_2966 : vector<16xf32>
      %broadcast_in_dim3A_2996 = arith.constant 0 : i32
      %broadcast_in_dim3A_2997 = vector.broadcast %broadcast_in_dim3A_2996 : i32 to vector<16xi32>
      %lt3A_2998 = arith.constant 0 : i32
      %lt3A_2999 = vector.broadcast %lt3A_2998 : i32 to vector<16xi32>
      %lt3A_3000 = arith.cmpi slt, %broadcast_in_dim3A_2997, %lt3A_2999 : vector<16xi32>
      %add3A_3001 = arith.constant 16 : i32
      %add3A_3002 = vector.broadcast %add3A_3001 : i32 to vector<16xi32>
      %add3A_3003 = arith.addi %broadcast_in_dim3A_2997, %add3A_3002 : vector<16xi32>
      %select_n3A_3004 = arith.select %lt3A_3000, %add3A_3003, %broadcast_in_dim3A_2997 : vector<16xi1>, vector<16xi32>
      %broadcast_in_dim3A_3005 = vector.shape_cast %select_n3A_3004 : vector<16xi32> to vector<16x1xi32>
      %gather3A_3006 = vector.shape_cast %broadcast_in_dim3A_3005 : vector<16x1xi32> to vector<16xi32>
      %gather3A_3007 = tpu.dynamic_gather %get3A_2331[%gather3A_3006] in [0] : vector<16xf32>, vector<16xi32> -> vector<16xf32>
      %get3A_3008 = arith.constant 16 : i32
      %get3A_3009 = arith.index_cast %get3A_3008 : i32 to index
      %get3A_3010 = arith.constant 0 : index
      %get3A_3011 = tpu.vector_load %arg20[%get3A_3009, %get3A_3010] {strides = array<i32>} : memref<50x64xf32, #tpu.memory_space<vmem>>, vector<1x16xf32>,
      %get3A_3012 = vector.shape_cast %get3A_3011 : vector<1x16xf32> to vector<16xf32>
      %mul3A_3013 = arith.mulf %get3A_3012, %gather3A_3007 : vector<16xf32>
      %add3A_3014 = arith.addf %add3A_2973, %mul3A_3013 : vector<16xf32>
      %get3A_3015 = arith.constant 16 : i32
      %get3A_3016 = arith.index_cast %get3A_3015 : i32 to index
      %get3A_3017 = arith.constant 16 : index
      %get3A_3018 = tpu.vector_load %arg20[%get3A_3016, %get3A_3017] {strides = array<i32>} : memref<50x64xf32, #tpu.memory_space<vmem>>, vector<1x16xf32>,
      %get3A_3019 = vector.shape_cast %get3A_3018 : vector<1x16xf32> to vector<16xf32>
      %mul3A_3020 = arith.mulf %get3A_3019, %gather3A_3007 : vector<16xf32>
      %add3A_3021 = arith.addf %add3A_2980, %mul3A_3020 : vector<16xf32>
      %get3A_3022 = arith.constant 16 : i32
      %get3A_3023 = arith.index_cast %get3A_3022 : i32 to index
      %get3A_3024 = arith.constant 32 : index
      %get3A_3025 = tpu.vector_load %arg20[%get3A_3023, %get3A_3024] {strides = array<i32>} : memref<50x64xf32, #tpu.memory_space<vmem>>, vector<1x16xf32>,
      %get3A_3026 = vector.shape_cast %get3A_3025 : vector<1x16xf32> to vector<16xf32>
      %mul3A_3027 = arith.mulf %get3A_3026, %gather3A_3007 : vector<16xf32>
      %add3A_3028 = arith.addf %add3A_2987, %mul3A_3027 : vector<16xf32>
      %get3A_3029 = arith.constant 16 : i32
      %get3A_3030 = arith.index_cast %get3A_3029 : i32 to index
      %get3A_3031 = arith.constant 48 : index
      %get3A_3032 = tpu.vector_load %arg20[%get3A_3030, %get3A_3031] {strides = array<i32>} : memref<50x64xf32, #tpu.memory_space<vmem>>, vector<1x16xf32>,
      %get3A_3033 = vector.shape_cast %get3A_3032 : vector<1x16xf32> to vector<16xf32>
      %mul3A_3034 = arith.mulf %get3A_3033, %gather3A_3007 : vector<16xf32>
      %add3A_3035 = arith.addf %add3A_2994, %mul3A_3034 : vector<16xf32>
      %add3A_3036 = arith.addf %add3A_2995, %gather3A_3007 : vector<16xf32>
      %broadcast_in_dim3A_3037 = arith.constant 1 : i32
      %broadcast_in_dim3A_3038 = vector.broadcast %broadcast_in_dim3A_3037 : i32 to vector<16xi32>
      %lt3A_3039 = arith.constant 0 : i32
      %lt3A_3040 = vector.broadcast %lt3A_3039 : i32 to vector<16xi32>
      %lt3A_3041 = arith.cmpi slt, %broadcast_in_dim3A_3038, %lt3A_3040 : vector<16xi32>
      %add3A_3042 = arith.constant 16 : i32
      %add3A_3043 = vector.broadcast %add3A_3042 : i32 to vector<16xi32>
      %add3A_3044 = arith.addi %broadcast_in_dim3A_3038, %add3A_3043 : vector<16xi32>
      %select_n3A_3045 = arith.select %lt3A_3041, %add3A_3044, %broadcast_in_dim3A_3038 : vector<16xi1>, vector<16xi32>
      %broadcast_in_dim3A_3046 = vector.shape_cast %select_n3A_3045 : vector<16xi32> to vector<16x1xi32>
      %gather3A_3047 = vector.shape_cast %broadcast_in_dim3A_3046 : vector<16x1xi32> to vector<16xi32>
      %gather3A_3048 = tpu.dynamic_gather %get3A_2331[%gather3A_3047] in [0] : vector<16xf32>, vector<16xi32> -> vector<16xf32>
      %get3A_3049 = arith.constant 17 : i32
      %get3A_3050 = arith.index_cast %get3A_3049 : i32 to index
      %get3A_3051 = arith.constant 0 : index
      %get3A_3052 = tpu.vector_load %arg20[%get3A_3050, %get3A_3051] {strides = array<i32>} : memref<50x64xf32, #tpu.memory_space<vmem>>, vector<1x16xf32>,
      %get3A_3053 = vector.shape_cast %get3A_3052 : vector<1x16xf32> to vector<16xf32>
      %mul3A_3054 = arith.mulf %get3A_3053, %gather3A_3048 : vector<16xf32>
      %add3A_3055 = arith.addf %add3A_3014, %mul3A_3054 : vector<16xf32>
      %get3A_3056 = arith.constant 17 : i32
      %get3A_3057 = arith.index_cast %get3A_3056 : i32 to index
      %get3A_3058 = arith.constant 16 : index
      %get3A_3059 = tpu.vector_load %arg20[%get3A_3057, %get3A_3058] {strides = array<i32>} : memref<50x64xf32, #tpu.memory_space<vmem>>, vector<1x16xf32>,
      %get3A_3060 = vector.shape_cast %get3A_3059 : vector<1x16xf32> to vector<16xf32>
      %mul3A_3061 = arith.mulf %get3A_3060, %gather3A_3048 : vector<16xf32>
      %add3A_3062 = arith.addf %add3A_3021, %mul3A_3061 : vector<16xf32>
      %get3A_3063 = arith.constant 17 : i32
      %get3A_3064 = arith.index_cast %get3A_3063 : i32 to index
      %get3A_3065 = arith.constant 32 : index
      %get3A_3066 = tpu.vector_load %arg20[%get3A_3064, %get3A_3065] {strides = array<i32>} : memref<50x64xf32, #tpu.memory_space<vmem>>, vector<1x16xf32>,
      %get3A_3067 = vector.shape_cast %get3A_3066 : vector<1x16xf32> to vector<16xf32>
      %mul3A_3068 = arith.mulf %get3A_3067, %gather3A_3048 : vector<16xf32>
      %add3A_3069 = arith.addf %add3A_3028, %mul3A_3068 : vector<16xf32>
      %get3A_3070 = arith.constant 17 : i32
      %get3A_3071 = arith.index_cast %get3A_3070 : i32 to index
      %get3A_3072 = arith.constant 48 : index
      %get3A_3073 = tpu.vector_load %arg20[%get3A_3071, %get3A_3072] {strides = array<i32>} : memref<50x64xf32, #tpu.memory_space<vmem>>, vector<1x16xf32>,
      %get3A_3074 = vector.shape_cast %get3A_3073 : vector<1x16xf32> to vector<16xf32>
      %mul3A_3075 = arith.mulf %get3A_3074, %gather3A_3048 : vector<16xf32>
      %add3A_3076 = arith.addf %add3A_3035, %mul3A_3075 : vector<16xf32>
      %add3A_3077 = arith.addf %add3A_3036, %gather3A_3048 : vector<16xf32>
      %broadcast_in_dim3A_3078 = arith.constant 2 : i32
      %broadcast_in_dim3A_3079 = vector.broadcast %broadcast_in_dim3A_3078 : i32 to vector<16xi32>
      %lt3A_3080 = arith.constant 0 : i32
      %lt3A_3081 = vector.broadcast %lt3A_3080 : i32 to vector<16xi32>
      %lt3A_3082 = arith.cmpi slt, %broadcast_in_dim3A_3079, %lt3A_3081 : vector<16xi32>
      %add3A_3083 = arith.constant 16 : i32
      %add3A_3084 = vector.broadcast %add3A_3083 : i32 to vector<16xi32>
      %add3A_3085 = arith.addi %broadcast_in_dim3A_3079, %add3A_3084 : vector<16xi32>
      %select_n3A_3086 = arith.select %lt3A_3082, %add3A_3085, %broadcast_in_dim3A_3079 : vector<16xi1>, vector<16xi32>
      %broadcast_in_dim3A_3087 = vector.shape_cast %select_n3A_3086 : vector<16xi32> to vector<16x1xi32>
      %gather3A_3088 = vector.shape_cast %broadcast_in_dim3A_3087 : vector<16x1xi32> to vector<16xi32>
      %gather3A_3089 = tpu.dynamic_gather %get3A_2331[%gather3A_3088] in [0] : vector<16xf32>, vector<16xi32> -> vector<16xf32>
      %get3A_3090 = arith.constant 18 : i32
      %get3A_3091 = arith.index_cast %get3A_3090 : i32 to index
      %get3A_3092 = arith.constant 0 : index
      %get3A_3093 = tpu.vector_load %arg20[%get3A_3091, %get3A_3092] {strides = array<i32>} : memref<50x64xf32, #tpu.memory_space<vmem>>, vector<1x16xf32>,
      %get3A_3094 = vector.shape_cast %get3A_3093 : vector<1x16xf32> to vector<16xf32>
      %mul3A_3095 = arith.mulf %get3A_3094, %gather3A_3089 : vector<16xf32>
      %add3A_3096 = arith.addf %add3A_3055, %mul3A_3095 : vector<16xf32>
      %get3A_3097 = arith.constant 18 : i32
      %get3A_3098 = arith.index_cast %get3A_3097 : i32 to index
      %get3A_3099 = arith.constant 16 : index
      %get3A_3100 = tpu.vector_load %arg20[%get3A_3098, %get3A_3099] {strides = array<i32>} : memref<50x64xf32, #tpu.memory_space<vmem>>, vector<1x16xf32>,
      %get3A_3101 = vector.shape_cast %get3A_3100 : vector<1x16xf32> to vector<16xf32>
      %mul3A_3102 = arith.mulf %get3A_3101, %gather3A_3089 : vector<16xf32>
      %add3A_3103 = arith.addf %add3A_3062, %mul3A_3102 : vector<16xf32>
      %get3A_3104 = arith.constant 18 : i32
      %get3A_3105 = arith.index_cast %get3A_3104 : i32 to index
      %get3A_3106 = arith.constant 32 : index
      %get3A_3107 = tpu.vector_load %arg20[%get3A_3105, %get3A_3106] {strides = array<i32>} : memref<50x64xf32, #tpu.memory_space<vmem>>, vector<1x16xf32>,
      %get3A_3108 = vector.shape_cast %get3A_3107 : vector<1x16xf32> to vector<16xf32>
      %mul3A_3109 = arith.mulf %get3A_3108, %gather3A_3089 : vector<16xf32>
      %add3A_3110 = arith.addf %add3A_3069, %mul3A_3109 : vector<16xf32>
      %get3A_3111 = arith.constant 18 : i32
      %get3A_3112 = arith.index_cast %get3A_3111 : i32 to index
      %get3A_3113 = arith.constant 48 : index
      %get3A_3114 = tpu.vector_load %arg20[%get3A_3112, %get3A_3113] {strides = array<i32>} : memref<50x64xf32, #tpu.memory_space<vmem>>, vector<1x16xf32>,
      %get3A_3115 = vector.shape_cast %get3A_3114 : vector<1x16xf32> to vector<16xf32>
      %mul3A_3116 = arith.mulf %get3A_3115, %gather3A_3089 : vector<16xf32>
      %add3A_3117 = arith.addf %add3A_3076, %mul3A_3116 : vector<16xf32>
      %add3A_3118 = arith.addf %add3A_3077, %gather3A_3089 : vector<16xf32>
      %broadcast_in_dim3A_3119 = arith.constant 3 : i32
      %broadcast_in_dim3A_3120 = vector.broadcast %broadcast_in_dim3A_3119 : i32 to vector<16xi32>
      %lt3A_3121 = arith.constant 0 : i32
      %lt3A_3122 = vector.broadcast %lt3A_3121 : i32 to vector<16xi32>
      %lt3A_3123 = arith.cmpi slt, %broadcast_in_dim3A_3120, %lt3A_3122 : vector<16xi32>
      %add3A_3124 = arith.constant 16 : i32
      %add3A_3125 = vector.broadcast %add3A_3124 : i32 to vector<16xi32>
      %add3A_3126 = arith.addi %broadcast_in_dim3A_3120, %add3A_3125 : vector<16xi32>
      %select_n3A_3127 = arith.select %lt3A_3123, %add3A_3126, %broadcast_in_dim3A_3120 : vector<16xi1>, vector<16xi32>
      %broadcast_in_dim3A_3128 = vector.shape_cast %select_n3A_3127 : vector<16xi32> to vector<16x1xi32>
      %gather3A_3129 = vector.shape_cast %broadcast_in_dim3A_3128 : vector<16x1xi32> to vector<16xi32>
      %gather3A_3130 = tpu.dynamic_gather %get3A_2331[%gather3A_3129] in [0] : vector<16xf32>, vector<16xi32> -> vector<16xf32>
      %get3A_3131 = arith.constant 19 : i32
      %get3A_3132 = arith.index_cast %get3A_3131 : i32 to index
      %get3A_3133 = arith.constant 0 : index
      %get3A_3134 = tpu.vector_load %arg20[%get3A_3132, %get3A_3133] {strides = array<i32>} : memref<50x64xf32, #tpu.memory_space<vmem>>, vector<1x16xf32>,
      %get3A_3135 = vector.shape_cast %get3A_3134 : vector<1x16xf32> to vector<16xf32>
      %mul3A_3136 = arith.mulf %get3A_3135, %gather3A_3130 : vector<16xf32>
      %add3A_3137 = arith.addf %add3A_3096, %mul3A_3136 : vector<16xf32>
      %get3A_3138 = arith.constant 19 : i32
      %get3A_3139 = arith.index_cast %get3A_3138 : i32 to index
      %get3A_3140 = arith.constant 16 : index
      %get3A_3141 = tpu.vector_load %arg20[%get3A_3139, %get3A_3140] {strides = array<i32>} : memref<50x64xf32, #tpu.memory_space<vmem>>, vector<1x16xf32>,
      %get3A_3142 = vector.shape_cast %get3A_3141 : vector<1x16xf32> to vector<16xf32>
      %mul3A_3143 = arith.mulf %get3A_3142, %gather3A_3130 : vector<16xf32>
      %add3A_3144 = arith.addf %add3A_3103, %mul3A_3143 : vector<16xf32>
      %get3A_3145 = arith.constant 19 : i32
      %get3A_3146 = arith.index_cast %get3A_3145 : i32 to index
      %get3A_3147 = arith.constant 32 : index
      %get3A_3148 = tpu.vector_load %arg20[%get3A_3146, %get3A_3147] {strides = array<i32>} : memref<50x64xf32, #tpu.memory_space<vmem>>, vector<1x16xf32>,
      %get3A_3149 = vector.shape_cast %get3A_3148 : vector<1x16xf32> to vector<16xf32>
      %mul3A_3150 = arith.mulf %get3A_3149, %gather3A_3130 : vector<16xf32>
      %add3A_3151 = arith.addf %add3A_3110, %mul3A_3150 : vector<16xf32>
      %get3A_3152 = arith.constant 19 : i32
      %get3A_3153 = arith.index_cast %get3A_3152 : i32 to index
      %get3A_3154 = arith.constant 48 : index
      %get3A_3155 = tpu.vector_load %arg20[%get3A_3153, %get3A_3154] {strides = array<i32>} : memref<50x64xf32, #tpu.memory_space<vmem>>, vector<1x16xf32>,
      %get3A_3156 = vector.shape_cast %get3A_3155 : vector<1x16xf32> to vector<16xf32>
      %mul3A_3157 = arith.mulf %get3A_3156, %gather3A_3130 : vector<16xf32>
      %add3A_3158 = arith.addf %add3A_3117, %mul3A_3157 : vector<16xf32>
      %add3A_3159 = arith.addf %add3A_3118, %gather3A_3130 : vector<16xf32>
      %broadcast_in_dim3A_3160 = arith.constant 4 : i32
      %broadcast_in_dim3A_3161 = vector.broadcast %broadcast_in_dim3A_3160 : i32 to vector<16xi32>
      %lt3A_3162 = arith.constant 0 : i32
      %lt3A_3163 = vector.broadcast %lt3A_3162 : i32 to vector<16xi32>
      %lt3A_3164 = arith.cmpi slt, %broadcast_in_dim3A_3161, %lt3A_3163 : vector<16xi32>
      %add3A_3165 = arith.constant 16 : i32
      %add3A_3166 = vector.broadcast %add3A_3165 : i32 to vector<16xi32>
      %add3A_3167 = arith.addi %broadcast_in_dim3A_3161, %add3A_3166 : vector<16xi32>
      %select_n3A_3168 = arith.select %lt3A_3164, %add3A_3167, %broadcast_in_dim3A_3161 : vector<16xi1>, vector<16xi32>
      %broadcast_in_dim3A_3169 = vector.shape_cast %select_n3A_3168 : vector<16xi32> to vector<16x1xi32>
      %gather3A_3170 = vector.shape_cast %broadcast_in_dim3A_3169 : vector<16x1xi32> to vector<16xi32>
      %gather3A_3171 = tpu.dynamic_gather %get3A_2331[%gather3A_3170] in [0] : vector<16xf32>, vector<16xi32> -> vector<16xf32>
      %get3A_3172 = arith.constant 20 : i32
      %get3A_3173 = arith.index_cast %get3A_3172 : i32 to index
      %get3A_3174 = arith.constant 0 : index
      %get3A_3175 = tpu.vector_load %arg20[%get3A_3173, %get3A_3174] {strides = array<i32>} : memref<50x64xf32, #tpu.memory_space<vmem>>, vector<1x16xf32>,
      %get3A_3176 = vector.shape_cast %get3A_3175 : vector<1x16xf32> to vector<16xf32>
      %mul3A_3177 = arith.mulf %get3A_3176, %gather3A_3171 : vector<16xf32>
      %add3A_3178 = arith.addf %add3A_3137, %mul3A_3177 : vector<16xf32>
      %get3A_3179 = arith.constant 20 : i32
      %get3A_3180 = arith.index_cast %get3A_3179 : i32 to index
      %get3A_3181 = arith.constant 16 : index
      %get3A_3182 = tpu.vector_load %arg20[%get3A_3180, %get3A_3181] {strides = array<i32>} : memref<50x64xf32, #tpu.memory_space<vmem>>, vector<1x16xf32>,
      %get3A_3183 = vector.shape_cast %get3A_3182 : vector<1x16xf32> to vector<16xf32>
      %mul3A_3184 = arith.mulf %get3A_3183, %gather3A_3171 : vector<16xf32>
      %add3A_3185 = arith.addf %add3A_3144, %mul3A_3184 : vector<16xf32>
      %get3A_3186 = arith.constant 20 : i32
      %get3A_3187 = arith.index_cast %get3A_3186 : i32 to index
      %get3A_3188 = arith.constant 32 : index
      %get3A_3189 = tpu.vector_load %arg20[%get3A_3187, %get3A_3188] {strides = array<i32>} : memref<50x64xf32, #tpu.memory_space<vmem>>, vector<1x16xf32>,
      %get3A_3190 = vector.shape_cast %get3A_3189 : vector<1x16xf32> to vector<16xf32>
      %mul3A_3191 = arith.mulf %get3A_3190, %gather3A_3171 : vector<16xf32>
      %add3A_3192 = arith.addf %add3A_3151, %mul3A_3191 : vector<16xf32>
      %get3A_3193 = arith.constant 20 : i32
      %get3A_3194 = arith.index_cast %get3A_3193 : i32 to index
      %get3A_3195 = arith.constant 48 : index
      %get3A_3196 = tpu.vector_load %arg20[%get3A_3194, %get3A_3195] {strides = array<i32>} : memref<50x64xf32, #tpu.memory_space<vmem>>, vector<1x16xf32>,
      %get3A_3197 = vector.shape_cast %get3A_3196 : vector<1x16xf32> to vector<16xf32>
      %mul3A_3198 = arith.mulf %get3A_3197, %gather3A_3171 : vector<16xf32>
      %add3A_3199 = arith.addf %add3A_3158, %mul3A_3198 : vector<16xf32>
      %add3A_3200 = arith.addf %add3A_3159, %gather3A_3171 : vector<16xf32>
      %broadcast_in_dim3A_3201 = arith.constant 5 : i32
      %broadcast_in_dim3A_3202 = vector.broadcast %broadcast_in_dim3A_3201 : i32 to vector<16xi32>
      %lt3A_3203 = arith.constant 0 : i32
      %lt3A_3204 = vector.broadcast %lt3A_3203 : i32 to vector<16xi32>
      %lt3A_3205 = arith.cmpi slt, %broadcast_in_dim3A_3202, %lt3A_3204 : vector<16xi32>
      %add3A_3206 = arith.constant 16 : i32
      %add3A_3207 = vector.broadcast %add3A_3206 : i32 to vector<16xi32>
      %add3A_3208 = arith.addi %broadcast_in_dim3A_3202, %add3A_3207 : vector<16xi32>
      %select_n3A_3209 = arith.select %lt3A_3205, %add3A_3208, %broadcast_in_dim3A_3202 : vector<16xi1>, vector<16xi32>
      %broadcast_in_dim3A_3210 = vector.shape_cast %select_n3A_3209 : vector<16xi32> to vector<16x1xi32>
      %gather3A_3211 = vector.shape_cast %broadcast_in_dim3A_3210 : vector<16x1xi32> to vector<16xi32>
      %gather3A_3212 = tpu.dynamic_gather %get3A_2331[%gather3A_3211] in [0] : vector<16xf32>, vector<16xi32> -> vector<16xf32>
      %get3A_3213 = arith.constant 21 : i32
      %get3A_3214 = arith.index_cast %get3A_3213 : i32 to index
      %get3A_3215 = arith.constant 0 : index
      %get3A_3216 = tpu.vector_load %arg20[%get3A_3214, %get3A_3215] {strides = array<i32>} : memref<50x64xf32, #tpu.memory_space<vmem>>, vector<1x16xf32>,
      %get3A_3217 = vector.shape_cast %get3A_3216 : vector<1x16xf32> to vector<16xf32>
      %mul3A_3218 = arith.mulf %get3A_3217, %gather3A_3212 : vector<16xf32>
      %add3A_3219 = arith.addf %add3A_3178, %mul3A_3218 : vector<16xf32>
      %get3A_3220 = arith.constant 21 : i32
      %get3A_3221 = arith.index_cast %get3A_3220 : i32 to index
      %get3A_3222 = arith.constant 16 : index
      %get3A_3223 = tpu.vector_load %arg20[%get3A_3221, %get3A_3222] {strides = array<i32>} : memref<50x64xf32, #tpu.memory_space<vmem>>, vector<1x16xf32>,
      %get3A_3224 = vector.shape_cast %get3A_3223 : vector<1x16xf32> to vector<16xf32>
      %mul3A_3225 = arith.mulf %get3A_3224, %gather3A_3212 : vector<16xf32>
      %add3A_3226 = arith.addf %add3A_3185, %mul3A_3225 : vector<16xf32>
      %get3A_3227 = arith.constant 21 : i32
      %get3A_3228 = arith.index_cast %get3A_3227 : i32 to index
      %get3A_3229 = arith.constant 32 : index
      %get3A_3230 = tpu.vector_load %arg20[%get3A_3228, %get3A_3229] {strides = array<i32>} : memref<50x64xf32, #tpu.memory_space<vmem>>, vector<1x16xf32>,
      %get3A_3231 = vector.shape_cast %get3A_3230 : vector<1x16xf32> to vector<16xf32>
      %mul3A_3232 = arith.mulf %get3A_3231, %gather3A_3212 : vector<16xf32>
      %add3A_3233 = arith.addf %add3A_3192, %mul3A_3232 : vector<16xf32>
      %get3A_3234 = arith.constant 21 : i32
      %get3A_3235 = arith.index_cast %get3A_3234 : i32 to index
      %get3A_3236 = arith.constant 48 : index
      %get3A_3237 = tpu.vector_load %arg20[%get3A_3235, %get3A_3236] {strides = array<i32>} : memref<50x64xf32, #tpu.memory_space<vmem>>, vector<1x16xf32>,
      %get3A_3238 = vector.shape_cast %get3A_3237 : vector<1x16xf32> to vector<16xf32>
      %mul3A_3239 = arith.mulf %get3A_3238, %gather3A_3212 : vector<16xf32>
      %add3A_3240 = arith.addf %add3A_3199, %mul3A_3239 : vector<16xf32>
      %add3A_3241 = arith.addf %add3A_3200, %gather3A_3212 : vector<16xf32>
      %broadcast_in_dim3A_3242 = arith.constant 6 : i32
      %broadcast_in_dim3A_3243 = vector.broadcast %broadcast_in_dim3A_3242 : i32 to vector<16xi32>
      %lt3A_3244 = arith.constant 0 : i32
      %lt3A_3245 = vector.broadcast %lt3A_3244 : i32 to vector<16xi32>
      %lt3A_3246 = arith.cmpi slt, %broadcast_in_dim3A_3243, %lt3A_3245 : vector<16xi32>
      %add3A_3247 = arith.constant 16 : i32
      %add3A_3248 = vector.broadcast %add3A_3247 : i32 to vector<16xi32>
      %add3A_3249 = arith.addi %broadcast_in_dim3A_3243, %add3A_3248 : vector<16xi32>
      %select_n3A_3250 = arith.select %lt3A_3246, %add3A_3249, %broadcast_in_dim3A_3243 : vector<16xi1>, vector<16xi32>
      %broadcast_in_dim3A_3251 = vector.shape_cast %select_n3A_3250 : vector<16xi32> to vector<16x1xi32>
      %gather3A_3252 = vector.shape_cast %broadcast_in_dim3A_3251 : vector<16x1xi32> to vector<16xi32>
      %gather3A_3253 = tpu.dynamic_gather %get3A_2331[%gather3A_3252] in [0] : vector<16xf32>, vector<16xi32> -> vector<16xf32>
      %get3A_3254 = arith.constant 22 : i32
      %get3A_3255 = arith.index_cast %get3A_3254 : i32 to index
      %get3A_3256 = arith.constant 0 : index
      %get3A_3257 = tpu.vector_load %arg20[%get3A_3255, %get3A_3256] {strides = array<i32>} : memref<50x64xf32, #tpu.memory_space<vmem>>, vector<1x16xf32>,
      %get3A_3258 = vector.shape_cast %get3A_3257 : vector<1x16xf32> to vector<16xf32>
      %mul3A_3259 = arith.mulf %get3A_3258, %gather3A_3253 : vector<16xf32>
      %add3A_3260 = arith.addf %add3A_3219, %mul3A_3259 : vector<16xf32>
      %get3A_3261 = arith.constant 22 : i32
      %get3A_3262 = arith.index_cast %get3A_3261 : i32 to index
      %get3A_3263 = arith.constant 16 : index
      %get3A_3264 = tpu.vector_load %arg20[%get3A_3262, %get3A_3263] {strides = array<i32>} : memref<50x64xf32, #tpu.memory_space<vmem>>, vector<1x16xf32>,
      %get3A_3265 = vector.shape_cast %get3A_3264 : vector<1x16xf32> to vector<16xf32>
      %mul3A_3266 = arith.mulf %get3A_3265, %gather3A_3253 : vector<16xf32>
      %add3A_3267 = arith.addf %add3A_3226, %mul3A_3266 : vector<16xf32>
      %get3A_3268 = arith.constant 22 : i32
      %get3A_3269 = arith.index_cast %get3A_3268 : i32 to index
      %get3A_3270 = arith.constant 32 : index
      %get3A_3271 = tpu.vector_load %arg20[%get3A_3269, %get3A_3270] {strides = array<i32>} : memref<50x64xf32, #tpu.memory_space<vmem>>, vector<1x16xf32>,
      %get3A_3272 = vector.shape_cast %get3A_3271 : vector<1x16xf32> to vector<16xf32>
      %mul3A_3273 = arith.mulf %get3A_3272, %gather3A_3253 : vector<16xf32>
      %add3A_3274 = arith.addf %add3A_3233, %mul3A_3273 : vector<16xf32>
      %get3A_3275 = arith.constant 22 : i32
      %get3A_3276 = arith.index_cast %get3A_3275 : i32 to index
      %get3A_3277 = arith.constant 48 : index
      %get3A_3278 = tpu.vector_load %arg20[%get3A_3276, %get3A_3277] {strides = array<i32>} : memref<50x64xf32, #tpu.memory_space<vmem>>, vector<1x16xf32>,
      %get3A_3279 = vector.shape_cast %get3A_3278 : vector<1x16xf32> to vector<16xf32>
      %mul3A_3280 = arith.mulf %get3A_3279, %gather3A_3253 : vector<16xf32>
      %add3A_3281 = arith.addf %add3A_3240, %mul3A_3280 : vector<16xf32>
      %add3A_3282 = arith.addf %add3A_3241, %gather3A_3253 : vector<16xf32>
      %broadcast_in_dim3A_3283 = arith.constant 7 : i32
      %broadcast_in_dim3A_3284 = vector.broadcast %broadcast_in_dim3A_3283 : i32 to vector<16xi32>
      %lt3A_3285 = arith.constant 0 : i32
      %lt3A_3286 = vector.broadcast %lt3A_3285 : i32 to vector<16xi32>
      %lt3A_3287 = arith.cmpi slt, %broadcast_in_dim3A_3284, %lt3A_3286 : vector<16xi32>
      %add3A_3288 = arith.constant 16 : i32
      %add3A_3289 = vector.broadcast %add3A_3288 : i32 to vector<16xi32>
      %add3A_3290 = arith.addi %broadcast_in_dim3A_3284, %add3A_3289 : vector<16xi32>
      %select_n3A_3291 = arith.select %lt3A_3287, %add3A_3290, %broadcast_in_dim3A_3284 : vector<16xi1>, vector<16xi32>
      %broadcast_in_dim3A_3292 = vector.shape_cast %select_n3A_3291 : vector<16xi32> to vector<16x1xi32>
      %gather3A_3293 = vector.shape_cast %broadcast_in_dim3A_3292 : vector<16x1xi32> to vector<16xi32>
      %gather3A_3294 = tpu.dynamic_gather %get3A_2331[%gather3A_3293] in [0] : vector<16xf32>, vector<16xi32> -> vector<16xf32>
      %get3A_3295 = arith.constant 23 : i32
      %get3A_3296 = arith.index_cast %get3A_3295 : i32 to index
      %get3A_3297 = arith.constant 0 : index
      %get3A_3298 = tpu.vector_load %arg20[%get3A_3296, %get3A_3297] {strides = array<i32>} : memref<50x64xf32, #tpu.memory_space<vmem>>, vector<1x16xf32>,
      %get3A_3299 = vector.shape_cast %get3A_3298 : vector<1x16xf32> to vector<16xf32>
      %mul3A_3300 = arith.mulf %get3A_3299, %gather3A_3294 : vector<16xf32>
      %add3A_3301 = arith.addf %add3A_3260, %mul3A_3300 : vector<16xf32>
      %get3A_3302 = arith.constant 23 : i32
      %get3A_3303 = arith.index_cast %get3A_3302 : i32 to index
      %get3A_3304 = arith.constant 16 : index
      %get3A_3305 = tpu.vector_load %arg20[%get3A_3303, %get3A_3304] {strides = array<i32>} : memref<50x64xf32, #tpu.memory_space<vmem>>, vector<1x16xf32>,
      %get3A_3306 = vector.shape_cast %get3A_3305 : vector<1x16xf32> to vector<16xf32>
      %mul3A_3307 = arith.mulf %get3A_3306, %gather3A_3294 : vector<16xf32>
      %add3A_3308 = arith.addf %add3A_3267, %mul3A_3307 : vector<16xf32>
      %get3A_3309 = arith.constant 23 : i32
      %get3A_3310 = arith.index_cast %get3A_3309 : i32 to index
      %get3A_3311 = arith.constant 32 : index
      %get3A_3312 = tpu.vector_load %arg20[%get3A_3310, %get3A_3311] {strides = array<i32>} : memref<50x64xf32, #tpu.memory_space<vmem>>, vector<1x16xf32>,
      %get3A_3313 = vector.shape_cast %get3A_3312 : vector<1x16xf32> to vector<16xf32>
      %mul3A_3314 = arith.mulf %get3A_3313, %gather3A_3294 : vector<16xf32>
      %add3A_3315 = arith.addf %add3A_3274, %mul3A_3314 : vector<16xf32>
      %get3A_3316 = arith.constant 23 : i32
      %get3A_3317 = arith.index_cast %get3A_3316 : i32 to index
      %get3A_3318 = arith.constant 48 : index
      %get3A_3319 = tpu.vector_load %arg20[%get3A_3317, %get3A_3318] {strides = array<i32>} : memref<50x64xf32, #tpu.memory_space<vmem>>, vector<1x16xf32>,
      %get3A_3320 = vector.shape_cast %get3A_3319 : vector<1x16xf32> to vector<16xf32>
      %mul3A_3321 = arith.mulf %get3A_3320, %gather3A_3294 : vector<16xf32>
      %add3A_3322 = arith.addf %add3A_3281, %mul3A_3321 : vector<16xf32>
      %add3A_3323 = arith.addf %add3A_3282, %gather3A_3294 : vector<16xf32>
      %broadcast_in_dim3A_3324 = arith.constant 8 : i32
      %broadcast_in_dim3A_3325 = vector.broadcast %broadcast_in_dim3A_3324 : i32 to vector<16xi32>
      %lt3A_3326 = arith.constant 0 : i32
      %lt3A_3327 = vector.broadcast %lt3A_3326 : i32 to vector<16xi32>
      %lt3A_3328 = arith.cmpi slt, %broadcast_in_dim3A_3325, %lt3A_3327 : vector<16xi32>
      %add3A_3329 = arith.constant 16 : i32
      %add3A_3330 = vector.broadcast %add3A_3329 : i32 to vector<16xi32>
      %add3A_3331 = arith.addi %broadcast_in_dim3A_3325, %add3A_3330 : vector<16xi32>
      %select_n3A_3332 = arith.select %lt3A_3328, %add3A_3331, %broadcast_in_dim3A_3325 : vector<16xi1>, vector<16xi32>
      %broadcast_in_dim3A_3333 = vector.shape_cast %select_n3A_3332 : vector<16xi32> to vector<16x1xi32>
      %gather3A_3334 = vector.shape_cast %broadcast_in_dim3A_3333 : vector<16x1xi32> to vector<16xi32>
      %gather3A_3335 = tpu.dynamic_gather %get3A_2331[%gather3A_3334] in [0] : vector<16xf32>, vector<16xi32> -> vector<16xf32>
      %get3A_3336 = arith.constant 24 : i32
      %get3A_3337 = arith.index_cast %get3A_3336 : i32 to index
      %get3A_3338 = arith.constant 0 : index
      %get3A_3339 = tpu.vector_load %arg20[%get3A_3337, %get3A_3338] {strides = array<i32>} : memref<50x64xf32, #tpu.memory_space<vmem>>, vector<1x16xf32>,
      %get3A_3340 = vector.shape_cast %get3A_3339 : vector<1x16xf32> to vector<16xf32>
      %mul3A_3341 = arith.mulf %get3A_3340, %gather3A_3335 : vector<16xf32>
      %add3A_3342 = arith.addf %add3A_3301, %mul3A_3341 : vector<16xf32>
      %get3A_3343 = arith.constant 24 : i32
      %get3A_3344 = arith.index_cast %get3A_3343 : i32 to index
      %get3A_3345 = arith.constant 16 : index
      %get3A_3346 = tpu.vector_load %arg20[%get3A_3344, %get3A_3345] {strides = array<i32>} : memref<50x64xf32, #tpu.memory_space<vmem>>, vector<1x16xf32>,
      %get3A_3347 = vector.shape_cast %get3A_3346 : vector<1x16xf32> to vector<16xf32>
      %mul3A_3348 = arith.mulf %get3A_3347, %gather3A_3335 : vector<16xf32>
      %add3A_3349 = arith.addf %add3A_3308, %mul3A_3348 : vector<16xf32>
      %get3A_3350 = arith.constant 24 : i32
      %get3A_3351 = arith.index_cast %get3A_3350 : i32 to index
      %get3A_3352 = arith.constant 32 : index
      %get3A_3353 = tpu.vector_load %arg20[%get3A_3351, %get3A_3352] {strides = array<i32>} : memref<50x64xf32, #tpu.memory_space<vmem>>, vector<1x16xf32>,
      %get3A_3354 = vector.shape_cast %get3A_3353 : vector<1x16xf32> to vector<16xf32>
      %mul3A_3355 = arith.mulf %get3A_3354, %gather3A_3335 : vector<16xf32>
      %add3A_3356 = arith.addf %add3A_3315, %mul3A_3355 : vector<16xf32>
      %get3A_3357 = arith.constant 24 : i32
      %get3A_3358 = arith.index_cast %get3A_3357 : i32 to index
      %get3A_3359 = arith.constant 48 : index
      %get3A_3360 = tpu.vector_load %arg20[%get3A_3358, %get3A_3359] {strides = array<i32>} : memref<50x64xf32, #tpu.memory_space<vmem>>, vector<1x16xf32>,
      %get3A_3361 = vector.shape_cast %get3A_3360 : vector<1x16xf32> to vector<16xf32>
      %mul3A_3362 = arith.mulf %get3A_3361, %gather3A_3335 : vector<16xf32>
      %add3A_3363 = arith.addf %add3A_3322, %mul3A_3362 : vector<16xf32>
      %add3A_3364 = arith.addf %add3A_3323, %gather3A_3335 : vector<16xf32>
      %broadcast_in_dim3A_3365 = arith.constant 9 : i32
      %broadcast_in_dim3A_3366 = vector.broadcast %broadcast_in_dim3A_3365 : i32 to vector<16xi32>
      %lt3A_3367 = arith.constant 0 : i32
      %lt3A_3368 = vector.broadcast %lt3A_3367 : i32 to vector<16xi32>
      %lt3A_3369 = arith.cmpi slt, %broadcast_in_dim3A_3366, %lt3A_3368 : vector<16xi32>
      %add3A_3370 = arith.constant 16 : i32
      %add3A_3371 = vector.broadcast %add3A_3370 : i32 to vector<16xi32>
      %add3A_3372 = arith.addi %broadcast_in_dim3A_3366, %add3A_3371 : vector<16xi32>
      %select_n3A_3373 = arith.select %lt3A_3369, %add3A_3372, %broadcast_in_dim3A_3366 : vector<16xi1>, vector<16xi32>
      %broadcast_in_dim3A_3374 = vector.shape_cast %select_n3A_3373 : vector<16xi32> to vector<16x1xi32>
      %gather3A_3375 = vector.shape_cast %broadcast_in_dim3A_3374 : vector<16x1xi32> to vector<16xi32>
      %gather3A_3376 = tpu.dynamic_gather %get3A_2331[%gather3A_3375] in [0] : vector<16xf32>, vector<16xi32> -> vector<16xf32>
      %get3A_3377 = arith.constant 25 : i32
      %get3A_3378 = arith.index_cast %get3A_3377 : i32 to index
      %get3A_3379 = arith.constant 0 : index
      %get3A_3380 = tpu.vector_load %arg20[%get3A_3378, %get3A_3379] {strides = array<i32>} : memref<50x64xf32, #tpu.memory_space<vmem>>, vector<1x16xf32>,
      %get3A_3381 = vector.shape_cast %get3A_3380 : vector<1x16xf32> to vector<16xf32>
      %mul3A_3382 = arith.mulf %get3A_3381, %gather3A_3376 : vector<16xf32>
      %add3A_3383 = arith.addf %add3A_3342, %mul3A_3382 : vector<16xf32>
      %get3A_3384 = arith.constant 25 : i32
      %get3A_3385 = arith.index_cast %get3A_3384 : i32 to index
      %get3A_3386 = arith.constant 16 : index
      %get3A_3387 = tpu.vector_load %arg20[%get3A_3385, %get3A_3386] {strides = array<i32>} : memref<50x64xf32, #tpu.memory_space<vmem>>, vector<1x16xf32>,
      %get3A_3388 = vector.shape_cast %get3A_3387 : vector<1x16xf32> to vector<16xf32>
      %mul3A_3389 = arith.mulf %get3A_3388, %gather3A_3376 : vector<16xf32>
      %add3A_3390 = arith.addf %add3A_3349, %mul3A_3389 : vector<16xf32>
      %get3A_3391 = arith.constant 25 : i32
      %get3A_3392 = arith.index_cast %get3A_3391 : i32 to index
      %get3A_3393 = arith.constant 32 : index
      %get3A_3394 = tpu.vector_load %arg20[%get3A_3392, %get3A_3393] {strides = array<i32>} : memref<50x64xf32, #tpu.memory_space<vmem>>, vector<1x16xf32>,
      %get3A_3395 = vector.shape_cast %get3A_3394 : vector<1x16xf32> to vector<16xf32>
      %mul3A_3396 = arith.mulf %get3A_3395, %gather3A_3376 : vector<16xf32>
      %add3A_3397 = arith.addf %add3A_3356, %mul3A_3396 : vector<16xf32>
      %get3A_3398 = arith.constant 25 : i32
      %get3A_3399 = arith.index_cast %get3A_3398 : i32 to index
      %get3A_3400 = arith.constant 48 : index
      %get3A_3401 = tpu.vector_load %arg20[%get3A_3399, %get3A_3400] {strides = array<i32>} : memref<50x64xf32, #tpu.memory_space<vmem>>, vector<1x16xf32>,
      %get3A_3402 = vector.shape_cast %get3A_3401 : vector<1x16xf32> to vector<16xf32>
      %mul3A_3403 = arith.mulf %get3A_3402, %gather3A_3376 : vector<16xf32>
      %add3A_3404 = arith.addf %add3A_3363, %mul3A_3403 : vector<16xf32>
      %add3A_3405 = arith.addf %add3A_3364, %gather3A_3376 : vector<16xf32>
      %broadcast_in_dim3A_3406 = arith.constant 10 : i32
      %broadcast_in_dim3A_3407 = vector.broadcast %broadcast_in_dim3A_3406 : i32 to vector<16xi32>
      %lt3A_3408 = arith.constant 0 : i32
      %lt3A_3409 = vector.broadcast %lt3A_3408 : i32 to vector<16xi32>
      %lt3A_3410 = arith.cmpi slt, %broadcast_in_dim3A_3407, %lt3A_3409 : vector<16xi32>
      %add3A_3411 = arith.constant 16 : i32
      %add3A_3412 = vector.broadcast %add3A_3411 : i32 to vector<16xi32>
      %add3A_3413 = arith.addi %broadcast_in_dim3A_3407, %add3A_3412 : vector<16xi32>
      %select_n3A_3414 = arith.select %lt3A_3410, %add3A_3413, %broadcast_in_dim3A_3407 : vector<16xi1>, vector<16xi32>
      %broadcast_in_dim3A_3415 = vector.shape_cast %select_n3A_3414 : vector<16xi32> to vector<16x1xi32>
      %gather3A_3416 = vector.shape_cast %broadcast_in_dim3A_3415 : vector<16x1xi32> to vector<16xi32>
      %gather3A_3417 = tpu.dynamic_gather %get3A_2331[%gather3A_3416] in [0] : vector<16xf32>, vector<16xi32> -> vector<16xf32>
      %get3A_3418 = arith.constant 26 : i32
      %get3A_3419 = arith.index_cast %get3A_3418 : i32 to index
      %get3A_3420 = arith.constant 0 : index
      %get3A_3421 = tpu.vector_load %arg20[%get3A_3419, %get3A_3420] {strides = array<i32>} : memref<50x64xf32, #tpu.memory_space<vmem>>, vector<1x16xf32>,
      %get3A_3422 = vector.shape_cast %get3A_3421 : vector<1x16xf32> to vector<16xf32>
      %mul3A_3423 = arith.mulf %get3A_3422, %gather3A_3417 : vector<16xf32>
      %add3A_3424 = arith.addf %add3A_3383, %mul3A_3423 : vector<16xf32>
      %get3A_3425 = arith.constant 26 : i32
      %get3A_3426 = arith.index_cast %get3A_3425 : i32 to index
      %get3A_3427 = arith.constant 16 : index
      %get3A_3428 = tpu.vector_load %arg20[%get3A_3426, %get3A_3427] {strides = array<i32>} : memref<50x64xf32, #tpu.memory_space<vmem>>, vector<1x16xf32>,
      %get3A_3429 = vector.shape_cast %get3A_3428 : vector<1x16xf32> to vector<16xf32>
      %mul3A_3430 = arith.mulf %get3A_3429, %gather3A_3417 : vector<16xf32>
      %add3A_3431 = arith.addf %add3A_3390, %mul3A_3430 : vector<16xf32>
      %get3A_3432 = arith.constant 26 : i32
      %get3A_3433 = arith.index_cast %get3A_3432 : i32 to index
      %get3A_3434 = arith.constant 32 : index
      %get3A_3435 = tpu.vector_load %arg20[%get3A_3433, %get3A_3434] {strides = array<i32>} : memref<50x64xf32, #tpu.memory_space<vmem>>, vector<1x16xf32>,
      %get3A_3436 = vector.shape_cast %get3A_3435 : vector<1x16xf32> to vector<16xf32>
      %mul3A_3437 = arith.mulf %get3A_3436, %gather3A_3417 : vector<16xf32>
      %add3A_3438 = arith.addf %add3A_3397, %mul3A_3437 : vector<16xf32>
      %get3A_3439 = arith.constant 26 : i32
      %get3A_3440 = arith.index_cast %get3A_3439 : i32 to index
      %get3A_3441 = arith.constant 48 : index
      %get3A_3442 = tpu.vector_load %arg20[%get3A_3440, %get3A_3441] {strides = array<i32>} : memref<50x64xf32, #tpu.memory_space<vmem>>, vector<1x16xf32>,
      %get3A_3443 = vector.shape_cast %get3A_3442 : vector<1x16xf32> to vector<16xf32>
      %mul3A_3444 = arith.mulf %get3A_3443, %gather3A_3417 : vector<16xf32>
      %add3A_3445 = arith.addf %add3A_3404, %mul3A_3444 : vector<16xf32>
      %add3A_3446 = arith.addf %add3A_3405, %gather3A_3417 : vector<16xf32>
      %broadcast_in_dim3A_3447 = arith.constant 11 : i32
      %broadcast_in_dim3A_3448 = vector.broadcast %broadcast_in_dim3A_3447 : i32 to vector<16xi32>
      %lt3A_3449 = arith.constant 0 : i32
      %lt3A_3450 = vector.broadcast %lt3A_3449 : i32 to vector<16xi32>
      %lt3A_3451 = arith.cmpi slt, %broadcast_in_dim3A_3448, %lt3A_3450 : vector<16xi32>
      %add3A_3452 = arith.constant 16 : i32
      %add3A_3453 = vector.broadcast %add3A_3452 : i32 to vector<16xi32>
      %add3A_3454 = arith.addi %broadcast_in_dim3A_3448, %add3A_3453 : vector<16xi32>
      %select_n3A_3455 = arith.select %lt3A_3451, %add3A_3454, %broadcast_in_dim3A_3448 : vector<16xi1>, vector<16xi32>
      %broadcast_in_dim3A_3456 = vector.shape_cast %select_n3A_3455 : vector<16xi32> to vector<16x1xi32>
      %gather3A_3457 = vector.shape_cast %broadcast_in_dim3A_3456 : vector<16x1xi32> to vector<16xi32>
      %gather3A_3458 = tpu.dynamic_gather %get3A_2331[%gather3A_3457] in [0] : vector<16xf32>, vector<16xi32> -> vector<16xf32>
      %get3A_3459 = arith.constant 27 : i32
      %get3A_3460 = arith.index_cast %get3A_3459 : i32 to index
      %get3A_3461 = arith.constant 0 : index
      %get3A_3462 = tpu.vector_load %arg20[%get3A_3460, %get3A_3461] {strides = array<i32>} : memref<50x64xf32, #tpu.memory_space<vmem>>, vector<1x16xf32>,
      %get3A_3463 = vector.shape_cast %get3A_3462 : vector<1x16xf32> to vector<16xf32>
      %mul3A_3464 = arith.mulf %get3A_3463, %gather3A_3458 : vector<16xf32>
      %add3A_3465 = arith.addf %add3A_3424, %mul3A_3464 : vector<16xf32>
      %get3A_3466 = arith.constant 27 : i32
      %get3A_3467 = arith.index_cast %get3A_3466 : i32 to index
      %get3A_3468 = arith.constant 16 : index
      %get3A_3469 = tpu.vector_load %arg20[%get3A_3467, %get3A_3468] {strides = array<i32>} : memref<50x64xf32, #tpu.memory_space<vmem>>, vector<1x16xf32>,
      %get3A_3470 = vector.shape_cast %get3A_3469 : vector<1x16xf32> to vector<16xf32>
      %mul3A_3471 = arith.mulf %get3A_3470, %gather3A_3458 : vector<16xf32>
      %add3A_3472 = arith.addf %add3A_3431, %mul3A_3471 : vector<16xf32>
      %get3A_3473 = arith.constant 27 : i32
      %get3A_3474 = arith.index_cast %get3A_3473 : i32 to index
      %get3A_3475 = arith.constant 32 : index
      %get3A_3476 = tpu.vector_load %arg20[%get3A_3474, %get3A_3475] {strides = array<i32>} : memref<50x64xf32, #tpu.memory_space<vmem>>, vector<1x16xf32>,
      %get3A_3477 = vector.shape_cast %get3A_3476 : vector<1x16xf32> to vector<16xf32>
      %mul3A_3478 = arith.mulf %get3A_3477, %gather3A_3458 : vector<16xf32>
      %add3A_3479 = arith.addf %add3A_3438, %mul3A_3478 : vector<16xf32>
      %get3A_3480 = arith.constant 27 : i32
      %get3A_3481 = arith.index_cast %get3A_3480 : i32 to index
      %get3A_3482 = arith.constant 48 : index
      %get3A_3483 = tpu.vector_load %arg20[%get3A_3481, %get3A_3482] {strides = array<i32>} : memref<50x64xf32, #tpu.memory_space<vmem>>, vector<1x16xf32>,
      %get3A_3484 = vector.shape_cast %get3A_3483 : vector<1x16xf32> to vector<16xf32>
      %mul3A_3485 = arith.mulf %get3A_3484, %gather3A_3458 : vector<16xf32>
      %add3A_3486 = arith.addf %add3A_3445, %mul3A_3485 : vector<16xf32>
      %add3A_3487 = arith.addf %add3A_3446, %gather3A_3458 : vector<16xf32>
      %broadcast_in_dim3A_3488 = arith.constant 12 : i32
      %broadcast_in_dim3A_3489 = vector.broadcast %broadcast_in_dim3A_3488 : i32 to vector<16xi32>
      %lt3A_3490 = arith.constant 0 : i32
      %lt3A_3491 = vector.broadcast %lt3A_3490 : i32 to vector<16xi32>
      %lt3A_3492 = arith.cmpi slt, %broadcast_in_dim3A_3489, %lt3A_3491 : vector<16xi32>
      %add3A_3493 = arith.constant 16 : i32
      %add3A_3494 = vector.broadcast %add3A_3493 : i32 to vector<16xi32>
      %add3A_3495 = arith.addi %broadcast_in_dim3A_3489, %add3A_3494 : vector<16xi32>
      %select_n3A_3496 = arith.select %lt3A_3492, %add3A_3495, %broadcast_in_dim3A_3489 : vector<16xi1>, vector<16xi32>
      %broadcast_in_dim3A_3497 = vector.shape_cast %select_n3A_3496 : vector<16xi32> to vector<16x1xi32>
      %gather3A_3498 = vector.shape_cast %broadcast_in_dim3A_3497 : vector<16x1xi32> to vector<16xi32>
      %gather3A_3499 = tpu.dynamic_gather %get3A_2331[%gather3A_3498] in [0] : vector<16xf32>, vector<16xi32> -> vector<16xf32>
      %get3A_3500 = arith.constant 28 : i32
      %get3A_3501 = arith.index_cast %get3A_3500 : i32 to index
      %get3A_3502 = arith.constant 0 : index
      %get3A_3503 = tpu.vector_load %arg20[%get3A_3501, %get3A_3502] {strides = array<i32>} : memref<50x64xf32, #tpu.memory_space<vmem>>, vector<1x16xf32>,
      %get3A_3504 = vector.shape_cast %get3A_3503 : vector<1x16xf32> to vector<16xf32>
      %mul3A_3505 = arith.mulf %get3A_3504, %gather3A_3499 : vector<16xf32>
      %add3A_3506 = arith.addf %add3A_3465, %mul3A_3505 : vector<16xf32>
      %get3A_3507 = arith.constant 28 : i32
      %get3A_3508 = arith.index_cast %get3A_3507 : i32 to index
      %get3A_3509 = arith.constant 16 : index
      %get3A_3510 = tpu.vector_load %arg20[%get3A_3508, %get3A_3509] {strides = array<i32>} : memref<50x64xf32, #tpu.memory_space<vmem>>, vector<1x16xf32>,
      %get3A_3511 = vector.shape_cast %get3A_3510 : vector<1x16xf32> to vector<16xf32>
      %mul3A_3512 = arith.mulf %get3A_3511, %gather3A_3499 : vector<16xf32>
      %add3A_3513 = arith.addf %add3A_3472, %mul3A_3512 : vector<16xf32>
      %get3A_3514 = arith.constant 28 : i32
      %get3A_3515 = arith.index_cast %get3A_3514 : i32 to index
      %get3A_3516 = arith.constant 32 : index
      %get3A_3517 = tpu.vector_load %arg20[%get3A_3515, %get3A_3516] {strides = array<i32>} : memref<50x64xf32, #tpu.memory_space<vmem>>, vector<1x16xf32>,
      %get3A_3518 = vector.shape_cast %get3A_3517 : vector<1x16xf32> to vector<16xf32>
      %mul3A_3519 = arith.mulf %get3A_3518, %gather3A_3499 : vector<16xf32>
      %add3A_3520 = arith.addf %add3A_3479, %mul3A_3519 : vector<16xf32>
      %get3A_3521 = arith.constant 28 : i32
      %get3A_3522 = arith.index_cast %get3A_3521 : i32 to index
      %get3A_3523 = arith.constant 48 : index
      %get3A_3524 = tpu.vector_load %arg20[%get3A_3522, %get3A_3523] {strides = array<i32>} : memref<50x64xf32, #tpu.memory_space<vmem>>, vector<1x16xf32>,
      %get3A_3525 = vector.shape_cast %get3A_3524 : vector<1x16xf32> to vector<16xf32>
      %mul3A_3526 = arith.mulf %get3A_3525, %gather3A_3499 : vector<16xf32>
      %add3A_3527 = arith.addf %add3A_3486, %mul3A_3526 : vector<16xf32>
      %add3A_3528 = arith.addf %add3A_3487, %gather3A_3499 : vector<16xf32>
      %broadcast_in_dim3A_3529 = arith.constant 13 : i32
      %broadcast_in_dim3A_3530 = vector.broadcast %broadcast_in_dim3A_3529 : i32 to vector<16xi32>
      %lt3A_3531 = arith.constant 0 : i32
      %lt3A_3532 = vector.broadcast %lt3A_3531 : i32 to vector<16xi32>
      %lt3A_3533 = arith.cmpi slt, %broadcast_in_dim3A_3530, %lt3A_3532 : vector<16xi32>
      %add3A_3534 = arith.constant 16 : i32
      %add3A_3535 = vector.broadcast %add3A_3534 : i32 to vector<16xi32>
      %add3A_3536 = arith.addi %broadcast_in_dim3A_3530, %add3A_3535 : vector<16xi32>
      %select_n3A_3537 = arith.select %lt3A_3533, %add3A_3536, %broadcast_in_dim3A_3530 : vector<16xi1>, vector<16xi32>
      %broadcast_in_dim3A_3538 = vector.shape_cast %select_n3A_3537 : vector<16xi32> to vector<16x1xi32>
      %gather3A_3539 = vector.shape_cast %broadcast_in_dim3A_3538 : vector<16x1xi32> to vector<16xi32>
      %gather3A_3540 = tpu.dynamic_gather %get3A_2331[%gather3A_3539] in [0] : vector<16xf32>, vector<16xi32> -> vector<16xf32>
      %get3A_3541 = arith.constant 29 : i32
      %get3A_3542 = arith.index_cast %get3A_3541 : i32 to index
      %get3A_3543 = arith.constant 0 : index
      %get3A_3544 = tpu.vector_load %arg20[%get3A_3542, %get3A_3543] {strides = array<i32>} : memref<50x64xf32, #tpu.memory_space<vmem>>, vector<1x16xf32>,
      %get3A_3545 = vector.shape_cast %get3A_3544 : vector<1x16xf32> to vector<16xf32>
      %mul3A_3546 = arith.mulf %get3A_3545, %gather3A_3540 : vector<16xf32>
      %add3A_3547 = arith.addf %add3A_3506, %mul3A_3546 : vector<16xf32>
      %get3A_3548 = arith.constant 29 : i32
      %get3A_3549 = arith.index_cast %get3A_3548 : i32 to index
      %get3A_3550 = arith.constant 16 : index
      %get3A_3551 = tpu.vector_load %arg20[%get3A_3549, %get3A_3550] {strides = array<i32>} : memref<50x64xf32, #tpu.memory_space<vmem>>, vector<1x16xf32>,
      %get3A_3552 = vector.shape_cast %get3A_3551 : vector<1x16xf32> to vector<16xf32>
      %mul3A_3553 = arith.mulf %get3A_3552, %gather3A_3540 : vector<16xf32>
      %add3A_3554 = arith.addf %add3A_3513, %mul3A_3553 : vector<16xf32>
      %get3A_3555 = arith.constant 29 : i32
      %get3A_3556 = arith.index_cast %get3A_3555 : i32 to index
      %get3A_3557 = arith.constant 32 : index
      %get3A_3558 = tpu.vector_load %arg20[%get3A_3556, %get3A_3557] {strides = array<i32>} : memref<50x64xf32, #tpu.memory_space<vmem>>, vector<1x16xf32>,
      %get3A_3559 = vector.shape_cast %get3A_3558 : vector<1x16xf32> to vector<16xf32>
      %mul3A_3560 = arith.mulf %get3A_3559, %gather3A_3540 : vector<16xf32>
      %add3A_3561 = arith.addf %add3A_3520, %mul3A_3560 : vector<16xf32>
      %get3A_3562 = arith.constant 29 : i32
      %get3A_3563 = arith.index_cast %get3A_3562 : i32 to index
      %get3A_3564 = arith.constant 48 : index
      %get3A_3565 = tpu.vector_load %arg20[%get3A_3563, %get3A_3564] {strides = array<i32>} : memref<50x64xf32, #tpu.memory_space<vmem>>, vector<1x16xf32>,
      %get3A_3566 = vector.shape_cast %get3A_3565 : vector<1x16xf32> to vector<16xf32>
      %mul3A_3567 = arith.mulf %get3A_3566, %gather3A_3540 : vector<16xf32>
      %add3A_3568 = arith.addf %add3A_3527, %mul3A_3567 : vector<16xf32>
      %add3A_3569 = arith.addf %add3A_3528, %gather3A_3540 : vector<16xf32>
      %broadcast_in_dim3A_3570 = arith.constant 14 : i32
      %broadcast_in_dim3A_3571 = vector.broadcast %broadcast_in_dim3A_3570 : i32 to vector<16xi32>
      %lt3A_3572 = arith.constant 0 : i32
      %lt3A_3573 = vector.broadcast %lt3A_3572 : i32 to vector<16xi32>
      %lt3A_3574 = arith.cmpi slt, %broadcast_in_dim3A_3571, %lt3A_3573 : vector<16xi32>
      %add3A_3575 = arith.constant 16 : i32
      %add3A_3576 = vector.broadcast %add3A_3575 : i32 to vector<16xi32>
      %add3A_3577 = arith.addi %broadcast_in_dim3A_3571, %add3A_3576 : vector<16xi32>
      %select_n3A_3578 = arith.select %lt3A_3574, %add3A_3577, %broadcast_in_dim3A_3571 : vector<16xi1>, vector<16xi32>
      %broadcast_in_dim3A_3579 = vector.shape_cast %select_n3A_3578 : vector<16xi32> to vector<16x1xi32>
      %gather3A_3580 = vector.shape_cast %broadcast_in_dim3A_3579 : vector<16x1xi32> to vector<16xi32>
      %gather3A_3581 = tpu.dynamic_gather %get3A_2331[%gather3A_3580] in [0] : vector<16xf32>, vector<16xi32> -> vector<16xf32>
      %get3A_3582 = arith.constant 30 : i32
      %get3A_3583 = arith.index_cast %get3A_3582 : i32 to index
      %get3A_3584 = arith.constant 0 : index
      %get3A_3585 = tpu.vector_load %arg20[%get3A_3583, %get3A_3584] {strides = array<i32>} : memref<50x64xf32, #tpu.memory_space<vmem>>, vector<1x16xf32>,
      %get3A_3586 = vector.shape_cast %get3A_3585 : vector<1x16xf32> to vector<16xf32>
      %mul3A_3587 = arith.mulf %get3A_3586, %gather3A_3581 : vector<16xf32>
      %add3A_3588 = arith.addf %add3A_3547, %mul3A_3587 : vector<16xf32>
      %get3A_3589 = arith.constant 30 : i32
      %get3A_3590 = arith.index_cast %get3A_3589 : i32 to index
      %get3A_3591 = arith.constant 16 : index
      %get3A_3592 = tpu.vector_load %arg20[%get3A_3590, %get3A_3591] {strides = array<i32>} : memref<50x64xf32, #tpu.memory_space<vmem>>, vector<1x16xf32>,
      %get3A_3593 = vector.shape_cast %get3A_3592 : vector<1x16xf32> to vector<16xf32>
      %mul3A_3594 = arith.mulf %get3A_3593, %gather3A_3581 : vector<16xf32>
      %add3A_3595 = arith.addf %add3A_3554, %mul3A_3594 : vector<16xf32>
      %get3A_3596 = arith.constant 30 : i32
      %get3A_3597 = arith.index_cast %get3A_3596 : i32 to index
      %get3A_3598 = arith.constant 32 : index
      %get3A_3599 = tpu.vector_load %arg20[%get3A_3597, %get3A_3598] {strides = array<i32>} : memref<50x64xf32, #tpu.memory_space<vmem>>, vector<1x16xf32>,
      %get3A_3600 = vector.shape_cast %get3A_3599 : vector<1x16xf32> to vector<16xf32>
      %mul3A_3601 = arith.mulf %get3A_3600, %gather3A_3581 : vector<16xf32>
      %add3A_3602 = arith.addf %add3A_3561, %mul3A_3601 : vector<16xf32>
      %get3A_3603 = arith.constant 30 : i32
      %get3A_3604 = arith.index_cast %get3A_3603 : i32 to index
      %get3A_3605 = arith.constant 48 : index
      %get3A_3606 = tpu.vector_load %arg20[%get3A_3604, %get3A_3605] {strides = array<i32>} : memref<50x64xf32, #tpu.memory_space<vmem>>, vector<1x16xf32>,
      %get3A_3607 = vector.shape_cast %get3A_3606 : vector<1x16xf32> to vector<16xf32>
      %mul3A_3608 = arith.mulf %get3A_3607, %gather3A_3581 : vector<16xf32>
      %add3A_3609 = arith.addf %add3A_3568, %mul3A_3608 : vector<16xf32>
      %add3A_3610 = arith.addf %add3A_3569, %gather3A_3581 : vector<16xf32>
      %broadcast_in_dim3A_3611 = arith.constant 15 : i32
      %broadcast_in_dim3A_3612 = vector.broadcast %broadcast_in_dim3A_3611 : i32 to vector<16xi32>
      %lt3A_3613 = arith.constant 0 : i32
      %lt3A_3614 = vector.broadcast %lt3A_3613 : i32 to vector<16xi32>
      %lt3A_3615 = arith.cmpi slt, %broadcast_in_dim3A_3612, %lt3A_3614 : vector<16xi32>
      %add3A_3616 = arith.constant 16 : i32
      %add3A_3617 = vector.broadcast %add3A_3616 : i32 to vector<16xi32>
      %add3A_3618 = arith.addi %broadcast_in_dim3A_3612, %add3A_3617 : vector<16xi32>
      %select_n3A_3619 = arith.select %lt3A_3615, %add3A_3618, %broadcast_in_dim3A_3612 : vector<16xi1>, vector<16xi32>
      %broadcast_in_dim3A_3620 = vector.shape_cast %select_n3A_3619 : vector<16xi32> to vector<16x1xi32>
      %gather3A_3621 = vector.shape_cast %broadcast_in_dim3A_3620 : vector<16x1xi32> to vector<16xi32>
      %gather3A_3622 = tpu.dynamic_gather %get3A_2331[%gather3A_3621] in [0] : vector<16xf32>, vector<16xi32> -> vector<16xf32>
      %get3A_3623 = arith.constant 31 : i32
      %get3A_3624 = arith.index_cast %get3A_3623 : i32 to index
      %get3A_3625 = arith.constant 0 : index
      %get3A_3626 = tpu.vector_load %arg20[%get3A_3624, %get3A_3625] {strides = array<i32>} : memref<50x64xf32, #tpu.memory_space<vmem>>, vector<1x16xf32>,
      %get3A_3627 = vector.shape_cast %get3A_3626 : vector<1x16xf32> to vector<16xf32>
      %mul3A_3628 = arith.mulf %get3A_3627, %gather3A_3622 : vector<16xf32>
      %add3A_3629 = arith.addf %add3A_3588, %mul3A_3628 : vector<16xf32>
      %get3A_3630 = arith.constant 31 : i32
      %get3A_3631 = arith.index_cast %get3A_3630 : i32 to index
      %get3A_3632 = arith.constant 16 : index
      %get3A_3633 = tpu.vector_load %arg20[%get3A_3631, %get3A_3632] {strides = array<i32>} : memref<50x64xf32, #tpu.memory_space<vmem>>, vector<1x16xf32>,
      %get3A_3634 = vector.shape_cast %get3A_3633 : vector<1x16xf32> to vector<16xf32>
      %mul3A_3635 = arith.mulf %get3A_3634, %gather3A_3622 : vector<16xf32>
      %add3A_3636 = arith.addf %add3A_3595, %mul3A_3635 : vector<16xf32>
      %get3A_3637 = arith.constant 31 : i32
      %get3A_3638 = arith.index_cast %get3A_3637 : i32 to index
      %get3A_3639 = arith.constant 32 : index
      %get3A_3640 = tpu.vector_load %arg20[%get3A_3638, %get3A_3639] {strides = array<i32>} : memref<50x64xf32, #tpu.memory_space<vmem>>, vector<1x16xf32>,
      %get3A_3641 = vector.shape_cast %get3A_3640 : vector<1x16xf32> to vector<16xf32>
      %mul3A_3642 = arith.mulf %get3A_3641, %gather3A_3622 : vector<16xf32>
      %add3A_3643 = arith.addf %add3A_3602, %mul3A_3642 : vector<16xf32>
      %get3A_3644 = arith.constant 31 : i32
      %get3A_3645 = arith.index_cast %get3A_3644 : i32 to index
      %get3A_3646 = arith.constant 48 : index
      %get3A_3647 = tpu.vector_load %arg20[%get3A_3645, %get3A_3646] {strides = array<i32>} : memref<50x64xf32, #tpu.memory_space<vmem>>, vector<1x16xf32>,
      %get3A_3648 = vector.shape_cast %get3A_3647 : vector<1x16xf32> to vector<16xf32>
      %mul3A_3649 = arith.mulf %get3A_3648, %gather3A_3622 : vector<16xf32>
      %add3A_3650 = arith.addf %add3A_3609, %mul3A_3649 : vector<16xf32>
      %add3A_3651 = arith.addf %add3A_3610, %gather3A_3622 : vector<16xf32>
      %broadcast_in_dim3A_3652 = arith.constant 0 : i32
      %broadcast_in_dim3A_3653 = vector.broadcast %broadcast_in_dim3A_3652 : i32 to vector<16xi32>
      %lt3A_3654 = arith.constant 0 : i32
      %lt3A_3655 = vector.broadcast %lt3A_3654 : i32 to vector<16xi32>
      %lt3A_3656 = arith.cmpi slt, %broadcast_in_dim3A_3653, %lt3A_3655 : vector<16xi32>
      %add3A_3657 = arith.constant 16 : i32
      %add3A_3658 = vector.broadcast %add3A_3657 : i32 to vector<16xi32>
      %add3A_3659 = arith.addi %broadcast_in_dim3A_3653, %add3A_3658 : vector<16xi32>
      %select_n3A_3660 = arith.select %lt3A_3656, %add3A_3659, %broadcast_in_dim3A_3653 : vector<16xi1>, vector<16xi32>
      %broadcast_in_dim3A_3661 = vector.shape_cast %select_n3A_3660 : vector<16xi32> to vector<16x1xi32>
      %gather3A_3662 = vector.shape_cast %broadcast_in_dim3A_3661 : vector<16x1xi32> to vector<16xi32>
      %gather3A_3663 = tpu.dynamic_gather %get3A_2335[%gather3A_3662] in [0] : vector<16xf32>, vector<16xi32> -> vector<16xf32>
      %get3A_3664 = arith.constant 32 : i32
      %get3A_3665 = arith.index_cast %get3A_3664 : i32 to index
      %get3A_3666 = arith.constant 0 : index
      %get3A_3667 = tpu.vector_load %arg20[%get3A_3665, %get3A_3666] {strides = array<i32>} : memref<50x64xf32, #tpu.memory_space<vmem>>, vector<1x16xf32>,
      %get3A_3668 = vector.shape_cast %get3A_3667 : vector<1x16xf32> to vector<16xf32>
      %mul3A_3669 = arith.mulf %get3A_3668, %gather3A_3663 : vector<16xf32>
      %add3A_3670 = arith.addf %add3A_3629, %mul3A_3669 : vector<16xf32>
      %get3A_3671 = arith.constant 32 : i32
      %get3A_3672 = arith.index_cast %get3A_3671 : i32 to index
      %get3A_3673 = arith.constant 16 : index
      %get3A_3674 = tpu.vector_load %arg20[%get3A_3672, %get3A_3673] {strides = array<i32>} : memref<50x64xf32, #tpu.memory_space<vmem>>, vector<1x16xf32>,
      %get3A_3675 = vector.shape_cast %get3A_3674 : vector<1x16xf32> to vector<16xf32>
      %mul3A_3676 = arith.mulf %get3A_3675, %gather3A_3663 : vector<16xf32>
      %add3A_3677 = arith.addf %add3A_3636, %mul3A_3676 : vector<16xf32>
      %get3A_3678 = arith.constant 32 : i32
      %get3A_3679 = arith.index_cast %get3A_3678 : i32 to index
      %get3A_3680 = arith.constant 32 : index
      %get3A_3681 = tpu.vector_load %arg20[%get3A_3679, %get3A_3680] {strides = array<i32>} : memref<50x64xf32, #tpu.memory_space<vmem>>, vector<1x16xf32>,
      %get3A_3682 = vector.shape_cast %get3A_3681 : vector<1x16xf32> to vector<16xf32>
      %mul3A_3683 = arith.mulf %get3A_3682, %gather3A_3663 : vector<16xf32>
      %add3A_3684 = arith.addf %add3A_3643, %mul3A_3683 : vector<16xf32>
      %get3A_3685 = arith.constant 32 : i32
      %get3A_3686 = arith.index_cast %get3A_3685 : i32 to index
      %get3A_3687 = arith.constant 48 : index
      %get3A_3688 = tpu.vector_load %arg20[%get3A_3686, %get3A_3687] {strides = array<i32>} : memref<50x64xf32, #tpu.memory_space<vmem>>, vector<1x16xf32>,
      %get3A_3689 = vector.shape_cast %get3A_3688 : vector<1x16xf32> to vector<16xf32>
      %mul3A_3690 = arith.mulf %get3A_3689, %gather3A_3663 : vector<16xf32>
      %add3A_3691 = arith.addf %add3A_3650, %mul3A_3690 : vector<16xf32>
      %add3A_3692 = arith.addf %add3A_3651, %gather3A_3663 : vector<16xf32>
      %broadcast_in_dim3A_3693 = arith.constant 1 : i32
      %broadcast_in_dim3A_3694 = vector.broadcast %broadcast_in_dim3A_3693 : i32 to vector<16xi32>
      %lt3A_3695 = arith.constant 0 : i32
      %lt3A_3696 = vector.broadcast %lt3A_3695 : i32 to vector<16xi32>
      %lt3A_3697 = arith.cmpi slt, %broadcast_in_dim3A_3694, %lt3A_3696 : vector<16xi32>
      %add3A_3698 = arith.constant 16 : i32
      %add3A_3699 = vector.broadcast %add3A_3698 : i32 to vector<16xi32>
      %add3A_3700 = arith.addi %broadcast_in_dim3A_3694, %add3A_3699 : vector<16xi32>
      %select_n3A_3701 = arith.select %lt3A_3697, %add3A_3700, %broadcast_in_dim3A_3694 : vector<16xi1>, vector<16xi32>
      %broadcast_in_dim3A_3702 = vector.shape_cast %select_n3A_3701 : vector<16xi32> to vector<16x1xi32>
      %gather3A_3703 = vector.shape_cast %broadcast_in_dim3A_3702 : vector<16x1xi32> to vector<16xi32>
      %gather3A_3704 = tpu.dynamic_gather %get3A_2335[%gather3A_3703] in [0] : vector<16xf32>, vector<16xi32> -> vector<16xf32>
      %get3A_3705 = arith.constant 33 : i32
      %get3A_3706 = arith.index_cast %get3A_3705 : i32 to index
      %get3A_3707 = arith.constant 0 : index
      %get3A_3708 = tpu.vector_load %arg20[%get3A_3706, %get3A_3707] {strides = array<i32>} : memref<50x64xf32, #tpu.memory_space<vmem>>, vector<1x16xf32>,
      %get3A_3709 = vector.shape_cast %get3A_3708 : vector<1x16xf32> to vector<16xf32>
      %mul3A_3710 = arith.mulf %get3A_3709, %gather3A_3704 : vector<16xf32>
      %add3A_3711 = arith.addf %add3A_3670, %mul3A_3710 : vector<16xf32>
      %get3A_3712 = arith.constant 33 : i32
      %get3A_3713 = arith.index_cast %get3A_3712 : i32 to index
      %get3A_3714 = arith.constant 16 : index
      %get3A_3715 = tpu.vector_load %arg20[%get3A_3713, %get3A_3714] {strides = array<i32>} : memref<50x64xf32, #tpu.memory_space<vmem>>, vector<1x16xf32>,
      %get3A_3716 = vector.shape_cast %get3A_3715 : vector<1x16xf32> to vector<16xf32>
      %mul3A_3717 = arith.mulf %get3A_3716, %gather3A_3704 : vector<16xf32>
      %add3A_3718 = arith.addf %add3A_3677, %mul3A_3717 : vector<16xf32>
      %get3A_3719 = arith.constant 33 : i32
      %get3A_3720 = arith.index_cast %get3A_3719 : i32 to index
      %get3A_3721 = arith.constant 32 : index
      %get3A_3722 = tpu.vector_load %arg20[%get3A_3720, %get3A_3721] {strides = array<i32>} : memref<50x64xf32, #tpu.memory_space<vmem>>, vector<1x16xf32>,
      %get3A_3723 = vector.shape_cast %get3A_3722 : vector<1x16xf32> to vector<16xf32>
      %mul3A_3724 = arith.mulf %get3A_3723, %gather3A_3704 : vector<16xf32>
      %add3A_3725 = arith.addf %add3A_3684, %mul3A_3724 : vector<16xf32>
      %get3A_3726 = arith.constant 33 : i32
      %get3A_3727 = arith.index_cast %get3A_3726 : i32 to index
      %get3A_3728 = arith.constant 48 : index
      %get3A_3729 = tpu.vector_load %arg20[%get3A_3727, %get3A_3728] {strides = array<i32>} : memref<50x64xf32, #tpu.memory_space<vmem>>, vector<1x16xf32>,
      %get3A_3730 = vector.shape_cast %get3A_3729 : vector<1x16xf32> to vector<16xf32>
      %mul3A_3731 = arith.mulf %get3A_3730, %gather3A_3704 : vector<16xf32>
      %add3A_3732 = arith.addf %add3A_3691, %mul3A_3731 : vector<16xf32>
      %add3A_3733 = arith.addf %add3A_3692, %gather3A_3704 : vector<16xf32>
      %broadcast_in_dim3A_3734 = arith.constant 2 : i32
      %broadcast_in_dim3A_3735 = vector.broadcast %broadcast_in_dim3A_3734 : i32 to vector<16xi32>
      %lt3A_3736 = arith.constant 0 : i32
      %lt3A_3737 = vector.broadcast %lt3A_3736 : i32 to vector<16xi32>
      %lt3A_3738 = arith.cmpi slt, %broadcast_in_dim3A_3735, %lt3A_3737 : vector<16xi32>
      %add3A_3739 = arith.constant 16 : i32
      %add3A_3740 = vector.broadcast %add3A_3739 : i32 to vector<16xi32>
      %add3A_3741 = arith.addi %broadcast_in_dim3A_3735, %add3A_3740 : vector<16xi32>
      %select_n3A_3742 = arith.select %lt3A_3738, %add3A_3741, %broadcast_in_dim3A_3735 : vector<16xi1>, vector<16xi32>
      %broadcast_in_dim3A_3743 = vector.shape_cast %select_n3A_3742 : vector<16xi32> to vector<16x1xi32>
      %gather3A_3744 = vector.shape_cast %broadcast_in_dim3A_3743 : vector<16x1xi32> to vector<16xi32>
      %gather3A_3745 = tpu.dynamic_gather %get3A_2335[%gather3A_3744] in [0] : vector<16xf32>, vector<16xi32> -> vector<16xf32>
      %get3A_3746 = arith.constant 34 : i32
      %get3A_3747 = arith.index_cast %get3A_3746 : i32 to index
      %get3A_3748 = arith.constant 0 : index
      %get3A_3749 = tpu.vector_load %arg20[%get3A_3747, %get3A_3748] {strides = array<i32>} : memref<50x64xf32, #tpu.memory_space<vmem>>, vector<1x16xf32>,
      %get3A_3750 = vector.shape_cast %get3A_3749 : vector<1x16xf32> to vector<16xf32>
      %mul3A_3751 = arith.mulf %get3A_3750, %gather3A_3745 : vector<16xf32>
      %add3A_3752 = arith.addf %add3A_3711, %mul3A_3751 : vector<16xf32>
      %get3A_3753 = arith.constant 34 : i32
      %get3A_3754 = arith.index_cast %get3A_3753 : i32 to index
      %get3A_3755 = arith.constant 16 : index
      %get3A_3756 = tpu.vector_load %arg20[%get3A_3754, %get3A_3755] {strides = array<i32>} : memref<50x64xf32, #tpu.memory_space<vmem>>, vector<1x16xf32>,
      %get3A_3757 = vector.shape_cast %get3A_3756 : vector<1x16xf32> to vector<16xf32>
      %mul3A_3758 = arith.mulf %get3A_3757, %gather3A_3745 : vector<16xf32>
      %add3A_3759 = arith.addf %add3A_3718, %mul3A_3758 : vector<16xf32>
      %get3A_3760 = arith.constant 34 : i32
      %get3A_3761 = arith.index_cast %get3A_3760 : i32 to index
      %get3A_3762 = arith.constant 32 : index
      %get3A_3763 = tpu.vector_load %arg20[%get3A_3761, %get3A_3762] {strides = array<i32>} : memref<50x64xf32, #tpu.memory_space<vmem>>, vector<1x16xf32>,
      %get3A_3764 = vector.shape_cast %get3A_3763 : vector<1x16xf32> to vector<16xf32>
      %mul3A_3765 = arith.mulf %get3A_3764, %gather3A_3745 : vector<16xf32>
      %add3A_3766 = arith.addf %add3A_3725, %mul3A_3765 : vector<16xf32>
      %get3A_3767 = arith.constant 34 : i32
      %get3A_3768 = arith.index_cast %get3A_3767 : i32 to index
      %get3A_3769 = arith.constant 48 : index
      %get3A_3770 = tpu.vector_load %arg20[%get3A_3768, %get3A_3769] {strides = array<i32>} : memref<50x64xf32, #tpu.memory_space<vmem>>, vector<1x16xf32>,
      %get3A_3771 = vector.shape_cast %get3A_3770 : vector<1x16xf32> to vector<16xf32>
      %mul3A_3772 = arith.mulf %get3A_3771, %gather3A_3745 : vector<16xf32>
      %add3A_3773 = arith.addf %add3A_3732, %mul3A_3772 : vector<16xf32>
      %add3A_3774 = arith.addf %add3A_3733, %gather3A_3745 : vector<16xf32>
      %broadcast_in_dim3A_3775 = arith.constant 3 : i32
      %broadcast_in_dim3A_3776 = vector.broadcast %broadcast_in_dim3A_3775 : i32 to vector<16xi32>
      %lt3A_3777 = arith.constant 0 : i32
      %lt3A_3778 = vector.broadcast %lt3A_3777 : i32 to vector<16xi32>
      %lt3A_3779 = arith.cmpi slt, %broadcast_in_dim3A_3776, %lt3A_3778 : vector<16xi32>
      %add3A_3780 = arith.constant 16 : i32
      %add3A_3781 = vector.broadcast %add3A_3780 : i32 to vector<16xi32>
      %add3A_3782 = arith.addi %broadcast_in_dim3A_3776, %add3A_3781 : vector<16xi32>
      %select_n3A_3783 = arith.select %lt3A_3779, %add3A_3782, %broadcast_in_dim3A_3776 : vector<16xi1>, vector<16xi32>
      %broadcast_in_dim3A_3784 = vector.shape_cast %select_n3A_3783 : vector<16xi32> to vector<16x1xi32>
      %gather3A_3785 = vector.shape_cast %broadcast_in_dim3A_3784 : vector<16x1xi32> to vector<16xi32>
      %gather3A_3786 = tpu.dynamic_gather %get3A_2335[%gather3A_3785] in [0] : vector<16xf32>, vector<16xi32> -> vector<16xf32>
      %get3A_3787 = arith.constant 35 : i32
      %get3A_3788 = arith.index_cast %get3A_3787 : i32 to index
      %get3A_3789 = arith.constant 0 : index
      %get3A_3790 = tpu.vector_load %arg20[%get3A_3788, %get3A_3789] {strides = array<i32>} : memref<50x64xf32, #tpu.memory_space<vmem>>, vector<1x16xf32>,
      %get3A_3791 = vector.shape_cast %get3A_3790 : vector<1x16xf32> to vector<16xf32>
      %mul3A_3792 = arith.mulf %get3A_3791, %gather3A_3786 : vector<16xf32>
      %add3A_3793 = arith.addf %add3A_3752, %mul3A_3792 : vector<16xf32>
      %get3A_3794 = arith.constant 35 : i32
      %get3A_3795 = arith.index_cast %get3A_3794 : i32 to index
      %get3A_3796 = arith.constant 16 : index
      %get3A_3797 = tpu.vector_load %arg20[%get3A_3795, %get3A_3796] {strides = array<i32>} : memref<50x64xf32, #tpu.memory_space<vmem>>, vector<1x16xf32>,
      %get3A_3798 = vector.shape_cast %get3A_3797 : vector<1x16xf32> to vector<16xf32>
      %mul3A_3799 = arith.mulf %get3A_3798, %gather3A_3786 : vector<16xf32>
      %add3A_3800 = arith.addf %add3A_3759, %mul3A_3799 : vector<16xf32>
      %get3A_3801 = arith.constant 35 : i32
      %get3A_3802 = arith.index_cast %get3A_3801 : i32 to index
      %get3A_3803 = arith.constant 32 : index
      %get3A_3804 = tpu.vector_load %arg20[%get3A_3802, %get3A_3803] {strides = array<i32>} : memref<50x64xf32, #tpu.memory_space<vmem>>, vector<1x16xf32>,
      %get3A_3805 = vector.shape_cast %get3A_3804 : vector<1x16xf32> to vector<16xf32>
      %mul3A_3806 = arith.mulf %get3A_3805, %gather3A_3786 : vector<16xf32>
      %add3A_3807 = arith.addf %add3A_3766, %mul3A_3806 : vector<16xf32>
      %get3A_3808 = arith.constant 35 : i32
      %get3A_3809 = arith.index_cast %get3A_3808 : i32 to index
      %get3A_3810 = arith.constant 48 : index
      %get3A_3811 = tpu.vector_load %arg20[%get3A_3809, %get3A_3810] {strides = array<i32>} : memref<50x64xf32, #tpu.memory_space<vmem>>, vector<1x16xf32>,
      %get3A_3812 = vector.shape_cast %get3A_3811 : vector<1x16xf32> to vector<16xf32>
      %mul3A_3813 = arith.mulf %get3A_3812, %gather3A_3786 : vector<16xf32>
      %add3A_3814 = arith.addf %add3A_3773, %mul3A_3813 : vector<16xf32>
      %add3A_3815 = arith.addf %add3A_3774, %gather3A_3786 : vector<16xf32>
      %broadcast_in_dim3A_3816 = arith.constant 4 : i32
      %broadcast_in_dim3A_3817 = vector.broadcast %broadcast_in_dim3A_3816 : i32 to vector<16xi32>
      %lt3A_3818 = arith.constant 0 : i32
      %lt3A_3819 = vector.broadcast %lt3A_3818 : i32 to vector<16xi32>
      %lt3A_3820 = arith.cmpi slt, %broadcast_in_dim3A_3817, %lt3A_3819 : vector<16xi32>
      %add3A_3821 = arith.constant 16 : i32
      %add3A_3822 = vector.broadcast %add3A_3821 : i32 to vector<16xi32>
      %add3A_3823 = arith.addi %broadcast_in_dim3A_3817, %add3A_3822 : vector<16xi32>
      %select_n3A_3824 = arith.select %lt3A_3820, %add3A_3823, %broadcast_in_dim3A_3817 : vector<16xi1>, vector<16xi32>
      %broadcast_in_dim3A_3825 = vector.shape_cast %select_n3A_3824 : vector<16xi32> to vector<16x1xi32>
      %gather3A_3826 = vector.shape_cast %broadcast_in_dim3A_3825 : vector<16x1xi32> to vector<16xi32>
      %gather3A_3827 = tpu.dynamic_gather %get3A_2335[%gather3A_3826] in [0] : vector<16xf32>, vector<16xi32> -> vector<16xf32>
      %get3A_3828 = arith.constant 36 : i32
      %get3A_3829 = arith.index_cast %get3A_3828 : i32 to index
      %get3A_3830 = arith.constant 0 : index
      %get3A_3831 = tpu.vector_load %arg20[%get3A_3829, %get3A_3830] {strides = array<i32>} : memref<50x64xf32, #tpu.memory_space<vmem>>, vector<1x16xf32>,
      %get3A_3832 = vector.shape_cast %get3A_3831 : vector<1x16xf32> to vector<16xf32>
      %mul3A_3833 = arith.mulf %get3A_3832, %gather3A_3827 : vector<16xf32>
      %add3A_3834 = arith.addf %add3A_3793, %mul3A_3833 : vector<16xf32>
      %get3A_3835 = arith.constant 36 : i32
      %get3A_3836 = arith.index_cast %get3A_3835 : i32 to index
      %get3A_3837 = arith.constant 16 : index
      %get3A_3838 = tpu.vector_load %arg20[%get3A_3836, %get3A_3837] {strides = array<i32>} : memref<50x64xf32, #tpu.memory_space<vmem>>, vector<1x16xf32>,
      %get3A_3839 = vector.shape_cast %get3A_3838 : vector<1x16xf32> to vector<16xf32>
      %mul3A_3840 = arith.mulf %get3A_3839, %gather3A_3827 : vector<16xf32>
      %add3A_3841 = arith.addf %add3A_3800, %mul3A_3840 : vector<16xf32>
      %get3A_3842 = arith.constant 36 : i32
      %get3A_3843 = arith.index_cast %get3A_3842 : i32 to index
      %get3A_3844 = arith.constant 32 : index
      %get3A_3845 = tpu.vector_load %arg20[%get3A_3843, %get3A_3844] {strides = array<i32>} : memref<50x64xf32, #tpu.memory_space<vmem>>, vector<1x16xf32>,
      %get3A_3846 = vector.shape_cast %get3A_3845 : vector<1x16xf32> to vector<16xf32>
      %mul3A_3847 = arith.mulf %get3A_3846, %gather3A_3827 : vector<16xf32>
      %add3A_3848 = arith.addf %add3A_3807, %mul3A_3847 : vector<16xf32>
      %get3A_3849 = arith.constant 36 : i32
      %get3A_3850 = arith.index_cast %get3A_3849 : i32 to index
      %get3A_3851 = arith.constant 48 : index
      %get3A_3852 = tpu.vector_load %arg20[%get3A_3850, %get3A_3851] {strides = array<i32>} : memref<50x64xf32, #tpu.memory_space<vmem>>, vector<1x16xf32>,
      %get3A_3853 = vector.shape_cast %get3A_3852 : vector<1x16xf32> to vector<16xf32>
      %mul3A_3854 = arith.mulf %get3A_3853, %gather3A_3827 : vector<16xf32>
      %add3A_3855 = arith.addf %add3A_3814, %mul3A_3854 : vector<16xf32>
      %add3A_3856 = arith.addf %add3A_3815, %gather3A_3827 : vector<16xf32>
      %broadcast_in_dim3A_3857 = arith.constant 5 : i32
      %broadcast_in_dim3A_3858 = vector.broadcast %broadcast_in_dim3A_3857 : i32 to vector<16xi32>
      %lt3A_3859 = arith.constant 0 : i32
      %lt3A_3860 = vector.broadcast %lt3A_3859 : i32 to vector<16xi32>
      %lt3A_3861 = arith.cmpi slt, %broadcast_in_dim3A_3858, %lt3A_3860 : vector<16xi32>
      %add3A_3862 = arith.constant 16 : i32
      %add3A_3863 = vector.broadcast %add3A_3862 : i32 to vector<16xi32>
      %add3A_3864 = arith.addi %broadcast_in_dim3A_3858, %add3A_3863 : vector<16xi32>
      %select_n3A_3865 = arith.select %lt3A_3861, %add3A_3864, %broadcast_in_dim3A_3858 : vector<16xi1>, vector<16xi32>
      %broadcast_in_dim3A_3866 = vector.shape_cast %select_n3A_3865 : vector<16xi32> to vector<16x1xi32>
      %gather3A_3867 = vector.shape_cast %broadcast_in_dim3A_3866 : vector<16x1xi32> to vector<16xi32>
      %gather3A_3868 = tpu.dynamic_gather %get3A_2335[%gather3A_3867] in [0] : vector<16xf32>, vector<16xi32> -> vector<16xf32>
      %get3A_3869 = arith.constant 37 : i32
      %get3A_3870 = arith.index_cast %get3A_3869 : i32 to index
      %get3A_3871 = arith.constant 0 : index
      %get3A_3872 = tpu.vector_load %arg20[%get3A_3870, %get3A_3871] {strides = array<i32>} : memref<50x64xf32, #tpu.memory_space<vmem>>, vector<1x16xf32>,
      %get3A_3873 = vector.shape_cast %get3A_3872 : vector<1x16xf32> to vector<16xf32>
      %mul3A_3874 = arith.mulf %get3A_3873, %gather3A_3868 : vector<16xf32>
      %add3A_3875 = arith.addf %add3A_3834, %mul3A_3874 : vector<16xf32>
      %get3A_3876 = arith.constant 37 : i32
      %get3A_3877 = arith.index_cast %get3A_3876 : i32 to index
      %get3A_3878 = arith.constant 16 : index
      %get3A_3879 = tpu.vector_load %arg20[%get3A_3877, %get3A_3878] {strides = array<i32>} : memref<50x64xf32, #tpu.memory_space<vmem>>, vector<1x16xf32>,
      %get3A_3880 = vector.shape_cast %get3A_3879 : vector<1x16xf32> to vector<16xf32>
      %mul3A_3881 = arith.mulf %get3A_3880, %gather3A_3868 : vector<16xf32>
      %add3A_3882 = arith.addf %add3A_3841, %mul3A_3881 : vector<16xf32>
      %get3A_3883 = arith.constant 37 : i32
      %get3A_3884 = arith.index_cast %get3A_3883 : i32 to index
      %get3A_3885 = arith.constant 32 : index
      %get3A_3886 = tpu.vector_load %arg20[%get3A_3884, %get3A_3885] {strides = array<i32>} : memref<50x64xf32, #tpu.memory_space<vmem>>, vector<1x16xf32>,
      %get3A_3887 = vector.shape_cast %get3A_3886 : vector<1x16xf32> to vector<16xf32>
      %mul3A_3888 = arith.mulf %get3A_3887, %gather3A_3868 : vector<16xf32>
      %add3A_3889 = arith.addf %add3A_3848, %mul3A_3888 : vector<16xf32>
      %get3A_3890 = arith.constant 37 : i32
      %get3A_3891 = arith.index_cast %get3A_3890 : i32 to index
      %get3A_3892 = arith.constant 48 : index
      %get3A_3893 = tpu.vector_load %arg20[%get3A_3891, %get3A_3892] {strides = array<i32>} : memref<50x64xf32, #tpu.memory_space<vmem>>, vector<1x16xf32>,
      %get3A_3894 = vector.shape_cast %get3A_3893 : vector<1x16xf32> to vector<16xf32>
      %mul3A_3895 = arith.mulf %get3A_3894, %gather3A_3868 : vector<16xf32>
      %add3A_3896 = arith.addf %add3A_3855, %mul3A_3895 : vector<16xf32>
      %add3A_3897 = arith.addf %add3A_3856, %gather3A_3868 : vector<16xf32>
      %broadcast_in_dim3A_3898 = arith.constant 6 : i32
      %broadcast_in_dim3A_3899 = vector.broadcast %broadcast_in_dim3A_3898 : i32 to vector<16xi32>
      %lt3A_3900 = arith.constant 0 : i32
      %lt3A_3901 = vector.broadcast %lt3A_3900 : i32 to vector<16xi32>
      %lt3A_3902 = arith.cmpi slt, %broadcast_in_dim3A_3899, %lt3A_3901 : vector<16xi32>
      %add3A_3903 = arith.constant 16 : i32
      %add3A_3904 = vector.broadcast %add3A_3903 : i32 to vector<16xi32>
      %add3A_3905 = arith.addi %broadcast_in_dim3A_3899, %add3A_3904 : vector<16xi32>
      %select_n3A_3906 = arith.select %lt3A_3902, %add3A_3905, %broadcast_in_dim3A_3899 : vector<16xi1>, vector<16xi32>
      %broadcast_in_dim3A_3907 = vector.shape_cast %select_n3A_3906 : vector<16xi32> to vector<16x1xi32>
      %gather3A_3908 = vector.shape_cast %broadcast_in_dim3A_3907 : vector<16x1xi32> to vector<16xi32>
      %gather3A_3909 = tpu.dynamic_gather %get3A_2335[%gather3A_3908] in [0] : vector<16xf32>, vector<16xi32> -> vector<16xf32>
      %get3A_3910 = arith.constant 38 : i32
      %get3A_3911 = arith.index_cast %get3A_3910 : i32 to index
      %get3A_3912 = arith.constant 0 : index
      %get3A_3913 = tpu.vector_load %arg20[%get3A_3911, %get3A_3912] {strides = array<i32>} : memref<50x64xf32, #tpu.memory_space<vmem>>, vector<1x16xf32>,
      %get3A_3914 = vector.shape_cast %get3A_3913 : vector<1x16xf32> to vector<16xf32>
      %mul3A_3915 = arith.mulf %get3A_3914, %gather3A_3909 : vector<16xf32>
      %add3A_3916 = arith.addf %add3A_3875, %mul3A_3915 : vector<16xf32>
      %get3A_3917 = arith.constant 38 : i32
      %get3A_3918 = arith.index_cast %get3A_3917 : i32 to index
      %get3A_3919 = arith.constant 16 : index
      %get3A_3920 = tpu.vector_load %arg20[%get3A_3918, %get3A_3919] {strides = array<i32>} : memref<50x64xf32, #tpu.memory_space<vmem>>, vector<1x16xf32>,
      %get3A_3921 = vector.shape_cast %get3A_3920 : vector<1x16xf32> to vector<16xf32>
      %mul3A_3922 = arith.mulf %get3A_3921, %gather3A_3909 : vector<16xf32>
      %add3A_3923 = arith.addf %add3A_3882, %mul3A_3922 : vector<16xf32>
      %get3A_3924 = arith.constant 38 : i32
      %get3A_3925 = arith.index_cast %get3A_3924 : i32 to index
      %get3A_3926 = arith.constant 32 : index
      %get3A_3927 = tpu.vector_load %arg20[%get3A_3925, %get3A_3926] {strides = array<i32>} : memref<50x64xf32, #tpu.memory_space<vmem>>, vector<1x16xf32>,
      %get3A_3928 = vector.shape_cast %get3A_3927 : vector<1x16xf32> to vector<16xf32>
      %mul3A_3929 = arith.mulf %get3A_3928, %gather3A_3909 : vector<16xf32>
      %add3A_3930 = arith.addf %add3A_3889, %mul3A_3929 : vector<16xf32>
      %get3A_3931 = arith.constant 38 : i32
      %get3A_3932 = arith.index_cast %get3A_3931 : i32 to index
      %get3A_3933 = arith.constant 48 : index
      %get3A_3934 = tpu.vector_load %arg20[%get3A_3932, %get3A_3933] {strides = array<i32>} : memref<50x64xf32, #tpu.memory_space<vmem>>, vector<1x16xf32>,
      %get3A_3935 = vector.shape_cast %get3A_3934 : vector<1x16xf32> to vector<16xf32>
      %mul3A_3936 = arith.mulf %get3A_3935, %gather3A_3909 : vector<16xf32>
      %add3A_3937 = arith.addf %add3A_3896, %mul3A_3936 : vector<16xf32>
      %add3A_3938 = arith.addf %add3A_3897, %gather3A_3909 : vector<16xf32>
      %broadcast_in_dim3A_3939 = arith.constant 7 : i32
      %broadcast_in_dim3A_3940 = vector.broadcast %broadcast_in_dim3A_3939 : i32 to vector<16xi32>
      %lt3A_3941 = arith.constant 0 : i32
      %lt3A_3942 = vector.broadcast %lt3A_3941 : i32 to vector<16xi32>
      %lt3A_3943 = arith.cmpi slt, %broadcast_in_dim3A_3940, %lt3A_3942 : vector<16xi32>
      %add3A_3944 = arith.constant 16 : i32
      %add3A_3945 = vector.broadcast %add3A_3944 : i32 to vector<16xi32>
      %add3A_3946 = arith.addi %broadcast_in_dim3A_3940, %add3A_3945 : vector<16xi32>
      %select_n3A_3947 = arith.select %lt3A_3943, %add3A_3946, %broadcast_in_dim3A_3940 : vector<16xi1>, vector<16xi32>
      %broadcast_in_dim3A_3948 = vector.shape_cast %select_n3A_3947 : vector<16xi32> to vector<16x1xi32>
      %gather3A_3949 = vector.shape_cast %broadcast_in_dim3A_3948 : vector<16x1xi32> to vector<16xi32>
      %gather3A_3950 = tpu.dynamic_gather %get3A_2335[%gather3A_3949] in [0] : vector<16xf32>, vector<16xi32> -> vector<16xf32>
      %get3A_3951 = arith.constant 39 : i32
      %get3A_3952 = arith.index_cast %get3A_3951 : i32 to index
      %get3A_3953 = arith.constant 0 : index
      %get3A_3954 = tpu.vector_load %arg20[%get3A_3952, %get3A_3953] {strides = array<i32>} : memref<50x64xf32, #tpu.memory_space<vmem>>, vector<1x16xf32>,
      %get3A_3955 = vector.shape_cast %get3A_3954 : vector<1x16xf32> to vector<16xf32>
      %mul3A_3956 = arith.mulf %get3A_3955, %gather3A_3950 : vector<16xf32>
      %add3A_3957 = arith.addf %add3A_3916, %mul3A_3956 : vector<16xf32>
      %get3A_3958 = arith.constant 39 : i32
      %get3A_3959 = arith.index_cast %get3A_3958 : i32 to index
      %get3A_3960 = arith.constant 16 : index
      %get3A_3961 = tpu.vector_load %arg20[%get3A_3959, %get3A_3960] {strides = array<i32>} : memref<50x64xf32, #tpu.memory_space<vmem>>, vector<1x16xf32>,
      %get3A_3962 = vector.shape_cast %get3A_3961 : vector<1x16xf32> to vector<16xf32>
      %mul3A_3963 = arith.mulf %get3A_3962, %gather3A_3950 : vector<16xf32>
      %add3A_3964 = arith.addf %add3A_3923, %mul3A_3963 : vector<16xf32>
      %get3A_3965 = arith.constant 39 : i32
      %get3A_3966 = arith.index_cast %get3A_3965 : i32 to index
      %get3A_3967 = arith.constant 32 : index
      %get3A_3968 = tpu.vector_load %arg20[%get3A_3966, %get3A_3967] {strides = array<i32>} : memref<50x64xf32, #tpu.memory_space<vmem>>, vector<1x16xf32>,
      %get3A_3969 = vector.shape_cast %get3A_3968 : vector<1x16xf32> to vector<16xf32>
      %mul3A_3970 = arith.mulf %get3A_3969, %gather3A_3950 : vector<16xf32>
      %add3A_3971 = arith.addf %add3A_3930, %mul3A_3970 : vector<16xf32>
      %get3A_3972 = arith.constant 39 : i32
      %get3A_3973 = arith.index_cast %get3A_3972 : i32 to index
      %get3A_3974 = arith.constant 48 : index
      %get3A_3975 = tpu.vector_load %arg20[%get3A_3973, %get3A_3974] {strides = array<i32>} : memref<50x64xf32, #tpu.memory_space<vmem>>, vector<1x16xf32>,
      %get3A_3976 = vector.shape_cast %get3A_3975 : vector<1x16xf32> to vector<16xf32>
      %mul3A_3977 = arith.mulf %get3A_3976, %gather3A_3950 : vector<16xf32>
      %add3A_3978 = arith.addf %add3A_3937, %mul3A_3977 : vector<16xf32>
      %add3A_3979 = arith.addf %add3A_3938, %gather3A_3950 : vector<16xf32>
      %broadcast_in_dim3A_3980 = arith.constant 8 : i32
      %broadcast_in_dim3A_3981 = vector.broadcast %broadcast_in_dim3A_3980 : i32 to vector<16xi32>
      %lt3A_3982 = arith.constant 0 : i32
      %lt3A_3983 = vector.broadcast %lt3A_3982 : i32 to vector<16xi32>
      %lt3A_3984 = arith.cmpi slt, %broadcast_in_dim3A_3981, %lt3A_3983 : vector<16xi32>
      %add3A_3985 = arith.constant 16 : i32
      %add3A_3986 = vector.broadcast %add3A_3985 : i32 to vector<16xi32>
      %add3A_3987 = arith.addi %broadcast_in_dim3A_3981, %add3A_3986 : vector<16xi32>
      %select_n3A_3988 = arith.select %lt3A_3984, %add3A_3987, %broadcast_in_dim3A_3981 : vector<16xi1>, vector<16xi32>
      %broadcast_in_dim3A_3989 = vector.shape_cast %select_n3A_3988 : vector<16xi32> to vector<16x1xi32>
      %gather3A_3990 = vector.shape_cast %broadcast_in_dim3A_3989 : vector<16x1xi32> to vector<16xi32>
      %gather3A_3991 = tpu.dynamic_gather %get3A_2335[%gather3A_3990] in [0] : vector<16xf32>, vector<16xi32> -> vector<16xf32>
      %get3A_3992 = arith.constant 40 : i32
      %get3A_3993 = arith.index_cast %get3A_3992 : i32 to index
      %get3A_3994 = arith.constant 0 : index
      %get3A_3995 = tpu.vector_load %arg20[%get3A_3993, %get3A_3994] {strides = array<i32>} : memref<50x64xf32, #tpu.memory_space<vmem>>, vector<1x16xf32>,
      %get3A_3996 = vector.shape_cast %get3A_3995 : vector<1x16xf32> to vector<16xf32>
      %mul3A_3997 = arith.mulf %get3A_3996, %gather3A_3991 : vector<16xf32>
      %add3A_3998 = arith.addf %add3A_3957, %mul3A_3997 : vector<16xf32>
      %get3A_3999 = arith.constant 40 : i32
      %get3A_4000 = arith.index_cast %get3A_3999 : i32 to index
      %get3A_4001 = arith.constant 16 : index
      %get3A_4002 = tpu.vector_load %arg20[%get3A_4000, %get3A_4001] {strides = array<i32>} : memref<50x64xf32, #tpu.memory_space<vmem>>, vector<1x16xf32>,
      %get3A_4003 = vector.shape_cast %get3A_4002 : vector<1x16xf32> to vector<16xf32>
      %mul3A_4004 = arith.mulf %get3A_4003, %gather3A_3991 : vector<16xf32>
      %add3A_4005 = arith.addf %add3A_3964, %mul3A_4004 : vector<16xf32>
      %get3A_4006 = arith.constant 40 : i32
      %get3A_4007 = arith.index_cast %get3A_4006 : i32 to index
      %get3A_4008 = arith.constant 32 : index
      %get3A_4009 = tpu.vector_load %arg20[%get3A_4007, %get3A_4008] {strides = array<i32>} : memref<50x64xf32, #tpu.memory_space<vmem>>, vector<1x16xf32>,
      %get3A_4010 = vector.shape_cast %get3A_4009 : vector<1x16xf32> to vector<16xf32>
      %mul3A_4011 = arith.mulf %get3A_4010, %gather3A_3991 : vector<16xf32>
      %add3A_4012 = arith.addf %add3A_3971, %mul3A_4011 : vector<16xf32>
      %get3A_4013 = arith.constant 40 : i32
      %get3A_4014 = arith.index_cast %get3A_4013 : i32 to index
      %get3A_4015 = arith.constant 48 : index
      %get3A_4016 = tpu.vector_load %arg20[%get3A_4014, %get3A_4015] {strides = array<i32>} : memref<50x64xf32, #tpu.memory_space<vmem>>, vector<1x16xf32>,
      %get3A_4017 = vector.shape_cast %get3A_4016 : vector<1x16xf32> to vector<16xf32>
      %mul3A_4018 = arith.mulf %get3A_4017, %gather3A_3991 : vector<16xf32>
      %add3A_4019 = arith.addf %add3A_3978, %mul3A_4018 : vector<16xf32>
      %add3A_4020 = arith.addf %add3A_3979, %gather3A_3991 : vector<16xf32>
      %broadcast_in_dim3A_4021 = arith.constant 9 : i32
      %broadcast_in_dim3A_4022 = vector.broadcast %broadcast_in_dim3A_4021 : i32 to vector<16xi32>
      %lt3A_4023 = arith.constant 0 : i32
      %lt3A_4024 = vector.broadcast %lt3A_4023 : i32 to vector<16xi32>
      %lt3A_4025 = arith.cmpi slt, %broadcast_in_dim3A_4022, %lt3A_4024 : vector<16xi32>
      %add3A_4026 = arith.constant 16 : i32
      %add3A_4027 = vector.broadcast %add3A_4026 : i32 to vector<16xi32>
      %add3A_4028 = arith.addi %broadcast_in_dim3A_4022, %add3A_4027 : vector<16xi32>
      %select_n3A_4029 = arith.select %lt3A_4025, %add3A_4028, %broadcast_in_dim3A_4022 : vector<16xi1>, vector<16xi32>
      %broadcast_in_dim3A_4030 = vector.shape_cast %select_n3A_4029 : vector<16xi32> to vector<16x1xi32>
      %gather3A_4031 = vector.shape_cast %broadcast_in_dim3A_4030 : vector<16x1xi32> to vector<16xi32>
      %gather3A_4032 = tpu.dynamic_gather %get3A_2335[%gather3A_4031] in [0] : vector<16xf32>, vector<16xi32> -> vector<16xf32>
      %get3A_4033 = arith.constant 41 : i32
      %get3A_4034 = arith.index_cast %get3A_4033 : i32 to index
      %get3A_4035 = arith.constant 0 : index
      %get3A_4036 = tpu.vector_load %arg20[%get3A_4034, %get3A_4035] {strides = array<i32>} : memref<50x64xf32, #tpu.memory_space<vmem>>, vector<1x16xf32>,
      %get3A_4037 = vector.shape_cast %get3A_4036 : vector<1x16xf32> to vector<16xf32>
      %mul3A_4038 = arith.mulf %get3A_4037, %gather3A_4032 : vector<16xf32>
      %add3A_4039 = arith.addf %add3A_3998, %mul3A_4038 : vector<16xf32>
      %get3A_4040 = arith.constant 41 : i32
      %get3A_4041 = arith.index_cast %get3A_4040 : i32 to index
      %get3A_4042 = arith.constant 16 : index
      %get3A_4043 = tpu.vector_load %arg20[%get3A_4041, %get3A_4042] {strides = array<i32>} : memref<50x64xf32, #tpu.memory_space<vmem>>, vector<1x16xf32>,
      %get3A_4044 = vector.shape_cast %get3A_4043 : vector<1x16xf32> to vector<16xf32>
      %mul3A_4045 = arith.mulf %get3A_4044, %gather3A_4032 : vector<16xf32>
      %add3A_4046 = arith.addf %add3A_4005, %mul3A_4045 : vector<16xf32>
      %get3A_4047 = arith.constant 41 : i32
      %get3A_4048 = arith.index_cast %get3A_4047 : i32 to index
      %get3A_4049 = arith.constant 32 : index
      %get3A_4050 = tpu.vector_load %arg20[%get3A_4048, %get3A_4049] {strides = array<i32>} : memref<50x64xf32, #tpu.memory_space<vmem>>, vector<1x16xf32>,
      %get3A_4051 = vector.shape_cast %get3A_4050 : vector<1x16xf32> to vector<16xf32>
      %mul3A_4052 = arith.mulf %get3A_4051, %gather3A_4032 : vector<16xf32>
      %add3A_4053 = arith.addf %add3A_4012, %mul3A_4052 : vector<16xf32>
      %get3A_4054 = arith.constant 41 : i32
      %get3A_4055 = arith.index_cast %get3A_4054 : i32 to index
      %get3A_4056 = arith.constant 48 : index
      %get3A_4057 = tpu.vector_load %arg20[%get3A_4055, %get3A_4056] {strides = array<i32>} : memref<50x64xf32, #tpu.memory_space<vmem>>, vector<1x16xf32>,
      %get3A_4058 = vector.shape_cast %get3A_4057 : vector<1x16xf32> to vector<16xf32>
      %mul3A_4059 = arith.mulf %get3A_4058, %gather3A_4032 : vector<16xf32>
      %add3A_4060 = arith.addf %add3A_4019, %mul3A_4059 : vector<16xf32>
      %add3A_4061 = arith.addf %add3A_4020, %gather3A_4032 : vector<16xf32>
      %broadcast_in_dim3A_4062 = arith.constant 10 : i32
      %broadcast_in_dim3A_4063 = vector.broadcast %broadcast_in_dim3A_4062 : i32 to vector<16xi32>
      %lt3A_4064 = arith.constant 0 : i32
      %lt3A_4065 = vector.broadcast %lt3A_4064 : i32 to vector<16xi32>
      %lt3A_4066 = arith.cmpi slt, %broadcast_in_dim3A_4063, %lt3A_4065 : vector<16xi32>
      %add3A_4067 = arith.constant 16 : i32
      %add3A_4068 = vector.broadcast %add3A_4067 : i32 to vector<16xi32>
      %add3A_4069 = arith.addi %broadcast_in_dim3A_4063, %add3A_4068 : vector<16xi32>
      %select_n3A_4070 = arith.select %lt3A_4066, %add3A_4069, %broadcast_in_dim3A_4063 : vector<16xi1>, vector<16xi32>
      %broadcast_in_dim3A_4071 = vector.shape_cast %select_n3A_4070 : vector<16xi32> to vector<16x1xi32>
      %gather3A_4072 = vector.shape_cast %broadcast_in_dim3A_4071 : vector<16x1xi32> to vector<16xi32>
      %gather3A_4073 = tpu.dynamic_gather %get3A_2335[%gather3A_4072] in [0] : vector<16xf32>, vector<16xi32> -> vector<16xf32>
      %get3A_4074 = arith.constant 42 : i32
      %get3A_4075 = arith.index_cast %get3A_4074 : i32 to index
      %get3A_4076 = arith.constant 0 : index
      %get3A_4077 = tpu.vector_load %arg20[%get3A_4075, %get3A_4076] {strides = array<i32>} : memref<50x64xf32, #tpu.memory_space<vmem>>, vector<1x16xf32>,
      %get3A_4078 = vector.shape_cast %get3A_4077 : vector<1x16xf32> to vector<16xf32>
      %mul3A_4079 = arith.mulf %get3A_4078, %gather3A_4073 : vector<16xf32>
      %add3A_4080 = arith.addf %add3A_4039, %mul3A_4079 : vector<16xf32>
      %get3A_4081 = arith.constant 42 : i32
      %get3A_4082 = arith.index_cast %get3A_4081 : i32 to index
      %get3A_4083 = arith.constant 16 : index
      %get3A_4084 = tpu.vector_load %arg20[%get3A_4082, %get3A_4083] {strides = array<i32>} : memref<50x64xf32, #tpu.memory_space<vmem>>, vector<1x16xf32>,
      %get3A_4085 = vector.shape_cast %get3A_4084 : vector<1x16xf32> to vector<16xf32>
      %mul3A_4086 = arith.mulf %get3A_4085, %gather3A_4073 : vector<16xf32>
      %add3A_4087 = arith.addf %add3A_4046, %mul3A_4086 : vector<16xf32>
      %get3A_4088 = arith.constant 42 : i32
      %get3A_4089 = arith.index_cast %get3A_4088 : i32 to index
      %get3A_4090 = arith.constant 32 : index
      %get3A_4091 = tpu.vector_load %arg20[%get3A_4089, %get3A_4090] {strides = array<i32>} : memref<50x64xf32, #tpu.memory_space<vmem>>, vector<1x16xf32>,
      %get3A_4092 = vector.shape_cast %get3A_4091 : vector<1x16xf32> to vector<16xf32>
      %mul3A_4093 = arith.mulf %get3A_4092, %gather3A_4073 : vector<16xf32>
      %add3A_4094 = arith.addf %add3A_4053, %mul3A_4093 : vector<16xf32>
      %get3A_4095 = arith.constant 42 : i32
      %get3A_4096 = arith.index_cast %get3A_4095 : i32 to index
      %get3A_4097 = arith.constant 48 : index
      %get3A_4098 = tpu.vector_load %arg20[%get3A_4096, %get3A_4097] {strides = array<i32>} : memref<50x64xf32, #tpu.memory_space<vmem>>, vector<1x16xf32>,
      %get3A_4099 = vector.shape_cast %get3A_4098 : vector<1x16xf32> to vector<16xf32>
      %mul3A_4100 = arith.mulf %get3A_4099, %gather3A_4073 : vector<16xf32>
      %add3A_4101 = arith.addf %add3A_4060, %mul3A_4100 : vector<16xf32>
      %add3A_4102 = arith.addf %add3A_4061, %gather3A_4073 : vector<16xf32>
      %broadcast_in_dim3A_4103 = arith.constant 11 : i32
      %broadcast_in_dim3A_4104 = vector.broadcast %broadcast_in_dim3A_4103 : i32 to vector<16xi32>
      %lt3A_4105 = arith.constant 0 : i32
      %lt3A_4106 = vector.broadcast %lt3A_4105 : i32 to vector<16xi32>
      %lt3A_4107 = arith.cmpi slt, %broadcast_in_dim3A_4104, %lt3A_4106 : vector<16xi32>
      %add3A_4108 = arith.constant 16 : i32
      %add3A_4109 = vector.broadcast %add3A_4108 : i32 to vector<16xi32>
      %add3A_4110 = arith.addi %broadcast_in_dim3A_4104, %add3A_4109 : vector<16xi32>
      %select_n3A_4111 = arith.select %lt3A_4107, %add3A_4110, %broadcast_in_dim3A_4104 : vector<16xi1>, vector<16xi32>
      %broadcast_in_dim3A_4112 = vector.shape_cast %select_n3A_4111 : vector<16xi32> to vector<16x1xi32>
      %gather3A_4113 = vector.shape_cast %broadcast_in_dim3A_4112 : vector<16x1xi32> to vector<16xi32>
      %gather3A_4114 = tpu.dynamic_gather %get3A_2335[%gather3A_4113] in [0] : vector<16xf32>, vector<16xi32> -> vector<16xf32>
      %get3A_4115 = arith.constant 43 : i32
      %get3A_4116 = arith.index_cast %get3A_4115 : i32 to index
      %get3A_4117 = arith.constant 0 : index
      %get3A_4118 = tpu.vector_load %arg20[%get3A_4116, %get3A_4117] {strides = array<i32>} : memref<50x64xf32, #tpu.memory_space<vmem>>, vector<1x16xf32>,
      %get3A_4119 = vector.shape_cast %get3A_4118 : vector<1x16xf32> to vector<16xf32>
      %mul3A_4120 = arith.mulf %get3A_4119, %gather3A_4114 : vector<16xf32>
      %add3A_4121 = arith.addf %add3A_4080, %mul3A_4120 : vector<16xf32>
      %get3A_4122 = arith.constant 43 : i32
      %get3A_4123 = arith.index_cast %get3A_4122 : i32 to index
      %get3A_4124 = arith.constant 16 : index
      %get3A_4125 = tpu.vector_load %arg20[%get3A_4123, %get3A_4124] {strides = array<i32>} : memref<50x64xf32, #tpu.memory_space<vmem>>, vector<1x16xf32>,
      %get3A_4126 = vector.shape_cast %get3A_4125 : vector<1x16xf32> to vector<16xf32>
      %mul3A_4127 = arith.mulf %get3A_4126, %gather3A_4114 : vector<16xf32>
      %add3A_4128 = arith.addf %add3A_4087, %mul3A_4127 : vector<16xf32>
      %get3A_4129 = arith.constant 43 : i32
      %get3A_4130 = arith.index_cast %get3A_4129 : i32 to index
      %get3A_4131 = arith.constant 32 : index
      %get3A_4132 = tpu.vector_load %arg20[%get3A_4130, %get3A_4131] {strides = array<i32>} : memref<50x64xf32, #tpu.memory_space<vmem>>, vector<1x16xf32>,
      %get3A_4133 = vector.shape_cast %get3A_4132 : vector<1x16xf32> to vector<16xf32>
      %mul3A_4134 = arith.mulf %get3A_4133, %gather3A_4114 : vector<16xf32>
      %add3A_4135 = arith.addf %add3A_4094, %mul3A_4134 : vector<16xf32>
      %get3A_4136 = arith.constant 43 : i32
      %get3A_4137 = arith.index_cast %get3A_4136 : i32 to index
      %get3A_4138 = arith.constant 48 : index
      %get3A_4139 = tpu.vector_load %arg20[%get3A_4137, %get3A_4138] {strides = array<i32>} : memref<50x64xf32, #tpu.memory_space<vmem>>, vector<1x16xf32>,
      %get3A_4140 = vector.shape_cast %get3A_4139 : vector<1x16xf32> to vector<16xf32>
      %mul3A_4141 = arith.mulf %get3A_4140, %gather3A_4114 : vector<16xf32>
      %add3A_4142 = arith.addf %add3A_4101, %mul3A_4141 : vector<16xf32>
      %add3A_4143 = arith.addf %add3A_4102, %gather3A_4114 : vector<16xf32>
      %broadcast_in_dim3A_4144 = arith.constant 12 : i32
      %broadcast_in_dim3A_4145 = vector.broadcast %broadcast_in_dim3A_4144 : i32 to vector<16xi32>
      %lt3A_4146 = arith.constant 0 : i32
      %lt3A_4147 = vector.broadcast %lt3A_4146 : i32 to vector<16xi32>
      %lt3A_4148 = arith.cmpi slt, %broadcast_in_dim3A_4145, %lt3A_4147 : vector<16xi32>
      %add3A_4149 = arith.constant 16 : i32
      %add3A_4150 = vector.broadcast %add3A_4149 : i32 to vector<16xi32>
      %add3A_4151 = arith.addi %broadcast_in_dim3A_4145, %add3A_4150 : vector<16xi32>
      %select_n3A_4152 = arith.select %lt3A_4148, %add3A_4151, %broadcast_in_dim3A_4145 : vector<16xi1>, vector<16xi32>
      %broadcast_in_dim3A_4153 = vector.shape_cast %select_n3A_4152 : vector<16xi32> to vector<16x1xi32>
      %gather3A_4154 = vector.shape_cast %broadcast_in_dim3A_4153 : vector<16x1xi32> to vector<16xi32>
      %gather3A_4155 = tpu.dynamic_gather %get3A_2335[%gather3A_4154] in [0] : vector<16xf32>, vector<16xi32> -> vector<16xf32>
      %get3A_4156 = arith.constant 44 : i32
      %get3A_4157 = arith.index_cast %get3A_4156 : i32 to index
      %get3A_4158 = arith.constant 0 : index
      %get3A_4159 = tpu.vector_load %arg20[%get3A_4157, %get3A_4158] {strides = array<i32>} : memref<50x64xf32, #tpu.memory_space<vmem>>, vector<1x16xf32>,
      %get3A_4160 = vector.shape_cast %get3A_4159 : vector<1x16xf32> to vector<16xf32>
      %mul3A_4161 = arith.mulf %get3A_4160, %gather3A_4155 : vector<16xf32>
      %add3A_4162 = arith.addf %add3A_4121, %mul3A_4161 : vector<16xf32>
      %get3A_4163 = arith.constant 44 : i32
      %get3A_4164 = arith.index_cast %get3A_4163 : i32 to index
      %get3A_4165 = arith.constant 16 : index
      %get3A_4166 = tpu.vector_load %arg20[%get3A_4164, %get3A_4165] {strides = array<i32>} : memref<50x64xf32, #tpu.memory_space<vmem>>, vector<1x16xf32>,
      %get3A_4167 = vector.shape_cast %get3A_4166 : vector<1x16xf32> to vector<16xf32>
      %mul3A_4168 = arith.mulf %get3A_4167, %gather3A_4155 : vector<16xf32>
      %add3A_4169 = arith.addf %add3A_4128, %mul3A_4168 : vector<16xf32>
      %get3A_4170 = arith.constant 44 : i32
      %get3A_4171 = arith.index_cast %get3A_4170 : i32 to index
      %get3A_4172 = arith.constant 32 : index
      %get3A_4173 = tpu.vector_load %arg20[%get3A_4171, %get3A_4172] {strides = array<i32>} : memref<50x64xf32, #tpu.memory_space<vmem>>, vector<1x16xf32>,
      %get3A_4174 = vector.shape_cast %get3A_4173 : vector<1x16xf32> to vector<16xf32>
      %mul3A_4175 = arith.mulf %get3A_4174, %gather3A_4155 : vector<16xf32>
      %add3A_4176 = arith.addf %add3A_4135, %mul3A_4175 : vector<16xf32>
      %get3A_4177 = arith.constant 44 : i32
      %get3A_4178 = arith.index_cast %get3A_4177 : i32 to index
      %get3A_4179 = arith.constant 48 : index
      %get3A_4180 = tpu.vector_load %arg20[%get3A_4178, %get3A_4179] {strides = array<i32>} : memref<50x64xf32, #tpu.memory_space<vmem>>, vector<1x16xf32>,
      %get3A_4181 = vector.shape_cast %get3A_4180 : vector<1x16xf32> to vector<16xf32>
      %mul3A_4182 = arith.mulf %get3A_4181, %gather3A_4155 : vector<16xf32>
      %add3A_4183 = arith.addf %add3A_4142, %mul3A_4182 : vector<16xf32>
      %add3A_4184 = arith.addf %add3A_4143, %gather3A_4155 : vector<16xf32>
      %broadcast_in_dim3A_4185 = arith.constant 13 : i32
      %broadcast_in_dim3A_4186 = vector.broadcast %broadcast_in_dim3A_4185 : i32 to vector<16xi32>
      %lt3A_4187 = arith.constant 0 : i32
      %lt3A_4188 = vector.broadcast %lt3A_4187 : i32 to vector<16xi32>
      %lt3A_4189 = arith.cmpi slt, %broadcast_in_dim3A_4186, %lt3A_4188 : vector<16xi32>
      %add3A_4190 = arith.constant 16 : i32
      %add3A_4191 = vector.broadcast %add3A_4190 : i32 to vector<16xi32>
      %add3A_4192 = arith.addi %broadcast_in_dim3A_4186, %add3A_4191 : vector<16xi32>
      %select_n3A_4193 = arith.select %lt3A_4189, %add3A_4192, %broadcast_in_dim3A_4186 : vector<16xi1>, vector<16xi32>
      %broadcast_in_dim3A_4194 = vector.shape_cast %select_n3A_4193 : vector<16xi32> to vector<16x1xi32>
      %gather3A_4195 = vector.shape_cast %broadcast_in_dim3A_4194 : vector<16x1xi32> to vector<16xi32>
      %gather3A_4196 = tpu.dynamic_gather %get3A_2335[%gather3A_4195] in [0] : vector<16xf32>, vector<16xi32> -> vector<16xf32>
      %get3A_4197 = arith.constant 45 : i32
      %get3A_4198 = arith.index_cast %get3A_4197 : i32 to index
      %get3A_4199 = arith.constant 0 : index
      %get3A_4200 = tpu.vector_load %arg20[%get3A_4198, %get3A_4199] {strides = array<i32>} : memref<50x64xf32, #tpu.memory_space<vmem>>, vector<1x16xf32>,
      %get3A_4201 = vector.shape_cast %get3A_4200 : vector<1x16xf32> to vector<16xf32>
      %mul3A_4202 = arith.mulf %get3A_4201, %gather3A_4196 : vector<16xf32>
      %add3A_4203 = arith.addf %add3A_4162, %mul3A_4202 : vector<16xf32>
      %get3A_4204 = arith.constant 45 : i32
      %get3A_4205 = arith.index_cast %get3A_4204 : i32 to index
      %get3A_4206 = arith.constant 16 : index
      %get3A_4207 = tpu.vector_load %arg20[%get3A_4205, %get3A_4206] {strides = array<i32>} : memref<50x64xf32, #tpu.memory_space<vmem>>, vector<1x16xf32>,
      %get3A_4208 = vector.shape_cast %get3A_4207 : vector<1x16xf32> to vector<16xf32>
      %mul3A_4209 = arith.mulf %get3A_4208, %gather3A_4196 : vector<16xf32>
      %add3A_4210 = arith.addf %add3A_4169, %mul3A_4209 : vector<16xf32>
      %get3A_4211 = arith.constant 45 : i32
      %get3A_4212 = arith.index_cast %get3A_4211 : i32 to index
      %get3A_4213 = arith.constant 32 : index
      %get3A_4214 = tpu.vector_load %arg20[%get3A_4212, %get3A_4213] {strides = array<i32>} : memref<50x64xf32, #tpu.memory_space<vmem>>, vector<1x16xf32>,
      %get3A_4215 = vector.shape_cast %get3A_4214 : vector<1x16xf32> to vector<16xf32>
      %mul3A_4216 = arith.mulf %get3A_4215, %gather3A_4196 : vector<16xf32>
      %add3A_4217 = arith.addf %add3A_4176, %mul3A_4216 : vector<16xf32>
      %get3A_4218 = arith.constant 45 : i32
      %get3A_4219 = arith.index_cast %get3A_4218 : i32 to index
      %get3A_4220 = arith.constant 48 : index
      %get3A_4221 = tpu.vector_load %arg20[%get3A_4219, %get3A_4220] {strides = array<i32>} : memref<50x64xf32, #tpu.memory_space<vmem>>, vector<1x16xf32>,
      %get3A_4222 = vector.shape_cast %get3A_4221 : vector<1x16xf32> to vector<16xf32>
      %mul3A_4223 = arith.mulf %get3A_4222, %gather3A_4196 : vector<16xf32>
      %add3A_4224 = arith.addf %add3A_4183, %mul3A_4223 : vector<16xf32>
      %add3A_4225 = arith.addf %add3A_4184, %gather3A_4196 : vector<16xf32>
      %broadcast_in_dim3A_4226 = arith.constant 14 : i32
      %broadcast_in_dim3A_4227 = vector.broadcast %broadcast_in_dim3A_4226 : i32 to vector<16xi32>
      %lt3A_4228 = arith.constant 0 : i32
      %lt3A_4229 = vector.broadcast %lt3A_4228 : i32 to vector<16xi32>
      %lt3A_4230 = arith.cmpi slt, %broadcast_in_dim3A_4227, %lt3A_4229 : vector<16xi32>
      %add3A_4231 = arith.constant 16 : i32
      %add3A_4232 = vector.broadcast %add3A_4231 : i32 to vector<16xi32>
      %add3A_4233 = arith.addi %broadcast_in_dim3A_4227, %add3A_4232 : vector<16xi32>
      %select_n3A_4234 = arith.select %lt3A_4230, %add3A_4233, %broadcast_in_dim3A_4227 : vector<16xi1>, vector<16xi32>
      %broadcast_in_dim3A_4235 = vector.shape_cast %select_n3A_4234 : vector<16xi32> to vector<16x1xi32>
      %gather3A_4236 = vector.shape_cast %broadcast_in_dim3A_4235 : vector<16x1xi32> to vector<16xi32>
      %gather3A_4237 = tpu.dynamic_gather %get3A_2335[%gather3A_4236] in [0] : vector<16xf32>, vector<16xi32> -> vector<16xf32>
      %get3A_4238 = arith.constant 46 : i32
      %get3A_4239 = arith.index_cast %get3A_4238 : i32 to index
      %get3A_4240 = arith.constant 0 : index
      %get3A_4241 = tpu.vector_load %arg20[%get3A_4239, %get3A_4240] {strides = array<i32>} : memref<50x64xf32, #tpu.memory_space<vmem>>, vector<1x16xf32>,
      %get3A_4242 = vector.shape_cast %get3A_4241 : vector<1x16xf32> to vector<16xf32>
      %mul3A_4243 = arith.mulf %get3A_4242, %gather3A_4237 : vector<16xf32>
      %add3A_4244 = arith.addf %add3A_4203, %mul3A_4243 : vector<16xf32>
      %get3A_4245 = arith.constant 46 : i32
      %get3A_4246 = arith.index_cast %get3A_4245 : i32 to index
      %get3A_4247 = arith.constant 16 : index
      %get3A_4248 = tpu.vector_load %arg20[%get3A_4246, %get3A_4247] {strides = array<i32>} : memref<50x64xf32, #tpu.memory_space<vmem>>, vector<1x16xf32>,
      %get3A_4249 = vector.shape_cast %get3A_4248 : vector<1x16xf32> to vector<16xf32>
      %mul3A_4250 = arith.mulf %get3A_4249, %gather3A_4237 : vector<16xf32>
      %add3A_4251 = arith.addf %add3A_4210, %mul3A_4250 : vector<16xf32>
      %get3A_4252 = arith.constant 46 : i32
      %get3A_4253 = arith.index_cast %get3A_4252 : i32 to index
      %get3A_4254 = arith.constant 32 : index
      %get3A_4255 = tpu.vector_load %arg20[%get3A_4253, %get3A_4254] {strides = array<i32>} : memref<50x64xf32, #tpu.memory_space<vmem>>, vector<1x16xf32>,
      %get3A_4256 = vector.shape_cast %get3A_4255 : vector<1x16xf32> to vector<16xf32>
      %mul3A_4257 = arith.mulf %get3A_4256, %gather3A_4237 : vector<16xf32>
      %add3A_4258 = arith.addf %add3A_4217, %mul3A_4257 : vector<16xf32>
      %get3A_4259 = arith.constant 46 : i32
      %get3A_4260 = arith.index_cast %get3A_4259 : i32 to index
      %get3A_4261 = arith.constant 48 : index
      %get3A_4262 = tpu.vector_load %arg20[%get3A_4260, %get3A_4261] {strides = array<i32>} : memref<50x64xf32, #tpu.memory_space<vmem>>, vector<1x16xf32>,
      %get3A_4263 = vector.shape_cast %get3A_4262 : vector<1x16xf32> to vector<16xf32>
      %mul3A_4264 = arith.mulf %get3A_4263, %gather3A_4237 : vector<16xf32>
      %add3A_4265 = arith.addf %add3A_4224, %mul3A_4264 : vector<16xf32>
      %add3A_4266 = arith.addf %add3A_4225, %gather3A_4237 : vector<16xf32>
      %broadcast_in_dim3A_4267 = arith.constant 15 : i32
      %broadcast_in_dim3A_4268 = vector.broadcast %broadcast_in_dim3A_4267 : i32 to vector<16xi32>
      %lt3A_4269 = arith.constant 0 : i32
      %lt3A_4270 = vector.broadcast %lt3A_4269 : i32 to vector<16xi32>
      %lt3A_4271 = arith.cmpi slt, %broadcast_in_dim3A_4268, %lt3A_4270 : vector<16xi32>
      %add3A_4272 = arith.constant 16 : i32
      %add3A_4273 = vector.broadcast %add3A_4272 : i32 to vector<16xi32>
      %add3A_4274 = arith.addi %broadcast_in_dim3A_4268, %add3A_4273 : vector<16xi32>
      %select_n3A_4275 = arith.select %lt3A_4271, %add3A_4274, %broadcast_in_dim3A_4268 : vector<16xi1>, vector<16xi32>
      %broadcast_in_dim3A_4276 = vector.shape_cast %select_n3A_4275 : vector<16xi32> to vector<16x1xi32>
      %gather3A_4277 = vector.shape_cast %broadcast_in_dim3A_4276 : vector<16x1xi32> to vector<16xi32>
      %gather3A_4278 = tpu.dynamic_gather %get3A_2335[%gather3A_4277] in [0] : vector<16xf32>, vector<16xi32> -> vector<16xf32>
      %get3A_4279 = arith.constant 47 : i32
      %get3A_4280 = arith.index_cast %get3A_4279 : i32 to index
      %get3A_4281 = arith.constant 0 : index
      %get3A_4282 = tpu.vector_load %arg20[%get3A_4280, %get3A_4281] {strides = array<i32>} : memref<50x64xf32, #tpu.memory_space<vmem>>, vector<1x16xf32>,
      %get3A_4283 = vector.shape_cast %get3A_4282 : vector<1x16xf32> to vector<16xf32>
      %mul3A_4284 = arith.mulf %get3A_4283, %gather3A_4278 : vector<16xf32>
      %add3A_4285 = arith.addf %add3A_4244, %mul3A_4284 : vector<16xf32>
      %get3A_4286 = arith.constant 47 : i32
      %get3A_4287 = arith.index_cast %get3A_4286 : i32 to index
      %get3A_4288 = arith.constant 16 : index
      %get3A_4289 = tpu.vector_load %arg20[%get3A_4287, %get3A_4288] {strides = array<i32>} : memref<50x64xf32, #tpu.memory_space<vmem>>, vector<1x16xf32>,
      %get3A_4290 = vector.shape_cast %get3A_4289 : vector<1x16xf32> to vector<16xf32>
      %mul3A_4291 = arith.mulf %get3A_4290, %gather3A_4278 : vector<16xf32>
      %add3A_4292 = arith.addf %add3A_4251, %mul3A_4291 : vector<16xf32>
      %get3A_4293 = arith.constant 47 : i32
      %get3A_4294 = arith.index_cast %get3A_4293 : i32 to index
      %get3A_4295 = arith.constant 32 : index
      %get3A_4296 = tpu.vector_load %arg20[%get3A_4294, %get3A_4295] {strides = array<i32>} : memref<50x64xf32, #tpu.memory_space<vmem>>, vector<1x16xf32>,
      %get3A_4297 = vector.shape_cast %get3A_4296 : vector<1x16xf32> to vector<16xf32>
      %mul3A_4298 = arith.mulf %get3A_4297, %gather3A_4278 : vector<16xf32>
      %add3A_4299 = arith.addf %add3A_4258, %mul3A_4298 : vector<16xf32>
      %get3A_4300 = arith.constant 47 : i32
      %get3A_4301 = arith.index_cast %get3A_4300 : i32 to index
      %get3A_4302 = arith.constant 48 : index
      %get3A_4303 = tpu.vector_load %arg20[%get3A_4301, %get3A_4302] {strides = array<i32>} : memref<50x64xf32, #tpu.memory_space<vmem>>, vector<1x16xf32>,
      %get3A_4304 = vector.shape_cast %get3A_4303 : vector<1x16xf32> to vector<16xf32>
      %mul3A_4305 = arith.mulf %get3A_4304, %gather3A_4278 : vector<16xf32>
      %add3A_4306 = arith.addf %add3A_4265, %mul3A_4305 : vector<16xf32>
      %add3A_4307 = arith.addf %add3A_4266, %gather3A_4278 : vector<16xf32>
      %broadcast_in_dim3A_4308 = arith.constant 14 : i32
      %broadcast_in_dim3A_4309 = vector.broadcast %broadcast_in_dim3A_4308 : i32 to vector<16xi32>
      %lt3A_4310 = arith.constant 0 : i32
      %lt3A_4311 = vector.broadcast %lt3A_4310 : i32 to vector<16xi32>
      %lt3A_4312 = arith.cmpi slt, %broadcast_in_dim3A_4309, %lt3A_4311 : vector<16xi32>
      %add3A_4313 = arith.constant 16 : i32
      %add3A_4314 = vector.broadcast %add3A_4313 : i32 to vector<16xi32>
      %add3A_4315 = arith.addi %broadcast_in_dim3A_4309, %add3A_4314 : vector<16xi32>
      %select_n3A_4316 = arith.select %lt3A_4312, %add3A_4315, %broadcast_in_dim3A_4309 : vector<16xi1>, vector<16xi32>
      %broadcast_in_dim3A_4317 = vector.shape_cast %select_n3A_4316 : vector<16xi32> to vector<16x1xi32>
      %gather3A_4318 = vector.shape_cast %broadcast_in_dim3A_4317 : vector<16x1xi32> to vector<16xi32>
      %gather3A_4319 = tpu.dynamic_gather %get3A_2339[%gather3A_4318] in [0] : vector<16xf32>, vector<16xi32> -> vector<16xf32>
      %get3A_4320 = arith.constant 48 : i32
      %get3A_4321 = arith.index_cast %get3A_4320 : i32 to index
      %get3A_4322 = arith.constant 0 : index
      %get3A_4323 = tpu.vector_load %arg20[%get3A_4321, %get3A_4322] {strides = array<i32>} : memref<50x64xf32, #tpu.memory_space<vmem>>, vector<1x16xf32>,
      %get3A_4324 = vector.shape_cast %get3A_4323 : vector<1x16xf32> to vector<16xf32>
      %mul3A_4325 = arith.mulf %get3A_4324, %gather3A_4319 : vector<16xf32>
      %add3A_4326 = arith.addf %add3A_4285, %mul3A_4325 : vector<16xf32>
      %get3A_4327 = arith.constant 48 : i32
      %get3A_4328 = arith.index_cast %get3A_4327 : i32 to index
      %get3A_4329 = arith.constant 16 : index
      %get3A_4330 = tpu.vector_load %arg20[%get3A_4328, %get3A_4329] {strides = array<i32>} : memref<50x64xf32, #tpu.memory_space<vmem>>, vector<1x16xf32>,
      %get3A_4331 = vector.shape_cast %get3A_4330 : vector<1x16xf32> to vector<16xf32>
      %mul3A_4332 = arith.mulf %get3A_4331, %gather3A_4319 : vector<16xf32>
      %add3A_4333 = arith.addf %add3A_4292, %mul3A_4332 : vector<16xf32>
      %get3A_4334 = arith.constant 48 : i32
      %get3A_4335 = arith.index_cast %get3A_4334 : i32 to index
      %get3A_4336 = arith.constant 32 : index
      %get3A_4337 = tpu.vector_load %arg20[%get3A_4335, %get3A_4336] {strides = array<i32>} : memref<50x64xf32, #tpu.memory_space<vmem>>, vector<1x16xf32>,
      %get3A_4338 = vector.shape_cast %get3A_4337 : vector<1x16xf32> to vector<16xf32>
      %mul3A_4339 = arith.mulf %get3A_4338, %gather3A_4319 : vector<16xf32>
      %add3A_4340 = arith.addf %add3A_4299, %mul3A_4339 : vector<16xf32>
      %get3A_4341 = arith.constant 48 : i32
      %get3A_4342 = arith.index_cast %get3A_4341 : i32 to index
      %get3A_4343 = arith.constant 48 : index
      %get3A_4344 = tpu.vector_load %arg20[%get3A_4342, %get3A_4343] {strides = array<i32>} : memref<50x64xf32, #tpu.memory_space<vmem>>, vector<1x16xf32>,
      %get3A_4345 = vector.shape_cast %get3A_4344 : vector<1x16xf32> to vector<16xf32>
      %mul3A_4346 = arith.mulf %get3A_4345, %gather3A_4319 : vector<16xf32>
      %add3A_4347 = arith.addf %add3A_4306, %mul3A_4346 : vector<16xf32>
      %add3A_4348 = arith.addf %add3A_4307, %gather3A_4319 : vector<16xf32>
      %broadcast_in_dim3A_4349 = arith.constant 15 : i32
      %broadcast_in_dim3A_4350 = vector.broadcast %broadcast_in_dim3A_4349 : i32 to vector<16xi32>
      %lt3A_4351 = arith.constant 0 : i32
      %lt3A_4352 = vector.broadcast %lt3A_4351 : i32 to vector<16xi32>
      %lt3A_4353 = arith.cmpi slt, %broadcast_in_dim3A_4350, %lt3A_4352 : vector<16xi32>
      %add3A_4354 = arith.constant 16 : i32
      %add3A_4355 = vector.broadcast %add3A_4354 : i32 to vector<16xi32>
      %add3A_4356 = arith.addi %broadcast_in_dim3A_4350, %add3A_4355 : vector<16xi32>
      %select_n3A_4357 = arith.select %lt3A_4353, %add3A_4356, %broadcast_in_dim3A_4350 : vector<16xi1>, vector<16xi32>
      %broadcast_in_dim3A_4358 = vector.shape_cast %select_n3A_4357 : vector<16xi32> to vector<16x1xi32>
      %gather3A_4359 = vector.shape_cast %broadcast_in_dim3A_4358 : vector<16x1xi32> to vector<16xi32>
      %gather3A_4360 = tpu.dynamic_gather %get3A_2339[%gather3A_4359] in [0] : vector<16xf32>, vector<16xi32> -> vector<16xf32>
      %get3A_4361 = arith.constant 49 : i32
      %get3A_4362 = arith.index_cast %get3A_4361 : i32 to index
      %get3A_4363 = arith.constant 0 : index
      %get3A_4364 = tpu.vector_load %arg20[%get3A_4362, %get3A_4363] {strides = array<i32>} : memref<50x64xf32, #tpu.memory_space<vmem>>, vector<1x16xf32>,
      %get3A_4365 = vector.shape_cast %get3A_4364 : vector<1x16xf32> to vector<16xf32>
      %mul3A_4366 = arith.mulf %get3A_4365, %gather3A_4360 : vector<16xf32>
      %add3A_4367 = arith.addf %add3A_4326, %mul3A_4366 : vector<16xf32>
      %get3A_4368 = arith.constant 49 : i32
      %get3A_4369 = arith.index_cast %get3A_4368 : i32 to index
      %get3A_4370 = arith.constant 16 : index
      %get3A_4371 = tpu.vector_load %arg20[%get3A_4369, %get3A_4370] {strides = array<i32>} : memref<50x64xf32, #tpu.memory_space<vmem>>, vector<1x16xf32>,
      %get3A_4372 = vector.shape_cast %get3A_4371 : vector<1x16xf32> to vector<16xf32>
      %mul3A_4373 = arith.mulf %get3A_4372, %gather3A_4360 : vector<16xf32>
      %add3A_4374 = arith.addf %add3A_4333, %mul3A_4373 : vector<16xf32>
      %get3A_4375 = arith.constant 49 : i32
      %get3A_4376 = arith.index_cast %get3A_4375 : i32 to index
      %get3A_4377 = arith.constant 32 : index
      %get3A_4378 = tpu.vector_load %arg20[%get3A_4376, %get3A_4377] {strides = array<i32>} : memref<50x64xf32, #tpu.memory_space<vmem>>, vector<1x16xf32>,
      %get3A_4379 = vector.shape_cast %get3A_4378 : vector<1x16xf32> to vector<16xf32>
      %mul3A_4380 = arith.mulf %get3A_4379, %gather3A_4360 : vector<16xf32>
      %add3A_4381 = arith.addf %add3A_4340, %mul3A_4380 : vector<16xf32>
      %get3A_4382 = arith.constant 49 : i32
      %get3A_4383 = arith.index_cast %get3A_4382 : i32 to index
      %get3A_4384 = arith.constant 48 : index
      %get3A_4385 = tpu.vector_load %arg20[%get3A_4383, %get3A_4384] {strides = array<i32>} : memref<50x64xf32, #tpu.memory_space<vmem>>, vector<1x16xf32>,
      %get3A_4386 = vector.shape_cast %get3A_4385 : vector<1x16xf32> to vector<16xf32>
      %mul3A_4387 = arith.mulf %get3A_4386, %gather3A_4360 : vector<16xf32>
      %add3A_4388 = arith.addf %add3A_4347, %mul3A_4387 : vector<16xf32>
      %add3A_4389 = arith.addf %add3A_4348, %gather3A_4360 : vector<16xf32>
      %max3A_4390 = arith.constant 1.000000e+00 : f32
      %max3A_4391 = vector.broadcast %max3A_4390 : f32 to vector<16xf32>
      %max3A_4392 = arith.maximumf %add3A_4389, %max3A_4391 : vector<16xf32>
      %div3A_4393 = arith.constant 1.000000e+00 : f32
      %div3A_4394 = vector.broadcast %div3A_4393 : f32 to vector<16xf32>
      %div3A_4395 = arith.divf %div3A_4394, %max3A_4392 : vector<16xf32>
      %get3A_4396 = arith.index_cast %add3A_2308 : i32 to index
      %get3A_4397 = arith.constant 0 : index
      %get3A_4398 = tpu.vector_load %arg16[%get3A_4396, %get3A_4397] {strides = array<i32>} : memref<128x64xf32, #tpu.memory_space<vmem>>, vector<1x16xf32>,
      %get3A_4399 = vector.shape_cast %get3A_4398 : vector<1x16xf32> to vector<16xf32>
      %mul3A_4400 = arith.mulf %add3A_4367, %div3A_4395 : vector<16xf32>
      %add3A_4401 = arith.addf %get3A_4399, %mul3A_4400 : vector<16xf32>
      %get3A_4402 = arith.index_cast %add3A_2308 : i32 to index
      %get3A_4403 = arith.constant 0 : index
      %get3A_4404 = tpu.vector_load %arg17[%get3A_4402, %get3A_4403] {strides = array<i32>} : memref<128x64xf32, #tpu.memory_space<vmem>>, vector<1x16xf32>,
      %get3A_4405 = vector.shape_cast %get3A_4404 : vector<1x16xf32> to vector<16xf32>
      %mul3A_4406 = arith.mulf %add3A_4401, %get3A_4405 : vector<16xf32>
      %add3A_4407 = arith.addf %broadcast_in_dim3A_2323, %mul3A_4406 : vector<16xf32>
      %get3A_4408 = arith.index_cast %add3A_2308 : i32 to index
      %get3A_4409 = arith.constant 0 : index
      %get3A_4410 = tpu.vector_load %arg18[%get3A_4408, %get3A_4409] {strides = array<i32>} : memref<128x64xf32, #tpu.memory_space<vmem>>, vector<1x16xf32>,
      %get3A_4411 = vector.shape_cast %get3A_4410 : vector<1x16xf32> to vector<16xf32>
      %mul3A_4412 = arith.mulf %add3A_4401, %get3A_4411 : vector<16xf32>
      %add3A_4413 = arith.addf %broadcast_in_dim3A_2323, %mul3A_4412 : vector<16xf32>
      %get3A_4414 = arith.index_cast %add3A_2308 : i32 to index
      %get3A_4415 = arith.constant 16 : index
      %get3A_4416 = tpu.vector_load %arg16[%get3A_4414, %get3A_4415] {strides = array<i32>} : memref<128x64xf32, #tpu.memory_space<vmem>>, vector<1x16xf32>,
      %get3A_4417 = vector.shape_cast %get3A_4416 : vector<1x16xf32> to vector<16xf32>
      %mul3A_4418 = arith.mulf %add3A_4374, %div3A_4395 : vector<16xf32>
      %add3A_4419 = arith.addf %get3A_4417, %mul3A_4418 : vector<16xf32>
      %get3A_4420 = arith.index_cast %add3A_2308 : i32 to index
      %get3A_4421 = arith.constant 16 : index
      %get3A_4422 = tpu.vector_load %arg17[%get3A_4420, %get3A_4421] {strides = array<i32>} : memref<128x64xf32, #tpu.memory_space<vmem>>, vector<1x16xf32>,
      %get3A_4423 = vector.shape_cast %get3A_4422 : vector<1x16xf32> to vector<16xf32>
      %mul3A_4424 = arith.mulf %add3A_4419, %get3A_4423 : vector<16xf32>
      %add3A_4425 = arith.addf %add3A_4407, %mul3A_4424 : vector<16xf32>
      %get3A_4426 = arith.index_cast %add3A_2308 : i32 to index
      %get3A_4427 = arith.constant 16 : index
      %get3A_4428 = tpu.vector_load %arg18[%get3A_4426, %get3A_4427] {strides = array<i32>} : memref<128x64xf32, #tpu.memory_space<vmem>>, vector<1x16xf32>,
      %get3A_4429 = vector.shape_cast %get3A_4428 : vector<1x16xf32> to vector<16xf32>
      %mul3A_4430 = arith.mulf %add3A_4419, %get3A_4429 : vector<16xf32>
      %add3A_4431 = arith.addf %add3A_4413, %mul3A_4430 : vector<16xf32>
      %get3A_4432 = arith.index_cast %add3A_2308 : i32 to index
      %get3A_4433 = arith.constant 32 : index
      %get3A_4434 = tpu.vector_load %arg16[%get3A_4432, %get3A_4433] {strides = array<i32>} : memref<128x64xf32, #tpu.memory_space<vmem>>, vector<1x16xf32>,
      %get3A_4435 = vector.shape_cast %get3A_4434 : vector<1x16xf32> to vector<16xf32>
      %mul3A_4436 = arith.mulf %add3A_4381, %div3A_4395 : vector<16xf32>
      %add3A_4437 = arith.addf %get3A_4435, %mul3A_4436 : vector<16xf32>
      %get3A_4438 = arith.index_cast %add3A_2308 : i32 to index
      %get3A_4439 = arith.constant 32 : index
      %get3A_4440 = tpu.vector_load %arg17[%get3A_4438, %get3A_4439] {strides = array<i32>} : memref<128x64xf32, #tpu.memory_space<vmem>>, vector<1x16xf32>,
      %get3A_4441 = vector.shape_cast %get3A_4440 : vector<1x16xf32> to vector<16xf32>
      %mul3A_4442 = arith.mulf %add3A_4437, %get3A_4441 : vector<16xf32>
      %add3A_4443 = arith.addf %add3A_4425, %mul3A_4442 : vector<16xf32>
      %get3A_4444 = arith.index_cast %add3A_2308 : i32 to index
      %get3A_4445 = arith.constant 32 : index
      %get3A_4446 = tpu.vector_load %arg18[%get3A_4444, %get3A_4445] {strides = array<i32>} : memref<128x64xf32, #tpu.memory_space<vmem>>, vector<1x16xf32>,
      %get3A_4447 = vector.shape_cast %get3A_4446 : vector<1x16xf32> to vector<16xf32>
      %mul3A_4448 = arith.mulf %add3A_4437, %get3A_4447 : vector<16xf32>
      %add3A_4449 = arith.addf %add3A_4431, %mul3A_4448 : vector<16xf32>
      %get3A_4450 = arith.index_cast %add3A_2308 : i32 to index
      %get3A_4451 = arith.constant 48 : index
      %get3A_4452 = tpu.vector_load %arg16[%get3A_4450, %get3A_4451] {strides = array<i32>} : memref<128x64xf32, #tpu.memory_space<vmem>>, vector<1x16xf32>,
      %get3A_4453 = vector.shape_cast %get3A_4452 : vector<1x16xf32> to vector<16xf32>
      %mul3A_4454 = arith.mulf %add3A_4388, %div3A_4395 : vector<16xf32>
      %add3A_4455 = arith.addf %get3A_4453, %mul3A_4454 : vector<16xf32>
      %get3A_4456 = arith.index_cast %add3A_2308 : i32 to index
      %get3A_4457 = arith.constant 48 : index
      %get3A_4458 = tpu.vector_load %arg17[%get3A_4456, %get3A_4457] {strides = array<i32>} : memref<128x64xf32, #tpu.memory_space<vmem>>, vector<1x16xf32>,
      %get3A_4459 = vector.shape_cast %get3A_4458 : vector<1x16xf32> to vector<16xf32>
      %mul3A_4460 = arith.mulf %add3A_4455, %get3A_4459 : vector<16xf32>
      %add3A_4461 = arith.addf %add3A_4443, %mul3A_4460 : vector<16xf32>
      %get3A_4462 = arith.index_cast %add3A_2308 : i32 to index
      %get3A_4463 = arith.constant 48 : index
      %get3A_4464 = tpu.vector_load %arg18[%get3A_4462, %get3A_4463] {strides = array<i32>} : memref<128x64xf32, #tpu.memory_space<vmem>>, vector<1x16xf32>,
      %get3A_4465 = vector.shape_cast %get3A_4464 : vector<1x16xf32> to vector<16xf32>
      %mul3A_4466 = arith.mulf %add3A_4455, %get3A_4465 : vector<16xf32>
      %add3A_4467 = arith.addf %add3A_4449, %mul3A_4466 : vector<16xf32>
      %xor3A_4468 = arith.constant 8 : i32
      %xor3A_4469 = vector.broadcast %xor3A_4468 : i32 to vector<16xi32>
      %xor3A_4470 = arith.xori %iota3A, %xor3A_4469 : vector<16xi32>
      %lt3A_4471 = arith.constant 0 : i32
      %lt3A_4472 = vector.broadcast %lt3A_4471 : i32 to vector<16xi32>
      %lt3A_4473 = arith.cmpi slt, %xor3A_4470, %lt3A_4472 : vector<16xi32>
      %add3A_4474 = arith.constant 16 : i32
      %add3A_4475 = vector.broadcast %add3A_4474 : i32 to vector<16xi32>
      %add3A_4476 = arith.addi %xor3A_4470, %add3A_4475 : vector<16xi32>
      %select_n3A_4477 = arith.select %lt3A_4473, %add3A_4476, %xor3A_4470 : vector<16xi1>, vector<16xi32>
      %broadcast_in_dim3A_4478 = vector.shape_cast %select_n3A_4477 : vector<16xi32> to vector<16x1xi32>
      %gather3A_4479 = vector.shape_cast %broadcast_in_dim3A_4478 : vector<16x1xi32> to vector<16xi32>
      %gather3A_4480 = tpu.dynamic_gather %add3A_4461[%gather3A_4479] in [0] : vector<16xf32>, vector<16xi32> -> vector<16xf32>
      %add3A_4481 = arith.addf %add3A_4461, %gather3A_4480 : vector<16xf32>
      %xor3A_4482 = arith.constant 4 : i32
      %xor3A_4483 = vector.broadcast %xor3A_4482 : i32 to vector<16xi32>
      %xor3A_4484 = arith.xori %iota3A, %xor3A_4483 : vector<16xi32>
      %lt3A_4485 = arith.constant 0 : i32
      %lt3A_4486 = vector.broadcast %lt3A_4485 : i32 to vector<16xi32>
      %lt3A_4487 = arith.cmpi slt, %xor3A_4484, %lt3A_4486 : vector<16xi32>
      %add3A_4488 = arith.constant 16 : i32
      %add3A_4489 = vector.broadcast %add3A_4488 : i32 to vector<16xi32>
      %add3A_4490 = arith.addi %xor3A_4484, %add3A_4489 : vector<16xi32>
      %select_n3A_4491 = arith.select %lt3A_4487, %add3A_4490, %xor3A_4484 : vector<16xi1>, vector<16xi32>
      %broadcast_in_dim3A_4492 = vector.shape_cast %select_n3A_4491 : vector<16xi32> to vector<16x1xi32>
      %gather3A_4493 = vector.shape_cast %broadcast_in_dim3A_4492 : vector<16x1xi32> to vector<16xi32>
      %gather3A_4494 = tpu.dynamic_gather %add3A_4481[%gather3A_4493] in [0] : vector<16xf32>, vector<16xi32> -> vector<16xf32>
      %add3A_4495 = arith.addf %add3A_4481, %gather3A_4494 : vector<16xf32>
      %xor3A_4496 = arith.constant 2 : i32
      %xor3A_4497 = vector.broadcast %xor3A_4496 : i32 to vector<16xi32>
      %xor3A_4498 = arith.xori %iota3A, %xor3A_4497 : vector<16xi32>
      %lt3A_4499 = arith.constant 0 : i32
      %lt3A_4500 = vector.broadcast %lt3A_4499 : i32 to vector<16xi32>
      %lt3A_4501 = arith.cmpi slt, %xor3A_4498, %lt3A_4500 : vector<16xi32>
      %add3A_4502 = arith.constant 16 : i32
      %add3A_4503 = vector.broadcast %add3A_4502 : i32 to vector<16xi32>
      %add3A_4504 = arith.addi %xor3A_4498, %add3A_4503 : vector<16xi32>
      %select_n3A_4505 = arith.select %lt3A_4501, %add3A_4504, %xor3A_4498 : vector<16xi1>, vector<16xi32>
      %broadcast_in_dim3A_4506 = vector.shape_cast %select_n3A_4505 : vector<16xi32> to vector<16x1xi32>
      %gather3A_4507 = vector.shape_cast %broadcast_in_dim3A_4506 : vector<16x1xi32> to vector<16xi32>
      %gather3A_4508 = tpu.dynamic_gather %add3A_4495[%gather3A_4507] in [0] : vector<16xf32>, vector<16xi32> -> vector<16xf32>
      %add3A_4509 = arith.addf %add3A_4495, %gather3A_4508 : vector<16xf32>
      %xor3A_4510 = arith.constant 1 : i32
      %xor3A_4511 = vector.broadcast %xor3A_4510 : i32 to vector<16xi32>
      %xor3A_4512 = arith.xori %iota3A, %xor3A_4511 : vector<16xi32>
      %lt3A_4513 = arith.constant 0 : i32
      %lt3A_4514 = vector.broadcast %lt3A_4513 : i32 to vector<16xi32>
      %lt3A_4515 = arith.cmpi slt, %xor3A_4512, %lt3A_4514 : vector<16xi32>
      %add3A_4516 = arith.constant 16 : i32
      %add3A_4517 = vector.broadcast %add3A_4516 : i32 to vector<16xi32>
      %add3A_4518 = arith.addi %xor3A_4512, %add3A_4517 : vector<16xi32>
      %select_n3A_4519 = arith.select %lt3A_4515, %add3A_4518, %xor3A_4512 : vector<16xi1>, vector<16xi32>
      %broadcast_in_dim3A_4520 = vector.shape_cast %select_n3A_4519 : vector<16xi32> to vector<16x1xi32>
      %gather3A_4521 = vector.shape_cast %broadcast_in_dim3A_4520 : vector<16x1xi32> to vector<16xi32>
      %gather3A_4522 = tpu.dynamic_gather %add3A_4509[%gather3A_4521] in [0] : vector<16xf32>, vector<16xi32> -> vector<16xf32>
      %add3A_4523 = arith.addf %add3A_4509, %gather3A_4522 : vector<16xf32>
      %xor3A_4524 = arith.constant 8 : i32
      %xor3A_4525 = vector.broadcast %xor3A_4524 : i32 to vector<16xi32>
      %xor3A_4526 = arith.xori %iota3A, %xor3A_4525 : vector<16xi32>
      %lt3A_4527 = arith.constant 0 : i32
      %lt3A_4528 = vector.broadcast %lt3A_4527 : i32 to vector<16xi32>
      %lt3A_4529 = arith.cmpi slt, %xor3A_4526, %lt3A_4528 : vector<16xi32>
      %add3A_4530 = arith.constant 16 : i32
      %add3A_4531 = vector.broadcast %add3A_4530 : i32 to vector<16xi32>
      %add3A_4532 = arith.addi %xor3A_4526, %add3A_4531 : vector<16xi32>
      %select_n3A_4533 = arith.select %lt3A_4529, %add3A_4532, %xor3A_4526 : vector<16xi1>, vector<16xi32>
      %broadcast_in_dim3A_4534 = vector.shape_cast %select_n3A_4533 : vector<16xi32> to vector<16x1xi32>
      %gather3A_4535 = vector.shape_cast %broadcast_in_dim3A_4534 : vector<16x1xi32> to vector<16xi32>
      %gather3A_4536 = tpu.dynamic_gather %add3A_4467[%gather3A_4535] in [0] : vector<16xf32>, vector<16xi32> -> vector<16xf32>
      %add3A_4537 = arith.addf %add3A_4467, %gather3A_4536 : vector<16xf32>
      %xor3A_4538 = arith.constant 4 : i32
      %xor3A_4539 = vector.broadcast %xor3A_4538 : i32 to vector<16xi32>
      %xor3A_4540 = arith.xori %iota3A, %xor3A_4539 : vector<16xi32>
      %lt3A_4541 = arith.constant 0 : i32
      %lt3A_4542 = vector.broadcast %lt3A_4541 : i32 to vector<16xi32>
      %lt3A_4543 = arith.cmpi slt, %xor3A_4540, %lt3A_4542 : vector<16xi32>
      %add3A_4544 = arith.constant 16 : i32
      %add3A_4545 = vector.broadcast %add3A_4544 : i32 to vector<16xi32>
      %add3A_4546 = arith.addi %xor3A_4540, %add3A_4545 : vector<16xi32>
      %select_n3A_4547 = arith.select %lt3A_4543, %add3A_4546, %xor3A_4540 : vector<16xi1>, vector<16xi32>
      %broadcast_in_dim3A_4548 = vector.shape_cast %select_n3A_4547 : vector<16xi32> to vector<16x1xi32>
      %gather3A_4549 = vector.shape_cast %broadcast_in_dim3A_4548 : vector<16x1xi32> to vector<16xi32>
      %gather3A_4550 = tpu.dynamic_gather %add3A_4537[%gather3A_4549] in [0] : vector<16xf32>, vector<16xi32> -> vector<16xf32>
      %add3A_4551 = arith.addf %add3A_4537, %gather3A_4550 : vector<16xf32>
      %xor3A_4552 = arith.constant 2 : i32
      %xor3A_4553 = vector.broadcast %xor3A_4552 : i32 to vector<16xi32>
      %xor3A_4554 = arith.xori %iota3A, %xor3A_4553 : vector<16xi32>
      %lt3A_4555 = arith.constant 0 : i32
      %lt3A_4556 = vector.broadcast %lt3A_4555 : i32 to vector<16xi32>
      %lt3A_4557 = arith.cmpi slt, %xor3A_4554, %lt3A_4556 : vector<16xi32>
      %add3A_4558 = arith.constant 16 : i32
      %add3A_4559 = vector.broadcast %add3A_4558 : i32 to vector<16xi32>
      %add3A_4560 = arith.addi %xor3A_4554, %add3A_4559 : vector<16xi32>
      %select_n3A_4561 = arith.select %lt3A_4557, %add3A_4560, %xor3A_4554 : vector<16xi1>, vector<16xi32>
      %broadcast_in_dim3A_4562 = vector.shape_cast %select_n3A_4561 : vector<16xi32> to vector<16x1xi32>
      %gather3A_4563 = vector.shape_cast %broadcast_in_dim3A_4562 : vector<16x1xi32> to vector<16xi32>
      %gather3A_4564 = tpu.dynamic_gather %add3A_4551[%gather3A_4563] in [0] : vector<16xf32>, vector<16xi32> -> vector<16xf32>
      %add3A_4565 = arith.addf %add3A_4551, %gather3A_4564 : vector<16xf32>
      %xor3A_4566 = arith.constant 1 : i32
      %xor3A_4567 = vector.broadcast %xor3A_4566 : i32 to vector<16xi32>
      %xor3A_4568 = arith.xori %iota3A, %xor3A_4567 : vector<16xi32>
      %lt3A_4569 = arith.constant 0 : i32
      %lt3A_4570 = vector.broadcast %lt3A_4569 : i32 to vector<16xi32>
      %lt3A_4571 = arith.cmpi slt, %xor3A_4568, %lt3A_4570 : vector<16xi32>
      %add3A_4572 = arith.constant 16 : i32
      %add3A_4573 = vector.broadcast %add3A_4572 : i32 to vector<16xi32>
      %add3A_4574 = arith.addi %xor3A_4568, %add3A_4573 : vector<16xi32>
      %select_n3A_4575 = arith.select %lt3A_4571, %add3A_4574, %xor3A_4568 : vector<16xi1>, vector<16xi32>
      %broadcast_in_dim3A_4576 = vector.shape_cast %select_n3A_4575 : vector<16xi32> to vector<16x1xi32>
      %gather3A_4577 = vector.shape_cast %broadcast_in_dim3A_4576 : vector<16x1xi32> to vector<16xi32>
      %gather3A_4578 = tpu.dynamic_gather %add3A_4565[%gather3A_4577] in [0] : vector<16xf32>, vector<16xi32> -> vector<16xf32>
      %add3A_4579 = arith.addf %add3A_4565, %gather3A_4578 : vector<16xf32>
      %rem3A_4580 = arith.constant 16 : i32
      %rem3A_4581 = arith.remsi %add3A_2308, %rem3A_4580 : i32
      %eq3A_4582 = vector.broadcast %rem3A_4581 : i32 to vector<16xi32>
      %eq3A_4583 = arith.cmpi eq, %iota3A, %eq3A_4582 : vector<16xi32>
      %select_n3A_4584 = arith.select %eq3A_4583, %add3A_4523, %select_n3A_2303 : vector<16xi1>, vector<16xf32>
      %select_n3A_4585 = arith.select %eq3A_4583, %add3A_4579, %select_n3A_2304 : vector<16xi1>, vector<16xf32>
      %rem3A_4586 = arith.constant 8 : i32
      %rem3A_4587 = arith.remsi %scan3A_32, %rem3A_4586 : i32
      %eq3A_4588 = arith.constant 7 : i32
      %eq3A_4589 = arith.cmpi eq, %rem3A_4587, %eq3A_4588 : i32
      %convert_element_type3A_4590 = arith.extui %eq3A_4589 : i1 to i32
      %cond3A_4591 = arith.constant 0 : i32
      %cond3A_4592 = arith.cmpi ne, %convert_element_type3A_4590, %cond3A_4591 : i32
      scf.if %cond3A_4592 {
        %mul3A_4593 = arith.constant 2 : i32
        %mul3A_4594 = arith.muli %mul3A_4593, %scan3A_32 : i32
        %add3A_4595 = arith.constant 1 : i32
        %add3A_4596 = arith.addi %mul3A_4594, %add3A_4595 : i32
        %sub3A = arith.constant 15 : i32
        %sub3A_4597 = arith.subi %add3A_4596, %sub3A : i32
        %swap3A = arith.index_cast %sub3A_4597 : i32 to index
        %swap3A_4598 = tpu.vector_load %arg21[%swap3A] {strides = array<i32>} : memref<128xf32, #tpu.memory_space<vmem>>, vector<16xf32>,
        %swap3A_4599 = vector.shape_cast %swap3A_4598 : vector<16xf32> to vector<16xf32>
        %swap3A_4600 = vector.shape_cast %select_n3A_4584 : vector<16xf32> to vector<16xf32>
        tpu.vector_store %arg21[%swap3A], %swap3A_4600 {strides = array<i32>} : memref<128xf32, #tpu.memory_space<vmem>>, vector<16xf32>,
        %swap3A_4601 = arith.index_cast %sub3A_4597 : i32 to index
        %swap3A_4602 = tpu.vector_load %arg22[%swap3A_4601] {strides = array<i32>} : memref<128xf32, #tpu.memory_space<vmem>>, vector<16xf32>,
        %swap3A_4603 = vector.shape_cast %swap3A_4602 : vector<16xf32> to vector<16xf32>
        %swap3A_4604 = vector.shape_cast %select_n3A_4585 : vector<16xf32> to vector<16xf32>
        tpu.vector_store %arg22[%swap3A_4601], %swap3A_4604 {strides = array<i32>} : memref<128xf32, #tpu.memory_space<vmem>>, vector<16xf32>,
      } else {
      }
      scf.yield %select_n3A_4584, %select_n3A_4585 : vector<16xf32>, vector<16xf32>
    }
    %scan3A_31 = arith.constant 64 : i32
    "tpu.region"() ({
      %run_scoped3A = tpu.sem_alloc : memref<!tpu.dma_semaphore, #tpu.memory_space<semaphore_mem>>
      %dma_start3A_32 = tpu.memref_slice %arg9[%mul3A_2] : memref<4096xf32, #tpu.memory_space<hbm>> -> memref<128xf32, #tpu.memory_space<hbm>>
      %dma_start3A_33 = tpu.memref_slice %arg9[%mul3A_2] : memref<4096xf32, #tpu.memory_space<hbm>> -> memref<128xf32, #tpu.memory_space<hbm>>
      tpu.enqueue_dma source(%arg21 : memref<128xf32, #tpu.memory_space<vmem>>) target(%dma_start3A_33 : memref<128xf32, #tpu.memory_space<hbm>>) target_semaphore(%run_scoped3A : memref<!tpu.dma_semaphore, #tpu.memory_space<semaphore_mem>>)
      %dma_wait3A_34 = tpu.memref_slice %arg9[%mul3A_2] : memref<4096xf32, #tpu.memory_space<hbm>> -> memref<128xf32, #tpu.memory_space<hbm>>
      %dma_wait3A_35 = tpu.memref_slice %arg9[%mul3A_2] : memref<4096xf32, #tpu.memory_space<hbm>> -> memref<128xf32, #tpu.memory_space<hbm>>
      tpu.wait_dma2 semaphore(%run_scoped3A : memref<!tpu.dma_semaphore, #tpu.memory_space<semaphore_mem>>) src(%arg21 : memref<128xf32, #tpu.memory_space<vmem>>) dst(%dma_wait3A_35 : memref<128xf32, #tpu.memory_space<hbm>>)
      tpu.yield
    }) : () -> ()
    "tpu.region"() ({
      %run_scoped3A = tpu.sem_alloc : memref<!tpu.dma_semaphore, #tpu.memory_space<semaphore_mem>>
      %dma_start3A_32 = tpu.memref_slice %arg10[%mul3A_2] : memref<4096xf32, #tpu.memory_space<hbm>> -> memref<128xf32, #tpu.memory_space<hbm>>
      %dma_start3A_33 = tpu.memref_slice %arg10[%mul3A_2] : memref<4096xf32, #tpu.memory_space<hbm>> -> memref<128xf32, #tpu.memory_space<hbm>>
      tpu.enqueue_dma source(%arg22 : memref<128xf32, #tpu.memory_space<vmem>>) target(%dma_start3A_33 : memref<128xf32, #tpu.memory_space<hbm>>) target_semaphore(%run_scoped3A : memref<!tpu.dma_semaphore, #tpu.memory_space<semaphore_mem>>)
      %dma_wait3A_34 = tpu.memref_slice %arg10[%mul3A_2] : memref<4096xf32, #tpu.memory_space<hbm>> -> memref<128xf32, #tpu.memory_space<hbm>>
      %dma_wait3A_35 = tpu.memref_slice %arg10[%mul3A_2] : memref<4096xf32, #tpu.memory_space<hbm>> -> memref<128xf32, #tpu.memory_space<hbm>>
      tpu.wait_dma2 semaphore(%run_scoped3A : memref<!tpu.dma_semaphore, #tpu.memory_space<semaphore_mem>>) src(%arg22 : memref<128xf32, #tpu.memory_space<vmem>>) dst(%dma_wait3A_35 : memref<128xf32, #tpu.memory_space<hbm>>)
      tpu.yield
    }) : () -> ()
    return
  }
}

</mosaic_0001>

<sc_bundles>
// kernel: kernel.3.cloned.1.call-start
scs
__scs_entry_jumppad:
0x0: {  	(pc) =	sbr.rel $0x88, $3  }
0x1: {  	(tag) =	ssettag $0x0;
	lr =	simm.s32 $0x1  }
0x2: {  	[smem:$0x3F9A] =	sst lr;
	_ =	strace $0xD0000000  }
0x3: {  	_ = 	snop  }
0x4: {  	_ = 	snop  }
0x5: {  	_ = 	snop  }
0x6: {  	_ = 	snop  }
0x7: {  	_ = 	snop  }
__scs_overlays_trampoline_lowered:
0x8: {  	[smem:$0x3FA9] =	sst s0  }
0x9: {  	[smem:$0x3FAA] =	sst s1  }
0xa: {  	[smem:$0x3FAB] =	sst s2  }
0xb: {  	[smem:$0x3FAC] =	sst s3  }
0xc: {  	[smem:$0x3FAD] =	sst s4  }
0xd: {  	[smem:$0x3FAE] =	sst s5  }
0xe: {  	[smem:$0x3FAF] =	sst s6  }
0xf: {  	[smem:$0x3FB0] =	sst s7  }
0x10: {  	[smem:$0x3FB1] =	sst s8  }
0x11: {  	[smem:$0x3FB2] =	sst s9;
	s0 =	simm.s32 @!p0 $0x0  }
0x12: {  	s1 =	sld [smem:$0x3F98];
	s0 =	simm.s32 @p0 $0x1  }
0x13: {  	[smem:$0x3FB3] =	sst s0;
	s0 =	simm.s32 @!p1 $0x0  }
0x14: {  	s2 =	sld [smem:$0x3F97];
	s0 =	simm.s32 @p1 $0x1  }
0x15: {  	[smem:$0x3FB4] =	sst s0;
	s0 =	simm.s32 @!p2 $0x0  }
0x16: {  	s3 =	sld [smem:$0x3FDB];
	s0 =	simm.s32 @p2 $0x1  }
0x17: {  	s4 =	simm.s32 $0x1BF5;
	[smem:$0x3FB6] =	sst s0  }
0x18: {  	s0 =	sld [smem:$0x3F99];
	_ =	swait.ge [sflag:s4], $0x0  }
0x19: {  	s7 =	sld [smem:$0x3F9A]  }
0x1a: {  	s8 =	sadd.s32 $0xFFFFE003, lr  }
0x1b: {  	s9 =	sadd.s32 $0xFFFFFEF7, lr;
	s5 =	simm.s32 $0xFFFFFFFF;
	p2 =	slt.u32 s8, $0xFFFFF086  }
0x1c: {  	p1 =	slt.u32 s9, $0xF7A;
	s5 =	simm.s32 @!p2 $0x0  }
0x1d: {  	s5 =	simm.s32 @p1 $0x1;
	p0 =	seq.s32 s7, s2  }
0x1e: {  	s7 =	smul.u32 @!p0 $0xF7A, s2;
	p2 =	seq.s32 @!p0 s5, $0x0  }
0x1f: {  	s9 =	smul.u32 $0xF7A, s1;
	s8 =	simm.s32 @!p0 $0x1BF5;
	p2 =	por !p2, p0  }
0x20: {  	[sflag:s8] =	ssyncset.s32 @!p0 $0xFFFFF086;
	s6 =	sadd.s32 @!p0 s3, s7;
	s7 =	simm.s32 @!p0 $0x108  }
0x21: {  	s3 =	sadd.s32 s3, s9;
	s6 =	sadd.s32 @!p0 $0x88, s6;
	s7 =	simm.s32 @p2 $0x1082  }
0x22: {  	[simem:s7], [sflag:s8] =	dma.local @!p0 [hbm:s6], $0xF7A  }
0x23: {  	s9 =	sor.u32 $0xD0000000, s2;
	s6 =	simm.s32 $0x108;
	_ =	swait.ge @!p0 [sflag:s8], $0x0  }
0x24: {  	s3 =	sadd.s32 $0x88, s3;
	s6 =	simm.s32 @!p1 $0x1082;
	[sflag:s4] =	ssyncset.s32 $0xFFFFF086  }
0x25: {  	[simem:s6], [sflag:s4] =	dma.local [hbm:s3], $0xF7A  }
0x26: {  	[smem:$0x3F9A] =	sst s1;
	(tag) =	ssettag s2;
	_ =	strace s9  }
0x27: {  	s1 =	sld [smem:$0x3FAA]  }
0x28: {  	s2 =	sld [smem:$0x3FAB]  }
0x29: {  	s4 =	sld [smem:$0x3FAD]  }
0x2a: {  	p0 =	seq.s32 s5, $0x0;
	s5 =	sld [smem:$0x3FAE]  }
0x2b: {  	s6 =	sld [smem:$0x3FAF]  }
0x2c: {  	s7 =	sld [smem:$0x3FB0]  }
0x2d: {  	s3 =	simm.s32 $0x108;
	s8 =	sld [smem:$0x3FB1]  }
0x2e: {  	s3 =	simm.s32 @!p0 $0x1082;
	s9 =	sld [smem:$0x3FB2]  }
0x2f: {  	lr =	sadd.s32 s0, s3;
	s0 =	sld [smem:$0x3FA9]  }
0x30: {  	s3 =	sld [smem:$0x3FAC]  }
0x31: {  	[smem:$0x3FB5] =	sst s10  }
0x32: {  	s10 =	sld [smem:$0x3FB3];
	_ =	sdelay $0x3  }
0x33: {  	p0 =	seq.s32 s10, $0x1;
	s10 =	sld [smem:$0x3FB5];
	_ =	sdelay $0x3  }
0x34: {  	[smem:$0x3FB5] =	sst s10  }
0x35: {  	s10 =	sld [smem:$0x3FB4];
	_ =	sdelay $0x3  }
0x36: {  	p1 =	seq.s32 s10, $0x1;
	s10 =	sld [smem:$0x3FB5];
	_ =	sdelay $0x3  }
0x37: {  	[smem:$0x3FB5] =	sst s10  }
0x38: {  	s10 =	sld [smem:$0x3FB6]  }
0x39: {  	_ = 	snop;
	(pc) =	sbr.ind lr, $3  }
0x3a: {  	_ = 	snop  }
0x3b: {  	_ = 	snop  }
0x3c: {  	p2 =	seq.s32 s10, $0x1;
	s10 =	sld [smem:$0x3FB5]  }
0x3d: {  	_ =	shalt  }
0x3e: {  	_ =	shalt  }
0x3f: {  	_ =	shalt  }
0x40: {  	_ =	shalt  }
0x41: {  	_ =	shalt  }
0x42: {  	_ =	shalt  }
0x43: {  	_ =	shalt  }
0x44: {  	_ =	shalt  }
0x45: {  	_ =	shalt  }
0x46: {  	_ =	shalt  }
0x47: {  	_ =	shalt  }
0x48: {  	_ =	shalt  }
0x49: {  	_ =	shalt  }
0x4a: {  	_ =	shalt  }
0x4b: {  	_ =	shalt  }
0x4c: {  	_ =	shalt  }
0x4d: {  	_ =	shalt  }
0x4e: {  	_ =	shalt  }
0x4f: {  	_ =	shalt  }
0x50: {  	_ =	shalt  }
0x51: {  	_ =	shalt  }
0x52: {  	_ =	shalt  }
0x53: {  	_ =	shalt  }
0x54: {  	_ =	shalt  }
0x55: {  	_ =	shalt  }
0x56: {  	_ =	shalt  }
0x57: {  	_ =	shalt  }
0x58: {  	_ =	shalt  }
0x59: {  	_ =	shalt  }
0x5a: {  	_ =	shalt  }
0x5b: {  	_ =	shalt  }
0x5c: {  	_ =	shalt  }
0x5d: {  	_ =	shalt  }
0x5e: {  	_ =	shalt  }
0x5f: {  	_ =	shalt  }
0x60: {  	_ =	shalt  }
0x61: {  	_ =	shalt  }
0x62: {  	_ =	shalt  }
0x63: {  	_ =	shalt  }
0x64: {  	_ =	shalt  }
0x65: {  	_ =	shalt  }
0x66: {  	_ =	shalt  }
0x67: {  	_ =	shalt  }
0x68: {  	_ =	shalt  }
0x69: {  	_ =	shalt  }
0x6a: {  	_ =	shalt  }
0x6b: {  	_ =	shalt  }
0x6c: {  	_ =	shalt  }
0x6d: {  	_ =	shalt  }
0x6e: {  	_ =	shalt  }
0x6f: {  	_ =	shalt  }
0x70: {  	_ =	shalt  }
0x71: {  	_ =	shalt  }
0x72: {  	_ =	shalt  }
0x73: {  	_ =	shalt  }
0x74: {  	_ =	shalt  }
0x75: {  	_ =	shalt  }
0x76: {  	_ =	shalt  }
0x77: {  	_ =	shalt  }
0x78: {  	_ =	shalt  }
0x79: {  	_ =	shalt  }
0x7a: {  	_ =	shalt  }
0x7b: {  	_ =	shalt  }
0x7c: {  	_ =	shalt  }
0x7d: {  	_ =	shalt  }
0x7e: {  	_ =	shalt  }
0x7f: {  	_ =	shalt  }
0x80: {  	_ =	shalt  }
0x81: {  	_ =	shalt  }
0x82: {  	_ =	shalt  }
0x83: {  	_ =	shalt  }
0x84: {  	_ =	shalt  }
0x85: {  	_ =	shalt  }
0x86: {  	_ =	shalt  }
0x87: {  	_ =	shalt  }
.Lfunc_end0:
.L_simem_size_0:
called_computation_lowered:
.L_overlay_start_0:
0x88: {  	s2 =	sld [smem:$0x3FD9]  }
0x89: {  	s3 =	sld [smem:$0x3FFE];
	_ =	sdelay $0x1  }
0x8a: {  	s1 =	srdreg.scid  }
0x8b: {  	s0 =	sand.u32 $0x1, s1  }
0x8c: {  	s14 =	sshll.u32 s0, $0xA;
	s2 =	sadd.s32 s3, s2  }
0x8d: {  	s2 =	sadd.s32 s2, s14  }
0x8e: {  	[smem:$0x3FC1] =	sst s2  }
0x8f: {  	_ = 	snop  }
0x90: {  	s2 =	sld [smem:$0x3FD0]  }
0x91: {  	s15 =	sld [smem:$0x3FC9]  }
0x92: {  	s4 =	sld [smem:$0x3FC6]  }
0x93: {  	s6 =	simm.s32 $0xA;
	s7 =	simm.s32 $0x10;
	s5 =	sld [smem:$0x3FC5]  }
0x94: {  	[smem:s7], [sflag:s6] =	dma.local [hbm:s2], $0x1  }
0x95: {  	_ =	swait.eq [sflag:s6], $0x1  }
0x96: {  	[sflag:s6] =	ssyncset.done $0x0  }
0x97: {  	s16 =	sld [smem:$0x10];
	[sflag:s6] =	ssyncadd.s32 $0xFFFFFFFF  }
0x98: {  	s17 =	sld [smem:$0x11];
	(tm) =	ssettm $0x1  }
0x99: {  	s18 =	sld [smem:$0x3FFB];
	_ =	sdelay $0x3  }
0x9a: {  	_ =	strace s18  }
0x9b: {  	s7 =	sld [smem:$0x3FFC];
	_ =	sdelay $0x3  }
0x9c: {  	_ =	strace s7  }
0x9d: {  	s7 =	sld [smem:$0x3FFD];
	_ =	sdelay $0x3  }
0x9e: {  	_ =	strace s7  }
0x9f: {  	_ =	strace $0x8FFFFFFF  }
0xa0: {  	s19 =	sld [smem:$0x3FDB];
	_ =	sdelay $0x1  }
0xa1: {  	s8 =	simm.s32 $_scs_section_size  }
0xa2: {  	s9 =	simm.s32 $_size__tile_overlayer_lowered;
	s10 =	simm.s32 $_tile_overlayer_lowered  }
0xa3: {  	s22 =	simm.s32 $0x1BFF;
	s21 =	sshll.u32 s10, $0x1;
	s7 =	sadd.s32 s8, s19  }
0xa4: {  	s11 =	simm.s32 $0x0;
	s20 =	sshll.u32 s9, $0x1;
	s9 =	sadd.s32 s21, s7  }
0xa5: {  	[timem:s11], [sflag:s22] =	dma.local [hbm:s9], s20  }
0xa6: {  	_ =	swait.ge [sflag:s22], s20  }
0xa7: {  	s8 =	ssub.s32 $0x0, s20;
	[sflag:s22] =	ssyncset.done $0x0  }
0xa8: {  	[sflag:s22] =	ssyncadd.s32 s8;
	_ =	sdelay $0x1  }
0xa9: {  	s23 =	simm.s32 $0x1B8B  }
0xaa: {  	_ =	swait.ge [sflag:s23], $0x1  }
0xab: {  	[sflag:s23] =	ssyncset.done $0x0  }
0xac: {  	s25 =	simm.s32 $0x1B8E;
	s24 =	sld [smem:$0x3FFE];
	[sflag:s23] =	ssyncadd.s32 $0xFFFFFFFF  }
0xad: {  	s26 =	simm.s32 $execute0_lowered;
	[smem:$0x3FD2] =	sst s25  }
0xae: {  	s9 =	sshll.u32 s26, $0x1;
	_ =	strace $0x80000046;
	[dreg:$0x1] =	wrdreg $0xFFFFFFFF  }
0xaf: {  	s28 =	simm.s32 $_size_execute0_lowered;
	s7 =	sadd.s32 s7, s9;
	[dreg:$0x0] =	wrdreg $0x0  }
0xb0: {  	s9 =	sshll.u32 s28, $0x1;
	[dreg:$0x2] =	wrdreg s7  }
0xb1: {  	[dreg:$0x3] =	wrdreg s9  }
0xb2: {  	[dreg:$0x4] =	wrdreg $0xC0  }
0xb3: {  	_ =	task [dreg:s11], $0x5FFFF  }
0xb4: {  	[dreg:$0x1] =	wrdreg $0xFFFFFFFF  }
0xb5: {  	[dreg:$0x0] =	wrdreg $0x60  }
0xb6: {  	[dreg:$0x2] =	wrdreg s15  }
0xb7: {  	[dreg:$0x3] =	wrdreg s24  }
0xb8: {  	[dreg:$0x4] =	wrdreg s4  }
0xb9: {  	[dreg:$0x5] =	wrdreg s5  }
0xba: {  	[dreg:$0x6] =	wrdreg s16  }
0xbb: {  	[dreg:$0x7] =	wrdreg s17  }
0xbc: {  	[dreg:$0x8] =	wrdreg $0x9  }
0xbd: {  	_ =	task.clear_ibuf [dreg:s11], $0x9FFFF;
	_ =	strace $0x90000046  }
0xbe: {  	s29 =	simm.s32 $0x9;
	_ =	strace $0x80000048  }
0xbf: {  	_ =	swait.ge [sflag:s29], $0x1  }
0xc0: {  	[sflag:s29] =	ssyncadd.s32 $0xFFFFFFFF  }
0xc1: {  	_ =	strace $0x90000048  }
0xc2: {  	_ =	sfence  }
0xc3: {  	s30 =	sld [smem:$0x0];
	_ =	sdelay $0x2  }
0xc4: {  	s31 =	sshll.u32 s1, $0xD;
	s1 =	sshrl.u32 s1, $0x2  }
0xc5: {  	s3 =	sand.u32 $0x4000, s31;
	s1 =	sadd.s32 s1, s30  }
0xc6: {  	s0 =	sor.u32 s3, s0;
	s1 =	sshll.u32 s1, $0x11  }
0xc7: {  	s0 =	sor.u32 s1, s0  }
0xc8: {  	s0 =	sadd.s32 $0x8F2B, s0  }
0xc9: {  	[sflag:s0] =	ssyncadd.remote.s32 $0x1  }
0xca: {  	_ =	sfence.sel $0xFFFF  }
0xcb: {  	[dreg:$0x0] =	wrdreg $0xFFFFFFFF;
	(pc) =	sbr.abs _section_cstart, $3  }
0xcc: {  	[dreg:$0x1] =	wrdreg $0xFFFFFFFF  }
0xcd: {  	_ =	task.clear_ibuf [dreg:s11], $0x2FFFF;
	_ =	strace $0x9FFFFFFF  }
0xce: {  	(tm) =	ssettm $0x7FFFFFFF  }
0xcf: {  	_ =	shalt  }
tec
execute0_lowered:
.L_overlay_start_1:
0x0: {  	(tag) =	ssettag $0x1  }
0x1: {  	s0 =	rddreg [dreg:$0x0]  }
0x2: {  	s1 =	rddreg [dreg:$0x1]  }
0x3: {  	s8 =	rddreg [dreg:$0x2]  }
0x4: {  	s9 =	rddreg [dreg:$0x3];
	v0 =	vimm.s32 $0xBA98FEDC;
	v1 =	vimm.s32 $0x76543210;
	v2 =	vimm.s32 $0xFEDCBA98  }
0x5: {  	s2 =	srdreg.scid;
	s10 =	rddreg [dreg:$0x4];
	v3 =	vimm.s32 $0x32107654;
	v4 =	vimm.s32 $0xDCFE98BA;
	v5 =	vimm.s32 $0x54761032  }
0x6: {  	s3 =	stileid.u32;
	s11 =	rddreg [dreg:$0x5];
	v6 =	vimm.s32 $0xEFCDAB89;
	v7 =	vimm.s32 $0x67452301;
	v0 =	vunpack.c.l.s4.s8 v0  }
0x7: {  	s15 =	simm.s32 $0x3800;
	s16 =	simm.s32 $0x3880;
	s17 =	simm.s32 $0x3900;
	v1 =	vunpack.c.l.s4.s8 v1;
	v2 =	vunpack.c.l.s4.s8 v2;
	v3 =	vunpack.c.l.s4.s8 v3  }
0x8: {  	s18 =	simm.s32 $0x80;
	s22 =	simm.s32 $0x32;
	s24 =	simm.s32 $0xA600;
	v4 =	vunpack.c.l.s4.s8 v4;
	v5 =	vunpack.c.l.s4.s8 v5;
	v6 =	vunpack.c.l.s4.s8 v6  }
0x9: {  	s25 =	simm.s32 $0x2;
	s26 =	simm.s32 $0x3;
	s30 =	simm.s32 $0x0;
	v7 =	vunpack.c.l.s4.s8 v7;
	v0 =	vunpack.c.0.s8.s32 v0;
	v2 =	vunpack.c.0.s8.s32 v2  }
0xa: {  	s4 =	sand.u32 $0x1, s2;
	s3 =	sshll.u32 s3, $0x8;
	s2 =	simm.s32 $0x0;
	v3 =	vunpack.c.0.s8.s32 v3;
	v4 =	vunpack.c.0.s8.s32 v4;
	v1 =	vunpack.c.0.s8.s32 v1  }
0xb: {  	s5 =	sshll.u32 s4, $0x7;
	[smem:$0x7FF] =	sst s2;
	s7 =	ssub.s32 $0x2, s4;
	v5 =	vunpack.c.0.s8.s32 v5;
	v61 =	vunpack.c.0.s8.s32 v6;
	v2 =	vand.u32 $0xF, v2  }
0xc: {  	s4 =	sadd.s32 $0xF43000, s1;
	s6 =	sor.u32 s5, s3;
	_ =	strace $0x80000047;
	v62 =	vunpack.c.0.s8.s32 v7;
	v0 =	vcombine.low v3, v0;
	v63 =	vcombine.low v2, v1  }
0xd: {  	s3 =	sadd.s32 $0x16E4200, s1;
	s5 =	smul.u32 $0x7, s6;
	s13 =	sshrl.u32 s6, $0x3;
	v4 =	vcombine.low v5, v4  }
0xe: {  	s31 =	sshrl.u32 s7, $0x1;
	s8 =	sadd.s32 s8, s13;
	s9 =	sadd.s32 s9, s13;
	v3 =	vcombine.low v62, v61;
	v8 =	vand.u32 $0xF, v0;
	[tilespmem:$0x1FFC0] =	vst v63  }
0xf: {  	s10 =	sadd.s32 s10, s13;
	s11 =	sadd.s32 s11, s13;
	s12 =	sadd.s32 s5, s1;
	v9 =	vand.u32 $0xF, v4;
	[tilespmem:$0x1FFD0] =	vst v8  }
0x10: {  	s1 =	ssub.s32 s7, s31;
	s7 =	sadd.s32 s0, s13;
	s13 =	simm.s32 $0x4;
	v10 =	vand.u32 $0xF, v3;
	[tilespmem:$0x1FFE0] =	vst v9  }
0x11: {  	s5 =	sadd.s32 $0x7C00, s12;
	s6 =	sadd.s32 $0xC00, s12;
	s12 =	smax.u32 s1, $0x1;
	[tilespmem:$0x1FFF0] =	vst v10  }
.LBB2_1:
0x12: {  	[tilespmem:s2], [sflag:$0x4] =	stream.linear.gather [hbm4b:s5+s2], $0x1C00, $0x38;
	[tilespmem:$0xB380] =	vst v63  }
0x13: {  	_ =	swait.ge [sflag:s13], $0x1C00  }
0x14: {  	[sflag:s13] =	ssyncset.done $0x0  }
0x15: {  	s0 =	simm.s32 $0x1C00;
	[sflag:s13] =	ssyncadd.s32 $0xFFFFE400  }
0x16: {  	[tilespmem:s0], [sflag:$0x4] =	stream.linear.gather [hbm4b:s6+s2], $0x1C00, $0x38;
	[tilespmem:$0xB380] =	vst v63  }
0x17: {  	_ =	swait.ge [sflag:s13], $0x1C00  }
0x18: {  	[sflag:s13] =	ssyncset.done $0x0  }
0x19: {  	[sflag:s13] =	ssyncadd.s32 $0xFFFFE400  }
0x1a: {  	[tilespmem:s15], [sflag:$0x4] =	stream.linear.gather [hbm4b:s7+s2], $0x80, $0x38;
	[tilespmem:$0xB380] =	vst v63  }
0x1b: {  	_ =	swait.ge [sflag:s13], $0x80  }
0x1c: {  	[sflag:s13] =	ssyncset.done $0x0  }
0x1d: {  	[sflag:s13] =	ssyncadd.s32 $0xFFFFFF80  }
0x1e: {  	[tilespmem:s16], [sflag:$0x4] =	stream.linear.gather [hbm4b:s8+s2], $0x80, $0x38;
	[tilespmem:$0xB380] =	vst v63  }
0x1f: {  	_ =	swait.ge [sflag:s13], $0x80  }
0x20: {  	[sflag:s13] =	ssyncset.done $0x0  }
0x21: {  	[sflag:s13] =	ssyncadd.s32 $0xFFFFFF80  }
0x22: {  	[tilespmem:s17], [sflag:$0x4] =	stream.linear.gather [hbm4b:s9+s2], $0x80, $0x38;
	[tilespmem:$0xB380] =	vst v63  }
0x23: {  	_ =	swait.ge [sflag:s13], $0x80  }
0x24: {  	[sflag:s13] =	ssyncset.done $0x0  }
0x25: {  	s21 =	simm.s32 $0x3980;
	[sflag:s13] =	ssyncadd.s32 $0xFFFFFF80  }
0x26: {  	[tilespmem:s21], [sflag:$0x1] =	stream.indirect.gather [hbm4b:s3+s18], $0x40, s15, s18, $0xb8;
	[tilespmem:$0xB380] =	vst v63  }
0x27: {  	s23 =	simm.s32 $0x5980  }
0x28: {  	[tilespmem:s23], [sflag:$0x1] =	stream.indirect.gather [hbm4b:s4+s18], $0x40, s16, s18, $0xb8;
	[tilespmem:$0xB380] =	vst v63  }
0x29: {  	s28 =	simm.s32 $0x7980  }
0x2a: {  	[tilespmem:s28], [sflag:$0x1] =	stream.indirect.gather [hbm4b:s4+s18], $0x40, s17, s18, $0xb8;
	[tilespmem:$0xB380] =	vst v63  }
0x2b: {  	s29 =	simm.s32 $0x9980;
	s31 =	simm.s32 $0x1  }
0x2c: {  	[tilespmem:s29], [sflag:$0x2] =	stream.indirect.gather [hbm4b:s4+s22], $0x40, s2, s22, $0xb8;
	[tilespmem:$0xB380] =	vst v63  }
0x2d: {  	_ =	swait.ge [sflag:s31], $0x2000  }
0x2e: {  	[sflag:s31] =	ssyncset.done $0x0  }
0x2f: {  	[sflag:s31] =	ssyncadd.s32 $0xFFFFE000  }
0x30: {  	_ =	swait.ge [sflag:s31], $0x2000  }
0x31: {  	[sflag:s31] =	ssyncset.done $0x0  }
0x32: {  	[sflag:s31] =	ssyncadd.s32 $0xFFFFE000  }
0x33: {  	s1 =	simm.s32 $0x70;
	s14 =	simm.s32 $0xB272;
	_ =	swait.ge [sflag:s31], $0x2000  }
0x34: {  	s19 =	simm.s32 $0x1C5A;
	s20 =	simm.s32 $0x0;
	[sflag:s31] =	ssyncset.done $0x0  }
0x35: {  	v0 =	vimm.f32 $0.0e+00;
	v1 =	vimm.f32 $0.0e+00;
	s0 =	simm.s32 $0xB2F2;
	s21 =	simm.s32 $0x0;
	[sflag:s31] =	ssyncadd.s32 $0xFFFFE000  }
.LBB2_2:
0x36: {  	[tilespmem:$0x1FFA0] =	vst v1  }
0x37: {  	[tilespmem:$0x1FFB0] =	vst v0;
	s23 =	sadd.s32 $0xFFFFFFC8, s1  }
0x38: {  	[tilespmem:s24], [sflag:$0x3] =	stream.indirect.gather [hbm4b:s4+s22], $0x40, s23, s22, $0xb8;
	[tilespmem:$0xB380] =	vst v63  }
0x39: {  	_ =	swait.ge [sflag:s25], $0xC80  }
0x3a: {  	[sflag:s25] =	ssyncset.done $0x0  }
0x3b: {  	[sflag:s25] =	ssyncadd.s32 $0xFFFFF380  }
0x3c: {  	v0 =	vld [tilespmem:s19+$0xFFFFFFC8];
	_ =	sdelay $0x4  }
0x3d: {  	[tilespmem:$0x1FD00] =	vst v0;
	v0 =	vld [tilespmem:$0x9D00];
	_ =	sdelay $0x4  }
0x3e: {  	[tilespmem:$0x1FA90] =	vst v0;
	v0 =	vld [tilespmem:$0x9D10];
	_ =	sdelay $0x4  }
0x3f: {  	[tilespmem:$0x1FAA0] =	vst v0;
	v0 =	vld [tilespmem:$0x9D20];
	_ =	sdelay $0x4  }
0x40: {  	[tilespmem:$0x1FAB0] =	vst v0;
	v0 =	vld [tilespmem:$0x9D30];
	_ =	sdelay $0x4  }
0x41: {  	[tilespmem:$0x1FAC0] =	vst v0;
	v0 =	vld [tilespmem:$0x9D40];
	_ =	sdelay $0x4  }
0x42: {  	[tilespmem:$0x1FAD0] =	vst v0;
	v0 =	vld [tilespmem:$0x9D50];
	_ =	sdelay $0x2  }
0x43: {  	v26 =	vld [tilespmem:s19+$0xFFFFFFA6]  }
0x44: {  	v25 =	vld [tilespmem:s19+$0xFFFFFFB6]  }
0x45: {  	[tilespmem:$0x1FAE0] =	vst v0;
	v0 =	vld [tilespmem:$0x9D60]  }
0x46: {  	v29 =	vld [tilespmem:s19+$0xFFFFFFC6]  }
0x47: {  	v43 =	vld [tilespmem:$0x9980]  }
0x48: {  	v45 =	vld [tilespmem:$0x9990]  }
0x49: {  	v50 =	vld [tilespmem:$0x99A0]  }
0x4a: {  	[tilespmem:$0x1FAF0] =	vst v0;
	v0 =	vld [tilespmem:$0x9D70]  }
0x4b: {  	v57 =	vld [tilespmem:$0x99B0]  }
0x4c: {  	v51 =	vld [tilespmem:$0x99C0]  }
0x4d: {  	v58 =	vld [tilespmem:$0x99D0]  }
0x4e: {  	v61 =	vld [tilespmem:$0x99E0]  }
0x4f: {  	[tilespmem:$0x1FB00] =	vst v0;
	v0 =	vld [tilespmem:$0x9D80]  }
0x50: {  	v4 =	vld [tilespmem:$0x99F0]  }
0x51: {  	v6 =	vld [tilespmem:$0x9A00]  }
0x52: {  	v8 =	vld [tilespmem:$0x9A10]  }
0x53: {  	v7 =	vld [tilespmem:$0x9A20]  }
0x54: {  	[tilespmem:$0x1FB10] =	vst v0;
	v0 =	vld [tilespmem:$0x9D90]  }
0x55: {  	v9 =	vld [tilespmem:$0x9A30]  }
0x56: {  	v11 =	vld [tilespmem:$0x9A40]  }
0x57: {  	v10 =	vld [tilespmem:$0x9A50]  }
0x58: {  	v12 =	vld [tilespmem:$0x9A60]  }
0x59: {  	[tilespmem:$0x1FB20] =	vst v0;
	v0 =	vld [tilespmem:$0x9DA0]  }
0x5a: {  	v13 =	vld [tilespmem:$0x9A70]  }
0x5b: {  	v15 =	vld [tilespmem:$0x9A80]  }
0x5c: {  	v14 =	vld [tilespmem:$0x9A90]  }
0x5d: {  	v16 =	vld [tilespmem:$0x9AA0]  }
0x5e: {  	[tilespmem:$0x1FB30] =	vst v0;
	v0 =	vld [tilespmem:$0x9DB0]  }
0x5f: {  	v17 =	vld [tilespmem:$0x9AB0]  }
0x60: {  	v18 =	vld [tilespmem:$0x9AC0]  }
0x61: {  	v20 =	vld [tilespmem:$0x9AD0]  }
0x62: {  	v19 =	vld [tilespmem:$0x9AE0]  }
0x63: {  	[tilespmem:$0x1FB40] =	vst v0;
	v0 =	vld [tilespmem:$0x9DC0]  }
0x64: {  	v21 =	vld [tilespmem:$0x9AF0]  }
0x65: {  	v22 =	vld [tilespmem:$0x9B00]  }
0x66: {  	v24 =	vld [tilespmem:$0x9B10]  }
0x67: {  	v23 =	vld [tilespmem:$0x9B20]  }
0x68: {  	[tilespmem:$0x1FB50] =	vst v0;
	v0 =	vld [tilespmem:$0x9DD0]  }
0x69: {  	v59 =	vld [tilespmem:$0x9B30]  }
0x6a: {  	v28 =	vld [tilespmem:$0x9B40]  }
0x6b: {  	v27 =	vld [tilespmem:$0x9B50]  }
0x6c: {  	v30 =	vld [tilespmem:$0x9B60]  }
0x6d: {  	[tilespmem:$0x1FB60] =	vst v0;
	v0 =	vld [tilespmem:$0x9DE0]  }
0x6e: {  	v31 =	vld [tilespmem:$0x9B70]  }
0x6f: {  	v52 =	vld [tilespmem:$0x9B80]  }
0x70: {  	v32 =	vld [tilespmem:$0x9B90]  }
0x71: {  	v33 =	vld [tilespmem:$0x9BA0]  }
0x72: {  	[tilespmem:$0x1FB70] =	vst v0;
	v0 =	vld [tilespmem:$0x9DF0]  }
0x73: {  	v34 =	vld [tilespmem:$0x9BB0]  }
0x74: {  	v35 =	vld [tilespmem:$0x9BC0]  }
0x75: {  	v41 =	vld [tilespmem:$0x9BD0]  }
0x76: {  	v36 =	vld [tilespmem:$0x9BE0]  }
0x77: {  	[tilespmem:$0x1FB80] =	vst v0;
	v0 =	vld [tilespmem:$0x9E00]  }
0x78: {  	v37 =	vld [tilespmem:$0x9BF0]  }
0x79: {  	v38 =	vld [tilespmem:$0x9C00]  }
0x7a: {  	v39 =	vld [tilespmem:$0x9C10]  }
0x7b: {  	v40 =	vld [tilespmem:$0x9C20]  }
0x7c: {  	v42 =	vld [tilespmem:$0x9C30];
	[tilespmem:$0x1FB90] =	vst v0;
	v0 =	vimm.s32 $0x0  }
0x7d: {  	v1 =	vperm.xlane v26, v0;
	v0 =	vld [tilespmem:$0x9E10]  }
0x7e: {  	v46 =	vld [tilespmem:$0x9C40]  }
0x7f: {  	v44 =	vld [tilespmem:$0x9C50]  }
0x80: {  	v62 =	vld [tilespmem:$0x9C60]  }
0x81: {  	v47 =	vld [tilespmem:$0x9C70]  }
0x82: {  	[tilespmem:$0x1FBA0] =	vst v0;
	v0 =	vld [tilespmem:$0x9E20]  }
0x83: {  	v48 =	vld [tilespmem:$0x9C80]  }
0x84: {  	v3 =	vld [tilespmem:$0x9E30]  }
0x85: {  	v49 =	vld [tilespmem:$0x9C90]  }
0x86: {  	v2 =	vimm.s32 $0x1;
	v5 =	vld [tilespmem:$0x9E50]  }
0x87: {  	v53 =	vld [tilespmem:$0x9CA0];
	v2 =	vperm.xlane v26, v2;
	[tilespmem:$0x1FBB0] =	vst v0;
	v0 =	vmul.f32 v43, v1  }
0x88: {  	v63 =	vld [tilespmem:$0x9CB0]  }
0x89: {  	v54 =	vld [tilespmem:$0x9CC0];
	[tilespmem:$0x1FBC0] =	vst v3;
	v3 =	vadd.f32 $0.0e+00, v0;
	v0 =	vmul.f32 v51, v2  }
0x8a: {  	v51 =	vld [tilespmem:$0x9E60]  }
0x8b: {  	[tilespmem:$0x1FBD0] =	vst v5;
	v5 =	vadd.f32 v0, v3;
	v0 =	vld [tilespmem:$0x9E70]  }
0x8c: {  	v55 =	vld [tilespmem:$0x9CD0]  }
0x8d: {  	v56 =	vld [tilespmem:$0x9CE0]  }
0x8e: {  	v60 =	vld [tilespmem:$0x9CF0];
	v45 =	vmul.f32 v45, v1  }
0x8f: {  	v43 =	vld [tilespmem:$0x9E40];
	[tilespmem:$0x1FBE0] =	vst v51  }
0x90: {  	v58 =	vmul.f32 v58, v2;
	v3 =	vadd.f32 $0.0e+00, v45;
	v45 =	vld [tilespmem:$0x9E80];
	[tilespmem:$0x1FBF0] =	vst v0  }
0x91: {  	v51 =	vld [tilespmem:$0x9E90]  }
0x92: {  	v3 =	vadd.f32 v58, v3;
	v58 =	vld [tilespmem:$0x9EA0]  }
0x93: {  	v50 =	vmul.f32 v50, v1;
	v57 =	vmul.f32 v57, v1  }
0x94: {  	v61 =	vmul.f32 v61, v2;
	v4 =	vmul.f32 v4, v2;
	v0 =	vimm.s32 $0x2  }
0x95: {  	v50 =	vadd.f32 $0.0e+00, v50;
	v57 =	vadd.f32 $0.0e+00, v57;
	v0 =	vperm.xlane v26, v0  }
0x96: {  	v1 =	vadd.f32 $0.0e+00, v1  }
0x97: {  	v4 =	vadd.f32 v4, v57;
	v6 =	vmul.f32 v6, v0;
	[tilespmem:$0x1FC10] =	vst v58;
	v58 =	vadd.f32 v61, v50;
	v61 =	vld [tilespmem:$0x9ED0]  }
0x98: {  	v57 =	vimm.s32 $0x3;
	v1 =	vadd.f32 v2, v1;
	v2 =	vmul.f32 v8, v0  }
0x99: {  	v7 =	vmul.f32 v7, v0;
	v8 =	vperm.xlane v26, v57;
	v5 =	vadd.f32 v6, v5  }
0x9a: {  	v6 =	vmul.f32 v9, v0;
	v2 =	vadd.f32 v2, v3;
	v0 =	vadd.f32 v0, v1  }
0x9b: {  	v1 =	vmul.f32 v12, v8;
	v12 =	vmul.f32 v13, v8;
	v3 =	vadd.f32 v7, v58;
	v58 =	vld [tilespmem:$0x9EF0]  }
0x9c: {  	v4 =	vadd.f32 v6, v4;
	v6 =	vmul.f32 v11, v8;
	[tilespmem:$0x1FC20] =	vst v61;
	v61 =	vimm.s32 $0x4  }
0x9d: {  	v13 =	vld [tilespmem:$0x9F10];
	v0 =	vadd.f32 v8, v0;
	v7 =	vmul.f32 v10, v8;
	v9 =	vperm.xlane v26, v61  }
0x9e: {  	v5 =	vadd.f32 v6, v5;
	v4 =	vadd.f32 v12, v4;
	v61 =	vld [tilespmem:$0x9F30]  }
0x9f: {  	v2 =	vadd.f32 v7, v2;
	v1 =	vadd.f32 v1, v3;
	v3 =	vmul.f32 v15, v9  }
0xa0: {  	[tilespmem:$0x1FC40] =	vst v58;
	v58 =	vimm.s32 $0x5;
	v14 =	vmul.f32 v14, v9;
	v11 =	vmul.f32 v17, v9  }
0xa1: {  	v10 =	vperm.xlane v26, v58;
	v0 =	vadd.f32 v9, v0;
	v3 =	vadd.f32 v3, v5  }
0xa2: {  	[tilespmem:$0x1FC50] =	vst v13;
	v16 =	vmul.f32 v16, v9;
	v2 =	vadd.f32 v14, v2;
	v4 =	vadd.f32 v11, v4  }
0xa3: {  	v13 =	vmul.f32 v21, v10;
	v14 =	vimm.s32 $0x6;
	[tilespmem:$0x1FC70] =	vst v61;
	v61 =	vmul.f32 v18, v10  }
0xa4: {  	v1 =	vadd.f32 v16, v1;
	v18 =	vmul.f32 v20, v10;
	v9 =	vperm.xlane v26, v14  }
0xa5: {  	v0 =	vadd.f32 v10, v0;
	v20 =	vmul.f32 v19, v10;
	v4 =	vadd.f32 v13, v4  }
0xa6: {  	v12 =	vld [tilespmem:$0x9F60];
	v3 =	vadd.f32 v61, v3;
	v2 =	vadd.f32 v18, v2;
	v17 =	vmul.f32 v22, v9  }
0xa7: {  	v21 =	vld [tilespmem:$0x9FE0];
	v1 =	vadd.f32 v20, v1;
	v18 =	vmul.f32 v24, v9;
	v19 =	vmul.f32 v23, v9  }
0xa8: {  	v57 =	vld [tilespmem:$0x9EE0];
	v24 =	vmul.f32 v59, v9;
	v59 =	vimm.s32 $0x7;
	v0 =	vadd.f32 v9, v0  }
0xa9: {  	v23 =	vld [tilespmem:$0x9FA0];
	v20 =	vimm.s32 $0x8;
	v8 =	vperm.xlane v26, v59;
	v3 =	vadd.f32 v17, v3  }
0xaa: {  	[tilespmem:$0x1FC00] =	vst v51;
	v9 =	vperm.xlane v26, v20;
	v2 =	vadd.f32 v18, v2;
	v1 =	vadd.f32 v19, v1  }
0xab: {  	v51 =	vld [tilespmem:$0x9EB0];
	[tilespmem:$0x1FC80] =	vst v12;
	v4 =	vadd.f32 v24, v4;
	v12 =	vmul.f32 v28, v8;
	v13 =	vmul.f32 v27, v8  }
0xac: {  	v50 =	vld [tilespmem:$0x9EC0];
	[tilespmem:$0x1FCB0] =	vst v21;
	v21 =	vimm.s32 $0xA;
	v19 =	vmul.f32 v30, v8;
	v28 =	vmul.f32 v52, v9  }
0xad: {  	[tilespmem:$0x1FC30] =	vst v57;
	v57 =	vld [tilespmem:$0x9F00];
	v30 =	vmul.f32 v32, v9;
	v32 =	vimm.s32 $0x9;
	v0 =	vadd.f32 v8, v0  }
0xae: {  	v15 =	vld [tilespmem:$0x9F20];
	v10 =	vperm.xlane v26, v32;
	[tilespmem:$0x1FCA0] =	vst v23;
	v3 =	vadd.f32 v12, v3;
	v23 =	vmul.f32 v31, v8  }
0xaf: {  	v58 =	vld [tilespmem:$0x9F40];
	v2 =	vadd.f32 v13, v2;
	v31 =	vmul.f32 v33, v9;
	v33 =	vmul.f32 v34, v9  }
0xb0: {  	v16 =	vld [tilespmem:$0x9F70];
	v0 =	vadd.f32 v9, v0;
	v9 =	vperm.xlane v26, v21;
	v35 =	vmul.f32 v35, v10  }
0xb1: {  	v11 =	vld [tilespmem:$0xA030];
	v1 =	vadd.f32 v19, v1;
	v12 =	vmul.f32 v41, v10;
	v13 =	vmul.f32 v36, v10  }
0xb2: {  	v14 =	vld [tilespmem:$0x9F90];
	v17 =	vmul.f32 v37, v10;
	v41 =	vimm.s32 $0xB;
	v4 =	vadd.f32 v23, v4  }
0xb3: {  	[tilespmem:$0x1FC60] =	vst v15;
	v15 =	vld [tilespmem:$0x9F50];
	v36 =	vimm.s32 $0xD;
	v3 =	vadd.f32 v28, v3;
	v2 =	vadd.f32 v30, v2  }
0xb4: {  	v61 =	vld [tilespmem:$0x9F80];
	v1 =	vadd.f32 v31, v1;
	v23 =	vmul.f32 v38, v9;
	v32 =	vmul.f32 v39, v9  }
0xb5: {  	v22 =	vld [tilespmem:$0x9FB0];
	v0 =	vadd.f32 v10, v0;
	v8 =	vperm.xlane v26, v41;
	v10 =	vperm.xlane v26, v36  }
0xb6: {  	v59 =	vld [tilespmem:$0x9FC0];
	v4 =	vadd.f32 v33, v4;
	v3 =	vadd.f32 v35, v3;
	v33 =	vmul.f32 v40, v9  }
0xb7: {  	v20 =	vld [tilespmem:$0xA010];
	v1 =	vadd.f32 v13, v1;
	v35 =	vmul.f32 v42, v9;
	v42 =	vmul.f32 v46, v8  }
0xb8: {  	[tilespmem:$0x1FCD0] =	vst v11;
	v11 =	vld [tilespmem:$0x1FAB0];
	v46 =	vmul.f32 v44, v8;
	v0 =	vadd.f32 v9, v0;
	v13 =	vimm.s32 $0xC  }
0xb9: {  	v2 =	vadd.f32 v12, v2;
	v12 =	vmul.f32 v62, v8;
	v44 =	vld [tilespmem:$0xA1B0];
	v9 =	vperm.xlane v26, v13  }
0xba: {  	[tilespmem:$0x1FC90] =	vst v16;
	v16 =	vmul.f32 v47, v8;
	v1 =	vadd.f32 v33, v1;
	v0 =	vadd.f32 v8, v0;
	v8 =	vld [tilespmem:$0x1FA90]  }
0xbb: {  	v4 =	vadd.f32 v17, v4;
	v30 =	vmul.f32 v49, v9;
	v49 =	vmul.f32 v60, v10;
	v60 =	vld [tilespmem:$0xA130]  }
0xbc: {  	v3 =	vadd.f32 v23, v3;
	v17 =	vmul.f32 v48, v9;
	v1 =	vadd.f32 v12, v1;
	v12 =	vld [tilespmem:$0x1FAC0]  }
0xbd: {  	v31 =	vmul.f32 v53, v9;
	v48 =	vmul.f32 v56, v10;
	v4 =	vadd.f32 v35, v4;
	v35 =	vld [tilespmem:$0x1FAF0]  }
0xbe: {  	v56 =	vimm.s32 $0xE;
	v3 =	vadd.f32 v42, v3;
	v42 =	vmul.f32 v55, v10;
	v55 =	vld [tilespmem:$0xA1D0]  }
0xbf: {  	v38 =	vmul.f32 v63, v9;
	v0 =	vadd.f32 v9, v0;
	v9 =	vperm.xlane v26, v56;
	v56 =	vld [tilespmem:$0x1FB30]  }
0xc0: {  	[tilespmem:$0x1FD30] =	vst v44;
	v44 =	vld [tilespmem:$0x1FB80]  }
0xc1: {  	v41 =	vmul.f32 v54, v10;
	v0 =	vadd.f32 v10, v0;
	v10 =	vld [tilespmem:$0x1FAA0]  }
0xc2: {  	v4 =	vadd.f32 v16, v4;
	v16 =	vld [tilespmem:$0x1FAD0]  }
0xc3: {  	v3 =	vadd.f32 v17, v3;
	v17 =	vld [tilespmem:$0x1FAE0]  }
0xc4: {  	v13 =	vimm.s32 $0xF;
	v7 =	vmul.f32 v11, v9;
	v11 =	vld [tilespmem:$0x1FB40]  }
0xc5: {  	v5 =	vmul.f32 v8, v9;
	v8 =	vperm.xlane v26, v13;
	v26 =	vld [tilespmem:$0xA190]  }
0xc6: {  	v13 =	vld [tilespmem:$0xA1F0]  }
0xc7: {  	v1 =	vadd.f32 v31, v1;
	v4 =	vadd.f32 v38, v4;
	v38 =	vld [tilespmem:$0xA1A0]  }
0xc8: {  	v3 =	vadd.f32 v41, v3;
	v41 =	vld [tilespmem:$0x1FB00]  }
0xc9: {  	v1 =	vadd.f32 v48, v1;
	v48 =	vld [tilespmem:$0x1FB10]  }
0xca: {  	v2 =	vadd.f32 v32, v2;
	[tilespmem:$0x1FCF0] =	vst v60;
	v60 =	vld [tilespmem:$0xA1E0]  }
0xcb: {  	[tilespmem:$0x1FD40] =	vst v55;
	v55 =	vld [tilespmem:$0xA240]  }
0xcc: {  	v2 =	vadd.f32 v46, v2;
	v4 =	vadd.f32 v49, v4;
	v49 =	vld [tilespmem:$0x1FB20]  }
0xcd: {  	v36 =	vimm.s32 $0x0;
	v3 =	vadd.f32 v5, v3;
	v5 =	vmul.f32 v12, v9;
	v12 =	vld [tilespmem:$0x1FB50]  }
0xce: {  	v2 =	vadd.f32 v30, v2;
	v1 =	vadd.f32 v7, v1;
	v7 =	vmul.f32 v35, v8;
	v35 =	vld [tilespmem:$0xA210]  }
0xcf: {  	v0 =	vadd.f32 v9, v0;
	v6 =	vmul.f32 v10, v9;
	v9 =	vperm.xlane v25, v36;
	v36 =	vld [tilespmem:$0x1FB70]  }
0xd0: {  	v2 =	vadd.f32 v42, v2;
	v10 =	vld [tilespmem:$0xA250]  }
0xd1: {  	v53 =	vimm.s32 $0x1;
	v4 =	vadd.f32 v5, v4;
	v5 =	vmul.f32 v16, v8;
	[tilespmem:$0x1FD10] =	vst v26;
	v26 =	vld [tilespmem:$0x1FB60]  }
0xd2: {  	v0 =	vadd.f32 v8, v0;
	[tilespmem:$0x1FD60] =	vst v13;
	v13 =	vld [tilespmem:$0xA260];
	v2 =	vadd.f32 v6, v2;
	v6 =	vmul.f32 v17, v8  }
0xd3: {  	v1 =	vadd.f32 v7, v1;
	v17 =	vld [tilespmem:$0xA200];
	v3 =	vadd.f32 v5, v3;
	v5 =	vmul.f32 v41, v8  }
0xd4: {  	v7 =	vperm.xlane v25, v53;
	[tilespmem:$0x1FD50] =	vst v60;
	v60 =	vld [tilespmem:$0x1FBA0];
	v2 =	vadd.f32 v6, v2;
	v6 =	vmul.f32 v48, v9  }
0xd5: {  	v16 =	vimm.s32 $0x2;
	v41 =	vld [tilespmem:$0xA220];
	v4 =	vadd.f32 v5, v4;
	v5 =	vmul.f32 v49, v9  }
0xd6: {  	[tilespmem:$0x1FD20] =	vst v38;
	v0 =	vadd.f32 v9, v0;
	v38 =	vimm.s32 $0x3;
	v49 =	vld [tilespmem:$0x1FB90];
	v3 =	vadd.f32 v6, v3  }
0xd7: {  	v6 =	vmul.f32 v56, v9;
	v2 =	vadd.f32 v5, v2;
	v5 =	vmul.f32 v11, v9;
	v11 =	vld [tilespmem:$0x1FBB0]  }
0xd8: {  	v53 =	vimm.s32 $0x4;
	v8 =	vmul.f32 v12, v7;
	v9 =	vperm.xlane v25, v38;
	v38 =	vld [tilespmem:$0x1FBD0]  }
0xd9: {  	v0 =	vadd.f32 v7, v0;
	[tilespmem:$0x1FD80] =	vst v35;
	v1 =	vadd.f32 v6, v1;
	v6 =	vperm.xlane v25, v16;
	v16 =	vld [tilespmem:$0x1FBC0]  }
0xda: {  	v12 =	vimm.s32 $0x5;
	[tilespmem:$0x1FDB0] =	vst v10;
	v3 =	vadd.f32 v8, v3;
	v8 =	vmul.f32 v36, v7;
	v36 =	vld [tilespmem:$0xA280]  }
0xdb: {  	v35 =	vimm.s32 $0x6;
	[tilespmem:$0x1FD90] =	vst v41;
	v41 =	vld [tilespmem:$0xA290];
	v4 =	vadd.f32 v5, v4;
	v5 =	vmul.f32 v26, v7  }
0xdc: {  	v10 =	vperm.xlane v25, v12;
	[tilespmem:$0x1FD70] =	vst v17;
	v17 =	vmul.f32 v43, v9;
	v26 =	vld [tilespmem:$0xA270];
	v0 =	vadd.f32 v6, v0  }
0xdd: {  	v43 =	vld [tilespmem:$0x1FBE0];
	v1 =	vadd.f32 v8, v1;
	v8 =	vperm.xlane v25, v53;
	v2 =	vadd.f32 v5, v2  }
0xde: {  	v53 =	vld [tilespmem:$0x1FBF0];
	v5 =	vmul.f32 v44, v7;
	v7 =	vmul.f32 v49, v6;
	v44 =	vimm.s32 $0x7  }
0xdf: {  	[tilespmem:$0x1FDC0] =	vst v13;
	v13 =	vimm.s32 $0x8;
	v49 =	vld [tilespmem:$0xA2A0];
	v0 =	vadd.f32 v9, v0;
	v12 =	vperm.xlane v25, v44  }
0xe0: {  	[tilespmem:$0x1FDA0] =	vst v55;
	v55 =	vmul.f32 v45, v8;
	v44 =	vld [tilespmem:$0xA2F0];
	v4 =	vadd.f32 v5, v4;
	v3 =	vadd.f32 v7, v3  }
0xe1: {  	v5 =	vmul.f32 v60, v6;
	v7 =	vmul.f32 v11, v6;
	[tilespmem:$0x1FDE0] =	vst v36;
	v60 =	vld [tilespmem:$0xA2B0];
	v0 =	vadd.f32 v8, v0  }
0xe2: {  	v45 =	vimm.s32 $0xA;
	[tilespmem:$0x1FDF0] =	vst v41;
	v36 =	vimm.s32 $0x9;
	v41 =	vmul.f32 v51, v8;
	v51 =	vld [tilespmem:$0xA310]  }
0xe3: {  	v11 =	vld [tilespmem:$0xA390];
	v1 =	vadd.f32 v7, v1;
	v7 =	vperm.xlane v25, v35;
	v0 =	vadd.f32 v10, v0  }
0xe4: {  	v2 =	vadd.f32 v5, v2;
	v5 =	vmul.f32 v16, v6;
	v6 =	vmul.f32 v43, v9;
	v35 =	vld [tilespmem:$0x1FC10]  }
0xe5: {  	v3 =	vadd.f32 v17, v3;
	v17 =	vld [tilespmem:$0x1FC00];
	v43 =	vmul.f32 v50, v10;
	v0 =	vadd.f32 v7, v0  }
0xe6: {  	[tilespmem:$0x1FDD0] =	vst v26;
	v26 =	vld [tilespmem:$0xA2D0];
	v4 =	vadd.f32 v5, v4;
	v5 =	vmul.f32 v38, v9;
	v1 =	vadd.f32 v6, v1  }
0xe7: {  	v16 =	vld [tilespmem:$0xA2C0];
	v6 =	vperm.xlane v25, v13;
	v3 =	vadd.f32 v55, v3;
	v0 =	vadd.f32 v12, v0  }
0xe8: {  	v13 =	vperm.xlane v25, v36;
	v2 =	vadd.f32 v5, v2;
	v5 =	vmul.f32 v53, v9;
	v53 =	vld [tilespmem:$0x1FC30]  }
0xe9: {  	v50 =	vld [tilespmem:$0x1FC20];
	[tilespmem:$0x1FE00] =	vst v49;
	v55 =	vimm.s32 $0xB;
	v9 =	vmul.f32 v35, v8;
	v0 =	vadd.f32 v6, v0  }
0xea: {  	v49 =	vld [tilespmem:$0xA300];
	[tilespmem:$0x1FE70] =	vst v51;
	v51 =	vmul.f32 v58, v12;
	v4 =	vadd.f32 v5, v4;
	v5 =	vmul.f32 v17, v8  }
0xeb: {  	[tilespmem:$0x1FE30] =	vst v26;
	v17 =	vld [tilespmem:$0x1FC40];
	v1 =	vadd.f32 v9, v1;
	v9 =	vperm.xlane v25, v45;
	v0 =	vadd.f32 v13, v0  }
0xec: {  	v3 =	vadd.f32 v43, v3;
	v26 =	vmul.f32 v57, v7;
	[tilespmem:$0x1FE20] =	vst v16;
	v16 =	vperm.xlane v25, v55;
	v45 =	vld [tilespmem:$0x1FC60]  }
0xed: {  	[tilespmem:$0x1FE10] =	vst v60;
	v60 =	vld [tilespmem:$0xA320];
	v2 =	vadd.f32 v5, v2;
	v8 =	vmul.f32 v53, v10;
	v0 =	vadd.f32 v9, v0  }
0xee: {  	v38 =	vld [tilespmem:$0xA2E0];
	v4 =	vadd.f32 v41, v4;
	v5 =	vmul.f32 v50, v10;
	v41 =	vimm.s32 $0xC  }
0xef: {  	[tilespmem:$0x1FE50] =	vst v44;
	v43 =	vld [tilespmem:$0x1FC50];
	v1 =	vadd.f32 v8, v1;
	v8 =	vperm.xlane v25, v41;
	v0 =	vadd.f32 v16, v0  }
0xf0: {  	v44 =	vld [tilespmem:$0xA350];
	[tilespmem:$0x1FE60] =	vst v49;
	v49 =	vimm.s32 $0xD;
	v2 =	vadd.f32 v5, v2;
	v5 =	vmul.f32 v17, v10  }
0xf1: {  	v50 =	vld [tilespmem:$0x1FC70];
	v17 =	vperm.xlane v25, v49;
	v10 =	vmul.f32 v45, v7;
	v0 =	vadd.f32 v8, v0  }
0xf2: {  	v57 =	vimm.s32 $0xE;
	v3 =	vadd.f32 v26, v3;
	[tilespmem:$0x1FE80] =	vst v60;
	v60 =	vmul.f32 v15, v12;
	v15 =	vld [tilespmem:$0x1FC80]  }
0xf3: {  	v41 =	vld [tilespmem:$0x1FC90];
	v1 =	vadd.f32 v10, v1;
	v10 =	vperm.xlane v25, v57;
	v0 =	vadd.f32 v17, v0  }
0xf4: {  	v18 =	vld [tilespmem:$0x9FD0];
	v26 =	vimm.s32 $0xF;
	v4 =	vadd.f32 v5, v4;
	v5 =	vmul.f32 v43, v7  }
0xf5: {  	v34 =	vld [tilespmem:$0xA020];
	[tilespmem:$0x1FEC0] =	vst v11;
	v11 =	vperm.xlane v25, v26;
	v45 =	vimm.s32 $0x0;
	v0 =	vadd.f32 v10, v0  }
0xf6: {  	[tilespmem:$0x1FE40] =	vst v38;
	v38 =	vld [tilespmem:$0xA3A0];
	v57 =	vimm.s32 $0x1;
	v2 =	vadd.f32 v5, v2;
	v5 =	vmul.f32 v50, v7  }
0xf7: {  	[tilespmem:$0x1FE90] =	vst v44;
	v44 =	vld [tilespmem:$0xA3B0];
	v7 =	vmul.f32 v15, v12;
	v15 =	vperm.xlane v29, v45;
	v0 =	vadd.f32 v11, v0  }
0xf8: {  	v53 =	vld [tilespmem:$0xA370];
	v4 =	vadd.f32 v5, v4;
	v2 =	vadd.f32 v60, v2;
	v5 =	vmul.f32 v41, v12  }
0xf9: {  	v12 =	vperm.xlane v29, v57;
	v60 =	vmul.f32 v22, v6;
	v22 =	vld [tilespmem:$0xA3F0];
	v0 =	vadd.f32 v15, v0  }
0xfa: {  	v24 =	vld [tilespmem:$0x9FF0];
	[tilespmem:$0x1FCC0] =	vst v34;
	v25 =	vimm.s32 $0x2  }
0xfb: {  	v52 =	vld [tilespmem:$0xA000];
	[tilespmem:$0x1FED0] =	vst v38;
	v50 =	vmul.f32 v14, v6;
	v14 =	vperm.xlane v29, v25;
	v0 =	vadd.f32 v12, v0  }
0xfc: {  	v27 =	vld [tilespmem:$0xA050];
	v3 =	vadd.f32 v51, v3;
	[tilespmem:$0x1FEE0] =	vst v44;
	v38 =	vmul.f32 v18, v13;
	v43 =	vmul.f32 v61, v6  }
0xfd: {  	v58 =	vld [tilespmem:$0xA380];
	[tilespmem:$0x1FEA0] =	vst v53;
	v2 =	vadd.f32 v50, v2;
	v44 =	vadd.f32 v14, v0;
	v0 =	vimm.s32 $0x3  }
0xfe: {  	v53 =	vld [tilespmem:$0x1FCA0];
	v4 =	vadd.f32 v5, v4;
	[tilespmem:$0x1FF20] =	vst v22;
	v22 =	vperm.xlane v29, v0;
	v0 =	vimm.s32 $0x4  }
0xff: {  	v5 =	vadd.f32 v38, v2;
	v2 =	vmul.f32 v24, v13;
	v24 =	vperm.xlane v29, v0;
	v0 =	vld [tilespmem:$0x1FCC0]  }
0x100: {  	v19 =	vld [tilespmem:$0xA040]  }
0x101: {  	v3 =	vadd.f32 v43, v3;
	v43 =	vld [tilespmem:$0x1FCB0]  }
0x102: {  	[tilespmem:$0x1FEB0] =	vst v58;
	v58 =	vld [tilespmem:$0xA3E0]  }
0x103: {  	v21 =	vld [tilespmem:$0xA090];
	v61 =	vmul.f32 v59, v13;
	v1 =	vadd.f32 v7, v1  }
0x104: {  	v34 =	vld [tilespmem:$0xA080];
	v7 =	vmul.f32 v53, v6;
	v53 =	vmul.f32 v0, v9;
	v0 =	vimm.s32 $0x5  }
0x105: {  	v45 =	vmul.f32 v52, v9;
	v25 =	vperm.xlane v29, v0;
	v0 =	vld [tilespmem:$0x1FCD0]  }
0x106: {  	v26 =	vld [tilespmem:$0xA400];
	v3 =	vadd.f32 v61, v3;
	v6 =	vmul.f32 v43, v13;
	v1 =	vadd.f32 v7, v1  }
0x107: {  	v37 =	vld [tilespmem:$0xA060];
	v19 =	vmul.f32 v19, v16;
	[tilespmem:$0x1FF10] =	vst v58;
	v58 =	vmul.f32 v27, v16;
	v4 =	vadd.f32 v60, v4  }
0x108: {  	v28 =	vld [tilespmem:$0xA070];
	v13 =	vadd.f32 v45, v3;
	v3 =	vmul.f32 v20, v9;
	v6 =	vadd.f32 v6, v1  }
0x109: {  	v39 =	vld [tilespmem:$0xA0A0];
	v50 =	vmul.f32 v21, v8;
	v4 =	vadd.f32 v2, v4;
	v7 =	vadd.f32 v22, v44  }
0x10a: {  	v23 =	vld [tilespmem:$0xA0D0];
	[tilespmem:$0x1FCE0] =	vst v34;
	v5 =	vadd.f32 v3, v5;
	v9 =	vmul.f32 v0, v9;
	v0 =	vimm.s32 $0x6  }
0x10b: {  	v62 =	vld [tilespmem:$0xA0C0];
	[tilespmem:$0x1FF30] =	vst v26;
	v7 =	vadd.f32 v24, v7;
	v26 =	vperm.xlane v29, v0;
	v0 =	vimm.s32 $0x7  }
0x10c: {  	v13 =	vadd.f32 v19, v13;
	v18 =	vadd.f32 v58, v5;
	v27 =	vperm.xlane v29, v0;
	v0 =	vld [tilespmem:$0x1FCE0]  }
0x10d: {  	v33 =	vld [tilespmem:$0xA0B0];
	v43 =	vmul.f32 v37, v16;
	v6 =	vadd.f32 v53, v6;
	v7 =	vadd.f32 v25, v7  }
0x10e: {  	v40 =	vld [tilespmem:$0xA0E0];
	v16 =	vmul.f32 v28, v16;
	v18 =	vadd.f32 v50, v18;
	v9 =	vadd.f32 v9, v4  }
0x10f: {  	v34 =	vld [tilespmem:$0xA0F0];
	v5 =	vmul.f32 v23, v17;
	v19 =	vadd.f32 v43, v6;
	v7 =	vadd.f32 v26, v7  }
0x110: {  	v9 =	vadd.f32 v16, v9;
	v16 =	vmul.f32 v39, v8;
	v39 =	vmul.f32 v62, v17  }
0x111: {  	v54 =	vld [tilespmem:$0xA140];
	v45 =	vadd.f32 v27, v7;
	v44 =	vmul.f32 v0, v8;
	v0 =	vimm.s32 $0x8  }
0x112: {  	v30 =	vld [tilespmem:$0xA110];
	v8 =	vmul.f32 v33, v8;
	v28 =	vperm.xlane v29, v0;
	v0 =	vimm.s32 $0x9  }
0x113: {  	v47 =	vld [tilespmem:$0xA180];
	v33 =	vmul.f32 v40, v17;
	v6 =	vperm.xlane v29, v0;
	v0 =	vimm.s32 $0xA  }
0x114: {  	v46 =	vld [tilespmem:$0xA120];
	v17 =	vmul.f32 v34, v17;
	v7 =	vperm.xlane v29, v0;
	v0 =	vimm.s32 $0xB  }
0x115: {  	v32 =	vld [tilespmem:$0xA150];
	v4 =	vadd.f32 v8, v9;
	v8 =	vperm.xlane v29, v0;
	v0 =	vimm.s32 $0xC  }
0x116: {  	v63 =	vld [tilespmem:$0xA100];
	v16 =	vadd.f32 v16, v19;
	v9 =	vperm.xlane v29, v0;
	v0 =	vimm.s32 $0xD  }
0x117: {  	v20 =	vadd.f32 v17, v4;
	v4 =	vmul.f32 v30, v10;
	v30 =	vperm.xlane v29, v0;
	v0 =	vld [tilespmem:$0x1FCF0]  }
0x118: {  	v31 =	vld [tilespmem:$0xA160];
	v18 =	vadd.f32 v5, v18  }
0x119: {  	v42 =	vld [tilespmem:$0xA170];
	v5 =	vmul.f32 v46, v10;
	v16 =	vadd.f32 v33, v16;
	v45 =	vadd.f32 v28, v45  }
0x11a: {  	v48 =	vld [tilespmem:$0xA1C0]  }
0x11b: {  	v56 =	vld [tilespmem:$0xA230];
	v16 =	vadd.f32 v5, v16;
	v5 =	vmul.f32 v32, v11;
	v62 =	vadd.f32 v6, v45  }
0x11c: {  	v36 =	vld [tilespmem:$0xA330];
	v18 =	vadd.f32 v4, v18;
	v4 =	vmul.f32 v0, v10;
	v0 =	vimm.s32 $0xE  }
0x11d: {  	v35 =	vld [tilespmem:$0xA340];
	v45 =	vmul.f32 v63, v10;
	v10 =	vperm.xlane v29, v0;
	v0 =	vimm.s32 $0xF  }
0x11e: {  	v55 =	vld [tilespmem:$0xA360];
	v23 =	vadd.f32 v4, v20;
	v29 =	vperm.xlane v29, v0;
	v0 =	vmul.f32 v42, v11  }
0x11f: {  	v51 =	vld [tilespmem:$0xA3D0];
	v13 =	vadd.f32 v44, v13  }
0x120: {  	v18 =	vadd.f32 v5, v18;
	v5 =	vadd.f32 v0, v23;
	v0 =	vld [tilespmem:$0x1FD10]  }
0x121: {  	v1 =	vmul.f32 v31, v11;
	v31 =	vld [tilespmem:$0x1FD00]  }
0x122: {  	v49 =	vld [tilespmem:$0xA3C0];
	v13 =	vadd.f32 v39, v13  }
0x123: {  	v59 =	vld [tilespmem:$0xA430]  }
0x124: {  	v54 =	vmul.f32 v54, v11;
	[tilespmem:$0x1FF00] =	vst v51;
	v51 =	vld [tilespmem:$0xA440];
	v19 =	vadd.f32 v7, v62;
	v13 =	vadd.f32 v45, v13  }
0x125: {  	v52 =	vld [tilespmem:$0xA4A0];
	v3 =	vadd.f32 v1, v16;
	v1 =	vimm.s32 $0xE;
	v0 =	vmul.f32 v0, v15  }
0x126: {  	v19 =	vadd.f32 v8, v19;
	v13 =	vadd.f32 v54, v13;
	v54 =	vperm.xlane v31, v1;
	v1 =	vld [tilespmem:$0x1FD20]  }
0x127: {  	v4 =	vadd.f32 v0, v18;
	v0 =	vld [tilespmem:$0x1FD30]  }
0x128: {  	[tilespmem:$0x1FEF0] =	vst v49;
	v49 =	vld [tilespmem:$0xA450];
	v19 =	vadd.f32 v9, v19  }
0x129: {  	v41 =	vld [tilespmem:$0xA410]  }
0x12a: {  	v57 =	vld [tilespmem:$0xA470];
	v19 =	vadd.f32 v30, v19  }
0x12b: {  	v61 =	vld [tilespmem:$0xA480];
	v47 =	vmul.f32 v47, v15  }
0x12c: {  	v1 =	vmul.f32 v1, v15;
	v19 =	vadd.f32 v10, v19;
	v15 =	vmul.f32 v0, v15;
	v0 =	vld [tilespmem:$0x1FD40]  }
0x12d: {  	v21 =	vld [tilespmem:$0xA580]  }
0x12e: {  	v37 =	vld [tilespmem:$0xA4D0];
	v2 =	vimm.s32 $0xF;
	v16 =	vadd.f32 v29, v19  }
0x12f: {  	v60 =	vld [tilespmem:$0xA420];
	v19 =	vadd.f32 v47, v13;
	v47 =	vperm.xlane v31, v2;
	v31 =	vmul.f32 v48, v12  }
0x130: {  	v38 =	vld [tilespmem:$0xA490]  }
0x131: {  	v19 =	vadd.f32 v31, v19;
	v31 =	vmul.f32 v0, v12;
	v0 =	vld [tilespmem:$0x1FD50]  }
0x132: {  	[tilespmem:$0x1FF40] =	vst v41;
	v41 =	vld [tilespmem:$0xA460]  }
0x133: {  	v58 =	vld [tilespmem:$0xA4B0]  }
0x134: {  	v50 =	vld [tilespmem:$0xA4F0]  }
0x135: {  	v46 =	vld [tilespmem:$0xA570]  }
0x136: {  	v2 =	vadd.f32 v1, v3;
	v1 =	vmul.f32 v0, v12;
	v0 =	vld [tilespmem:$0x1FD60]  }
0x137: {  	v53 =	vld [tilespmem:$0xA4C0];
	v16 =	vadd.f32 v54, v16  }
0x138: {  	v43 =	vld [tilespmem:$0xA4E0]  }
0x139: {  	v40 =	vld [tilespmem:$0xA520];
	v3 =	vadd.f32 v47, v16  }
0x13a: {  	v34 =	vld [tilespmem:$0xA550]  }
0x13b: {  	v12 =	vmul.f32 v0, v12;
	v0 =	vmax.f32 v3, $1.000000000e+00;
	v3 =	vadd.f32 v1, v2;
	v2 =	vld [tilespmem:$0x1FD90]  }
0x13c: {  	v44 =	vld [tilespmem:$0xA500]  }
0x13d: {  	v33 =	vld [tilespmem:$0xA540]  }
0x13e: {  	v39 =	vld [tilespmem:$0xA510]  }
0x13f: {  	v1 =	vld [tilespmem:$0x1FD80]  }
0x140: {  	(erf) = vrcp.f32 v0;
	v0 =	vld [tilespmem:$0x1FD70];
	v2 =	vmul.f32 v2, v14  }
0x141: {  	v32 =	vld [tilespmem:$0xA590]  }
0x142: {  	s23 =	sshra.s32 s20, $0x2;
	v2 =	vadd.f32 v2, v3;
	v3 =	vld [tilespmem:$0x1FDA0]  }
0x143: {  	v17 =	vld [tilespmem:s23+$0x3990]  }
0x144: {  	v63 =	vld [tilespmem:$0xA530];
	v5 =	vadd.f32 v15, v5;
	v15 =	vadd.f32 v31, v4;
	v1 =	vmul.f32 v1, v14  }
0x145: {  	v45 =	vld [tilespmem:$0xA560];
	v0 =	vmul.f32 v0, v14  }
0x146: {  	v1 =	vadd.f32 v1, v15;
	v15 =	vld [tilespmem:$0x1FDC0]  }
0x147: {  	v62 =	vld [tilespmem:$0xA5A0];
	v0 =	vadd.f32 v0, v19;
	v3 =	vmul.f32 v3, v22  }
0x148: {  	v5 =	vadd.f32 v12, v5;
	v12 =	vld [tilespmem:$0x1FDB0]  }
0x149: {  	v0 =	vadd.f32 v3, v0;
	v3 =	vld [tilespmem:$0x1FDD0]  }
0x14a: {  	v42 =	vld [tilespmem:$0xA5B0];
	v19 =	vmul.f32 v56, v14  }
0x14b: {  	v11 =	vld [tilespmem:$0xA5C0];
	v15 =	vmul.f32 v15, v22  }
0x14c: {  	v5 =	vadd.f32 v19, v5;
	v19 =	vld [tilespmem:s23+$0x59A0]  }
0x14d: {  	v2 =	vadd.f32 v15, v2;
	v15 =	vld [tilespmem:$0x1FDF0]  }
0x14e: {  	v12 =	vmul.f32 v12, v22;
	v3 =	vmul.f32 v3, v22;
	v22 =	vld [tilespmem:$0x1FDE0]  }
0x14f: {  	v20 =	vld [tilespmem:s23+$0x7980]  }
0x150: {  	v23 =	vld [tilespmem:$0xA5E0]  }
0x151: {  	v13 =	vld [tilespmem:$0xA5D0]  }
0x152: {  	v4 =	vld [tilespmem:s23+$0x79A0]  }
0x153: {  	v48 =	vld [tilespmem:$0xA5F0];
	v1 =	vadd.f32 v12, v1;
	[tilespmem:$0x1FF50] =	vst v19;
	v19 =	vmul.f32 v22, v24;
	v22 =	vmul.f32 v15, v24  }
0x154: {  	v15 =	vld [tilespmem:$0x1FE00]  }
0x155: {  	v1 =	vadd.f32 v22, v1;
	v22 =	vld [tilespmem:$0x1FE10]  }
0x156: {  	v16 =	vld [tilespmem:s23+$0x3980]  }
0x157: {  	[tilespmem:$0x1FF60] =	vst v4;
	v4 =	vld [tilespmem:s23+$0x39B0]  }
0x158: {  	v18 =	vld [tilespmem:s23+$0x5980]  }
0x159: {  	v0 =	vadd.f32 v19, v0;
	v19 =	vld [tilespmem:s23+$0x59B0]  }
0x15a: {  	v3 =	vadd.f32 v3, v5;
	v5 =	vmul.f32 v15, v24;
	v12 =	vmul.f32 v22, v24;
	v24 =	vld [tilespmem:$0x1FE20]  }
0x15b: {  	v22 =	vld [tilespmem:$0x1FE40]  }
0x15c: {  	[tilespmem:$0x1FF70] =	vst v4;
	v4 =	vld [tilespmem:s23+$0x79B0]  }
0x15d: {  	v31 =	vld [tilespmem:s23+$0x5990]  }
0x15e: {  	v14 =	vld [tilespmem:s23+$0x7990]  }
0x15f: {  	p0 =	seq.s32 s20, $0x7E00;
	[tilespmem:$0x1FF80] =	vst v19;
	v19 =	vld [tilespmem:$0x1FE30]  }
0x160: {  	s28 =	simm.s32 @!p0 $0x32;
	s29 =	simm.s32 @!p0 $0x9980;
	v15 =	vmul.f32 v24, v25;
	v24 =	vmul.f32 v22, v25;
	v22 =	vld [tilespmem:$0x1FE50]  }
0x161: {  	[tilespmem:$0x1FF90] =	vst v4;
	v56 =	vld [tilespmem:s23+$0x39A0];
	v4 =	vpop (erf);
	[tilespmem:s29], [sflag:$0x2] =	stream.indirect.gather @!p0 [hbm4b:s4+s28], $0x40, s1, s28, $0xb8;
	v2 =	vadd.f32 v5, v2  }
0x162: {  	_ =	swait.ge [sflag:s26], $0xC80  }
0x163: {  	v2 =	vadd.f32 v24, v2;
	v24 =	vld [tilespmem:$0x1FE60];
	_ =	sdelay $0x1  }
0x164: {  	v3 =	vadd.f32 v12, v3;
	v5 =	vmul.f32 v19, v25;
	v12 =	vmul.f32 v22, v25;
	v25 =	vld [tilespmem:$0x1FE70];
	_ =	sdelay $0x2  }
0x165: {  	v0 =	vadd.f32 v15, v0;
	v1 =	vadd.f32 v5, v1;
	v5 =	vmul.f32 v24, v26  }
0x166: {  	v3 =	vadd.f32 v12, v3  }
0x167: {  	v24 =	vmul.f32 v35, v27;
	v0 =	vadd.f32 v5, v0;
	v12 =	vmul.f32 v25, v26;
	v25 =	vld [tilespmem:$0x1FE90];
	_ =	sdelay $0x1  }
0x168: {  	v22 =	vmul.f32 v36, v26;
	v5 =	vadd.f32 v24, v0;
	v0 =	vld [tilespmem:$0x1FEA0]  }
0x169: {  	v19 =	vld [tilespmem:$0x1FE80]  }
0x16a: {  	v3 =	vadd.f32 v22, v3;
	v22 =	vld [tilespmem:$0x1FEC0]  }
0x16b: {  	v24 =	vld [tilespmem:$0x1FED0];
	v1 =	vadd.f32 v12, v1;
	v12 =	vmul.f32 v25, v27  }
0x16c: {  	v25 =	vld [tilespmem:$0x1FEE0]  }
0x16d: {  	v1 =	vadd.f32 v12, v1;
	v12 =	vmul.f32 v0, v27;
	v0 =	vld [tilespmem:$0x1FEB0];
	_ =	sdelay $0x1  }
0x16e: {  	v15 =	vmul.f32 v19, v26;
	_ =	sdelay $0x1  }
0x16f: {  	v2 =	vadd.f32 v15, v2;
	v15 =	vmul.f32 v22, v28;
	v22 =	vmul.f32 v24, v28  }
0x170: {  	v3 =	vadd.f32 v12, v3;
	v12 =	vmul.f32 v25, v28;
	v19 =	vmul.f32 v0, v28;
	v28 =	vld [tilespmem:$0x1FF10]  }
0x171: {  	v26 =	vmul.f32 v55, v27;
	_ =	sdelay $0x1  }
0x172: {  	v2 =	vadd.f32 v26, v2;
	v26 =	vld [tilespmem:$0x1FEF0]  }
0x173: {  	[sflag:s26] =	ssyncset.done $0x0;
	v27 =	vld [tilespmem:$0x1FF00]  }
0x174: {  	[sflag:s26] =	ssyncadd.s32 $0xFFFFF380;
	v25 =	vmul.f32 v28, v6;
	v28 =	vld [tilespmem:$0x1FF20]  }
0x175: {  	v36 =	vld [tilespmem:s19+$0xFFFFFFDE]  }
0x176: {  	v35 =	vld [tilespmem:s19+$0xFFFFFFEE]  }
0x177: {  	v55 =	vld [tilespmem:s19+$0xFFFFFFFE]  }
0x178: {  	v3 =	vadd.f32 v12, v3;
	v12 =	vmul.f32 v27, v6;
	v27 =	vld [tilespmem:$0x1FF30]  }
0x179: {  	v1 =	vadd.f32 v15, v1;
	v15 =	vmul.f32 v26, v6;
	v6 =	vmul.f32 v28, v6;
	v28 =	vld [tilespmem:$0x1FF40]  }
0x17a: {  	v24 =	vld [tilespmem:$0xA600];
	v2 =	vadd.f32 v22, v2  }
0x17b: {  	v60 =	vmul.f32 v60, v7;
	v41 =	vmul.f32 v41, v8;
	v22 =	vld [tilespmem:$0xA620];
	v5 =	vadd.f32 v19, v5  }
0x17c: {  	v61 =	vmul.f32 v61, v9;
	v37 =	vmul.f32 v37, v30;
	v26 =	vld [tilespmem:$0xA630];
	v2 =	vadd.f32 v25, v2  }
0x17d: {  	v11 =	vmul.f32 v11, v47;
	v0 =	vld [tilespmem:s19+$0x0];
	v5 =	vadd.f32 v15, v5;
	v15 =	vmul.f32 v27, v7  }
0x17e: {  	v19 =	vld [tilespmem:$0xA610];
	v1 =	vadd.f32 v12, v1;
	v2 =	vadd.f32 v60, v2;
	v12 =	vmul.f32 v28, v7  }
0x17f: {  	v27 =	vld [tilespmem:$0xA640];
	v5 =	vadd.f32 v15, v5;
	v7 =	vmul.f32 v59, v7;
	v59 =	vmul.f32 v51, v8  }
0x180: {  	v25 =	vld [tilespmem:$0xA650];
	v60 =	vmul.f32 v49, v8;
	v2 =	vadd.f32 v41, v2;
	v1 =	vadd.f32 v12, v1  }
0x181: {  	v15 =	vld [tilespmem:$0xA660];
	v3 =	vadd.f32 v6, v3;
	v51 =	vmul.f32 v38, v9;
	v5 =	vadd.f32 v59, v5  }
0x182: {  	v49 =	vld [tilespmem:$0xA680];
	v8 =	vmul.f32 v57, v8;
	v57 =	vmul.f32 v53, v30;
	v1 =	vadd.f32 v60, v1  }
0x183: {  	v41 =	vld [tilespmem:$0xA6B0];
	v53 =	vmul.f32 v34, v29;
	v34 =	vmul.f32 v42, v54;
	v5 =	vadd.f32 v61, v5  }
0x184: {  	v6 =	vld [tilespmem:$0xA720];
	v3 =	vadd.f32 v7, v3;
	v59 =	vmul.f32 v52, v9;
	v1 =	vadd.f32 v51, v1  }
0x185: {  	v28 =	vld [tilespmem:$0xA670];
	v9 =	vmul.f32 v58, v9;
	v60 =	vmul.f32 v44, v10;
	v5 =	vadd.f32 v57, v5  }
0x186: {  	v38 =	vld [tilespmem:$0xA6A0];
	v52 =	vmul.f32 v43, v30;
	v61 =	vmul.f32 v39, v10;
	v1 =	vadd.f32 v37, v1  }
0x187: {  	v12 =	vld [tilespmem:$0xA690];
	v3 =	vadd.f32 v8, v3;
	v39 =	vmul.f32 v33, v29;
	v5 =	vadd.f32 v60, v5  }
0x188: {  	v43 =	vld [tilespmem:$0xA700];
	v58 =	vmul.f32 v50, v30;
	v2 =	vadd.f32 v59, v2;
	v1 =	vadd.f32 v61, v1  }
0x189: {  	v30 =	vld [tilespmem:$0xA730];
	v59 =	vmul.f32 v32, v54;
	v57 =	vmul.f32 v21, v54;
	v5 =	vadd.f32 v39, v5  }
0x18a: {  	v7 =	vld [tilespmem:$0xA770];
	v2 =	vadd.f32 v52, v2;
	v60 =	vmul.f32 v40, v10;
	v1 =	vadd.f32 v53, v1  }
0x18b: {  	v8 =	vld [tilespmem:$0xA6D0];
	v10 =	vmul.f32 v63, v10;
	v63 =	vmul.f32 v45, v29;
	v5 =	vadd.f32 v57, v5  }
0x18c: {  	v44 =	vld [tilespmem:$0xA6F0];
	v61 =	vmul.f32 v13, v47;
	v2 =	vadd.f32 v60, v2;
	v1 =	vadd.f32 v59, v1  }
0x18d: {  	v42 =	vmul.f32 v48, v47;
	v51 =	vld [tilespmem:$0xA6C0];
	v3 =	vadd.f32 v9, v3;
	v5 =	vadd.f32 v11, v5  }
0x18e: {  	v33 =	vmul.f32 v62, v54;
	v9 =	vld [tilespmem:$0xA710];
	v2 =	vadd.f32 v63, v2;
	v1 =	vadd.f32 v61, v1  }
0x18f: {  	v48 =	vimm.s32 $0x1;
	v21 =	vld [tilespmem:$0xA7D0];
	v3 =	vadd.f32 v58, v3;
	v5 =	vmul.f32 v4, v5  }
0x190: {  	v37 =	vld [tilespmem:$0xA6E0];
	v39 =	vmul.f32 v23, v47;
	v2 =	vadd.f32 v33, v2;
	v1 =	vmul.f32 v1, v4  }
0x191: {  	v32 =	vmul.f32 v46, v29;
	v40 =	vld [tilespmem:$0xA740];
	v3 =	vadd.f32 v10, v3;
	v5 =	vadd.f32 v16, v5  }
0x192: {  	v29 =	vld [tilespmem:$0xA780];
	v45 =	vimm.s32 $0x0;
	v2 =	vadd.f32 v39, v2;
	v1 =	vadd.f32 v17, v1  }
0x193: {  	v46 =	vmovc v4;
	v13 =	vld [tilespmem:$0xA760];
	v3 =	vadd.f32 v32, v3;
	v18 =	vmul.f32 v18, v5;
	v5 =	vmul.f32 v20, v5  }
0x194: {  	v23 =	vld [tilespmem:$0xA7A0];
	v53 =	vimm.s32 $0x2;
	v2 =	vmul.f32 v2, v46;
	v17 =	vmul.f32 v31, v1  }
0x195: {  	v10 =	vld [tilespmem:$0xA7C0];
	v5 =	vadd.f32 $0.0e+00, v5;
	v1 =	vmul.f32 v14, v1;
	v14 =	vperm.xlane v36, v45  }
0x196: {  	v11 =	vld [tilespmem:$0xA750];
	v3 =	vadd.f32 v34, v3;
	v59 =	vimm.s32 $0x3;
	v33 =	vadd.f32 v56, v2  }
0x197: {  	v39 =	vld [tilespmem:$0xA7E0];
	v18 =	vadd.f32 $0.0e+00, v18;
	v32 =	vadd.f32 v1, v5;
	v1 =	vmul.f32 v24, v14  }
0x198: {  	v16 =	vld [tilespmem:$0xA790];
	v31 =	vadd.f32 v42, v3;
	v47 =	vmul.f32 v19, v14;
	v2 =	vmul.f32 v22, v14  }
0x199: {  	v4 =	vld [tilespmem:$0xA7B0];
	v34 =	vadd.f32 v17, v18;
	v18 =	vperm.xlane v36, v48;
	v50 =	vmul.f32 v26, v14  }
0x19a: {  	v3 =	vld [tilespmem:$0xA7F0];
	v14 =	vadd.f32 $0.0e+00, v14;
	v48 =	vimm.s32 $0x4;
	v1 =	vadd.f32 $0.0e+00, v1  }
0x19b: {  	v42 =	vld [tilespmem:$0xA840];
	v5 =	vadd.f32 $0.0e+00, v47;
	v2 =	vadd.f32 $0.0e+00, v2;
	v52 =	vmul.f32 v27, v18  }
0x19c: {  	v45 =	vld [tilespmem:$0xA880];
	v25 =	vmul.f32 v25, v18;
	v20 =	vadd.f32 $0.0e+00, v50;
	v15 =	vmul.f32 v15, v18  }
0x19d: {  	v17 =	vld [tilespmem:$0xA800];
	v27 =	vperm.xlane v36, v53;
	v54 =	vmul.f32 v28, v18;
	v14 =	vadd.f32 v18, v14  }
0x19e: {  	v19 =	vld [tilespmem:$0xA810];
	v50 =	vimm.s32 $0x5;
	v53 =	vimm.s32 $0x6;
	v1 =	vadd.f32 v52, v1  }
0x19f: {  	v22 =	vld [tilespmem:$0xA820];
	v5 =	vadd.f32 v25, v5;
	v2 =	vadd.f32 v15, v2;
	v56 =	vmul.f32 v49, v27  }
0x1a0: {  	v26 =	vld [tilespmem:$0xA830];
	v20 =	vadd.f32 v54, v20;
	v12 =	vmul.f32 v12, v27;
	v57 =	vmul.f32 v38, v27  }
0x1a1: {  	v24 =	vld [tilespmem:$0xA8E0];
	v58 =	vmul.f32 v41, v27;
	v41 =	vperm.xlane v36, v59;
	v14 =	vadd.f32 v27, v14  }
0x1a2: {  	v28 =	vld [tilespmem:$0xA850];
	v59 =	vimm.s32 $0x7;
	v1 =	vadd.f32 v56, v1;
	v5 =	vadd.f32 v12, v5  }
0x1a3: {  	v18 =	vld [tilespmem:$0xA900];
	v2 =	vadd.f32 v57, v2;
	v61 =	vmul.f32 v51, v41;
	v8 =	vmul.f32 v8, v41  }
0x1a4: {  	v25 =	vld [tilespmem:$0xA860];
	v60 =	vadd.f32 v58, v20;
	v62 =	vmul.f32 v37, v41;
	v63 =	vmul.f32 v44, v41  }
0x1a5: {  	v38 =	vld [tilespmem:$0xA870];
	v37 =	vperm.xlane v36, v48;
	v14 =	vadd.f32 v41, v14;
	v41 =	vperm.xlane v36, v50  }
0x1a6: {  	v27 =	vld [tilespmem:$0xA8B0];
	v48 =	vimm.s32 $0x9;
	v1 =	vadd.f32 v61, v1;
	v5 =	vadd.f32 v8, v5  }
0x1a7: {  	v12 =	vld [tilespmem:$0xA890];
	v2 =	vadd.f32 v62, v2;
	v49 =	vmul.f32 v43, v37;
	v9 =	vmul.f32 v9, v37  }
0x1a8: {  	v20 =	vld [tilespmem:$0xA8A0];
	v15 =	vadd.f32 v63, v60;
	v6 =	vmul.f32 v6, v37;
	v51 =	vmul.f32 v30, v37  }
0x1a9: {  	v44 =	vld [tilespmem:$0xA8C0];
	v52 =	vmul.f32 v40, v41;
	v11 =	vmul.f32 v11, v41;
	v14 =	vadd.f32 v37, v14  }
0x1aa: {  	v8 =	vld [tilespmem:$0xA8D0];
	v13 =	vmul.f32 v13, v41;
	v1 =	vadd.f32 v49, v1;
	v5 =	vadd.f32 v9, v5  }
0x1ab: {  	v43 =	vld [tilespmem:$0xA8F0];
	v2 =	vadd.f32 v6, v2;
	v9 =	vadd.f32 v51, v15;
	v15 =	vperm.xlane v36, v53  }
0x1ac: {  	v30 =	vld [tilespmem:$0xA910];
	v54 =	vmul.f32 v7, v41;
	v14 =	vadd.f32 v41, v14;
	v1 =	vadd.f32 v52, v1  }
0x1ad: {  	v40 =	vld [tilespmem:$0xA920];
	v5 =	vadd.f32 v11, v5;
	v2 =	vadd.f32 v13, v2;
	v56 =	vmul.f32 v29, v15  }
0x1ae: {  	v7 =	vld [tilespmem:$0xA930];
	v6 =	vadd.f32 v54, v9;
	v57 =	vmul.f32 v16, v15;
	v58 =	vmul.f32 v23, v15  }
0x1af: {  	v37 =	vld [tilespmem:$0xA960];
	v4 =	vmul.f32 v4, v15;
	v29 =	vperm.xlane v36, v59;
	v61 =	vadd.f32 v15, v14  }
0x1b0: {  	v13 =	vld [tilespmem:$0xA940];
	v54 =	vimm.s32 $0xA;
	v1 =	vadd.f32 v56, v1;
	v5 =	vadd.f32 v57, v5  }
0x1b1: {  	v23 =	vld [tilespmem:$0xA950];
	v2 =	vadd.f32 v58, v2;
	v4 =	vadd.f32 v4, v6;
	v60 =	vmul.f32 v10, v29  }
0x1b2: {  	v9 =	vld [tilespmem:$0xA970];
	v62 =	vmul.f32 v21, v29;
	v63 =	vmul.f32 v39, v29;
	v21 =	vimm.s32 $0x8  }
0x1b3: {  	v16 =	vld [tilespmem:$0xA990];
	v3 =	vmul.f32 v3, v29;
	v11 =	vadd.f32 v29, v61;
	v6 =	vperm.xlane v36, v21  }
0x1b4: {  	v14 =	vld [tilespmem:$0xA9B0];
	v61 =	vimm.s32 $0xB;
	v1 =	vadd.f32 v60, v1;
	v5 =	vadd.f32 v62, v5  }
0x1b5: {  	v15 =	vld [tilespmem:$0xA9E0];
	v2 =	vadd.f32 v63, v2;
	v39 =	vmul.f32 v17, v6;
	v41 =	vmul.f32 v19, v6  }
0x1b6: {  	v10 =	vld [tilespmem:$0xA980];
	v3 =	vadd.f32 v3, v4;
	v47 =	vmul.f32 v22, v6;
	v22 =	vperm.xlane v36, v48  }
0x1b7: {  	v29 =	vld [tilespmem:$0xA9D0];
	v50 =	vmul.f32 v26, v6;
	v6 =	vadd.f32 v6, v11;
	v1 =	vadd.f32 v39, v1  }
0x1b8: {  	v21 =	vld [tilespmem:$0xA9A0];
	v49 =	vadd.f32 v41, v5;
	v2 =	vadd.f32 v47, v2;
	v51 =	vmul.f32 v42, v22  }
0x1b9: {  	v17 =	vld [tilespmem:$0xA9C0];
	v52 =	vmul.f32 v28, v22;
	v3 =	vadd.f32 v50, v3;
	v53 =	vmul.f32 v25, v22  }
0x1ba: {  	v19 =	vld [tilespmem:$0xAA10];
	v25 =	vperm.xlane v36, v54;
	v56 =	vmul.f32 v38, v22;
	v6 =	vadd.f32 v22, v6  }
0x1bb: {  	v26 =	vld [tilespmem:$0xAA20];
	v50 =	vimm.s32 $0xD;
	v42 =	vimm.s32 $0x1;
	v1 =	vadd.f32 v51, v1  }
0x1bc: {  	v11 =	vld [tilespmem:$0xAAC0];
	v4 =	vadd.f32 v52, v49;
	v2 =	vadd.f32 v53, v2;
	v57 =	vmul.f32 v45, v25  }
0x1bd: {  	v28 =	vld [tilespmem:$0xA9F0];
	v3 =	vadd.f32 v56, v3;
	v58 =	vmul.f32 v12, v25;
	v59 =	vmul.f32 v20, v25  }
0x1be: {  	v39 =	vld [tilespmem:$0xAA00];
	v60 =	vmul.f32 v27, v25;
	v27 =	vperm.xlane v36, v61;
	v45 =	vimm.s32 $0xC  }
0x1bf: {  	v38 =	vld [tilespmem:$0xAA40];
	v6 =	vadd.f32 v25, v6;
	v53 =	vimm.s32 $0xE;
	v25 =	vperm.xlane v36, v45  }
0x1c0: {  	v5 =	vld [tilespmem:$0xAA50];
	v1 =	vadd.f32 v57, v1;
	v4 =	vadd.f32 v58, v4;
	v62 =	vmul.f32 v44, v27  }
0x1c1: {  	v41 =	vld [tilespmem:$0xAA80];
	v2 =	vadd.f32 v59, v2;
	v8 =	vmul.f32 v8, v27;
	v63 =	vmul.f32 v24, v27  }
0x1c2: {  	v22 =	vld [tilespmem:$0xAAA0];
	v44 =	vmul.f32 v43, v27;
	v6 =	vadd.f32 v27, v6;
	v27 =	vperm.xlane v36, v53  }
0x1c3: {  	v20 =	vld [tilespmem:$0xAA30];
	v3 =	vadd.f32 v60, v3;
	v47 =	vmul.f32 v18, v25;
	v48 =	vmul.f32 v30, v25  }
0x1c4: {  	v12 =	vld [tilespmem:$0xAA60];
	v58 =	vimm.s32 $0xF;
	v49 =	vmul.f32 v40, v25;
	v30 =	vperm.xlane v36, v50  }
0x1c5: {  	v24 =	vld [tilespmem:$0xAA70];
	v7 =	vmul.f32 v7, v25;
	v1 =	vadd.f32 v62, v1;
	v4 =	vadd.f32 v8, v4  }
0x1c6: {  	v40 =	vld [tilespmem:$0xAAB0];
	v2 =	vadd.f32 v63, v2;
	v3 =	vadd.f32 v44, v3;
	v54 =	vmul.f32 v10, v27  }
0x1c7: {  	v18 =	vld [tilespmem:$0xAB10];
	v6 =	vadd.f32 v25, v6;
	v56 =	vmul.f32 v16, v27;
	v57 =	vmul.f32 v21, v27  }
0x1c8: {  	v8 =	vld [tilespmem:$0xAA90];
	v14 =	vmul.f32 v14, v27;
	v21 =	vperm.xlane v36, v58;
	v62 =	vimm.s32 $0x0  }
0x1c9: {  	v10 =	vld [tilespmem:$0xAB00];
	v58 =	vimm.s32 $0x4;
	v13 =	vmul.f32 v13, v30;
	v51 =	vmul.f32 v23, v30  }
0x1ca: {  	v25 =	vld [tilespmem:$0xAB20];
	v52 =	vmul.f32 v37, v30;
	v1 =	vadd.f32 v47, v1;
	v4 =	vadd.f32 v48, v4  }
0x1cb: {  	v16 =	vld [tilespmem:$0xABA0];
	v9 =	vmul.f32 v9, v30;
	v2 =	vadd.f32 v49, v2;
	v3 =	vadd.f32 v7, v3  }
0x1cc: {  	v23 =	vld [tilespmem:$0xAAD0];
	v6 =	vadd.f32 v30, v6;
	v59 =	vmul.f32 v17, v21;
	v60 =	vmul.f32 v29, v21  }
0x1cd: {  	v37 =	vld [tilespmem:$0xAAE0];
	v15 =	vmul.f32 v15, v21;
	v61 =	vmul.f32 v28, v21;
	v1 =	vadd.f32 v13, v1  }
0x1ce: {  	v7 =	vld [tilespmem:$0xAB30];
	v47 =	vimm.s32 $0x2;
	v4 =	vadd.f32 v51, v4;
	v2 =	vadd.f32 v52, v2  }
0x1cf: {  	v17 =	vld [tilespmem:$0xAB50];
	v3 =	vadd.f32 v9, v3;
	v6 =	vadd.f32 v27, v6;
	v27 =	vperm.xlane v35, v62  }
0x1d0: {  	v28 =	vld [tilespmem:$0xAB60];
	v52 =	vimm.s32 $0x3;
	v1 =	vadd.f32 v54, v1;
	v4 =	vadd.f32 v56, v4  }
0x1d1: {  	v29 =	vld [tilespmem:$0xAB90];
	v62 =	vimm.s32 $0x5;
	v2 =	vadd.f32 v57, v2;
	v3 =	vadd.f32 v14, v3  }
0x1d2: {  	v30 =	vld [tilespmem:$0xABC0];
	v63 =	vmul.f32 v39, v27;
	v36 =	vmul.f32 v19, v27;
	v6 =	vadd.f32 v21, v6  }
0x1d3: {  	v13 =	vld [tilespmem:$0xAAF0];
	v39 =	vmul.f32 v26, v27;
	v26 =	vperm.xlane v35, v42;
	v1 =	vadd.f32 v59, v1  }
0x1d4: {  	v9 =	vld [tilespmem:$0xABE0];
	v43 =	vmul.f32 v20, v27;
	v4 =	vadd.f32 v60, v4;
	v2 =	vadd.f32 v15, v2  }
0x1d5: {  	v14 =	vld [tilespmem:$0xAB40];
	v3 =	vadd.f32 v61, v3;
	v44 =	vmul.f32 v38, v26;
	v5 =	vmul.f32 v5, v26  }
0x1d6: {  	v19 =	vld [tilespmem:$0xAB80];
	v45 =	vmul.f32 v12, v26;
	v12 =	vperm.xlane v35, v47;
	v6 =	vadd.f32 v27, v6  }
0x1d7: {  	v21 =	vld [tilespmem:$0xABB0];
	v48 =	vmul.f32 v24, v26;
	v27 =	vperm.xlane v35, v52;
	v47 =	vimm.s32 $0x7  }
0x1d8: {  	v15 =	vld [tilespmem:$0xAB70];
	v1 =	vadd.f32 v63, v1;
	v4 =	vadd.f32 v36, v4;
	v49 =	vmul.f32 v41, v12  }
0x1d9: {  	v24 =	vld [tilespmem:$0xABD0];
	v2 =	vadd.f32 v39, v2;
	v8 =	vmul.f32 v8, v12;
	v50 =	vmul.f32 v22, v12  }
0x1da: {  	v52 =	vld [tilespmem:$0xAD10];
	v3 =	vadd.f32 v43, v3;
	v51 =	vmul.f32 v40, v12;
	v53 =	vmul.f32 v11, v27  }
0x1db: {  	v22 =	vld [tilespmem:$0xABF0];
	v6 =	vadd.f32 v26, v6;
	v54 =	vmul.f32 v23, v27;
	v56 =	vmul.f32 v37, v27  }
0x1dc: {  	v36 =	vld [tilespmem:$0xAC00];
	v57 =	vmul.f32 v13, v27;
	v13 =	vperm.xlane v35, v58;
	v39 =	vimm.s32 $0x6  }
0x1dd: {  	v11 =	vld [tilespmem:$0xAC20];
	v58 =	vimm.s32 $0x9;
	v20 =	vperm.xlane v35, v39;
	v1 =	vadd.f32 v44, v1  }
0x1de: {  	v23 =	vld [tilespmem:$0xAC30];
	v4 =	vadd.f32 v5, v4;
	v59 =	vmul.f32 v10, v13;
	v60 =	vmul.f32 v18, v13  }
0x1df: {  	v26 =	vld [tilespmem:$0xAC40];
	v2 =	vadd.f32 v45, v2;
	v61 =	vmul.f32 v25, v13;
	v25 =	vperm.xlane v35, v62  }
0x1e0: {  	v40 =	vld [tilespmem:$0xACA0];
	v3 =	vadd.f32 v48, v3;
	v7 =	vmul.f32 v7, v13;
	v42 =	vmul.f32 v19, v20  }
0x1e1: {  	v5 =	vld [tilespmem:$0xAC10];
	v6 =	vadd.f32 v12, v6;
	v43 =	vmul.f32 v29, v20;
	v44 =	vmul.f32 v16, v20  }
0x1e2: {  	v12 =	vld [tilespmem:$0xAC50];
	v45 =	vmul.f32 v21, v20;
	v21 =	vperm.xlane v35, v47;
	v1 =	vadd.f32 v49, v1  }
0x1e3: {  	v18 =	vld [tilespmem:$0xAC60];
	v4 =	vadd.f32 v8, v4;
	v2 =	vadd.f32 v50, v2;
	v63 =	vmul.f32 v14, v25  }
0x1e4: {  	v48 =	vld [tilespmem:$0xACE0];
	v3 =	vadd.f32 v51, v3;
	v37 =	vmul.f32 v17, v25;
	v38 =	vmul.f32 v28, v25  }
0x1e5: {  	v16 =	vld [tilespmem:$0xACD0];
	v6 =	vadd.f32 v27, v6;
	v41 =	vmul.f32 v15, v25;
	v49 =	vmul.f32 v30, v21  }
0x1e6: {  	v19 =	vld [tilespmem:$0xAD40];
	v51 =	vmul.f32 v24, v21;
	v9 =	vmul.f32 v9, v21;
	v1 =	vadd.f32 v53, v1  }
0x1e7: {  	v29 =	vld [tilespmem:$0xAE70];
	v30 =	vimm.s32 $0xA;
	v4 =	vadd.f32 v54, v4;
	v2 =	vadd.f32 v56, v2  }
0x1e8: {  	v27 =	vld [tilespmem:$0xAC70];
	v3 =	vadd.f32 v57, v3;
	v6 =	vadd.f32 v13, v6;
	v53 =	vmul.f32 v22, v21  }
0x1e9: {  	v8 =	vld [tilespmem:$0xAC80];
	v54 =	vimm.s32 $0x8;
	v1 =	vadd.f32 v59, v1;
	v4 =	vadd.f32 v60, v4  }
0x1ea: {  	v17 =	vld [tilespmem:$0xAC90];
	v22 =	vperm.xlane v35, v54;
	v2 =	vadd.f32 v61, v2;
	v3 =	vadd.f32 v7, v3  }
0x1eb: {  	v14 =	vld [tilespmem:$0xACC0];
	v54 =	vimm.s32 $0xD;
	v6 =	vadd.f32 v25, v6;
	v1 =	vadd.f32 v63, v1  }
0x1ec: {  	v50 =	vld [tilespmem:$0xAD00];
	v57 =	vmul.f32 v36, v22;
	v4 =	vadd.f32 v37, v4;
	v2 =	vadd.f32 v38, v2  }
0x1ed: {  	v13 =	vld [tilespmem:$0xACB0];
	v5 =	vmul.f32 v5, v22;
	v3 =	vadd.f32 v41, v3;
	v6 =	vadd.f32 v20, v6  }
0x1ee: {  	v56 =	vld [tilespmem:$0xAD20];
	v11 =	vmul.f32 v11, v22;
	v1 =	vadd.f32 v42, v1;
	v4 =	vadd.f32 v43, v4  }
0x1ef: {  	v7 =	vld [tilespmem:$0xACF0];
	v60 =	vmul.f32 v23, v22;
	v2 =	vadd.f32 v44, v2;
	v3 =	vadd.f32 v45, v3  }
0x1f0: {  	v59 =	vld [tilespmem:$0xAD50];
	v6 =	vadd.f32 v21, v6;
	v21 =	vperm.xlane v35, v58;
	v1 =	vadd.f32 v49, v1  }
0x1f1: {  	v61 =	vld [tilespmem:$0xAD60];
	v42 =	vimm.s32 $0xB;
	v4 =	vadd.f32 v51, v4;
	v2 =	vadd.f32 v9, v2  }
0x1f2: {  	v23 =	vld [tilespmem:$0xAD70];
	v3 =	vadd.f32 v53, v3;
	v62 =	vmul.f32 v26, v21;
	v12 =	vmul.f32 v12, v21  }
0x1f3: {  	v36 =	vld [tilespmem:$0xAD80];
	v63 =	vmul.f32 v18, v21;
	v18 =	vperm.xlane v35, v30;
	v6 =	vadd.f32 v22, v6  }
0x1f4: {  	v41 =	vld [tilespmem:$0xADB0];
	v37 =	vmul.f32 v27, v21;
	v49 =	vimm.s32 $0xC;
	v1 =	vadd.f32 v57, v1  }
0x1f5: {  	v44 =	vld [tilespmem:$0xADE0];
	v4 =	vadd.f32 v5, v4;
	v2 =	vadd.f32 v11, v2;
	v38 =	vmul.f32 v8, v18  }
0x1f6: {  	v9 =	vld [tilespmem:$0xAD30];
	v3 =	vadd.f32 v60, v3;
	v39 =	vmul.f32 v17, v18;
	v40 =	vmul.f32 v40, v18  }
0x1f7: {  	v22 =	vld [tilespmem:$0xAD90];
	v6 =	vadd.f32 v21, v6;
	v13 =	vmul.f32 v13, v18;
	v21 =	vperm.xlane v35, v42  }
0x1f8: {  	v27 =	vld [tilespmem:$0xADC0];
	v11 =	vperm.xlane v35, v49;
	v1 =	vadd.f32 v62, v1;
	v4 =	vadd.f32 v12, v4  }
0x1f9: {  	v26 =	vld [tilespmem:s23+$0x79D0];
	v2 =	vadd.f32 v63, v2;
	v43 =	vmul.f32 v14, v21;
	v45 =	vmul.f32 v16, v21  }
0x1fa: {  	v8 =	vld [tilespmem:$0xADA0];
	v3 =	vadd.f32 v37, v3;
	v47 =	vmul.f32 v48, v21;
	v7 =	vmul.f32 v7, v21  }
0x1fb: {  	v5 =	vld [tilespmem:$0xADD0];
	v6 =	vadd.f32 v18, v6;
	v50 =	vmul.f32 v50, v11;
	v51 =	vmul.f32 v52, v11  }
0x1fc: {  	v60 =	vld [tilespmem:$0xAE50];
	v53 =	vmul.f32 v56, v11;
	v62 =	vimm.s32 $0xE;
	v57 =	vmul.f32 v9, v11  }
0x1fd: {  	v42 =	vld [tilespmem:$0xAEB0];
	v10 =	vperm.xlane v35, v62;
	v1 =	vadd.f32 v38, v1;
	v4 =	vadd.f32 v39, v4  }
0x1fe: {  	v49 =	vld [tilespmem:$0xAEE0];
	v62 =	vimm.s32 $0x3;
	v2 =	vadd.f32 v40, v2;
	v3 =	vadd.f32 v13, v3  }
0x1ff: {  	v48 =	vld [tilespmem:$0xADF0];
	v6 =	vadd.f32 v21, v6;
	v21 =	vperm.xlane v35, v54;
	v40 =	vimm.s32 $0xF  }
0x200: {  	v18 =	vld [tilespmem:$0xAE00];
	v30 =	vmul.f32 v36, v10;
	v36 =	vimm.s32 $0x0;
	v38 =	vmul.f32 v22, v10  }
0x201: {  	v52 =	vld [tilespmem:$0xAE20];
	v8 =	vmul.f32 v8, v10;
	v17 =	vmul.f32 v41, v10;
	v1 =	vadd.f32 v43, v1  }
0x202: {  	v56 =	vld [tilespmem:$0xAE30];
	v4 =	vadd.f32 v45, v4;
	v2 =	vadd.f32 v47, v2;
	v58 =	vmul.f32 v19, v21  }
0x203: {  	v63 =	vld [tilespmem:$0xAE60];
	v3 =	vadd.f32 v7, v3;
	v59 =	vmul.f32 v59, v21;
	v61 =	vmul.f32 v61, v21  }
0x204: {  	v13 =	vld [tilespmem:$0xAE10];
	v6 =	vadd.f32 v11, v6;
	v28 =	vmul.f32 v23, v21;
	v1 =	vadd.f32 v50, v1  }
0x205: {  	v37 =	vld [tilespmem:$0xAE80];
	v47 =	vperm.xlane v55, v36;
	v4 =	vadd.f32 v51, v4;
	v2 =	vadd.f32 v53, v2  }
0x206: {  	v12 =	vld [tilespmem:$0xAED0];
	v3 =	vadd.f32 v57, v3;
	v6 =	vadd.f32 v21, v6;
	v21 =	vperm.xlane v35, v40  }
0x207: {  	v9 =	vld [tilespmem:$0xAE40];
	v50 =	vmul.f32 v18, v47;
	v15 =	vmul.f32 v52, v47;
	v53 =	vimm.s32 $0x2  }
0x208: {  	v39 =	vld [tilespmem:$0xAE90];
	v56 =	vmul.f32 v56, v47;
	v40 =	vimm.s32 $0x5;
	v1 =	vadd.f32 v58, v1  }
0x209: {  	v54 =	vld [tilespmem:$0xAF10];
	v51 =	vmul.f32 v13, v47;
	v4 =	vadd.f32 v59, v4;
	v2 =	vadd.f32 v61, v2  }
0x20a: {  	v41 =	vld [tilespmem:$0xAEA0];
	v3 =	vadd.f32 v28, v3;
	v43 =	vmul.f32 v27, v21;
	v5 =	vmul.f32 v5, v21  }
0x20b: {  	v11 =	vld [tilespmem:$0xAEC0];
	v6 =	vadd.f32 v10, v6;
	v44 =	vmul.f32 v44, v21;
	v45 =	vmul.f32 v48, v21  }
0x20c: {  	v19 =	vld [tilespmem:s23+$0x79C0];
	v48 =	vimm.s32 $0x1;
	v61 =	vperm.xlane v55, v53;
	v27 =	vimm.s32 $0x6  }
0x20d: {  	v23 =	vld [tilespmem:s23+$0x39D0];
	v52 =	vperm.xlane v55, v48;
	v1 =	vadd.f32 v30, v1;
	v4 =	vadd.f32 v38, v4  }
0x20e: {  	v57 =	vld [tilespmem:$0xAF20];
	v2 =	vadd.f32 v8, v2;
	v3 =	vadd.f32 v17, v3;
	v30 =	vmul.f32 v37, v61  }
0x20f: {  	v35 =	vld [tilespmem:$0xAF60];
	v6 =	vadd.f32 v21, v6;
	v36 =	vmul.f32 v39, v61;
	v37 =	vmul.f32 v41, v61  }
0x210: {  	v13 =	vld [tilespmem:$0xAF00];
	v7 =	vmul.f32 v42, v61;
	v39 =	vperm.xlane v55, v62;
	v41 =	vimm.s32 $0x4  }
0x211: {  	v59 =	vld [tilespmem:$0xAF30];
	v62 =	vimm.s32 $0x8;
	v9 =	vmul.f32 v9, v52;
	v58 =	vmul.f32 v60, v52  }
0x212: {  	v38 =	vld [tilespmem:$0xAF70];
	v60 =	vmul.f32 v63, v52;
	v1 =	vadd.f32 v43, v1;
	v4 =	vadd.f32 v5, v4  }
0x213: {  	v42 =	vld [tilespmem:$0xAF80];
	v28 =	vmul.f32 v29, v52;
	v2 =	vadd.f32 v44, v2;
	v3 =	vadd.f32 v45, v3  }
0x214: {  	v63 =	vld [tilespmem:$0xAF40];
	v6 =	vadd.f32 v47, v6;
	v44 =	vmul.f32 v11, v39;
	v1 =	vadd.f32 v50, v1  }
0x215: {  	v29 =	vld [tilespmem:$0xAF50];
	v47 =	vmul.f32 v12, v39;
	v4 =	vadd.f32 v51, v4;
	v2 =	vadd.f32 v15, v2  }
0x216: {  	v5 =	vld [tilespmem:$0xAEF0];
	v3 =	vadd.f32 v56, v3;
	v6 =	vadd.f32 v52, v6;
	v50 =	vperm.xlane v55, v41  }
0x217: {  	v43 =	vld [tilespmem:$0xAF90];
	v48 =	vmul.f32 v49, v39;
	v1 =	vadd.f32 v9, v1;
	v4 =	vadd.f32 v58, v4  }
0x218: {  	v45 =	vld [tilespmem:$0xAFA0];
	v2 =	vadd.f32 v60, v2;
	v3 =	vadd.f32 v28, v3;
	v53 =	vmul.f32 v13, v50  }
0x219: {  	v49 =	vld [tilespmem:$0xAFB0];
	v6 =	vadd.f32 v61, v6;
	v54 =	vmul.f32 v54, v50;
	v10 =	vmul.f32 v57, v50  }
0x21a: {  	v51 =	vld [tilespmem:$0xAFC0];
	v57 =	vperm.xlane v55, v40;
	v59 =	vmul.f32 v59, v50;
	v1 =	vadd.f32 v30, v1  }
0x21b: {  	v52 =	vld [tilespmem:$0xAFD0];
	v5 =	vmul.f32 v5, v39;
	v4 =	vadd.f32 v36, v4;
	v2 =	vadd.f32 v37, v2  }
0x21c: {  	v56 =	vld [tilespmem:$0xAFE0];
	v3 =	vadd.f32 v7, v3;
	v6 =	vadd.f32 v39, v6;
	v61 =	vmul.f32 v63, v57  }
0x21d: {  	v58 =	vld [tilespmem:$0xAFF0];
	v63 =	vimm.s32 $0x7;
	v14 =	vmul.f32 v29, v57;
	v29 =	vmul.f32 v35, v57  }
0x21e: {  	v60 =	vld [tilespmem:$0xB000];
	v30 =	vperm.xlane v55, v27;
	v1 =	vadd.f32 v44, v1;
	v4 =	vadd.f32 v47, v4  }
0x21f: {  	v28 =	vld [tilespmem:$0xB010];
	v36 =	vmul.f32 v38, v57;
	v2 =	vadd.f32 v48, v2;
	v3 =	vadd.f32 v5, v3  }
0x220: {  	v35 =	vld [tilespmem:$0xB020];
	v6 =	vadd.f32 v50, v6;
	v38 =	vmul.f32 v42, v30;
	v40 =	vmul.f32 v43, v30  }
0x221: {  	v37 =	vld [tilespmem:$0xB030];
	v41 =	vmul.f32 v45, v30;
	v43 =	vperm.xlane v55, v63;
	v1 =	vadd.f32 v53, v1  }
0x222: {  	v27 =	vld [tilespmem:$0x1FF60];
	v16 =	vmul.f32 v49, v30;
	v4 =	vadd.f32 v54, v4;
	v2 =	vadd.f32 v10, v2  }
0x223: {  	v39 =	vld [tilespmem:$0xB040];
	v3 =	vadd.f32 v59, v3;
	v47 =	vmul.f32 v51, v43;
	v11 =	vmul.f32 v52, v43  }
0x224: {  	v42 =	vld [tilespmem:$0xB050];
	v6 =	vadd.f32 v57, v6;
	v13 =	vmul.f32 v56, v43;
	v50 =	vmul.f32 v58, v43  }
0x225: {  	v44 =	vld [tilespmem:$0xB060];
	v51 =	vperm.xlane v55, v62;
	v52 =	vimm.s32 $0xC;
	v56 =	vimm.s32 $0x9  }
0x226: {  	v45 =	vld [tilespmem:$0xB070];
	v53 =	vimm.s32 $0xB;
	v54 =	vimm.s32 $0xA;
	v62 =	vperm.xlane v55, v56  }
0x227: {  	v48 =	vld [tilespmem:$0xB080];
	v15 =	vmul.f32 v27, v33;
	v1 =	vadd.f32 v61, v1;
	v4 =	vadd.f32 v14, v4  }
0x228: {  	v49 =	vld [tilespmem:$0xB090];
	v2 =	vadd.f32 v29, v2;
	v59 =	vmul.f32 v60, v51;
	v61 =	vmul.f32 v28, v51  }
0x229: {  	v63 =	vld [tilespmem:$0xB0D0];
	v3 =	vadd.f32 v36, v3;
	v28 =	vmul.f32 v35, v51;
	v10 =	vmul.f32 v37, v51  }
0x22a: {  	v57 =	vld [tilespmem:$0xB0A0];
	v6 =	vadd.f32 v30, v6;
	v30 =	vperm.xlane v55, v54;
	v36 =	vmul.f32 v39, v62  }
0x22b: {  	v58 =	vld [tilespmem:$0xB0B0];
	v9 =	vmul.f32 v42, v62;
	v5 =	vmul.f32 v45, v62;
	v1 =	vadd.f32 v38, v1  }
0x22c: {  	v60 =	vld [tilespmem:$0xB0C0];
	v42 =	vperm.xlane v55, v52;
	v4 =	vadd.f32 v40, v4;
	v6 =	vadd.f32 v43, v6  }
0x22d: {  	v29 =	vld [tilespmem:$0xB0E0];
	v2 =	vadd.f32 v41, v2;
	v3 =	vadd.f32 v16, v3;
	v38 =	vperm.xlane v55, v53  }
0x22e: {  	v35 =	vld [tilespmem:$0xB0F0];
	v40 =	vmul.f32 v44, v62;
	v43 =	vimm.s32 $0xE;
	v6 =	vadd.f32 v51, v6  }
0x22f: {  	v37 =	vld [tilespmem:$0xB100];
	v44 =	vimm.s32 $0xD;
	v49 =	vmul.f32 v49, v30;
	v52 =	vmul.f32 v57, v30  }
0x230: {  	v54 =	vld [tilespmem:$0xB170];
	v17 =	vperm.xlane v55, v43;
	v1 =	vadd.f32 v47, v1;
	v6 =	vadd.f32 v62, v6  }
0x231: {  	v39 =	vld [tilespmem:$0xB110];
	v4 =	vadd.f32 v11, v4;
	v3 =	vadd.f32 v50, v3;
	v47 =	vmul.f32 v48, v30  }
0x232: {  	v45 =	vld [tilespmem:$0xB130];
	v50 =	vperm.xlane v55, v44;
	v11 =	vmul.f32 v58, v30;
	v6 =	vadd.f32 v30, v6  }
0x233: {  	v41 =	vld [tilespmem:$0xB120];
	v2 =	vadd.f32 v13, v2;
	v58 =	vmul.f32 v63, v38;
	v56 =	vmul.f32 v60, v38  }
0x234: {  	v53 =	vld [tilespmem:$0xB160];
	v60 =	vimm.s32 $0xF;
	v1 =	vadd.f32 v59, v1;
	v6 =	vadd.f32 v38, v6  }
0x235: {  	v57 =	vld [tilespmem:$0xB180];
	v14 =	vmul.f32 v35, v38;
	v4 =	vadd.f32 v61, v4;
	v2 =	vadd.f32 v28, v2  }
0x236: {  	v48 =	vld [tilespmem:$0xB140];
	v3 =	vadd.f32 v10, v3;
	v24 =	vperm.xlane v55, v60;
	v6 =	vadd.f32 v42, v6  }
0x237: {  	v51 =	vld [tilespmem:$0xB150];
	v61 =	vmul.f32 v29, v38;
	v28 =	vperm.xlane v0, v43;
	v29 =	vimm.s32 $0xF  }
0x238: {  	v63 =	vld [tilespmem:$0xB1B0];
	v0 =	vperm.xlane v0, v29;
	v1 =	vadd.f32 v36, v1;
	v6 =	vadd.f32 v50, v6  }
0x239: {  	v44 =	vld [tilespmem:$0xB210];
	v43 =	vmul.f32 v53, v50;
	v4 =	vadd.f32 v9, v4;
	v2 =	vadd.f32 v40, v2  }
0x23a: {  	v35 =	vld [tilespmem:$0xB1C0];
	v30 =	vmul.f32 v37, v42;
	v36 =	vmul.f32 v39, v42;
	v6 =	vadd.f32 v17, v6  }
0x23b: {  	v59 =	vld [tilespmem:$0xB190];
	v3 =	vadd.f32 v5, v3;
	v9 =	vmul.f32 v45, v42;
	v45 =	vmul.f32 v57, v17  }
0x23c: {  	v62 =	vld [tilespmem:$0xB1A0];
	v7 =	vmul.f32 v48, v50;
	v48 =	vmul.f32 v54, v50;
	v6 =	vadd.f32 v24, v6  }
0x23d: {  	v29 =	vld [tilespmem:s23+$0x59E0];
	v57 =	vmul.f32 v63, v17;
	v1 =	vadd.f32 v47, v1;
	v4 =	vadd.f32 v49, v4  }
0x23e: {  	v37 =	vld [tilespmem:$0xB1D0];
	v60 =	vmul.f32 v44, v28;
	v2 =	vadd.f32 v52, v2;
	v6 =	vadd.f32 v28, v6  }
0x23f: {  	v39 =	vld [tilespmem:$0xB1E0];
	v3 =	vadd.f32 v11, v3;
	v38 =	vmul.f32 v41, v42;
	v1 =	vadd.f32 v56, v1  }
0x240: {  	v40 =	vld [tilespmem:$0xB1F0];
	v41 =	vmul.f32 v51, v50;
	v10 =	vmul.f32 v35, v24;
	v6 =	vadd.f32 v0, v6  }
0x241: {  	v54 =	vld [tilespmem:$0xB250];
	v49 =	vmul.f32 v59, v17;
	v4 =	vadd.f32 v58, v4;
	v1 =	vadd.f32 v30, v1  }
0x242: {  	v2 =	vadd.f32 v61, v2;
	v3 =	vadd.f32 v14, v3;
	v42 =	vld [tilespmem:$0xB200];
	v6 =	vmax.f32 v6, $1.000000000e+00  }
0x243: {  	v63 =	vld [tilespmem:s23+$0x59C0];
	v4 =	vadd.f32 v36, v4;
	v1 =	vadd.f32 v7, v1;
	(erf) = vrcp.f32 v6  }
0x244: {  	v51 =	vmul.f32 v62, v17;
	v2 =	vadd.f32 v38, v2;
	v3 =	vadd.f32 v9, v3;
	v50 =	vld [tilespmem:$0xB240]  }
0x245: {  	v47 =	vld [tilespmem:$0xB220];
	v53 =	vmul.f32 v37, v24;
	v4 =	vadd.f32 v41, v4;
	v1 =	vadd.f32 v45, v1  }
0x246: {  	v52 =	vld [tilespmem:$0xB230];
	v62 =	vmul.f32 v39, v24;
	v30 =	vadd.f32 v15, v32;
	v2 =	vadd.f32 v43, v2  }
0x247: {  	v56 =	vld [tilespmem:$0xB260];
	v55 =	vmul.f32 v42, v28;
	v4 =	vadd.f32 v49, v4;
	v1 =	vadd.f32 v10, v1  }
0x248: {  	v59 =	vld [tilespmem:$0xB270];
	v14 =	vmul.f32 v40, v24;
	v3 =	vadd.f32 v48, v3;
	v2 =	vadd.f32 v51, v2  }
0x249: {  	v58 =	vld [tilespmem:$0x1FF50];
	v11 =	vmul.f32 v50, v0;
	v4 =	vadd.f32 v53, v4;
	v1 =	vadd.f32 v55, v1  }
0x24a: {  	v61 =	vld [tilespmem:s23+$0x39C0];
	v18 =	vmul.f32 v54, v0;
	v3 =	vadd.f32 v57, v3;
	v2 =	vadd.f32 v62, v2  }
0x24b: {  	v39 =	vld [tilespmem:$0x1FF90];
	v4 =	vadd.f32 v60, v4;
	v1 =	vadd.f32 v11, v1;
	v6 =	vmul.f32 v47, v28  }
0x24c: {  	v36 =	vld [tilespmem:$0x1FF70];
	v25 =	vmul.f32 v52, v28;
	v9 =	vmul.f32 v56, v0;
	v3 =	vadd.f32 v14, v3;
	v22 =	vpop (erf)  }
0x24d: {  	v24 =	vld [tilespmem:s23+$0x59D0];
	v4 =	vadd.f32 v18, v4;
	v2 =	vadd.f32 v6, v2;
	v1 =	vmul.f32 v22, v1  }
0x24e: {  	v12 =	vmul.f32 v58, v33;
	v3 =	vadd.f32 v25, v3;
	v0 =	vmul.f32 v59, v0;
	v28 =	vld [tilespmem:s23+$0x39E0]  }
0x24f: {  	v33 =	vld [tilespmem:s23+$0x39F0];
	v2 =	vadd.f32 v9, v2;
	v4 =	vmul.f32 v4, v22;
	v1 =	vadd.f32 v61, v1  }
0x250: {  	v38 =	vld [tilespmem:$0x1FF80];
	v20 =	vadd.f32 v12, v34;
	v34 =	vmul.f32 v31, v46;
	v0 =	vadd.f32 v0, v3  }
0x251: {  	v3 =	vld [tilespmem:s23+$0x79E0];
	v2 =	vmul.f32 v2, v22;
	v4 =	vadd.f32 v23, v4;
	v32 =	vmul.f32 v63, v1  }
0x252: {  	v35 =	vld [tilespmem:s23+$0x59F0];
	v15 =	vadd.f32 v36, v34;
	v0 =	vmul.f32 v0, v22;
	v1 =	vmul.f32 v19, v1  }
0x253: {  	v37 =	vld [tilespmem:s23+$0x79F0];
	v2 =	vadd.f32 v28, v2;
	v5 =	vmul.f32 v24, v4;
	v9 =	vadd.f32 $0.0e+00, v32  }
0x254: {  	v46 =	vld [tilespmem:$0x1FFC0];
	v0 =	vadd.f32 v33, v0;
	v4 =	vmul.f32 v26, v4;
	v1 =	vadd.f32 $0.0e+00, v1  }
0x255: {  	v6 =	vmul.f32 v29, v2;
	v5 =	vadd.f32 v5, v9;
	v9 =	vmul.f32 v38, v15  }
0x256: {  	v12 =	vmul.f32 v39, v15;
	v2 =	vmul.f32 v3, v2;
	v1 =	vadd.f32 v4, v1  }
0x257: {  	v43 =	vmul.f32 v35, v0;
	v3 =	vadd.f32 v9, v20;
	v42 =	vadd.f32 v6, v5  }
0x258: {  	v0 =	vmul.f32 v37, v0;
	v1 =	vadd.f32 v2, v1  }
0x259: {  	v44 =	vld [tilespmem:$0x1FFD0];
	v45 =	vadd.f32 v12, v30;
	v2 =	vperm.xlane v3, v46;
	v4 =	vadd.f32 v43, v42  }
0x25a: {  	v0 =	vadd.f32 v0, v1  }
0x25b: {  	v48 =	vperm.xlane v45, v46;
	v1 =	vadd.f32 v2, v3;
	v2 =	vperm.xlane v4, v46  }
0x25c: {  	v49 =	vperm.xlane v0, v46  }
0x25d: {  	v41 =	vld [tilespmem:$0x1FFE0];
	v3 =	vadd.f32 v48, v45;
	v2 =	vadd.f32 v2, v4  }
0x25e: {  	v50 =	vperm.xlane v1, v44;
	v0 =	vadd.f32 v49, v0  }
0x25f: {  	v51 =	vperm.xlane v3, v44;
	v52 =	vperm.xlane v2, v44  }
0x260: {  	v1 =	vadd.f32 v50, v1;
	v53 =	vperm.xlane v0, v44  }
0x261: {  	v47 =	vld [tilespmem:$0x1FFF0];
	v3 =	vadd.f32 v51, v3;
	v2 =	vadd.f32 v52, v2  }
0x262: {  	v6 =	vperm.xlane v1, v41;
	v0 =	vadd.f32 v53, v0  }
0x263: {  	v54 =	vperm.xlane v3, v41;
	v55 =	vperm.xlane v2, v41  }
0x264: {  	v1 =	vadd.f32 v6, v1;
	v56 =	vperm.xlane v0, v41  }
0x265: {  	s29 =	sadd.s32 $0xFFFFFFFF, s31;
	v62 =	vld [tilespmem:$0x1FFA0];
	v3 =	vadd.f32 v54, v3;
	v2 =	vadd.f32 v55, v2  }
0x266: {  	v40 =	vlaneseq.u32;
	s23 =	sand.u32 $0xE, s29;
	v63 =	vld [tilespmem:$0x1FFB0];
	v6 =	vperm.xlane v1, v47;
	v0 =	vadd.f32 v56, v0  }
0x267: {  	v59 =	vmov s23;
	v57 =	vperm.xlane v3, v47;
	v58 =	vperm.xlane v2, v47  }
0x268: {  	s28 =	sand.u32 $0xF, s31;
	vm0 =	veq.s32 v59, v40;
	v1 =	vadd.f32 v6, v1;
	v60 =	vperm.xlane v0, v47  }
0x269: {  	v61 =	vmov s28;
	v3 =	vadd.f32 v57, v3;
	v2 =	vadd.f32 v58, v2  }
0x26a: {  	s29 =	sand.u32 $0x7, s21;
	vm1 =	veq.s32 v61, v40;
	v1 =	vsel vm0, v1, v62;
	v0 =	vadd.f32 v60, v0  }
0x26b: {  	p0 =	sne.s32 s29, $0x7;
	v3 =	vsel vm0, v3, v63;
	v1 =	vsel vm1, v2, v1  }
0x26c: {  	s20 =	sadd.s32 $0x200, s20;
	v0 =	vsel vm1, v0, v3;
	[tilespmem:s14+$0x0] =	vst @!p0 v1  }
0x26d: {  	[tilespmem:s0+$0x0] =	vst @!p0 v0;
	p0 =	sne.s32 s20, $0x8000  }
.Ltmp0:
0x26e: {  	_ = 	snop;
	(pc) =	sbr.rel @p0 .LBB2_2-.Ltmp0, $3  }
0x26f: {  	_ =	sdelay $0x1  }
0x270: {  	s1 =	sadd.s32 $0x70, s1;
	s31 =	sadd.s32 $0x2, s31;
	s19 =	sadd.s32 $0x70, s19  }
0x271: {  	s21 =	sadd.s32 $0x1, s21;
	s14 =	sadd.s32 $0x2, s14;
	s0 =	sadd.s32 $0x2, s0  }
0x272: {  	s0 =	simm.s32 $0xB280  }
0x273: {  	[hbm4b:s10+s2] =	stream.linear.scatter [tilespmem:s0], [sflag:$0x4], $0x80, $0x38;
	[tilespmem:$0xB380] =	vst v63  }
0x274: {  	s30 =	sadd.s32 $0x1, s30;
	_ =	swait.ge [sflag:s13], $0x80  }
0x275: {  	p0 =	sne.s32 s30, s12;
	[sflag:s13] =	ssyncset.done $0x0  }
.Ltmp1:
0x276: {  	s31 =	simm.s32 $0xB300;
	[sflag:s13] =	ssyncadd.s32 $0xFFFFFF80;
	(pc) =	sbr.rel @p0 .LBB2_1-.Ltmp1, $4  }
0x277: {  	[hbm4b:s11+s2] =	stream.linear.scatter [tilespmem:s31], [sflag:$0x4], $0x80, $0x38;
	[tilespmem:$0xB380] =	vst v63  }
0x278: {  	_ =	swait.ge [sflag:s13], $0x80  }
0x279: {  	[sflag:s13] =	ssyncset.done $0x0  }
0x27a: {  	[sflag:s13] =	ssyncadd.s32 $0xFFFFFF80  }
0x27b: {  	_ =	sfence.sel $0x180000  }
0x27c: {  	[bflag:$0x0] =	sbarrier.arrive $0xFFFF  }
0x27d: {  	_ =	strace $0x90000047  }
0x27e: {  	s0 =	stileid.u32;
	[bflag:$0x2] =	sbarrier.arrive $0xFFFF  }
0x27f: {  	p0 =	sne.s32 s0, $0x0;
	s0 =	rddreg [dreg:$0x6]  }
0x280: {  	s0 =	sadd.s32 @!p0 $0x100000, s0  }
0x281: {  	[sflag:s0] =	ssyncadd.tile.s32 @!p0 $0x1;
	_ =	shalt  }
.Lfunc_end2:
_tile_overlayer_lowered:
.L_overlay_start_2:
0x282: {  	(tag) =	ssettag $0x2  }
0x283: {  	s0 =	rddreg [dreg:$0x0];
	s2 =	stileid.u32  }
0x284: {  	s1 =	rddreg [dreg:$0x1];
	p0 =	sne.s32 s2, $0x0  }
0x285: {  	s3 =	rddreg [dreg:$0x2];
	[bflag:$0x3] =	sbarrier.arrive $0xFFFF;
	s2 =	simm.s32 @!p0 $0x1C04  }
0x286: {  	[timem:s3], [sflag:s2] =	dma.local @!p0 [hbm:s0], s1  }
0x287: {  	s0 =	simm.s32 @!p0 $0x4  }
0x288: {  	_ =	swait.ge @!p0 [sflag:s0], s1  }
0x289: {  	s1 =	ssub.s32 @!p0 $0x0, s1;
	[sflag:s0] =	ssyncset.done @!p0 $0x0  }
0x28a: {  	[sflag:s0] =	ssyncadd.s32 @!p0 s1  }
0x28b: {  	[bflag:$0x3] =	sbarrier.arrive $0xFFFF  }
0x28c: {  	_ =	shalt  }

</sc_bundles>
